<compile_context>
chip_gen: v7x
topology: tpu7x:2x2x1
jax: 0.10.2.dev20260603
libtpu: 0.0.44.dev20260713+nightly
codegen_flags: <defaults>
</compile_context>

<pallas_src>
import functools

import jax
import jax.numpy as jnp
from jax import lax
from jax.experimental import pallas as pl
from jax.experimental.pallas import tpu as pltpu
from jax.experimental.pallas import tpu_sc as plsc

NV = 10000
NS = 10000
D = 128
NL = 3
E = 320000

NCORE = 2
NTILE = 16
CHUNK = 128
NCHUNK = 160
NBUF = 5
EPT = NCHUNK * CHUNK
EPAD = NTILE * EPT
NROW = NV + 112
RPT = NROW // NTILE

_mesh = plsc.VectorSubcoreMesh(core_axis_name="c", subcore_axis_name="s")



HALF = D // 2

def _make_sc_aggregate(nchunk):
    @functools.partial(
        pl.kernel,
        out_type=jax.ShapeDtypeStruct((2 * NCORE * NROW, HALF), jnp.float32),
        mesh=_mesh,
        scratch_types=[
            pltpu.VMEM((nchunk, CHUNK), jnp.int32),
            pltpu.VMEM((nchunk, CHUNK), jnp.int32),
            [pltpu.VMEM((CHUNK, HALF), jnp.float32) for _ in range(NBUF)],
            [pltpu.SemaphoreType.DMA for _ in range(NBUF)],
            pltpu.VMEM_SHARED((NROW, HALF), jnp.float32),
        ],
        compiler_params=pltpu.CompilerParams(use_tc_tiling_on_sc=False),
    )
    def _sc_agg(tblA_hbm, tblB_hbm, src_hbm, dst_hbm, zeros_hbm, out_hbm,
                src_v, dst_v, rows, gsems, accum):
        c = lax.axis_index("c")
        s = lax.axis_index("s")
        wid = c * NTILE + s

        pltpu.sync_copy(src_hbm.at[wid], src_v)
        pltpu.sync_copy(dst_hbm.at[wid], dst_v)

        for h, table_hbm in ((0, tblA_hbm), (1, tblB_hbm)):
            pltpu.sync_copy(zeros_hbm.at[pl.ds(s * RPT, RPT)],
                            accum.at[pl.ds(s * RPT, RPT)])
            plsc.subcore_barrier()

            for b in range(NBUF):
                pltpu.async_copy(table_hbm.at[src_v.at[b]], rows[b], gsems[b])

            def body(g, carry):
                for b in range(NBUF):
                    i = g * NBUF + b
                    pltpu.make_async_copy(
                        table_hbm.at[src_v.at[i]], rows[b], gsems[b]).wait()
                    pltpu.sync_copy(rows[b], accum.at[dst_v.at[i]], add=True)
                    pltpu.async_copy(
                        table_hbm.at[src_v.at[i + NBUF]], rows[b], gsems[b])
                return carry

            lax.fori_loop(0, (nchunk - NBUF) // NBUF, body, 0, unroll=False)
            for b in range(NBUF):
                i = nchunk - NBUF + b
                pltpu.make_async_copy(
                    table_hbm.at[src_v.at[i]], rows[b], gsems[b]).wait()
                pltpu.sync_copy(rows[b], accum.at[dst_v.at[i]], add=True)
            plsc.subcore_barrier()

            pltpu.sync_copy(
                accum.at[pl.ds(s * RPT, RPT)],
                out_hbm.at[pl.ds((h * NCORE + c) * NROW + s * RPT, RPT)])

    return _sc_agg


_sc_aggregate = _make_sc_aggregate(NCHUNK)
_sc_aggregate_last = _make_sc_aggregate(NCHUNK // 2)



DEGW = 64

@functools.partial(
    pl.kernel,
    out_type=jax.ShapeDtypeStruct((NCORE * NROW, DEGW), jnp.float32),
    mesh=_mesh,
    scratch_types=[
        pltpu.VMEM((NCHUNK, CHUNK), jnp.int32),
        pltpu.VMEM((CHUNK, DEGW), jnp.float32),
        pltpu.VMEM_SHARED((NROW, DEGW), jnp.float32),
    ],
    compiler_params=pltpu.CompilerParams(use_tc_tiling_on_sc=False),
)
def _sc_degrees(dst_hbm, ones_hbm, zeros_hbm, out_hbm, dst_v, ones_v, accum):
    c = lax.axis_index("c")
    s = lax.axis_index("s")
    wid = c * NTILE + s

    pltpu.sync_copy(dst_hbm.at[wid], dst_v)
    pltpu.sync_copy(ones_hbm, ones_v)
    pltpu.sync_copy(zeros_hbm.at[pl.ds(s * RPT, RPT)],
                    accum.at[pl.ds(s * RPT, RPT)])
    plsc.subcore_barrier()

    def body(i, carry):
        pltpu.sync_copy(ones_v, accum.at[dst_v.at[i]], add=True)
        return carry

    lax.fori_loop(0, NCHUNK, body, 0, unroll=False)
    plsc.subcore_barrier()

    pltpu.sync_copy(accum.at[pl.ds(s * RPT, RPT)],
                    out_hbm.at[pl.ds(c * NROW + s * RPT, RPT)])



BLK = 400
NBLK = NV // BLK


def _tc_body(relu, hv_ref, av_ref, dv_ref, hs_ref, as_ref, ds_ref,
             wv_ref, bv_ref, ws_ref, bs_ref, ov_ref, os_ref):
    dv = jnp.maximum(dv_ref[:, 0:1], 1.0)
    xs = hv_ref[...] + av_ref[...] / dv
    ov = jnp.dot(xs, wv_ref[...], preferred_element_type=jnp.float32) + bv_ref[...]
    ds_ = jnp.maximum(ds_ref[:, 0:1], 1.0)
    ys = hs_ref[...] + as_ref[...] / ds_
    os_ = jnp.dot(ys, ws_ref[...], preferred_element_type=jnp.float32) + bs_ref[...]
    if relu:
        ov = jnp.maximum(ov, 0.0)
        os_ = jnp.maximum(os_, 0.0)
    ov_ref[...] = ov
    os_ref[...] = os_


def _tc_layer(relu, hv, aggv, degv, hs, aggs, degs, wv, bv, ws, bs):
    row = pl.BlockSpec((BLK, D), lambda i: (i, 0))
    deg = pl.BlockSpec((BLK, DEGW), lambda i: (i, 0))
    full = pl.BlockSpec((D, D), lambda i: (0, 0))
    bias = pl.BlockSpec((1, D), lambda i: (0, 0))
    return pl.pallas_call(
        functools.partial(_tc_body, relu),
        grid=(NBLK,),
        in_specs=[row, row, deg, row, row, deg, full, bias, full, bias],
        out_specs=[row, row],
        out_shape=[jax.ShapeDtypeStruct((NV, D), jnp.float32),
                   jax.ShapeDtypeStruct((NS, D), jnp.float32)],
    )(hv, aggv, degv, hs, aggs, degs, wv, bv, ws, bs)


def _tc_final_body(hv_ref, a0_ref, a1_ref, dv_ref, w_ref, b_ref, o_ref):
    dv = jnp.maximum(dv_ref[:, 0:1], 1.0)
    x = hv_ref[...] + (a0_ref[...] + a1_ref[...]) / dv
    o_ref[...] = jnp.dot(x, w_ref[...],
                         preferred_element_type=jnp.float32) + b_ref[...]


def _tc_final(hv, a0, a1, degv, wv, bv):
    row = pl.BlockSpec((BLK, D), lambda i: (i, 0))
    deg = pl.BlockSpec((BLK, DEGW), lambda i: (i, 0))
    full = pl.BlockSpec((D, D), lambda i: (0, 0))
    bias = pl.BlockSpec((1, D), lambda i: (0, 0))
    return pl.pallas_call(
        _tc_final_body,
        grid=(NBLK,),
        in_specs=[row, row, row, deg, full, bias],
        out_specs=row,
        out_shape=jax.ShapeDtypeStruct((NV, D), jnp.float32),
    )(hv, a0, a1, degv, wv, bv)



def kernel(h_s, A_vs, v_embed, W_sv, b_sv, W_vs, b_vs):
    v_idx = A_vs[0].astype(jnp.int32)
    s_idx = A_vs[1].astype(jnp.int32)

    npad = EPAD - E
    pad0 = jnp.zeros((npad,), jnp.int32)
    padd = jnp.full((npad,), NV, jnp.int32)
    base = jnp.stack([
        jnp.concatenate([s_idx, pad0]),
        jnp.concatenate([v_idx + NV, pad0]),
    ])
    src = base.reshape(NCORE * NTILE, NCHUNK, CHUNK)
    src3 = jnp.concatenate([s_idx, pad0]).reshape(
        NCORE * NTILE, NCHUNK // 2, CHUNK)
    dst3 = jnp.concatenate([v_idx, padd]).reshape(
        NCORE * NTILE, NCHUNK // 2, CHUNK)
    dst = jnp.stack([
        jnp.concatenate([v_idx, padd]),
        jnp.concatenate([s_idx, padd]),
    ]).reshape(NCORE * NTILE, NCHUNK, CHUNK)

    zeros = jnp.zeros((NROW, HALF), jnp.float32)
    zeros8 = jnp.zeros((NROW, DEGW), jnp.float32)
    ones8 = jnp.ones((CHUNK, DEGW), jnp.float32)

    deg = _sc_degrees(dst, ones8, zeros8)
    degv = deg[:NV]
    degs = deg[NROW:NROW + NS]

    hv, hs = v_embed, h_s
    for l in range(NL - 1):
        feats = jnp.concatenate([hs, hv], axis=0)
        out = _sc_aggregate(feats[:, :HALF], feats[:, HALF:], src, dst, zeros)
        agg = out.reshape(2, NCORE, NROW, HALF).transpose(1, 2, 0, 3)
        agg = agg.reshape(NCORE, NROW, D)
        aggv = agg[0, :NV]
        aggs = agg[1, :NS]
        hv, hs = _tc_layer(True, hv, aggv, degv, hs, aggs, degs,
                           W_sv[l], b_sv[l].reshape(1, D),
                           W_vs[l], b_vs[l].reshape(1, D))

    out = _sc_aggregate_last(hs[:, :HALF], hs[:, HALF:], src3, dst3, zeros)
    agg = out.reshape(2, NCORE, NROW, HALF).transpose(1, 2, 0, 3)
    agg = agg.reshape(NCORE, NROW, D)
    return _tc_final(hv, agg[0, :NV], agg[1, :NV], degv,
                     W_sv[NL - 1], b_sv[NL - 1].reshape(1, D))

# --- scband reference (transcript-rebuilt; emitter-appended) ---
"""Pipeline reference for scband-video-gcnstage-28063316312876 (READ-ONLY COPY).

The authoritative reference and input builder live on the scoring server;
editing this copy changes nothing except your own understanding.
"""

import jax, jax.numpy as jnp
import numpy as np

N_VIDEOS = 10000
N_SKILLS = 10000
D = 128
N_LAYERS = 3
N_EDGES = 320000


def setup_inputs(seed: int = 0) -> dict:
    key = jax.random.key(seed)
    ks = jax.random.split(key, 6)
    h_s = jax.random.normal(ks[0], (N_SKILLS, D), dtype=jnp.float32)
    A_vs = jax.random.randint(ks[1], (2, N_EDGES), 0, N_VIDEOS, dtype=jnp.int32).astype(jnp.int64)
    # nn.Embedding weight with xavier_uniform init
    a = float(np.sqrt(6.0 / (N_VIDEOS + D)))
    v_embed = jax.random.uniform(ks[2], (N_VIDEOS, D), minval=-a, maxval=a, dtype=jnp.float32)
    # BipartiteGCNStack per-layer linear weights (d->d), xavier_uniform, zero bias
    g = float(np.sqrt(6.0 / (D + D)))
    W_sv = jax.random.uniform(ks[3], (N_LAYERS, D, D), minval=-g, maxval=g, dtype=jnp.float32)
    b_sv = jnp.zeros((N_LAYERS, D), dtype=jnp.float32)
    W_vs = jax.random.uniform(ks[4], (N_LAYERS, D, D), minval=-g, maxval=g, dtype=jnp.float32)
    b_vs = jnp.zeros((N_LAYERS, D), dtype=jnp.float32)
    return {"h_s": h_s, "A_vs": A_vs, "v_embed": v_embed, "W_sv": W_sv, "b_sv": b_sv, "W_vs": W_vs, "b_vs": b_vs}


def reference(h_s, A_vs, v_embed, W_sv, b_sv, W_vs, b_vs):
    # eval mode: embed_drop and layer dropout are identity
    v_idx = A_vs[0]
    s_idx = A_vs[1]
    h_v = v_embed
    hs = h_s
    deg_v = jnp.clip(jnp.zeros((N_VIDEOS,), jnp.float32).at[v_idx].add(1.0), 1.0)[:, None]
    deg_s = jnp.clip(jnp.zeros((N_SKILLS,), jnp.float32).at[s_idx].add(1.0), 1.0)[:, None]
    for l in range(N_LAYERS):
        # bipartite message passing: skills -> videos and videos -> skills (simultaneous update)
        agg_v = jnp.zeros((N_VIDEOS, D), jnp.float32).at[v_idx].add(hs[s_idx]) / deg_v
        agg_s = jnp.zeros((N_SKILLS, D), jnp.float32).at[s_idx].add(h_v[v_idx]) / deg_s
        new_v = (h_v + agg_v) @ W_sv[l] + b_sv[l]
        new_s = (hs + agg_s) @ W_vs[l] + b_vs[l]
        if l < N_LAYERS - 1:
            new_v = jax.nn.relu(new_v)
            new_s = jax.nn.relu(new_s)
        h_v, hs = new_v, new_s
    return h_v

if __name__ == "__main__":
    import jax
    _d = setup_inputs()
    print(jax.jit(kernel)(*tuple(_d.values())))

</pallas_src>

<mosaic_0001>
#map = affine_map<(d0, d1) -> (0, 0)>
#map1 = affine_map<(d0, d1) -> (0, 0, 0)>
module attributes {stable_mosaic.version = 14 : i64} {
  func.func @_sc_agg(%arg0: i32, %arg1: i32, %arg2: memref<20000x64xf32, #tpu.memory_space<hbm>>, %arg3: memref<20000x64xf32, #tpu.memory_space<hbm>>, %arg4: memref<32x160x128xi32, #tpu.memory_space<hbm>>, %arg5: memref<32x160x128xi32, #tpu.memory_space<hbm>>, %arg6: memref<10112x64xf32, #tpu.memory_space<hbm>>, %arg7: memref<40448x64xf32, #tpu.memory_space<hbm>>, %arg8: memref<160x128xi32, #tpu.memory_space<vmem>>, %arg9: memref<160x128xi32, #tpu.memory_space<vmem>>, %arg10: memref<128x64xf32, #tpu.memory_space<vmem>>, %arg11: memref<128x64xf32, #tpu.memory_space<vmem>>, %arg12: memref<128x64xf32, #tpu.memory_space<vmem>>, %arg13: memref<128x64xf32, #tpu.memory_space<vmem>>, %arg14: memref<128x64xf32, #tpu.memory_space<vmem>>, %arg15: memref<!tpu.dma_semaphore, #tpu.memory_space<semaphore_mem>>, %arg16: memref<!tpu.dma_semaphore, #tpu.memory_space<semaphore_mem>>, %arg17: memref<!tpu.dma_semaphore, #tpu.memory_space<semaphore_mem>>, %arg18: memref<!tpu.dma_semaphore, #tpu.memory_space<semaphore_mem>>, %arg19: memref<!tpu.dma_semaphore, #tpu.memory_space<semaphore_mem>>, %arg20: memref<10112x64xf32, #tpu.memory_space<vmem_shared>>) attributes {dimension_semantics = [#tpu.dimension_semantics<core_parallel>, #tpu.dimension_semantics<subcore_parallel>], iteration_bounds = array<i64: 2, 16>, scalar_prefetch = 0 : i64, scratch_operands = 13 : i64, tpu.core_type = #tpu.core_type<sc_vector_subcore>, window_params = [{transform_indices = #map}, {transform_indices = #map}, {transform_indices = #map1}, {transform_indices = #map1}, {transform_indices = #map}, {transform_indices = #map}]} {
    %mul3A = arith.constant 16 : i32
    %mul3A_0 = arith.muli %arg0, %mul3A : i32
    %add3A = arith.addi %mul3A_0, %arg1 : i32
    "tpu.region"() ({
      %run_scoped3A_188 = tpu.sem_alloc : memref<!tpu.dma_semaphore, #tpu.memory_space<semaphore_mem>>
      %dma_start3A_189 = arith.constant 0 : i32
      %dma_start3A_190 = arith.constant 0 : i32
      %dma_start3A_191 = tpu.memref_slice %arg4[%add3A, %dma_start3A_189, %dma_start3A_190] : memref<32x160x128xi32, #tpu.memory_space<hbm>> -> memref<1x160x128xi32, #tpu.memory_space<hbm>>
      %dma_start3A_192 = tpu.memref_squeeze %dma_start3A_191 : memref<1x160x128xi32, #tpu.memory_space<hbm>> -> memref<160x128xi32, #tpu.memory_space<hbm>>
      %dma_start3A_193 = arith.constant 0 : i32
      %dma_start3A_194 = arith.constant 0 : i32
      %dma_start3A_195 = tpu.memref_slice %arg4[%add3A, %dma_start3A_193, %dma_start3A_194] : memref<32x160x128xi32, #tpu.memory_space<hbm>> -> memref<1x160x128xi32, #tpu.memory_space<hbm>>
      %dma_start3A_196 = tpu.memref_squeeze %dma_start3A_195 : memref<1x160x128xi32, #tpu.memory_space<hbm>> -> memref<160x128xi32, #tpu.memory_space<hbm>>
      tpu.enqueue_dma source(%dma_start3A_196 : memref<160x128xi32, #tpu.memory_space<hbm>>) target(%arg8 : memref<160x128xi32, #tpu.memory_space<vmem>>) target_semaphore(%run_scoped3A_188 : memref<!tpu.dma_semaphore, #tpu.memory_space<semaphore_mem>>)
      %dma_wait3A_197 = arith.constant 0 : i32
      %dma_wait3A_198 = arith.constant 0 : i32
      %dma_wait3A_199 = tpu.memref_slice %arg4[%add3A, %dma_wait3A_197, %dma_wait3A_198] : memref<32x160x128xi32, #tpu.memory_space<hbm>> -> memref<1x160x128xi32, #tpu.memory_space<hbm>>
      %dma_wait3A_200 = tpu.memref_squeeze %dma_wait3A_199 : memref<1x160x128xi32, #tpu.memory_space<hbm>> -> memref<160x128xi32, #tpu.memory_space<hbm>>
      %dma_wait3A_201 = arith.constant 0 : i32
      %dma_wait3A_202 = arith.constant 0 : i32
      %dma_wait3A_203 = tpu.memref_slice %arg4[%add3A, %dma_wait3A_201, %dma_wait3A_202] : memref<32x160x128xi32, #tpu.memory_space<hbm>> -> memref<1x160x128xi32, #tpu.memory_space<hbm>>
      %dma_wait3A_204 = tpu.memref_squeeze %dma_wait3A_203 : memref<1x160x128xi32, #tpu.memory_space<hbm>> -> memref<160x128xi32, #tpu.memory_space<hbm>>
      tpu.wait_dma2 semaphore(%run_scoped3A_188 : memref<!tpu.dma_semaphore, #tpu.memory_space<semaphore_mem>>) src(%dma_wait3A_204 : memref<160x128xi32, #tpu.memory_space<hbm>>) dst(%arg8 : memref<160x128xi32, #tpu.memory_space<vmem>>)
      tpu.yield
    }) : () -> ()
    "tpu.region"() ({
      %run_scoped3A_188 = tpu.sem_alloc : memref<!tpu.dma_semaphore, #tpu.memory_space<semaphore_mem>>
      %dma_start3A_189 = arith.constant 0 : i32
      %dma_start3A_190 = arith.constant 0 : i32
      %dma_start3A_191 = tpu.memref_slice %arg5[%add3A, %dma_start3A_189, %dma_start3A_190] : memref<32x160x128xi32, #tpu.memory_space<hbm>> -> memref<1x160x128xi32, #tpu.memory_space<hbm>>
      %dma_start3A_192 = tpu.memref_squeeze %dma_start3A_191 : memref<1x160x128xi32, #tpu.memory_space<hbm>> -> memref<160x128xi32, #tpu.memory_space<hbm>>
      %dma_start3A_193 = arith.constant 0 : i32
      %dma_start3A_194 = arith.constant 0 : i32
      %dma_start3A_195 = tpu.memref_slice %arg5[%add3A, %dma_start3A_193, %dma_start3A_194] : memref<32x160x128xi32, #tpu.memory_space<hbm>> -> memref<1x160x128xi32, #tpu.memory_space<hbm>>
      %dma_start3A_196 = tpu.memref_squeeze %dma_start3A_195 : memref<1x160x128xi32, #tpu.memory_space<hbm>> -> memref<160x128xi32, #tpu.memory_space<hbm>>
      tpu.enqueue_dma source(%dma_start3A_196 : memref<160x128xi32, #tpu.memory_space<hbm>>) target(%arg9 : memref<160x128xi32, #tpu.memory_space<vmem>>) target_semaphore(%run_scoped3A_188 : memref<!tpu.dma_semaphore, #tpu.memory_space<semaphore_mem>>)
      %dma_wait3A_197 = arith.constant 0 : i32
      %dma_wait3A_198 = arith.constant 0 : i32
      %dma_wait3A_199 = tpu.memref_slice %arg5[%add3A, %dma_wait3A_197, %dma_wait3A_198] : memref<32x160x128xi32, #tpu.memory_space<hbm>> -> memref<1x160x128xi32, #tpu.memory_space<hbm>>
      %dma_wait3A_200 = tpu.memref_squeeze %dma_wait3A_199 : memref<1x160x128xi32, #tpu.memory_space<hbm>> -> memref<160x128xi32, #tpu.memory_space<hbm>>
      %dma_wait3A_201 = arith.constant 0 : i32
      %dma_wait3A_202 = arith.constant 0 : i32
      %dma_wait3A_203 = tpu.memref_slice %arg5[%add3A, %dma_wait3A_201, %dma_wait3A_202] : memref<32x160x128xi32, #tpu.memory_space<hbm>> -> memref<1x160x128xi32, #tpu.memory_space<hbm>>
      %dma_wait3A_204 = tpu.memref_squeeze %dma_wait3A_203 : memref<1x160x128xi32, #tpu.memory_space<hbm>> -> memref<160x128xi32, #tpu.memory_space<hbm>>
      tpu.wait_dma2 semaphore(%run_scoped3A_188 : memref<!tpu.dma_semaphore, #tpu.memory_space<semaphore_mem>>) src(%dma_wait3A_204 : memref<160x128xi32, #tpu.memory_space<hbm>>) dst(%arg9 : memref<160x128xi32, #tpu.memory_space<vmem>>)
      tpu.yield
    }) : () -> ()
    %mul3A_1 = arith.constant 632 : i32
    %mul3A_2 = arith.muli %arg1, %mul3A_1 : i32
    %mul3A_3 = arith.constant 632 : i32
    %mul3A_4 = arith.muli %arg1, %mul3A_3 : i32
    "tpu.region"() ({
      %run_scoped3A_188 = tpu.sem_alloc : memref<!tpu.dma_semaphore, #tpu.memory_space<semaphore_mem>>
      %dma_start3A_189 = arith.constant 0 : i32
      %dma_start3A_190 = tpu.memref_slice %arg20[%mul3A_4, %dma_start3A_189] : memref<10112x64xf32, #tpu.memory_space<vmem_shared>> -> memref<632x64xf32, #tpu.memory_space<vmem_shared>>
      %dma_start3A_191 = arith.constant 0 : i32
      %dma_start3A_192 = tpu.memref_slice %arg6[%mul3A_2, %dma_start3A_191] : memref<10112x64xf32, #tpu.memory_space<hbm>> -> memref<632x64xf32, #tpu.memory_space<hbm>>
      tpu.enqueue_dma source(%dma_start3A_192 : memref<632x64xf32, #tpu.memory_space<hbm>>) target(%dma_start3A_190 : memref<632x64xf32, #tpu.memory_space<vmem_shared>>) target_semaphore(%run_scoped3A_188 : memref<!tpu.dma_semaphore, #tpu.memory_space<semaphore_mem>>)
      %dma_wait3A_193 = arith.constant 0 : i32
      %dma_wait3A_194 = tpu.memref_slice %arg20[%mul3A_4, %dma_wait3A_193] : memref<10112x64xf32, #tpu.memory_space<vmem_shared>> -> memref<632x64xf32, #tpu.memory_space<vmem_shared>>
      %dma_wait3A_195 = arith.constant 0 : i32
      %dma_wait3A_196 = tpu.memref_slice %arg6[%mul3A_2, %dma_wait3A_195] : memref<10112x64xf32, #tpu.memory_space<hbm>> -> memref<632x64xf32, #tpu.memory_space<hbm>>
      tpu.wait_dma2 semaphore(%run_scoped3A_188 : memref<!tpu.dma_semaphore, #tpu.memory_space<semaphore_mem>>) src(%dma_wait3A_196 : memref<632x64xf32, #tpu.memory_space<hbm>>) dst(%dma_wait3A_194 : memref<632x64xf32, #tpu.memory_space<vmem_shared>>)
      tpu.yield
    }) : () -> ()
    %barrier3A = arith.constant 0 : index
    tpu.barrier barrier_id(%barrier3A)
    %dma_start3A = arith.constant 0 : i32
    %dma_start3A_5 = arith.constant 0 : i32
    %dma_start3A_6 = tpu.memref_slice %arg8[%dma_start3A, %dma_start3A_5] : memref<160x128xi32, #tpu.memory_space<vmem>> -> memref<1x128xi32, #tpu.memory_space<vmem>>
    %dma_start3A_7 = tpu.memref_squeeze %dma_start3A_6 : memref<1x128xi32, #tpu.memory_space<vmem>> -> memref<128xi32, #tpu.memory_space<vmem>>
    %dma_start3A_8 = arith.constant 0 : i32
    %dma_start3A_9 = arith.constant 0 : i32
    %dma_start3A_10 = tpu.memref_slice %arg2[%dma_start3A_8, %dma_start3A_9] : memref<20000x64xf32, #tpu.memory_space<hbm>> -> memref<20000x64xf32, #tpu.memory_space<hbm>>
    tpu.enqueue_indirect_dma source(%dma_start3A_10 : memref<20000x64xf32, #tpu.memory_space<hbm>>) target(%arg10 : memref<128x64xf32, #tpu.memory_space<vmem>>) offsets(%dma_start3A_7 : memref<128xi32, #tpu.memory_space<vmem>>) semaphore(%arg15 : memref<!tpu.dma_semaphore, #tpu.memory_space<semaphore_mem>>)
    %dma_start3A_11 = arith.constant 1 : i32
    %dma_start3A_12 = arith.constant 0 : i32
    %dma_start3A_13 = tpu.memref_slice %arg8[%dma_start3A_11, %dma_start3A_12] : memref<160x128xi32, #tpu.memory_space<vmem>> -> memref<1x128xi32, #tpu.memory_space<vmem>>
    %dma_start3A_14 = tpu.memref_squeeze %dma_start3A_13 : memref<1x128xi32, #tpu.memory_space<vmem>> -> memref<128xi32, #tpu.memory_space<vmem>>
    %dma_start3A_15 = arith.constant 0 : i32
    %dma_start3A_16 = arith.constant 0 : i32
    %dma_start3A_17 = tpu.memref_slice %arg2[%dma_start3A_15, %dma_start3A_16] : memref<20000x64xf32, #tpu.memory_space<hbm>> -> memref<20000x64xf32, #tpu.memory_space<hbm>>
    tpu.enqueue_indirect_dma source(%dma_start3A_17 : memref<20000x64xf32, #tpu.memory_space<hbm>>) target(%arg11 : memref<128x64xf32, #tpu.memory_space<vmem>>) offsets(%dma_start3A_14 : memref<128xi32, #tpu.memory_space<vmem>>) semaphore(%arg16 : memref<!tpu.dma_semaphore, #tpu.memory_space<semaphore_mem>>)
    %dma_start3A_18 = arith.constant 2 : i32
    %dma_start3A_19 = arith.constant 0 : i32
    %dma_start3A_20 = tpu.memref_slice %arg8[%dma_start3A_18, %dma_start3A_19] : memref<160x128xi32, #tpu.memory_space<vmem>> -> memref<1x128xi32, #tpu.memory_space<vmem>>
    %dma_start3A_21 = tpu.memref_squeeze %dma_start3A_20 : memref<1x128xi32, #tpu.memory_space<vmem>> -> memref<128xi32, #tpu.memory_space<vmem>>
    %dma_start3A_22 = arith.constant 0 : i32
    %dma_start3A_23 = arith.constant 0 : i32
    %dma_start3A_24 = tpu.memref_slice %arg2[%dma_start3A_22, %dma_start3A_23] : memref<20000x64xf32, #tpu.memory_space<hbm>> -> memref<20000x64xf32, #tpu.memory_space<hbm>>
    tpu.enqueue_indirect_dma source(%dma_start3A_24 : memref<20000x64xf32, #tpu.memory_space<hbm>>) target(%arg12 : memref<128x64xf32, #tpu.memory_space<vmem>>) offsets(%dma_start3A_21 : memref<128xi32, #tpu.memory_space<vmem>>) semaphore(%arg17 : memref<!tpu.dma_semaphore, #tpu.memory_space<semaphore_mem>>)
    %dma_start3A_25 = arith.constant 3 : i32
    %dma_start3A_26 = arith.constant 0 : i32
    %dma_start3A_27 = tpu.memref_slice %arg8[%dma_start3A_25, %dma_start3A_26] : memref<160x128xi32, #tpu.memory_space<vmem>> -> memref<1x128xi32, #tpu.memory_space<vmem>>
    %dma_start3A_28 = tpu.memref_squeeze %dma_start3A_27 : memref<1x128xi32, #tpu.memory_space<vmem>> -> memref<128xi32, #tpu.memory_space<vmem>>
    %dma_start3A_29 = arith.constant 0 : i32
    %dma_start3A_30 = arith.constant 0 : i32
    %dma_start3A_31 = tpu.memref_slice %arg2[%dma_start3A_29, %dma_start3A_30] : memref<20000x64xf32, #tpu.memory_space<hbm>> -> memref<20000x64xf32, #tpu.memory_space<hbm>>
    tpu.enqueue_indirect_dma source(%dma_start3A_31 : memref<20000x64xf32, #tpu.memory_space<hbm>>) target(%arg13 : memref<128x64xf32, #tpu.memory_space<vmem>>) offsets(%dma_start3A_28 : memref<128xi32, #tpu.memory_space<vmem>>) semaphore(%arg18 : memref<!tpu.dma_semaphore, #tpu.memory_space<semaphore_mem>>)
    %dma_start3A_32 = arith.constant 4 : i32
    %dma_start3A_33 = arith.constant 0 : i32
    %dma_start3A_34 = tpu.memref_slice %arg8[%dma_start3A_32, %dma_start3A_33] : memref<160x128xi32, #tpu.memory_space<vmem>> -> memref<1x128xi32, #tpu.memory_space<vmem>>
    %dma_start3A_35 = tpu.memref_squeeze %dma_start3A_34 : memref<1x128xi32, #tpu.memory_space<vmem>> -> memref<128xi32, #tpu.memory_space<vmem>>
    %dma_start3A_36 = arith.constant 0 : i32
    %dma_start3A_37 = arith.constant 0 : i32
    %dma_start3A_38 = tpu.memref_slice %arg2[%dma_start3A_36, %dma_start3A_37] : memref<20000x64xf32, #tpu.memory_space<hbm>> -> memref<20000x64xf32, #tpu.memory_space<hbm>>
    tpu.enqueue_indirect_dma source(%dma_start3A_38 : memref<20000x64xf32, #tpu.memory_space<hbm>>) target(%arg14 : memref<128x64xf32, #tpu.memory_space<vmem>>) offsets(%dma_start3A_35 : memref<128xi32, #tpu.memory_space<vmem>>) semaphore(%arg19 : memref<!tpu.dma_semaphore, #tpu.memory_space<semaphore_mem>>)
    %scan3A = arith.constant 0 : i32
    %scan3A_39 = arith.constant 0 : i32
    %scan3A_40 = arith.constant 31 : i32
    %scan3A_41 = arith.addi %scan3A_39, %scan3A_40 : i32
    %scan3A_42 = arith.constant 1 : i32
    scf.for %scan3A_188 = %scan3A_39 to %scan3A_41 step %scan3A_42  : i32 {
      %mul3A_189 = arith.constant 5 : i32
      %mul3A_190 = arith.muli %scan3A_188, %mul3A_189 : i32
      %add3A_191 = arith.constant 0 : i32
      %add3A_192 = arith.addi %mul3A_190, %add3A_191 : i32
      %dma_wait3A_193 = arith.constant 0 : i32
      %dma_wait3A_194 = tpu.memref_slice %arg8[%add3A_192, %dma_wait3A_193] : memref<160x128xi32, #tpu.memory_space<vmem>> -> memref<1x128xi32, #tpu.memory_space<vmem>>
      %dma_wait3A_195 = tpu.memref_squeeze %dma_wait3A_194 : memref<1x128xi32, #tpu.memory_space<vmem>> -> memref<128xi32, #tpu.memory_space<vmem>>
      %dma_wait3A_196 = arith.constant 0 : i32
      %dma_wait3A_197 = arith.constant 0 : i32
      %dma_wait3A_198 = tpu.memref_slice %arg2[%dma_wait3A_196, %dma_wait3A_197] : memref<20000x64xf32, #tpu.memory_space<hbm>> -> memref<20000x64xf32, #tpu.memory_space<hbm>>
      tpu.wait_indirect_dma semaphore(%arg15 : memref<!tpu.dma_semaphore, #tpu.memory_space<semaphore_mem>>) src(%dma_wait3A_198 : memref<20000x64xf32, #tpu.memory_space<hbm>>) dst(%arg10 : memref<128x64xf32, #tpu.memory_space<vmem>>)
      "tpu.region"() ({
        %run_scoped3A_279 = tpu.sem_alloc : memref<!tpu.dma_semaphore, #tpu.memory_space<semaphore_mem>>
        %dma_start3A_280 = arith.constant 0 : i32
        %dma_start3A_281 = tpu.memref_slice %arg9[%add3A_192, %dma_start3A_280] : memref<160x128xi32, #tpu.memory_space<vmem>> -> memref<1x128xi32, #tpu.memory_space<vmem>>
        %dma_start3A_282 = tpu.memref_squeeze %dma_start3A_281 : memref<1x128xi32, #tpu.memory_space<vmem>> -> memref<128xi32, #tpu.memory_space<vmem>>
        %dma_start3A_283 = arith.constant 0 : i32
        %dma_start3A_284 = arith.constant 0 : i32
        %dma_start3A_285 = tpu.memref_slice %arg20[%dma_start3A_283, %dma_start3A_284] : memref<10112x64xf32, #tpu.memory_space<vmem_shared>> -> memref<10112x64xf32, #tpu.memory_space<vmem_shared>>
        tpu.enqueue_indirect_dma source(%arg10 : memref<128x64xf32, #tpu.memory_space<vmem>>) target(%dma_start3A_285 : memref<10112x64xf32, #tpu.memory_space<vmem_shared>>) offsets(%dma_start3A_282 : memref<128xi32, #tpu.memory_space<vmem>>) semaphore(%run_scoped3A_279 : memref<!tpu.dma_semaphore, #tpu.memory_space<semaphore_mem>>) {add = true}
        %dma_wait3A_286 = arith.constant 0 : i32
        %dma_wait3A_287 = tpu.memref_slice %arg9[%add3A_192, %dma_wait3A_286] : memref<160x128xi32, #tpu.memory_space<vmem>> -> memref<1x128xi32, #tpu.memory_space<vmem>>
        %dma_wait3A_288 = tpu.memref_squeeze %dma_wait3A_287 : memref<1x128xi32, #tpu.memory_space<vmem>> -> memref<128xi32, #tpu.memory_space<vmem>>
        %dma_wait3A_289 = arith.constant 0 : i32
        %dma_wait3A_290 = arith.constant 0 : i32
        %dma_wait3A_291 = tpu.memref_slice %arg20[%dma_wait3A_289, %dma_wait3A_290] : memref<10112x64xf32, #tpu.memory_space<vmem_shared>> -> memref<10112x64xf32, #tpu.memory_space<vmem_shared>>
        tpu.wait_indirect_dma semaphore(%run_scoped3A_279 : memref<!tpu.dma_semaphore, #tpu.memory_space<semaphore_mem>>) src(%arg10 : memref<128x64xf32, #tpu.memory_space<vmem>>) dst(%dma_wait3A_291 : memref<10112x64xf32, #tpu.memory_space<vmem_shared>>)
        tpu.yield
      }) : () -> ()
      %add3A_199 = arith.constant 5 : i32
      %add3A_200 = arith.addi %add3A_192, %add3A_199 : i32
      %dma_start3A_201 = arith.constant 0 : i32
      %dma_start3A_202 = tpu.memref_slice %arg8[%add3A_200, %dma_start3A_201] : memref<160x128xi32, #tpu.memory_space<vmem>> -> memref<1x128xi32, #tpu.memory_space<vmem>>
      %dma_start3A_203 = tpu.memref_squeeze %dma_start3A_202 : memref<1x128xi32, #tpu.memory_space<vmem>> -> memref<128xi32, #tpu.memory_space<vmem>>
      %dma_start3A_204 = arith.constant 0 : i32
      %dma_start3A_205 = arith.constant 0 : i32
      %dma_start3A_206 = tpu.memref_slice %arg2[%dma_start3A_204, %dma_start3A_205] : memref<20000x64xf32, #tpu.memory_space<hbm>> -> memref<20000x64xf32, #tpu.memory_space<hbm>>
      tpu.enqueue_indirect_dma source(%dma_start3A_206 : memref<20000x64xf32, #tpu.memory_space<hbm>>) target(%arg10 : memref<128x64xf32, #tpu.memory_space<vmem>>) offsets(%dma_start3A_203 : memref<128xi32, #tpu.memory_space<vmem>>) semaphore(%arg15 : memref<!tpu.dma_semaphore, #tpu.memory_space<semaphore_mem>>)
      %mul3A_207 = arith.constant 5 : i32
      %mul3A_208 = arith.muli %scan3A_188, %mul3A_207 : i32
      %add3A_209 = arith.constant 1 : i32
      %add3A_210 = arith.addi %mul3A_208, %add3A_209 : i32
      %dma_wait3A_211 = arith.constant 0 : i32
      %dma_wait3A_212 = tpu.memref_slice %arg8[%add3A_210, %dma_wait3A_211] : memref<160x128xi32, #tpu.memory_space<vmem>> -> memref<1x128xi32, #tpu.memory_space<vmem>>
      %dma_wait3A_213 = tpu.memref_squeeze %dma_wait3A_212 : memref<1x128xi32, #tpu.memory_space<vmem>> -> memref<128xi32, #tpu.memory_space<vmem>>
      %dma_wait3A_214 = arith.constant 0 : i32
      %dma_wait3A_215 = arith.constant 0 : i32
      %dma_wait3A_216 = tpu.memref_slice %arg2[%dma_wait3A_214, %dma_wait3A_215] : memref<20000x64xf32, #tpu.memory_space<hbm>> -> memref<20000x64xf32, #tpu.memory_space<hbm>>
      tpu.wait_indirect_dma semaphore(%arg16 : memref<!tpu.dma_semaphore, #tpu.memory_space<semaphore_mem>>) src(%dma_wait3A_216 : memref<20000x64xf32, #tpu.memory_space<hbm>>) dst(%arg11 : memref<128x64xf32, #tpu.memory_space<vmem>>)
      "tpu.region"() ({
        %run_scoped3A_279 = tpu.sem_alloc : memref<!tpu.dma_semaphore, #tpu.memory_space<semaphore_mem>>
        %dma_start3A_280 = arith.constant 0 : i32
        %dma_start3A_281 = tpu.memref_slice %arg9[%add3A_210, %dma_start3A_280] : memref<160x128xi32, #tpu.memory_space<vmem>> -> memref<1x128xi32, #tpu.memory_space<vmem>>
        %dma_start3A_282 = tpu.memref_squeeze %dma_start3A_281 : memref<1x128xi32, #tpu.memory_space<vmem>> -> memref<128xi32, #tpu.memory_space<vmem>>
        %dma_start3A_283 = arith.constant 0 : i32
        %dma_start3A_284 = arith.constant 0 : i32
        %dma_start3A_285 = tpu.memref_slice %arg20[%dma_start3A_283, %dma_start3A_284] : memref<10112x64xf32, #tpu.memory_space<vmem_shared>> -> memref<10112x64xf32, #tpu.memory_space<vmem_shared>>
        tpu.enqueue_indirect_dma source(%arg11 : memref<128x64xf32, #tpu.memory_space<vmem>>) target(%dma_start3A_285 : memref<10112x64xf32, #tpu.memory_space<vmem_shared>>) offsets(%dma_start3A_282 : memref<128xi32, #tpu.memory_space<vmem>>) semaphore(%run_scoped3A_279 : memref<!tpu.dma_semaphore, #tpu.memory_space<semaphore_mem>>) {add = true}
        %dma_wait3A_286 = arith.constant 0 : i32
        %dma_wait3A_287 = tpu.memref_slice %arg9[%add3A_210, %dma_wait3A_286] : memref<160x128xi32, #tpu.memory_space<vmem>> -> memref<1x128xi32, #tpu.memory_space<vmem>>
        %dma_wait3A_288 = tpu.memref_squeeze %dma_wait3A_287 : memref<1x128xi32, #tpu.memory_space<vmem>> -> memref<128xi32, #tpu.memory_space<vmem>>
        %dma_wait3A_289 = arith.constant 0 : i32
        %dma_wait3A_290 = arith.constant 0 : i32
        %dma_wait3A_291 = tpu.memref_slice %arg20[%dma_wait3A_289, %dma_wait3A_290] : memref<10112x64xf32, #tpu.memory_space<vmem_shared>> -> memref<10112x64xf32, #tpu.memory_space<vmem_shared>>
        tpu.wait_indirect_dma semaphore(%run_scoped3A_279 : memref<!tpu.dma_semaphore, #tpu.memory_space<semaphore_mem>>) src(%arg11 : memref<128x64xf32, #tpu.memory_space<vmem>>) dst(%dma_wait3A_291 : memref<10112x64xf32, #tpu.memory_space<vmem_shared>>)
        tpu.yield
      }) : () -> ()
      %add3A_217 = arith.constant 5 : i32
      %add3A_218 = arith.addi %add3A_210, %add3A_217 : i32
      %dma_start3A_219 = arith.constant 0 : i32
      %dma_start3A_220 = tpu.memref_slice %arg8[%add3A_218, %dma_start3A_219] : memref<160x128xi32, #tpu.memory_space<vmem>> -> memref<1x128xi32, #tpu.memory_space<vmem>>
      %dma_start3A_221 = tpu.memref_squeeze %dma_start3A_220 : memref<1x128xi32, #tpu.memory_space<vmem>> -> memref<128xi32, #tpu.memory_space<vmem>>
      %dma_start3A_222 = arith.constant 0 : i32
      %dma_start3A_223 = arith.constant 0 : i32
      %dma_start3A_224 = tpu.memref_slice %arg2[%dma_start3A_222, %dma_start3A_223] : memref<20000x64xf32, #tpu.memory_space<hbm>> -> memref<20000x64xf32, #tpu.memory_space<hbm>>
      tpu.enqueue_indirect_dma source(%dma_start3A_224 : memref<20000x64xf32, #tpu.memory_space<hbm>>) target(%arg11 : memref<128x64xf32, #tpu.memory_space<vmem>>) offsets(%dma_start3A_221 : memref<128xi32, #tpu.memory_space<vmem>>) semaphore(%arg16 : memref<!tpu.dma_semaphore, #tpu.memory_space<semaphore_mem>>)
      %mul3A_225 = arith.constant 5 : i32
      %mul3A_226 = arith.muli %scan3A_188, %mul3A_225 : i32
      %add3A_227 = arith.constant 2 : i32
      %add3A_228 = arith.addi %mul3A_226, %add3A_227 : i32
      %dma_wait3A_229 = arith.constant 0 : i32
      %dma_wait3A_230 = tpu.memref_slice %arg8[%add3A_228, %dma_wait3A_229] : memref<160x128xi32, #tpu.memory_space<vmem>> -> memref<1x128xi32, #tpu.memory_space<vmem>>
      %dma_wait3A_231 = tpu.memref_squeeze %dma_wait3A_230 : memref<1x128xi32, #tpu.memory_space<vmem>> -> memref<128xi32, #tpu.memory_space<vmem>>
      %dma_wait3A_232 = arith.constant 0 : i32
      %dma_wait3A_233 = arith.constant 0 : i32
      %dma_wait3A_234 = tpu.memref_slice %arg2[%dma_wait3A_232, %dma_wait3A_233] : memref<20000x64xf32, #tpu.memory_space<hbm>> -> memref<20000x64xf32, #tpu.memory_space<hbm>>
      tpu.wait_indirect_dma semaphore(%arg17 : memref<!tpu.dma_semaphore, #tpu.memory_space<semaphore_mem>>) src(%dma_wait3A_234 : memref<20000x64xf32, #tpu.memory_space<hbm>>) dst(%arg12 : memref<128x64xf32, #tpu.memory_space<vmem>>)
      "tpu.region"() ({
        %run_scoped3A_279 = tpu.sem_alloc : memref<!tpu.dma_semaphore, #tpu.memory_space<semaphore_mem>>
        %dma_start3A_280 = arith.constant 0 : i32
        %dma_start3A_281 = tpu.memref_slice %arg9[%add3A_228, %dma_start3A_280] : memref<160x128xi32, #tpu.memory_space<vmem>> -> memref<1x128xi32, #tpu.memory_space<vmem>>
        %dma_start3A_282 = tpu.memref_squeeze %dma_start3A_281 : memref<1x128xi32, #tpu.memory_space<vmem>> -> memref<128xi32, #tpu.memory_space<vmem>>
        %dma_start3A_283 = arith.constant 0 : i32
        %dma_start3A_284 = arith.constant 0 : i32
        %dma_start3A_285 = tpu.memref_slice %arg20[%dma_start3A_283, %dma_start3A_284] : memref<10112x64xf32, #tpu.memory_space<vmem_shared>> -> memref<10112x64xf32, #tpu.memory_space<vmem_shared>>
        tpu.enqueue_indirect_dma source(%arg12 : memref<128x64xf32, #tpu.memory_space<vmem>>) target(%dma_start3A_285 : memref<10112x64xf32, #tpu.memory_space<vmem_shared>>) offsets(%dma_start3A_282 : memref<128xi32, #tpu.memory_space<vmem>>) semaphore(%run_scoped3A_279 : memref<!tpu.dma_semaphore, #tpu.memory_space<semaphore_mem>>) {add = true}
        %dma_wait3A_286 = arith.constant 0 : i32
        %dma_wait3A_287 = tpu.memref_slice %arg9[%add3A_228, %dma_wait3A_286] : memref<160x128xi32, #tpu.memory_space<vmem>> -> memref<1x128xi32, #tpu.memory_space<vmem>>
        %dma_wait3A_288 = tpu.memref_squeeze %dma_wait3A_287 : memref<1x128xi32, #tpu.memory_space<vmem>> -> memref<128xi32, #tpu.memory_space<vmem>>
        %dma_wait3A_289 = arith.constant 0 : i32
        %dma_wait3A_290 = arith.constant 0 : i32
        %dma_wait3A_291 = tpu.memref_slice %arg20[%dma_wait3A_289, %dma_wait3A_290] : memref<10112x64xf32, #tpu.memory_space<vmem_shared>> -> memref<10112x64xf32, #tpu.memory_space<vmem_shared>>
        tpu.wait_indirect_dma semaphore(%run_scoped3A_279 : memref<!tpu.dma_semaphore, #tpu.memory_space<semaphore_mem>>) src(%arg12 : memref<128x64xf32, #tpu.memory_space<vmem>>) dst(%dma_wait3A_291 : memref<10112x64xf32, #tpu.memory_space<vmem_shared>>)
        tpu.yield
      }) : () -> ()
      %add3A_235 = arith.constant 5 : i32
      %add3A_236 = arith.addi %add3A_228, %add3A_235 : i32
      %dma_start3A_237 = arith.constant 0 : i32
      %dma_start3A_238 = tpu.memref_slice %arg8[%add3A_236, %dma_start3A_237] : memref<160x128xi32, #tpu.memory_space<vmem>> -> memref<1x128xi32, #tpu.memory_space<vmem>>
      %dma_start3A_239 = tpu.memref_squeeze %dma_start3A_238 : memref<1x128xi32, #tpu.memory_space<vmem>> -> memref<128xi32, #tpu.memory_space<vmem>>
      %dma_start3A_240 = arith.constant 0 : i32
      %dma_start3A_241 = arith.constant 0 : i32
      %dma_start3A_242 = tpu.memref_slice %arg2[%dma_start3A_240, %dma_start3A_241] : memref<20000x64xf32, #tpu.memory_space<hbm>> -> memref<20000x64xf32, #tpu.memory_space<hbm>>
      tpu.enqueue_indirect_dma source(%dma_start3A_242 : memref<20000x64xf32, #tpu.memory_space<hbm>>) target(%arg12 : memref<128x64xf32, #tpu.memory_space<vmem>>) offsets(%dma_start3A_239 : memref<128xi32, #tpu.memory_space<vmem>>) semaphore(%arg17 : memref<!tpu.dma_semaphore, #tpu.memory_space<semaphore_mem>>)
      %mul3A_243 = arith.constant 5 : i32
      %mul3A_244 = arith.muli %scan3A_188, %mul3A_243 : i32
      %add3A_245 = arith.constant 3 : i32
      %add3A_246 = arith.addi %mul3A_244, %add3A_245 : i32
      %dma_wait3A_247 = arith.constant 0 : i32
      %dma_wait3A_248 = tpu.memref_slice %arg8[%add3A_246, %dma_wait3A_247] : memref<160x128xi32, #tpu.memory_space<vmem>> -> memref<1x128xi32, #tpu.memory_space<vmem>>
      %dma_wait3A_249 = tpu.memref_squeeze %dma_wait3A_248 : memref<1x128xi32, #tpu.memory_space<vmem>> -> memref<128xi32, #tpu.memory_space<vmem>>
      %dma_wait3A_250 = arith.constant 0 : i32
      %dma_wait3A_251 = arith.constant 0 : i32
      %dma_wait3A_252 = tpu.memref_slice %arg2[%dma_wait3A_250, %dma_wait3A_251] : memref<20000x64xf32, #tpu.memory_space<hbm>> -> memref<20000x64xf32, #tpu.memory_space<hbm>>
      tpu.wait_indirect_dma semaphore(%arg18 : memref<!tpu.dma_semaphore, #tpu.memory_space<semaphore_mem>>) src(%dma_wait3A_252 : memref<20000x64xf32, #tpu.memory_space<hbm>>) dst(%arg13 : memref<128x64xf32, #tpu.memory_space<vmem>>)
      "tpu.region"() ({
        %run_scoped3A_279 = tpu.sem_alloc : memref<!tpu.dma_semaphore, #tpu.memory_space<semaphore_mem>>
        %dma_start3A_280 = arith.constant 0 : i32
        %dma_start3A_281 = tpu.memref_slice %arg9[%add3A_246, %dma_start3A_280] : memref<160x128xi32, #tpu.memory_space<vmem>> -> memref<1x128xi32, #tpu.memory_space<vmem>>
        %dma_start3A_282 = tpu.memref_squeeze %dma_start3A_281 : memref<1x128xi32, #tpu.memory_space<vmem>> -> memref<128xi32, #tpu.memory_space<vmem>>
        %dma_start3A_283 = arith.constant 0 : i32
        %dma_start3A_284 = arith.constant 0 : i32
        %dma_start3A_285 = tpu.memref_slice %arg20[%dma_start3A_283, %dma_start3A_284] : memref<10112x64xf32, #tpu.memory_space<vmem_shared>> -> memref<10112x64xf32, #tpu.memory_space<vmem_shared>>
        tpu.enqueue_indirect_dma source(%arg13 : memref<128x64xf32, #tpu.memory_space<vmem>>) target(%dma_start3A_285 : memref<10112x64xf32, #tpu.memory_space<vmem_shared>>) offsets(%dma_start3A_282 : memref<128xi32, #tpu.memory_space<vmem>>) semaphore(%run_scoped3A_279 : memref<!tpu.dma_semaphore, #tpu.memory_space<semaphore_mem>>) {add = true}
        %dma_wait3A_286 = arith.constant 0 : i32
        %dma_wait3A_287 = tpu.memref_slice %arg9[%add3A_246, %dma_wait3A_286] : memref<160x128xi32, #tpu.memory_space<vmem>> -> memref<1x128xi32, #tpu.memory_space<vmem>>
        %dma_wait3A_288 = tpu.memref_squeeze %dma_wait3A_287 : memref<1x128xi32, #tpu.memory_space<vmem>> -> memref<128xi32, #tpu.memory_space<vmem>>
        %dma_wait3A_289 = arith.constant 0 : i32
        %dma_wait3A_290 = arith.constant 0 : i32
        %dma_wait3A_291 = tpu.memref_slice %arg20[%dma_wait3A_289, %dma_wait3A_290] : memref<10112x64xf32, #tpu.memory_space<vmem_shared>> -> memref<10112x64xf32, #tpu.memory_space<vmem_shared>>
        tpu.wait_indirect_dma semaphore(%run_scoped3A_279 : memref<!tpu.dma_semaphore, #tpu.memory_space<semaphore_mem>>) src(%arg13 : memref<128x64xf32, #tpu.memory_space<vmem>>) dst(%dma_wait3A_291 : memref<10112x64xf32, #tpu.memory_space<vmem_shared>>)
        tpu.yield
      }) : () -> ()
      %add3A_253 = arith.constant 5 : i32
      %add3A_254 = arith.addi %add3A_246, %add3A_253 : i32
      %dma_start3A_255 = arith.constant 0 : i32
      %dma_start3A_256 = tpu.memref_slice %arg8[%add3A_254, %dma_start3A_255] : memref<160x128xi32, #tpu.memory_space<vmem>> -> memref<1x128xi32, #tpu.memory_space<vmem>>
      %dma_start3A_257 = tpu.memref_squeeze %dma_start3A_256 : memref<1x128xi32, #tpu.memory_space<vmem>> -> memref<128xi32, #tpu.memory_space<vmem>>
      %dma_start3A_258 = arith.constant 0 : i32
      %dma_start3A_259 = arith.constant 0 : i32
      %dma_start3A_260 = tpu.memref_slice %arg2[%dma_start3A_258, %dma_start3A_259] : memref<20000x64xf32, #tpu.memory_space<hbm>> -> memref<20000x64xf32, #tpu.memory_space<hbm>>
      tpu.enqueue_indirect_dma source(%dma_start3A_260 : memref<20000x64xf32, #tpu.memory_space<hbm>>) target(%arg13 : memref<128x64xf32, #tpu.memory_space<vmem>>) offsets(%dma_start3A_257 : memref<128xi32, #tpu.memory_space<vmem>>) semaphore(%arg18 : memref<!tpu.dma_semaphore, #tpu.memory_space<semaphore_mem>>)
      %mul3A_261 = arith.constant 5 : i32
      %mul3A_262 = arith.muli %scan3A_188, %mul3A_261 : i32
      %add3A_263 = arith.constant 4 : i32
      %add3A_264 = arith.addi %mul3A_262, %add3A_263 : i32
      %dma_wait3A_265 = arith.constant 0 : i32
      %dma_wait3A_266 = tpu.memref_slice %arg8[%add3A_264, %dma_wait3A_265] : memref<160x128xi32, #tpu.memory_space<vmem>> -> memref<1x128xi32, #tpu.memory_space<vmem>>
      %dma_wait3A_267 = tpu.memref_squeeze %dma_wait3A_266 : memref<1x128xi32, #tpu.memory_space<vmem>> -> memref<128xi32, #tpu.memory_space<vmem>>
      %dma_wait3A_268 = arith.constant 0 : i32
      %dma_wait3A_269 = arith.constant 0 : i32
      %dma_wait3A_270 = tpu.memref_slice %arg2[%dma_wait3A_268, %dma_wait3A_269] : memref<20000x64xf32, #tpu.memory_space<hbm>> -> memref<20000x64xf32, #tpu.memory_space<hbm>>
      tpu.wait_indirect_dma semaphore(%arg19 : memref<!tpu.dma_semaphore, #tpu.memory_space<semaphore_mem>>) src(%dma_wait3A_270 : memref<20000x64xf32, #tpu.memory_space<hbm>>) dst(%arg14 : memref<128x64xf32, #tpu.memory_space<vmem>>)
      "tpu.region"() ({
        %run_scoped3A_279 = tpu.sem_alloc : memref<!tpu.dma_semaphore, #tpu.memory_space<semaphore_mem>>
        %dma_start3A_280 = arith.constant 0 : i32
        %dma_start3A_281 = tpu.memref_slice %arg9[%add3A_264, %dma_start3A_280] : memref<160x128xi32, #tpu.memory_space<vmem>> -> memref<1x128xi32, #tpu.memory_space<vmem>>
        %dma_start3A_282 = tpu.memref_squeeze %dma_start3A_281 : memref<1x128xi32, #tpu.memory_space<vmem>> -> memref<128xi32, #tpu.memory_space<vmem>>
        %dma_start3A_283 = arith.constant 0 : i32
        %dma_start3A_284 = arith.constant 0 : i32
        %dma_start3A_285 = tpu.memref_slice %arg20[%dma_start3A_283, %dma_start3A_284] : memref<10112x64xf32, #tpu.memory_space<vmem_shared>> -> memref<10112x64xf32, #tpu.memory_space<vmem_shared>>
        tpu.enqueue_indirect_dma source(%arg14 : memref<128x64xf32, #tpu.memory_space<vmem>>) target(%dma_start3A_285 : memref<10112x64xf32, #tpu.memory_space<vmem_shared>>) offsets(%dma_start3A_282 : memref<128xi32, #tpu.memory_space<vmem>>) semaphore(%run_scoped3A_279 : memref<!tpu.dma_semaphore, #tpu.memory_space<semaphore_mem>>) {add = true}
        %dma_wait3A_286 = arith.constant 0 : i32
        %dma_wait3A_287 = tpu.memref_slice %arg9[%add3A_264, %dma_wait3A_286] : memref<160x128xi32, #tpu.memory_space<vmem>> -> memref<1x128xi32, #tpu.memory_space<vmem>>
        %dma_wait3A_288 = tpu.memref_squeeze %dma_wait3A_287 : memref<1x128xi32, #tpu.memory_space<vmem>> -> memref<128xi32, #tpu.memory_space<vmem>>
        %dma_wait3A_289 = arith.constant 0 : i32
        %dma_wait3A_290 = arith.constant 0 : i32
        %dma_wait3A_291 = tpu.memref_slice %arg20[%dma_wait3A_289, %dma_wait3A_290] : memref<10112x64xf32, #tpu.memory_space<vmem_shared>> -> memref<10112x64xf32, #tpu.memory_space<vmem_shared>>
        tpu.wait_indirect_dma semaphore(%run_scoped3A_279 : memref<!tpu.dma_semaphore, #tpu.memory_space<semaphore_mem>>) src(%arg14 : memref<128x64xf32, #tpu.memory_space<vmem>>) dst(%dma_wait3A_291 : memref<10112x64xf32, #tpu.memory_space<vmem_shared>>)
        tpu.yield
      }) : () -> ()
      %add3A_271 = arith.constant 5 : i32
      %add3A_272 = arith.addi %add3A_264, %add3A_271 : i32
      %dma_start3A_273 = arith.constant 0 : i32
      %dma_start3A_274 = tpu.memref_slice %arg8[%add3A_272, %dma_start3A_273] : memref<160x128xi32, #tpu.memory_space<vmem>> -> memref<1x128xi32, #tpu.memory_space<vmem>>
      %dma_start3A_275 = tpu.memref_squeeze %dma_start3A_274 : memref<1x128xi32, #tpu.memory_space<vmem>> -> memref<128xi32, #tpu.memory_space<vmem>>
      %dma_start3A_276 = arith.constant 0 : i32
      %dma_start3A_277 = arith.constant 0 : i32
      %dma_start3A_278 = tpu.memref_slice %arg2[%dma_start3A_276, %dma_start3A_277] : memref<20000x64xf32, #tpu.memory_space<hbm>> -> memref<20000x64xf32, #tpu.memory_space<hbm>>
      tpu.enqueue_indirect_dma source(%dma_start3A_278 : memref<20000x64xf32, #tpu.memory_space<hbm>>) target(%arg14 : memref<128x64xf32, #tpu.memory_space<vmem>>) offsets(%dma_start3A_275 : memref<128xi32, #tpu.memory_space<vmem>>) semaphore(%arg19 : memref<!tpu.dma_semaphore, #tpu.memory_space<semaphore_mem>>)
    }
    %scan3A_43 = arith.constant 31 : i32
    %dma_wait3A = arith.constant 155 : i32
    %dma_wait3A_44 = arith.constant 0 : i32
    %dma_wait3A_45 = tpu.memref_slice %arg8[%dma_wait3A, %dma_wait3A_44] : memref<160x128xi32, #tpu.memory_space<vmem>> -> memref<1x128xi32, #tpu.memory_space<vmem>>
    %dma_wait3A_46 = tpu.memref_squeeze %dma_wait3A_45 : memref<1x128xi32, #tpu.memory_space<vmem>> -> memref<128xi32, #tpu.memory_space<vmem>>
    %dma_wait3A_47 = arith.constant 0 : i32
    %dma_wait3A_48 = arith.constant 0 : i32
    %dma_wait3A_49 = tpu.memref_slice %arg2[%dma_wait3A_47, %dma_wait3A_48] : memref<20000x64xf32, #tpu.memory_space<hbm>> -> memref<20000x64xf32, #tpu.memory_space<hbm>>
    tpu.wait_indirect_dma semaphore(%arg15 : memref<!tpu.dma_semaphore, #tpu.memory_space<semaphore_mem>>) src(%dma_wait3A_49 : memref<20000x64xf32, #tpu.memory_space<hbm>>) dst(%arg10 : memref<128x64xf32, #tpu.memory_space<vmem>>)
    %run_scoped3A = arith.constant 155 : i32
    "tpu.region"() ({
      %run_scoped3A_188 = tpu.sem_alloc : memref<!tpu.dma_semaphore, #tpu.memory_space<semaphore_mem>>
      %dma_start3A_189 = arith.constant 0 : i32
      %dma_start3A_190 = tpu.memref_slice %arg9[%run_scoped3A, %dma_start3A_189] : memref<160x128xi32, #tpu.memory_space<vmem>> -> memref<1x128xi32, #tpu.memory_space<vmem>>
      %dma_start3A_191 = tpu.memref_squeeze %dma_start3A_190 : memref<1x128xi32, #tpu.memory_space<vmem>> -> memref<128xi32, #tpu.memory_space<vmem>>
      %dma_start3A_192 = arith.constant 0 : i32
      %dma_start3A_193 = arith.constant 0 : i32
      %dma_start3A_194 = tpu.memref_slice %arg20[%dma_start3A_192, %dma_start3A_193] : memref<10112x64xf32, #tpu.memory_space<vmem_shared>> -> memref<10112x64xf32, #tpu.memory_space<vmem_shared>>
      tpu.enqueue_indirect_dma source(%arg10 : memref<128x64xf32, #tpu.memory_space<vmem>>) target(%dma_start3A_194 : memref<10112x64xf32, #tpu.memory_space<vmem_shared>>) offsets(%dma_start3A_191 : memref<128xi32, #tpu.memory_space<vmem>>) semaphore(%run_scoped3A_188 : memref<!tpu.dma_semaphore, #tpu.memory_space<semaphore_mem>>) {add = true}
      %dma_wait3A_195 = arith.constant 0 : i32
      %dma_wait3A_196 = tpu.memref_slice %arg9[%run_scoped3A, %dma_wait3A_195] : memref<160x128xi32, #tpu.memory_space<vmem>> -> memref<1x128xi32, #tpu.memory_space<vmem>>
      %dma_wait3A_197 = tpu.memref_squeeze %dma_wait3A_196 : memref<1x128xi32, #tpu.memory_space<vmem>> -> memref<128xi32, #tpu.memory_space<vmem>>
      %dma_wait3A_198 = arith.constant 0 : i32
      %dma_wait3A_199 = arith.constant 0 : i32
      %dma_wait3A_200 = tpu.memref_slice %arg20[%dma_wait3A_198, %dma_wait3A_199] : memref<10112x64xf32, #tpu.memory_space<vmem_shared>> -> memref<10112x64xf32, #tpu.memory_space<vmem_shared>>
      tpu.wait_indirect_dma semaphore(%run_scoped3A_188 : memref<!tpu.dma_semaphore, #tpu.memory_space<semaphore_mem>>) src(%arg10 : memref<128x64xf32, #tpu.memory_space<vmem>>) dst(%dma_wait3A_200 : memref<10112x64xf32, #tpu.memory_space<vmem_shared>>)
      tpu.yield
    }) : () -> ()
    %dma_wait3A_50 = arith.constant 156 : i32
    %dma_wait3A_51 = arith.constant 0 : i32
    %dma_wait3A_52 = tpu.memref_slice %arg8[%dma_wait3A_50, %dma_wait3A_51] : memref<160x128xi32, #tpu.memory_space<vmem>> -> memref<1x128xi32, #tpu.memory_space<vmem>>
    %dma_wait3A_53 = tpu.memref_squeeze %dma_wait3A_52 : memref<1x128xi32, #tpu.memory_space<vmem>> -> memref<128xi32, #tpu.memory_space<vmem>>
    %dma_wait3A_54 = arith.constant 0 : i32
    %dma_wait3A_55 = arith.constant 0 : i32
    %dma_wait3A_56 = tpu.memref_slice %arg2[%dma_wait3A_54, %dma_wait3A_55] : memref<20000x64xf32, #tpu.memory_space<hbm>> -> memref<20000x64xf32, #tpu.memory_space<hbm>>
    tpu.wait_indirect_dma semaphore(%arg16 : memref<!tpu.dma_semaphore, #tpu.memory_space<semaphore_mem>>) src(%dma_wait3A_56 : memref<20000x64xf32, #tpu.memory_space<hbm>>) dst(%arg11 : memref<128x64xf32, #tpu.memory_space<vmem>>)
    %run_scoped3A_57 = arith.constant 156 : i32
    "tpu.region"() ({
      %run_scoped3A_188 = tpu.sem_alloc : memref<!tpu.dma_semaphore, #tpu.memory_space<semaphore_mem>>
      %dma_start3A_189 = arith.constant 0 : i32
      %dma_start3A_190 = tpu.memref_slice %arg9[%run_scoped3A_57, %dma_start3A_189] : memref<160x128xi32, #tpu.memory_space<vmem>> -> memref<1x128xi32, #tpu.memory_space<vmem>>
      %dma_start3A_191 = tpu.memref_squeeze %dma_start3A_190 : memref<1x128xi32, #tpu.memory_space<vmem>> -> memref<128xi32, #tpu.memory_space<vmem>>
      %dma_start3A_192 = arith.constant 0 : i32
      %dma_start3A_193 = arith.constant 0 : i32
      %dma_start3A_194 = tpu.memref_slice %arg20[%dma_start3A_192, %dma_start3A_193] : memref<10112x64xf32, #tpu.memory_space<vmem_shared>> -> memref<10112x64xf32, #tpu.memory_space<vmem_shared>>
      tpu.enqueue_indirect_dma source(%arg11 : memref<128x64xf32, #tpu.memory_space<vmem>>) target(%dma_start3A_194 : memref<10112x64xf32, #tpu.memory_space<vmem_shared>>) offsets(%dma_start3A_191 : memref<128xi32, #tpu.memory_space<vmem>>) semaphore(%run_scoped3A_188 : memref<!tpu.dma_semaphore, #tpu.memory_space<semaphore_mem>>) {add = true}
      %dma_wait3A_195 = arith.constant 0 : i32
      %dma_wait3A_196 = tpu.memref_slice %arg9[%run_scoped3A_57, %dma_wait3A_195] : memref<160x128xi32, #tpu.memory_space<vmem>> -> memref<1x128xi32, #tpu.memory_space<vmem>>
      %dma_wait3A_197 = tpu.memref_squeeze %dma_wait3A_196 : memref<1x128xi32, #tpu.memory_space<vmem>> -> memref<128xi32, #tpu.memory_space<vmem>>
      %dma_wait3A_198 = arith.constant 0 : i32
      %dma_wait3A_199 = arith.constant 0 : i32
      %dma_wait3A_200 = tpu.memref_slice %arg20[%dma_wait3A_198, %dma_wait3A_199] : memref<10112x64xf32, #tpu.memory_space<vmem_shared>> -> memref<10112x64xf32, #tpu.memory_space<vmem_shared>>
      tpu.wait_indirect_dma semaphore(%run_scoped3A_188 : memref<!tpu.dma_semaphore, #tpu.memory_space<semaphore_mem>>) src(%arg11 : memref<128x64xf32, #tpu.memory_space<vmem>>) dst(%dma_wait3A_200 : memref<10112x64xf32, #tpu.memory_space<vmem_shared>>)
      tpu.yield
    }) : () -> ()
    %dma_wait3A_58 = arith.constant 157 : i32
    %dma_wait3A_59 = arith.constant 0 : i32
    %dma_wait3A_60 = tpu.memref_slice %arg8[%dma_wait3A_58, %dma_wait3A_59] : memref<160x128xi32, #tpu.memory_space<vmem>> -> memref<1x128xi32, #tpu.memory_space<vmem>>
    %dma_wait3A_61 = tpu.memref_squeeze %dma_wait3A_60 : memref<1x128xi32, #tpu.memory_space<vmem>> -> memref<128xi32, #tpu.memory_space<vmem>>
    %dma_wait3A_62 = arith.constant 0 : i32
    %dma_wait3A_63 = arith.constant 0 : i32
    %dma_wait3A_64 = tpu.memref_slice %arg2[%dma_wait3A_62, %dma_wait3A_63] : memref<20000x64xf32, #tpu.memory_space<hbm>> -> memref<20000x64xf32, #tpu.memory_space<hbm>>
    tpu.wait_indirect_dma semaphore(%arg17 : memref<!tpu.dma_semaphore, #tpu.memory_space<semaphore_mem>>) src(%dma_wait3A_64 : memref<20000x64xf32, #tpu.memory_space<hbm>>) dst(%arg12 : memref<128x64xf32, #tpu.memory_space<vmem>>)
    %run_scoped3A_65 = arith.constant 157 : i32
    "tpu.region"() ({
      %run_scoped3A_188 = tpu.sem_alloc : memref<!tpu.dma_semaphore, #tpu.memory_space<semaphore_mem>>
      %dma_start3A_189 = arith.constant 0 : i32
      %dma_start3A_190 = tpu.memref_slice %arg9[%run_scoped3A_65, %dma_start3A_189] : memref<160x128xi32, #tpu.memory_space<vmem>> -> memref<1x128xi32, #tpu.memory_space<vmem>>
      %dma_start3A_191 = tpu.memref_squeeze %dma_start3A_190 : memref<1x128xi32, #tpu.memory_space<vmem>> -> memref<128xi32, #tpu.memory_space<vmem>>
      %dma_start3A_192 = arith.constant 0 : i32
      %dma_start3A_193 = arith.constant 0 : i32
      %dma_start3A_194 = tpu.memref_slice %arg20[%dma_start3A_192, %dma_start3A_193] : memref<10112x64xf32, #tpu.memory_space<vmem_shared>> -> memref<10112x64xf32, #tpu.memory_space<vmem_shared>>
      tpu.enqueue_indirect_dma source(%arg12 : memref<128x64xf32, #tpu.memory_space<vmem>>) target(%dma_start3A_194 : memref<10112x64xf32, #tpu.memory_space<vmem_shared>>) offsets(%dma_start3A_191 : memref<128xi32, #tpu.memory_space<vmem>>) semaphore(%run_scoped3A_188 : memref<!tpu.dma_semaphore, #tpu.memory_space<semaphore_mem>>) {add = true}
      %dma_wait3A_195 = arith.constant 0 : i32
      %dma_wait3A_196 = tpu.memref_slice %arg9[%run_scoped3A_65, %dma_wait3A_195] : memref<160x128xi32, #tpu.memory_space<vmem>> -> memref<1x128xi32, #tpu.memory_space<vmem>>
      %dma_wait3A_197 = tpu.memref_squeeze %dma_wait3A_196 : memref<1x128xi32, #tpu.memory_space<vmem>> -> memref<128xi32, #tpu.memory_space<vmem>>
      %dma_wait3A_198 = arith.constant 0 : i32
      %dma_wait3A_199 = arith.constant 0 : i32
      %dma_wait3A_200 = tpu.memref_slice %arg20[%dma_wait3A_198, %dma_wait3A_199] : memref<10112x64xf32, #tpu.memory_space<vmem_shared>> -> memref<10112x64xf32, #tpu.memory_space<vmem_shared>>
      tpu.wait_indirect_dma semaphore(%run_scoped3A_188 : memref<!tpu.dma_semaphore, #tpu.memory_space<semaphore_mem>>) src(%arg12 : memref<128x64xf32, #tpu.memory_space<vmem>>) dst(%dma_wait3A_200 : memref<10112x64xf32, #tpu.memory_space<vmem_shared>>)
      tpu.yield
    }) : () -> ()
    %dma_wait3A_66 = arith.constant 158 : i32
    %dma_wait3A_67 = arith.constant 0 : i32
    %dma_wait3A_68 = tpu.memref_slice %arg8[%dma_wait3A_66, %dma_wait3A_67] : memref<160x128xi32, #tpu.memory_space<vmem>> -> memref<1x128xi32, #tpu.memory_space<vmem>>
    %dma_wait3A_69 = tpu.memref_squeeze %dma_wait3A_68 : memref<1x128xi32, #tpu.memory_space<vmem>> -> memref<128xi32, #tpu.memory_space<vmem>>
    %dma_wait3A_70 = arith.constant 0 : i32
    %dma_wait3A_71 = arith.constant 0 : i32
    %dma_wait3A_72 = tpu.memref_slice %arg2[%dma_wait3A_70, %dma_wait3A_71] : memref<20000x64xf32, #tpu.memory_space<hbm>> -> memref<20000x64xf32, #tpu.memory_space<hbm>>
    tpu.wait_indirect_dma semaphore(%arg18 : memref<!tpu.dma_semaphore, #tpu.memory_space<semaphore_mem>>) src(%dma_wait3A_72 : memref<20000x64xf32, #tpu.memory_space<hbm>>) dst(%arg13 : memref<128x64xf32, #tpu.memory_space<vmem>>)
    %run_scoped3A_73 = arith.constant 158 : i32
    "tpu.region"() ({
      %run_scoped3A_188 = tpu.sem_alloc : memref<!tpu.dma_semaphore, #tpu.memory_space<semaphore_mem>>
      %dma_start3A_189 = arith.constant 0 : i32
      %dma_start3A_190 = tpu.memref_slice %arg9[%run_scoped3A_73, %dma_start3A_189] : memref<160x128xi32, #tpu.memory_space<vmem>> -> memref<1x128xi32, #tpu.memory_space<vmem>>
      %dma_start3A_191 = tpu.memref_squeeze %dma_start3A_190 : memref<1x128xi32, #tpu.memory_space<vmem>> -> memref<128xi32, #tpu.memory_space<vmem>>
      %dma_start3A_192 = arith.constant 0 : i32
      %dma_start3A_193 = arith.constant 0 : i32
      %dma_start3A_194 = tpu.memref_slice %arg20[%dma_start3A_192, %dma_start3A_193] : memref<10112x64xf32, #tpu.memory_space<vmem_shared>> -> memref<10112x64xf32, #tpu.memory_space<vmem_shared>>
      tpu.enqueue_indirect_dma source(%arg13 : memref<128x64xf32, #tpu.memory_space<vmem>>) target(%dma_start3A_194 : memref<10112x64xf32, #tpu.memory_space<vmem_shared>>) offsets(%dma_start3A_191 : memref<128xi32, #tpu.memory_space<vmem>>) semaphore(%run_scoped3A_188 : memref<!tpu.dma_semaphore, #tpu.memory_space<semaphore_mem>>) {add = true}
      %dma_wait3A_195 = arith.constant 0 : i32
      %dma_wait3A_196 = tpu.memref_slice %arg9[%run_scoped3A_73, %dma_wait3A_195] : memref<160x128xi32, #tpu.memory_space<vmem>> -> memref<1x128xi32, #tpu.memory_space<vmem>>
      %dma_wait3A_197 = tpu.memref_squeeze %dma_wait3A_196 : memref<1x128xi32, #tpu.memory_space<vmem>> -> memref<128xi32, #tpu.memory_space<vmem>>
      %dma_wait3A_198 = arith.constant 0 : i32
      %dma_wait3A_199 = arith.constant 0 : i32
      %dma_wait3A_200 = tpu.memref_slice %arg20[%dma_wait3A_198, %dma_wait3A_199] : memref<10112x64xf32, #tpu.memory_space<vmem_shared>> -> memref<10112x64xf32, #tpu.memory_space<vmem_shared>>
      tpu.wait_indirect_dma semaphore(%run_scoped3A_188 : memref<!tpu.dma_semaphore, #tpu.memory_space<semaphore_mem>>) src(%arg13 : memref<128x64xf32, #tpu.memory_space<vmem>>) dst(%dma_wait3A_200 : memref<10112x64xf32, #tpu.memory_space<vmem_shared>>)
      tpu.yield
    }) : () -> ()
    %dma_wait3A_74 = arith.constant 159 : i32
    %dma_wait3A_75 = arith.constant 0 : i32
    %dma_wait3A_76 = tpu.memref_slice %arg8[%dma_wait3A_74, %dma_wait3A_75] : memref<160x128xi32, #tpu.memory_space<vmem>> -> memref<1x128xi32, #tpu.memory_space<vmem>>
    %dma_wait3A_77 = tpu.memref_squeeze %dma_wait3A_76 : memref<1x128xi32, #tpu.memory_space<vmem>> -> memref<128xi32, #tpu.memory_space<vmem>>
    %dma_wait3A_78 = arith.constant 0 : i32
    %dma_wait3A_79 = arith.constant 0 : i32
    %dma_wait3A_80 = tpu.memref_slice %arg2[%dma_wait3A_78, %dma_wait3A_79] : memref<20000x64xf32, #tpu.memory_space<hbm>> -> memref<20000x64xf32, #tpu.memory_space<hbm>>
    tpu.wait_indirect_dma semaphore(%arg19 : memref<!tpu.dma_semaphore, #tpu.memory_space<semaphore_mem>>) src(%dma_wait3A_80 : memref<20000x64xf32, #tpu.memory_space<hbm>>) dst(%arg14 : memref<128x64xf32, #tpu.memory_space<vmem>>)
    %run_scoped3A_81 = arith.constant 159 : i32
    "tpu.region"() ({
      %run_scoped3A_188 = tpu.sem_alloc : memref<!tpu.dma_semaphore, #tpu.memory_space<semaphore_mem>>
      %dma_start3A_189 = arith.constant 0 : i32
      %dma_start3A_190 = tpu.memref_slice %arg9[%run_scoped3A_81, %dma_start3A_189] : memref<160x128xi32, #tpu.memory_space<vmem>> -> memref<1x128xi32, #tpu.memory_space<vmem>>
      %dma_start3A_191 = tpu.memref_squeeze %dma_start3A_190 : memref<1x128xi32, #tpu.memory_space<vmem>> -> memref<128xi32, #tpu.memory_space<vmem>>
      %dma_start3A_192 = arith.constant 0 : i32
      %dma_start3A_193 = arith.constant 0 : i32
      %dma_start3A_194 = tpu.memref_slice %arg20[%dma_start3A_192, %dma_start3A_193] : memref<10112x64xf32, #tpu.memory_space<vmem_shared>> -> memref<10112x64xf32, #tpu.memory_space<vmem_shared>>
      tpu.enqueue_indirect_dma source(%arg14 : memref<128x64xf32, #tpu.memory_space<vmem>>) target(%dma_start3A_194 : memref<10112x64xf32, #tpu.memory_space<vmem_shared>>) offsets(%dma_start3A_191 : memref<128xi32, #tpu.memory_space<vmem>>) semaphore(%run_scoped3A_188 : memref<!tpu.dma_semaphore, #tpu.memory_space<semaphore_mem>>) {add = true}
      %dma_wait3A_195 = arith.constant 0 : i32
      %dma_wait3A_196 = tpu.memref_slice %arg9[%run_scoped3A_81, %dma_wait3A_195] : memref<160x128xi32, #tpu.memory_space<vmem>> -> memref<1x128xi32, #tpu.memory_space<vmem>>
      %dma_wait3A_197 = tpu.memref_squeeze %dma_wait3A_196 : memref<1x128xi32, #tpu.memory_space<vmem>> -> memref<128xi32, #tpu.memory_space<vmem>>
      %dma_wait3A_198 = arith.constant 0 : i32
      %dma_wait3A_199 = arith.constant 0 : i32
      %dma_wait3A_200 = tpu.memref_slice %arg20[%dma_wait3A_198, %dma_wait3A_199] : memref<10112x64xf32, #tpu.memory_space<vmem_shared>> -> memref<10112x64xf32, #tpu.memory_space<vmem_shared>>
      tpu.wait_indirect_dma semaphore(%run_scoped3A_188 : memref<!tpu.dma_semaphore, #tpu.memory_space<semaphore_mem>>) src(%arg14 : memref<128x64xf32, #tpu.memory_space<vmem>>) dst(%dma_wait3A_200 : memref<10112x64xf32, #tpu.memory_space<vmem_shared>>)
      tpu.yield
    }) : () -> ()
    %barrier3A_82 = arith.constant 0 : index
    tpu.barrier barrier_id(%barrier3A_82)
    %mul3A_83 = arith.constant 632 : i32
    %mul3A_84 = arith.muli %arg1, %mul3A_83 : i32
    %add3A_85 = arith.constant 0 : i32
    %add3A_86 = arith.addi %add3A_85, %arg0 : i32
    %mul3A_87 = arith.constant 10112 : i32
    %mul3A_88 = arith.muli %add3A_86, %mul3A_87 : i32
    %mul3A_89 = arith.constant 632 : i32
    %mul3A_90 = arith.muli %arg1, %mul3A_89 : i32
    %add3A_91 = arith.addi %mul3A_88, %mul3A_90 : i32
    "tpu.region"() ({
      %run_scoped3A_188 = tpu.sem_alloc : memref<!tpu.dma_semaphore, #tpu.memory_space<semaphore_mem>>
      %dma_start3A_189 = arith.constant 0 : i32
      %dma_start3A_190 = tpu.memref_slice %arg7[%add3A_91, %dma_start3A_189] : memref<40448x64xf32, #tpu.memory_space<hbm>> -> memref<632x64xf32, #tpu.memory_space<hbm>>
      %dma_start3A_191 = arith.constant 0 : i32
      %dma_start3A_192 = tpu.memref_slice %arg20[%mul3A_84, %dma_start3A_191] : memref<10112x64xf32, #tpu.memory_space<vmem_shared>> -> memref<632x64xf32, #tpu.memory_space<vmem_shared>>
      tpu.enqueue_dma source(%dma_start3A_192 : memref<632x64xf32, #tpu.memory_space<vmem_shared>>) target(%dma_start3A_190 : memref<632x64xf32, #tpu.memory_space<hbm>>) target_semaphore(%run_scoped3A_188 : memref<!tpu.dma_semaphore, #tpu.memory_space<semaphore_mem>>)
      %dma_wait3A_193 = arith.constant 0 : i32
      %dma_wait3A_194 = tpu.memref_slice %arg7[%add3A_91, %dma_wait3A_193] : memref<40448x64xf32, #tpu.memory_space<hbm>> -> memref<632x64xf32, #tpu.memory_space<hbm>>
      %dma_wait3A_195 = arith.constant 0 : i32
      %dma_wait3A_196 = tpu.memref_slice %arg20[%mul3A_84, %dma_wait3A_195] : memref<10112x64xf32, #tpu.memory_space<vmem_shared>> -> memref<632x64xf32, #tpu.memory_space<vmem_shared>>
      tpu.wait_dma2 semaphore(%run_scoped3A_188 : memref<!tpu.dma_semaphore, #tpu.memory_space<semaphore_mem>>) src(%dma_wait3A_196 : memref<632x64xf32, #tpu.memory_space<vmem_shared>>) dst(%dma_wait3A_194 : memref<632x64xf32, #tpu.memory_space<hbm>>)
      tpu.yield
    }) : () -> ()
    %mul3A_92 = arith.constant 632 : i32
    %mul3A_93 = arith.muli %arg1, %mul3A_92 : i32
    %mul3A_94 = arith.constant 632 : i32
    %mul3A_95 = arith.muli %arg1, %mul3A_94 : i32
    "tpu.region"() ({
      %run_scoped3A_188 = tpu.sem_alloc : memref<!tpu.dma_semaphore, #tpu.memory_space<semaphore_mem>>
      %dma_start3A_189 = arith.constant 0 : i32
      %dma_start3A_190 = tpu.memref_slice %arg20[%mul3A_95, %dma_start3A_189] : memref<10112x64xf32, #tpu.memory_space<vmem_shared>> -> memref<632x64xf32, #tpu.memory_space<vmem_shared>>
      %dma_start3A_191 = arith.constant 0 : i32
      %dma_start3A_192 = tpu.memref_slice %arg6[%mul3A_93, %dma_start3A_191] : memref<10112x64xf32, #tpu.memory_space<hbm>> -> memref<632x64xf32, #tpu.memory_space<hbm>>
      tpu.enqueue_dma source(%dma_start3A_192 : memref<632x64xf32, #tpu.memory_space<hbm>>) target(%dma_start3A_190 : memref<632x64xf32, #tpu.memory_space<vmem_shared>>) target_semaphore(%run_scoped3A_188 : memref<!tpu.dma_semaphore, #tpu.memory_space<semaphore_mem>>)
      %dma_wait3A_193 = arith.constant 0 : i32
      %dma_wait3A_194 = tpu.memref_slice %arg20[%mul3A_95, %dma_wait3A_193] : memref<10112x64xf32, #tpu.memory_space<vmem_shared>> -> memref<632x64xf32, #tpu.memory_space<vmem_shared>>
      %dma_wait3A_195 = arith.constant 0 : i32
      %dma_wait3A_196 = tpu.memref_slice %arg6[%mul3A_93, %dma_wait3A_195] : memref<10112x64xf32, #tpu.memory_space<hbm>> -> memref<632x64xf32, #tpu.memory_space<hbm>>
      tpu.wait_dma2 semaphore(%run_scoped3A_188 : memref<!tpu.dma_semaphore, #tpu.memory_space<semaphore_mem>>) src(%dma_wait3A_196 : memref<632x64xf32, #tpu.memory_space<hbm>>) dst(%dma_wait3A_194 : memref<632x64xf32, #tpu.memory_space<vmem_shared>>)
      tpu.yield
    }) : () -> ()
    %barrier3A_96 = arith.constant 0 : index
    tpu.barrier barrier_id(%barrier3A_96)
    %dma_start3A_97 = arith.constant 0 : i32
    %dma_start3A_98 = arith.constant 0 : i32
    %dma_start3A_99 = tpu.memref_slice %arg8[%dma_start3A_97, %dma_start3A_98] : memref<160x128xi32, #tpu.memory_space<vmem>> -> memref<1x128xi32, #tpu.memory_space<vmem>>
    %dma_start3A_100 = tpu.memref_squeeze %dma_start3A_99 : memref<1x128xi32, #tpu.memory_space<vmem>> -> memref<128xi32, #tpu.memory_space<vmem>>
    %dma_start3A_101 = arith.constant 0 : i32
    %dma_start3A_102 = arith.constant 0 : i32
    %dma_start3A_103 = tpu.memref_slice %arg3[%dma_start3A_101, %dma_start3A_102] : memref<20000x64xf32, #tpu.memory_space<hbm>> -> memref<20000x64xf32, #tpu.memory_space<hbm>>
    tpu.enqueue_indirect_dma source(%dma_start3A_103 : memref<20000x64xf32, #tpu.memory_space<hbm>>) target(%arg10 : memref<128x64xf32, #tpu.memory_space<vmem>>) offsets(%dma_start3A_100 : memref<128xi32, #tpu.memory_space<vmem>>) semaphore(%arg15 : memref<!tpu.dma_semaphore, #tpu.memory_space<semaphore_mem>>)
    %dma_start3A_104 = arith.constant 1 : i32
    %dma_start3A_105 = arith.constant 0 : i32
    %dma_start3A_106 = tpu.memref_slice %arg8[%dma_start3A_104, %dma_start3A_105] : memref<160x128xi32, #tpu.memory_space<vmem>> -> memref<1x128xi32, #tpu.memory_space<vmem>>
    %dma_start3A_107 = tpu.memref_squeeze %dma_start3A_106 : memref<1x128xi32, #tpu.memory_space<vmem>> -> memref<128xi32, #tpu.memory_space<vmem>>
    %dma_start3A_108 = arith.constant 0 : i32
    %dma_start3A_109 = arith.constant 0 : i32
    %dma_start3A_110 = tpu.memref_slice %arg3[%dma_start3A_108, %dma_start3A_109] : memref<20000x64xf32, #tpu.memory_space<hbm>> -> memref<20000x64xf32, #tpu.memory_space<hbm>>
    tpu.enqueue_indirect_dma source(%dma_start3A_110 : memref<20000x64xf32, #tpu.memory_space<hbm>>) target(%arg11 : memref<128x64xf32, #tpu.memory_space<vmem>>) offsets(%dma_start3A_107 : memref<128xi32, #tpu.memory_space<vmem>>) semaphore(%arg16 : memref<!tpu.dma_semaphore, #tpu.memory_space<semaphore_mem>>)
    %dma_start3A_111 = arith.constant 2 : i32
    %dma_start3A_112 = arith.constant 0 : i32
    %dma_start3A_113 = tpu.memref_slice %arg8[%dma_start3A_111, %dma_start3A_112] : memref<160x128xi32, #tpu.memory_space<vmem>> -> memref<1x128xi32, #tpu.memory_space<vmem>>
    %dma_start3A_114 = tpu.memref_squeeze %dma_start3A_113 : memref<1x128xi32, #tpu.memory_space<vmem>> -> memref<128xi32, #tpu.memory_space<vmem>>
    %dma_start3A_115 = arith.constant 0 : i32
    %dma_start3A_116 = arith.constant 0 : i32
    %dma_start3A_117 = tpu.memref_slice %arg3[%dma_start3A_115, %dma_start3A_116] : memref<20000x64xf32, #tpu.memory_space<hbm>> -> memref<20000x64xf32, #tpu.memory_space<hbm>>
    tpu.enqueue_indirect_dma source(%dma_start3A_117 : memref<20000x64xf32, #tpu.memory_space<hbm>>) target(%arg12 : memref<128x64xf32, #tpu.memory_space<vmem>>) offsets(%dma_start3A_114 : memref<128xi32, #tpu.memory_space<vmem>>) semaphore(%arg17 : memref<!tpu.dma_semaphore, #tpu.memory_space<semaphore_mem>>)
    %dma_start3A_118 = arith.constant 3 : i32
    %dma_start3A_119 = arith.constant 0 : i32
    %dma_start3A_120 = tpu.memref_slice %arg8[%dma_start3A_118, %dma_start3A_119] : memref<160x128xi32, #tpu.memory_space<vmem>> -> memref<1x128xi32, #tpu.memory_space<vmem>>
    %dma_start3A_121 = tpu.memref_squeeze %dma_start3A_120 : memref<1x128xi32, #tpu.memory_space<vmem>> -> memref<128xi32, #tpu.memory_space<vmem>>
    %dma_start3A_122 = arith.constant 0 : i32
    %dma_start3A_123 = arith.constant 0 : i32
    %dma_start3A_124 = tpu.memref_slice %arg3[%dma_start3A_122, %dma_start3A_123] : memref<20000x64xf32, #tpu.memory_space<hbm>> -> memref<20000x64xf32, #tpu.memory_space<hbm>>
    tpu.enqueue_indirect_dma source(%dma_start3A_124 : memref<20000x64xf32, #tpu.memory_space<hbm>>) target(%arg13 : memref<128x64xf32, #tpu.memory_space<vmem>>) offsets(%dma_start3A_121 : memref<128xi32, #tpu.memory_space<vmem>>) semaphore(%arg18 : memref<!tpu.dma_semaphore, #tpu.memory_space<semaphore_mem>>)
    %dma_start3A_125 = arith.constant 4 : i32
    %dma_start3A_126 = arith.constant 0 : i32
    %dma_start3A_127 = tpu.memref_slice %arg8[%dma_start3A_125, %dma_start3A_126] : memref<160x128xi32, #tpu.memory_space<vmem>> -> memref<1x128xi32, #tpu.memory_space<vmem>>
    %dma_start3A_128 = tpu.memref_squeeze %dma_start3A_127 : memref<1x128xi32, #tpu.memory_space<vmem>> -> memref<128xi32, #tpu.memory_space<vmem>>
    %dma_start3A_129 = arith.constant 0 : i32
    %dma_start3A_130 = arith.constant 0 : i32
    %dma_start3A_131 = tpu.memref_slice %arg3[%dma_start3A_129, %dma_start3A_130] : memref<20000x64xf32, #tpu.memory_space<hbm>> -> memref<20000x64xf32, #tpu.memory_space<hbm>>
    tpu.enqueue_indirect_dma source(%dma_start3A_131 : memref<20000x64xf32, #tpu.memory_space<hbm>>) target(%arg14 : memref<128x64xf32, #tpu.memory_space<vmem>>) offsets(%dma_start3A_128 : memref<128xi32, #tpu.memory_space<vmem>>) semaphore(%arg19 : memref<!tpu.dma_semaphore, #tpu.memory_space<semaphore_mem>>)
    %scan3A_132 = arith.constant 0 : i32
    %scan3A_133 = arith.constant 0 : i32
    %scan3A_134 = arith.constant 31 : i32
    %scan3A_135 = arith.addi %scan3A_133, %scan3A_134 : i32
    %scan3A_136 = arith.constant 1 : i32
    scf.for %scan3A_188 = %scan3A_133 to %scan3A_135 step %scan3A_136  : i32 {
      %mul3A_189 = arith.constant 5 : i32
      %mul3A_190 = arith.muli %scan3A_188, %mul3A_189 : i32
      %add3A_191 = arith.constant 0 : i32
      %add3A_192 = arith.addi %mul3A_190, %add3A_191 : i32
      %dma_wait3A_193 = arith.constant 0 : i32
      %dma_wait3A_194 = tpu.memref_slice %arg8[%add3A_192, %dma_wait3A_193] : memref<160x128xi32, #tpu.memory_space<vmem>> -> memref<1x128xi32, #tpu.memory_space<vmem>>
      %dma_wait3A_195 = tpu.memref_squeeze %dma_wait3A_194 : memref<1x128xi32, #tpu.memory_space<vmem>> -> memref<128xi32, #tpu.memory_space<vmem>>
      %dma_wait3A_196 = arith.constant 0 : i32
      %dma_wait3A_197 = arith.constant 0 : i32
      %dma_wait3A_198 = tpu.memref_slice %arg3[%dma_wait3A_196, %dma_wait3A_197] : memref<20000x64xf32, #tpu.memory_space<hbm>> -> memref<20000x64xf32, #tpu.memory_space<hbm>>
      tpu.wait_indirect_dma semaphore(%arg15 : memref<!tpu.dma_semaphore, #tpu.memory_space<semaphore_mem>>) src(%dma_wait3A_198 : memref<20000x64xf32, #tpu.memory_space<hbm>>) dst(%arg10 : memref<128x64xf32, #tpu.memory_space<vmem>>)
      "tpu.region"() ({
        %run_scoped3A_279 = tpu.sem_alloc : memref<!tpu.dma_semaphore, #tpu.memory_space<semaphore_mem>>
        %dma_start3A_280 = arith.constant 0 : i32
        %dma_start3A_281 = tpu.memref_slice %arg9[%add3A_192, %dma_start3A_280] : memref<160x128xi32, #tpu.memory_space<vmem>> -> memref<1x128xi32, #tpu.memory_space<vmem>>
        %dma_start3A_282 = tpu.memref_squeeze %dma_start3A_281 : memref<1x128xi32, #tpu.memory_space<vmem>> -> memref<128xi32, #tpu.memory_space<vmem>>
        %dma_start3A_283 = arith.constant 0 : i32
        %dma_start3A_284 = arith.constant 0 : i32
        %dma_start3A_285 = tpu.memref_slice %arg20[%dma_start3A_283, %dma_start3A_284] : memref<10112x64xf32, #tpu.memory_space<vmem_shared>> -> memref<10112x64xf32, #tpu.memory_space<vmem_shared>>
        tpu.enqueue_indirect_dma source(%arg10 : memref<128x64xf32, #tpu.memory_space<vmem>>) target(%dma_start3A_285 : memref<10112x64xf32, #tpu.memory_space<vmem_shared>>) offsets(%dma_start3A_282 : memref<128xi32, #tpu.memory_space<vmem>>) semaphore(%run_scoped3A_279 : memref<!tpu.dma_semaphore, #tpu.memory_space<semaphore_mem>>) {add = true}
        %dma_wait3A_286 = arith.constant 0 : i32
        %dma_wait3A_287 = tpu.memref_slice %arg9[%add3A_192, %dma_wait3A_286] : memref<160x128xi32, #tpu.memory_space<vmem>> -> memref<1x128xi32, #tpu.memory_space<vmem>>
        %dma_wait3A_288 = tpu.memref_squeeze %dma_wait3A_287 : memref<1x128xi32, #tpu.memory_space<vmem>> -> memref<128xi32, #tpu.memory_space<vmem>>
        %dma_wait3A_289 = arith.constant 0 : i32
        %dma_wait3A_290 = arith.constant 0 : i32
        %dma_wait3A_291 = tpu.memref_slice %arg20[%dma_wait3A_289, %dma_wait3A_290] : memref<10112x64xf32, #tpu.memory_space<vmem_shared>> -> memref<10112x64xf32, #tpu.memory_space<vmem_shared>>
        tpu.wait_indirect_dma semaphore(%run_scoped3A_279 : memref<!tpu.dma_semaphore, #tpu.memory_space<semaphore_mem>>) src(%arg10 : memref<128x64xf32, #tpu.memory_space<vmem>>) dst(%dma_wait3A_291 : memref<10112x64xf32, #tpu.memory_space<vmem_shared>>)
        tpu.yield
      }) : () -> ()
      %add3A_199 = arith.constant 5 : i32
      %add3A_200 = arith.addi %add3A_192, %add3A_199 : i32
      %dma_start3A_201 = arith.constant 0 : i32
      %dma_start3A_202 = tpu.memref_slice %arg8[%add3A_200, %dma_start3A_201] : memref<160x128xi32, #tpu.memory_space<vmem>> -> memref<1x128xi32, #tpu.memory_space<vmem>>
      %dma_start3A_203 = tpu.memref_squeeze %dma_start3A_202 : memref<1x128xi32, #tpu.memory_space<vmem>> -> memref<128xi32, #tpu.memory_space<vmem>>
      %dma_start3A_204 = arith.constant 0 : i32
      %dma_start3A_205 = arith.constant 0 : i32
      %dma_start3A_206 = tpu.memref_slice %arg3[%dma_start3A_204, %dma_start3A_205] : memref<20000x64xf32, #tpu.memory_space<hbm>> -> memref<20000x64xf32, #tpu.memory_space<hbm>>
      tpu.enqueue_indirect_dma source(%dma_start3A_206 : memref<20000x64xf32, #tpu.memory_space<hbm>>) target(%arg10 : memref<128x64xf32, #tpu.memory_space<vmem>>) offsets(%dma_start3A_203 : memref<128xi32, #tpu.memory_space<vmem>>) semaphore(%arg15 : memref<!tpu.dma_semaphore, #tpu.memory_space<semaphore_mem>>)
      %mul3A_207 = arith.constant 5 : i32
      %mul3A_208 = arith.muli %scan3A_188, %mul3A_207 : i32
      %add3A_209 = arith.constant 1 : i32
      %add3A_210 = arith.addi %mul3A_208, %add3A_209 : i32
      %dma_wait3A_211 = arith.constant 0 : i32
      %dma_wait3A_212 = tpu.memref_slice %arg8[%add3A_210, %dma_wait3A_211] : memref<160x128xi32, #tpu.memory_space<vmem>> -> memref<1x128xi32, #tpu.memory_space<vmem>>
      %dma_wait3A_213 = tpu.memref_squeeze %dma_wait3A_212 : memref<1x128xi32, #tpu.memory_space<vmem>> -> memref<128xi32, #tpu.memory_space<vmem>>
      %dma_wait3A_214 = arith.constant 0 : i32
      %dma_wait3A_215 = arith.constant 0 : i32
      %dma_wait3A_216 = tpu.memref_slice %arg3[%dma_wait3A_214, %dma_wait3A_215] : memref<20000x64xf32, #tpu.memory_space<hbm>> -> memref<20000x64xf32, #tpu.memory_space<hbm>>
      tpu.wait_indirect_dma semaphore(%arg16 : memref<!tpu.dma_semaphore, #tpu.memory_space<semaphore_mem>>) src(%dma_wait3A_216 : memref<20000x64xf32, #tpu.memory_space<hbm>>) dst(%arg11 : memref<128x64xf32, #tpu.memory_space<vmem>>)
      "tpu.region"() ({
        %run_scoped3A_279 = tpu.sem_alloc : memref<!tpu.dma_semaphore, #tpu.memory_space<semaphore_mem>>
        %dma_start3A_280 = arith.constant 0 : i32
        %dma_start3A_281 = tpu.memref_slice %arg9[%add3A_210, %dma_start3A_280] : memref<160x128xi32, #tpu.memory_space<vmem>> -> memref<1x128xi32, #tpu.memory_space<vmem>>
        %dma_start3A_282 = tpu.memref_squeeze %dma_start3A_281 : memref<1x128xi32, #tpu.memory_space<vmem>> -> memref<128xi32, #tpu.memory_space<vmem>>
        %dma_start3A_283 = arith.constant 0 : i32
        %dma_start3A_284 = arith.constant 0 : i32
        %dma_start3A_285 = tpu.memref_slice %arg20[%dma_start3A_283, %dma_start3A_284] : memref<10112x64xf32, #tpu.memory_space<vmem_shared>> -> memref<10112x64xf32, #tpu.memory_space<vmem_shared>>
        tpu.enqueue_indirect_dma source(%arg11 : memref<128x64xf32, #tpu.memory_space<vmem>>) target(%dma_start3A_285 : memref<10112x64xf32, #tpu.memory_space<vmem_shared>>) offsets(%dma_start3A_282 : memref<128xi32, #tpu.memory_space<vmem>>) semaphore(%run_scoped3A_279 : memref<!tpu.dma_semaphore, #tpu.memory_space<semaphore_mem>>) {add = true}
        %dma_wait3A_286 = arith.constant 0 : i32
        %dma_wait3A_287 = tpu.memref_slice %arg9[%add3A_210, %dma_wait3A_286] : memref<160x128xi32, #tpu.memory_space<vmem>> -> memref<1x128xi32, #tpu.memory_space<vmem>>
        %dma_wait3A_288 = tpu.memref_squeeze %dma_wait3A_287 : memref<1x128xi32, #tpu.memory_space<vmem>> -> memref<128xi32, #tpu.memory_space<vmem>>
        %dma_wait3A_289 = arith.constant 0 : i32
        %dma_wait3A_290 = arith.constant 0 : i32
        %dma_wait3A_291 = tpu.memref_slice %arg20[%dma_wait3A_289, %dma_wait3A_290] : memref<10112x64xf32, #tpu.memory_space<vmem_shared>> -> memref<10112x64xf32, #tpu.memory_space<vmem_shared>>
        tpu.wait_indirect_dma semaphore(%run_scoped3A_279 : memref<!tpu.dma_semaphore, #tpu.memory_space<semaphore_mem>>) src(%arg11 : memref<128x64xf32, #tpu.memory_space<vmem>>) dst(%dma_wait3A_291 : memref<10112x64xf32, #tpu.memory_space<vmem_shared>>)
        tpu.yield
      }) : () -> ()
      %add3A_217 = arith.constant 5 : i32
      %add3A_218 = arith.addi %add3A_210, %add3A_217 : i32
      %dma_start3A_219 = arith.constant 0 : i32
      %dma_start3A_220 = tpu.memref_slice %arg8[%add3A_218, %dma_start3A_219] : memref<160x128xi32, #tpu.memory_space<vmem>> -> memref<1x128xi32, #tpu.memory_space<vmem>>
      %dma_start3A_221 = tpu.memref_squeeze %dma_start3A_220 : memref<1x128xi32, #tpu.memory_space<vmem>> -> memref<128xi32, #tpu.memory_space<vmem>>
      %dma_start3A_222 = arith.constant 0 : i32
      %dma_start3A_223 = arith.constant 0 : i32
      %dma_start3A_224 = tpu.memref_slice %arg3[%dma_start3A_222, %dma_start3A_223] : memref<20000x64xf32, #tpu.memory_space<hbm>> -> memref<20000x64xf32, #tpu.memory_space<hbm>>
      tpu.enqueue_indirect_dma source(%dma_start3A_224 : memref<20000x64xf32, #tpu.memory_space<hbm>>) target(%arg11 : memref<128x64xf32, #tpu.memory_space<vmem>>) offsets(%dma_start3A_221 : memref<128xi32, #tpu.memory_space<vmem>>) semaphore(%arg16 : memref<!tpu.dma_semaphore, #tpu.memory_space<semaphore_mem>>)
      %mul3A_225 = arith.constant 5 : i32
      %mul3A_226 = arith.muli %scan3A_188, %mul3A_225 : i32
      %add3A_227 = arith.constant 2 : i32
      %add3A_228 = arith.addi %mul3A_226, %add3A_227 : i32
      %dma_wait3A_229 = arith.constant 0 : i32
      %dma_wait3A_230 = tpu.memref_slice %arg8[%add3A_228, %dma_wait3A_229] : memref<160x128xi32, #tpu.memory_space<vmem>> -> memref<1x128xi32, #tpu.memory_space<vmem>>
      %dma_wait3A_231 = tpu.memref_squeeze %dma_wait3A_230 : memref<1x128xi32, #tpu.memory_space<vmem>> -> memref<128xi32, #tpu.memory_space<vmem>>
      %dma_wait3A_232 = arith.constant 0 : i32
      %dma_wait3A_233 = arith.constant 0 : i32
      %dma_wait3A_234 = tpu.memref_slice %arg3[%dma_wait3A_232, %dma_wait3A_233] : memref<20000x64xf32, #tpu.memory_space<hbm>> -> memref<20000x64xf32, #tpu.memory_space<hbm>>
      tpu.wait_indirect_dma semaphore(%arg17 : memref<!tpu.dma_semaphore, #tpu.memory_space<semaphore_mem>>) src(%dma_wait3A_234 : memref<20000x64xf32, #tpu.memory_space<hbm>>) dst(%arg12 : memref<128x64xf32, #tpu.memory_space<vmem>>)
      "tpu.region"() ({
        %run_scoped3A_279 = tpu.sem_alloc : memref<!tpu.dma_semaphore, #tpu.memory_space<semaphore_mem>>
        %dma_start3A_280 = arith.constant 0 : i32
        %dma_start3A_281 = tpu.memref_slice %arg9[%add3A_228, %dma_start3A_280] : memref<160x128xi32, #tpu.memory_space<vmem>> -> memref<1x128xi32, #tpu.memory_space<vmem>>
        %dma_start3A_282 = tpu.memref_squeeze %dma_start3A_281 : memref<1x128xi32, #tpu.memory_space<vmem>> -> memref<128xi32, #tpu.memory_space<vmem>>
        %dma_start3A_283 = arith.constant 0 : i32
        %dma_start3A_284 = arith.constant 0 : i32
        %dma_start3A_285 = tpu.memref_slice %arg20[%dma_start3A_283, %dma_start3A_284] : memref<10112x64xf32, #tpu.memory_space<vmem_shared>> -> memref<10112x64xf32, #tpu.memory_space<vmem_shared>>
        tpu.enqueue_indirect_dma source(%arg12 : memref<128x64xf32, #tpu.memory_space<vmem>>) target(%dma_start3A_285 : memref<10112x64xf32, #tpu.memory_space<vmem_shared>>) offsets(%dma_start3A_282 : memref<128xi32, #tpu.memory_space<vmem>>) semaphore(%run_scoped3A_279 : memref<!tpu.dma_semaphore, #tpu.memory_space<semaphore_mem>>) {add = true}
        %dma_wait3A_286 = arith.constant 0 : i32
        %dma_wait3A_287 = tpu.memref_slice %arg9[%add3A_228, %dma_wait3A_286] : memref<160x128xi32, #tpu.memory_space<vmem>> -> memref<1x128xi32, #tpu.memory_space<vmem>>
        %dma_wait3A_288 = tpu.memref_squeeze %dma_wait3A_287 : memref<1x128xi32, #tpu.memory_space<vmem>> -> memref<128xi32, #tpu.memory_space<vmem>>
        %dma_wait3A_289 = arith.constant 0 : i32
        %dma_wait3A_290 = arith.constant 0 : i32
        %dma_wait3A_291 = tpu.memref_slice %arg20[%dma_wait3A_289, %dma_wait3A_290] : memref<10112x64xf32, #tpu.memory_space<vmem_shared>> -> memref<10112x64xf32, #tpu.memory_space<vmem_shared>>
        tpu.wait_indirect_dma semaphore(%run_scoped3A_279 : memref<!tpu.dma_semaphore, #tpu.memory_space<semaphore_mem>>) src(%arg12 : memref<128x64xf32, #tpu.memory_space<vmem>>) dst(%dma_wait3A_291 : memref<10112x64xf32, #tpu.memory_space<vmem_shared>>)
        tpu.yield
      }) : () -> ()
      %add3A_235 = arith.constant 5 : i32
      %add3A_236 = arith.addi %add3A_228, %add3A_235 : i32
      %dma_start3A_237 = arith.constant 0 : i32
      %dma_start3A_238 = tpu.memref_slice %arg8[%add3A_236, %dma_start3A_237] : memref<160x128xi32, #tpu.memory_space<vmem>> -> memref<1x128xi32, #tpu.memory_space<vmem>>
      %dma_start3A_239 = tpu.memref_squeeze %dma_start3A_238 : memref<1x128xi32, #tpu.memory_space<vmem>> -> memref<128xi32, #tpu.memory_space<vmem>>
      %dma_start3A_240 = arith.constant 0 : i32
      %dma_start3A_241 = arith.constant 0 : i32
      %dma_start3A_242 = tpu.memref_slice %arg3[%dma_start3A_240, %dma_start3A_241] : memref<20000x64xf32, #tpu.memory_space<hbm>> -> memref<20000x64xf32, #tpu.memory_space<hbm>>
      tpu.enqueue_indirect_dma source(%dma_start3A_242 : memref<20000x64xf32, #tpu.memory_space<hbm>>) target(%arg12 : memref<128x64xf32, #tpu.memory_space<vmem>>) offsets(%dma_start3A_239 : memref<128xi32, #tpu.memory_space<vmem>>) semaphore(%arg17 : memref<!tpu.dma_semaphore, #tpu.memory_space<semaphore_mem>>)
      %mul3A_243 = arith.constant 5 : i32
      %mul3A_244 = arith.muli %scan3A_188, %mul3A_243 : i32
      %add3A_245 = arith.constant 3 : i32
      %add3A_246 = arith.addi %mul3A_244, %add3A_245 : i32
      %dma_wait3A_247 = arith.constant 0 : i32
      %dma_wait3A_248 = tpu.memref_slice %arg8[%add3A_246, %dma_wait3A_247] : memref<160x128xi32, #tpu.memory_space<vmem>> -> memref<1x128xi32, #tpu.memory_space<vmem>>
      %dma_wait3A_249 = tpu.memref_squeeze %dma_wait3A_248 : memref<1x128xi32, #tpu.memory_space<vmem>> -> memref<128xi32, #tpu.memory_space<vmem>>
      %dma_wait3A_250 = arith.constant 0 : i32
      %dma_wait3A_251 = arith.constant 0 : i32
      %dma_wait3A_252 = tpu.memref_slice %arg3[%dma_wait3A_250, %dma_wait3A_251] : memref<20000x64xf32, #tpu.memory_space<hbm>> -> memref<20000x64xf32, #tpu.memory_space<hbm>>
      tpu.wait_indirect_dma semaphore(%arg18 : memref<!tpu.dma_semaphore, #tpu.memory_space<semaphore_mem>>) src(%dma_wait3A_252 : memref<20000x64xf32, #tpu.memory_space<hbm>>) dst(%arg13 : memref<128x64xf32, #tpu.memory_space<vmem>>)
      "tpu.region"() ({
        %run_scoped3A_279 = tpu.sem_alloc : memref<!tpu.dma_semaphore, #tpu.memory_space<semaphore_mem>>
        %dma_start3A_280 = arith.constant 0 : i32
        %dma_start3A_281 = tpu.memref_slice %arg9[%add3A_246, %dma_start3A_280] : memref<160x128xi32, #tpu.memory_space<vmem>> -> memref<1x128xi32, #tpu.memory_space<vmem>>
        %dma_start3A_282 = tpu.memref_squeeze %dma_start3A_281 : memref<1x128xi32, #tpu.memory_space<vmem>> -> memref<128xi32, #tpu.memory_space<vmem>>
        %dma_start3A_283 = arith.constant 0 : i32
        %dma_start3A_284 = arith.constant 0 : i32
        %dma_start3A_285 = tpu.memref_slice %arg20[%dma_start3A_283, %dma_start3A_284] : memref<10112x64xf32, #tpu.memory_space<vmem_shared>> -> memref<10112x64xf32, #tpu.memory_space<vmem_shared>>
        tpu.enqueue_indirect_dma source(%arg13 : memref<128x64xf32, #tpu.memory_space<vmem>>) target(%dma_start3A_285 : memref<10112x64xf32, #tpu.memory_space<vmem_shared>>) offsets(%dma_start3A_282 : memref<128xi32, #tpu.memory_space<vmem>>) semaphore(%run_scoped3A_279 : memref<!tpu.dma_semaphore, #tpu.memory_space<semaphore_mem>>) {add = true}
        %dma_wait3A_286 = arith.constant 0 : i32
        %dma_wait3A_287 = tpu.memref_slice %arg9[%add3A_246, %dma_wait3A_286] : memref<160x128xi32, #tpu.memory_space<vmem>> -> memref<1x128xi32, #tpu.memory_space<vmem>>
        %dma_wait3A_288 = tpu.memref_squeeze %dma_wait3A_287 : memref<1x128xi32, #tpu.memory_space<vmem>> -> memref<128xi32, #tpu.memory_space<vmem>>
        %dma_wait3A_289 = arith.constant 0 : i32
        %dma_wait3A_290 = arith.constant 0 : i32
        %dma_wait3A_291 = tpu.memref_slice %arg20[%dma_wait3A_289, %dma_wait3A_290] : memref<10112x64xf32, #tpu.memory_space<vmem_shared>> -> memref<10112x64xf32, #tpu.memory_space<vmem_shared>>
        tpu.wait_indirect_dma semaphore(%run_scoped3A_279 : memref<!tpu.dma_semaphore, #tpu.memory_space<semaphore_mem>>) src(%arg13 : memref<128x64xf32, #tpu.memory_space<vmem>>) dst(%dma_wait3A_291 : memref<10112x64xf32, #tpu.memory_space<vmem_shared>>)
        tpu.yield
      }) : () -> ()
      %add3A_253 = arith.constant 5 : i32
      %add3A_254 = arith.addi %add3A_246, %add3A_253 : i32
      %dma_start3A_255 = arith.constant 0 : i32
      %dma_start3A_256 = tpu.memref_slice %arg8[%add3A_254, %dma_start3A_255] : memref<160x128xi32, #tpu.memory_space<vmem>> -> memref<1x128xi32, #tpu.memory_space<vmem>>
      %dma_start3A_257 = tpu.memref_squeeze %dma_start3A_256 : memref<1x128xi32, #tpu.memory_space<vmem>> -> memref<128xi32, #tpu.memory_space<vmem>>
      %dma_start3A_258 = arith.constant 0 : i32
      %dma_start3A_259 = arith.constant 0 : i32
      %dma_start3A_260 = tpu.memref_slice %arg3[%dma_start3A_258, %dma_start3A_259] : memref<20000x64xf32, #tpu.memory_space<hbm>> -> memref<20000x64xf32, #tpu.memory_space<hbm>>
      tpu.enqueue_indirect_dma source(%dma_start3A_260 : memref<20000x64xf32, #tpu.memory_space<hbm>>) target(%arg13 : memref<128x64xf32, #tpu.memory_space<vmem>>) offsets(%dma_start3A_257 : memref<128xi32, #tpu.memory_space<vmem>>) semaphore(%arg18 : memref<!tpu.dma_semaphore, #tpu.memory_space<semaphore_mem>>)
      %mul3A_261 = arith.constant 5 : i32
      %mul3A_262 = arith.muli %scan3A_188, %mul3A_261 : i32
      %add3A_263 = arith.constant 4 : i32
      %add3A_264 = arith.addi %mul3A_262, %add3A_263 : i32
      %dma_wait3A_265 = arith.constant 0 : i32
      %dma_wait3A_266 = tpu.memref_slice %arg8[%add3A_264, %dma_wait3A_265] : memref<160x128xi32, #tpu.memory_space<vmem>> -> memref<1x128xi32, #tpu.memory_space<vmem>>
      %dma_wait3A_267 = tpu.memref_squeeze %dma_wait3A_266 : memref<1x128xi32, #tpu.memory_space<vmem>> -> memref<128xi32, #tpu.memory_space<vmem>>
      %dma_wait3A_268 = arith.constant 0 : i32
      %dma_wait3A_269 = arith.constant 0 : i32
      %dma_wait3A_270 = tpu.memref_slice %arg3[%dma_wait3A_268, %dma_wait3A_269] : memref<20000x64xf32, #tpu.memory_space<hbm>> -> memref<20000x64xf32, #tpu.memory_space<hbm>>
      tpu.wait_indirect_dma semaphore(%arg19 : memref<!tpu.dma_semaphore, #tpu.memory_space<semaphore_mem>>) src(%dma_wait3A_270 : memref<20000x64xf32, #tpu.memory_space<hbm>>) dst(%arg14 : memref<128x64xf32, #tpu.memory_space<vmem>>)
      "tpu.region"() ({
        %run_scoped3A_279 = tpu.sem_alloc : memref<!tpu.dma_semaphore, #tpu.memory_space<semaphore_mem>>
        %dma_start3A_280 = arith.constant 0 : i32
        %dma_start3A_281 = tpu.memref_slice %arg9[%add3A_264, %dma_start3A_280] : memref<160x128xi32, #tpu.memory_space<vmem>> -> memref<1x128xi32, #tpu.memory_space<vmem>>
        %dma_start3A_282 = tpu.memref_squeeze %dma_start3A_281 : memref<1x128xi32, #tpu.memory_space<vmem>> -> memref<128xi32, #tpu.memory_space<vmem>>
        %dma_start3A_283 = arith.constant 0 : i32
        %dma_start3A_284 = arith.constant 0 : i32
        %dma_start3A_285 = tpu.memref_slice %arg20[%dma_start3A_283, %dma_start3A_284] : memref<10112x64xf32, #tpu.memory_space<vmem_shared>> -> memref<10112x64xf32, #tpu.memory_space<vmem_shared>>
        tpu.enqueue_indirect_dma source(%arg14 : memref<128x64xf32, #tpu.memory_space<vmem>>) target(%dma_start3A_285 : memref<10112x64xf32, #tpu.memory_space<vmem_shared>>) offsets(%dma_start3A_282 : memref<128xi32, #tpu.memory_space<vmem>>) semaphore(%run_scoped3A_279 : memref<!tpu.dma_semaphore, #tpu.memory_space<semaphore_mem>>) {add = true}
        %dma_wait3A_286 = arith.constant 0 : i32
        %dma_wait3A_287 = tpu.memref_slice %arg9[%add3A_264, %dma_wait3A_286] : memref<160x128xi32, #tpu.memory_space<vmem>> -> memref<1x128xi32, #tpu.memory_space<vmem>>
        %dma_wait3A_288 = tpu.memref_squeeze %dma_wait3A_287 : memref<1x128xi32, #tpu.memory_space<vmem>> -> memref<128xi32, #tpu.memory_space<vmem>>
        %dma_wait3A_289 = arith.constant 0 : i32
        %dma_wait3A_290 = arith.constant 0 : i32
        %dma_wait3A_291 = tpu.memref_slice %arg20[%dma_wait3A_289, %dma_wait3A_290] : memref<10112x64xf32, #tpu.memory_space<vmem_shared>> -> memref<10112x64xf32, #tpu.memory_space<vmem_shared>>
        tpu.wait_indirect_dma semaphore(%run_scoped3A_279 : memref<!tpu.dma_semaphore, #tpu.memory_space<semaphore_mem>>) src(%arg14 : memref<128x64xf32, #tpu.memory_space<vmem>>) dst(%dma_wait3A_291 : memref<10112x64xf32, #tpu.memory_space<vmem_shared>>)
        tpu.yield
      }) : () -> ()
      %add3A_271 = arith.constant 5 : i32
      %add3A_272 = arith.addi %add3A_264, %add3A_271 : i32
      %dma_start3A_273 = arith.constant 0 : i32
      %dma_start3A_274 = tpu.memref_slice %arg8[%add3A_272, %dma_start3A_273] : memref<160x128xi32, #tpu.memory_space<vmem>> -> memref<1x128xi32, #tpu.memory_space<vmem>>
      %dma_start3A_275 = tpu.memref_squeeze %dma_start3A_274 : memref<1x128xi32, #tpu.memory_space<vmem>> -> memref<128xi32, #tpu.memory_space<vmem>>
      %dma_start3A_276 = arith.constant 0 : i32
      %dma_start3A_277 = arith.constant 0 : i32
      %dma_start3A_278 = tpu.memref_slice %arg3[%dma_start3A_276, %dma_start3A_277] : memref<20000x64xf32, #tpu.memory_space<hbm>> -> memref<20000x64xf32, #tpu.memory_space<hbm>>
      tpu.enqueue_indirect_dma source(%dma_start3A_278 : memref<20000x64xf32, #tpu.memory_space<hbm>>) target(%arg14 : memref<128x64xf32, #tpu.memory_space<vmem>>) offsets(%dma_start3A_275 : memref<128xi32, #tpu.memory_space<vmem>>) semaphore(%arg19 : memref<!tpu.dma_semaphore, #tpu.memory_space<semaphore_mem>>)
    }
    %scan3A_137 = arith.constant 31 : i32
    %dma_wait3A_138 = arith.constant 155 : i32
    %dma_wait3A_139 = arith.constant 0 : i32
    %dma_wait3A_140 = tpu.memref_slice %arg8[%dma_wait3A_138, %dma_wait3A_139] : memref<160x128xi32, #tpu.memory_space<vmem>> -> memref<1x128xi32, #tpu.memory_space<vmem>>
    %dma_wait3A_141 = tpu.memref_squeeze %dma_wait3A_140 : memref<1x128xi32, #tpu.memory_space<vmem>> -> memref<128xi32, #tpu.memory_space<vmem>>
    %dma_wait3A_142 = arith.constant 0 : i32
    %dma_wait3A_143 = arith.constant 0 : i32
    %dma_wait3A_144 = tpu.memref_slice %arg3[%dma_wait3A_142, %dma_wait3A_143] : memref<20000x64xf32, #tpu.memory_space<hbm>> -> memref<20000x64xf32, #tpu.memory_space<hbm>>
    tpu.wait_indirect_dma semaphore(%arg15 : memref<!tpu.dma_semaphore, #tpu.memory_space<semaphore_mem>>) src(%dma_wait3A_144 : memref<20000x64xf32, #tpu.memory_space<hbm>>) dst(%arg10 : memref<128x64xf32, #tpu.memory_space<vmem>>)
    %run_scoped3A_145 = arith.constant 155 : i32
    "tpu.region"() ({
      %run_scoped3A_188 = tpu.sem_alloc : memref<!tpu.dma_semaphore, #tpu.memory_space<semaphore_mem>>
      %dma_start3A_189 = arith.constant 0 : i32
      %dma_start3A_190 = tpu.memref_slice %arg9[%run_scoped3A_145, %dma_start3A_189] : memref<160x128xi32, #tpu.memory_space<vmem>> -> memref<1x128xi32, #tpu.memory_space<vmem>>
      %dma_start3A_191 = tpu.memref_squeeze %dma_start3A_190 : memref<1x128xi32, #tpu.memory_space<vmem>> -> memref<128xi32, #tpu.memory_space<vmem>>
      %dma_start3A_192 = arith.constant 0 : i32
      %dma_start3A_193 = arith.constant 0 : i32
      %dma_start3A_194 = tpu.memref_slice %arg20[%dma_start3A_192, %dma_start3A_193] : memref<10112x64xf32, #tpu.memory_space<vmem_shared>> -> memref<10112x64xf32, #tpu.memory_space<vmem_shared>>
      tpu.enqueue_indirect_dma source(%arg10 : memref<128x64xf32, #tpu.memory_space<vmem>>) target(%dma_start3A_194 : memref<10112x64xf32, #tpu.memory_space<vmem_shared>>) offsets(%dma_start3A_191 : memref<128xi32, #tpu.memory_space<vmem>>) semaphore(%run_scoped3A_188 : memref<!tpu.dma_semaphore, #tpu.memory_space<semaphore_mem>>) {add = true}
      %dma_wait3A_195 = arith.constant 0 : i32
      %dma_wait3A_196 = tpu.memref_slice %arg9[%run_scoped3A_145, %dma_wait3A_195] : memref<160x128xi32, #tpu.memory_space<vmem>> -> memref<1x128xi32, #tpu.memory_space<vmem>>
      %dma_wait3A_197 = tpu.memref_squeeze %dma_wait3A_196 : memref<1x128xi32, #tpu.memory_space<vmem>> -> memref<128xi32, #tpu.memory_space<vmem>>
      %dma_wait3A_198 = arith.constant 0 : i32
      %dma_wait3A_199 = arith.constant 0 : i32
      %dma_wait3A_200 = tpu.memref_slice %arg20[%dma_wait3A_198, %dma_wait3A_199] : memref<10112x64xf32, #tpu.memory_space<vmem_shared>> -> memref<10112x64xf32, #tpu.memory_space<vmem_shared>>
      tpu.wait_indirect_dma semaphore(%run_scoped3A_188 : memref<!tpu.dma_semaphore, #tpu.memory_space<semaphore_mem>>) src(%arg10 : memref<128x64xf32, #tpu.memory_space<vmem>>) dst(%dma_wait3A_200 : memref<10112x64xf32, #tpu.memory_space<vmem_shared>>)
      tpu.yield
    }) : () -> ()
    %dma_wait3A_146 = arith.constant 156 : i32
    %dma_wait3A_147 = arith.constant 0 : i32
    %dma_wait3A_148 = tpu.memref_slice %arg8[%dma_wait3A_146, %dma_wait3A_147] : memref<160x128xi32, #tpu.memory_space<vmem>> -> memref<1x128xi32, #tpu.memory_space<vmem>>
    %dma_wait3A_149 = tpu.memref_squeeze %dma_wait3A_148 : memref<1x128xi32, #tpu.memory_space<vmem>> -> memref<128xi32, #tpu.memory_space<vmem>>
    %dma_wait3A_150 = arith.constant 0 : i32
    %dma_wait3A_151 = arith.constant 0 : i32
    %dma_wait3A_152 = tpu.memref_slice %arg3[%dma_wait3A_150, %dma_wait3A_151] : memref<20000x64xf32, #tpu.memory_space<hbm>> -> memref<20000x64xf32, #tpu.memory_space<hbm>>
    tpu.wait_indirect_dma semaphore(%arg16 : memref<!tpu.dma_semaphore, #tpu.memory_space<semaphore_mem>>) src(%dma_wait3A_152 : memref<20000x64xf32, #tpu.memory_space<hbm>>) dst(%arg11 : memref<128x64xf32, #tpu.memory_space<vmem>>)
    %run_scoped3A_153 = arith.constant 156 : i32
    "tpu.region"() ({
      %run_scoped3A_188 = tpu.sem_alloc : memref<!tpu.dma_semaphore, #tpu.memory_space<semaphore_mem>>
      %dma_start3A_189 = arith.constant 0 : i32
      %dma_start3A_190 = tpu.memref_slice %arg9[%run_scoped3A_153, %dma_start3A_189] : memref<160x128xi32, #tpu.memory_space<vmem>> -> memref<1x128xi32, #tpu.memory_space<vmem>>
      %dma_start3A_191 = tpu.memref_squeeze %dma_start3A_190 : memref<1x128xi32, #tpu.memory_space<vmem>> -> memref<128xi32, #tpu.memory_space<vmem>>
      %dma_start3A_192 = arith.constant 0 : i32
      %dma_start3A_193 = arith.constant 0 : i32
      %dma_start3A_194 = tpu.memref_slice %arg20[%dma_start3A_192, %dma_start3A_193] : memref<10112x64xf32, #tpu.memory_space<vmem_shared>> -> memref<10112x64xf32, #tpu.memory_space<vmem_shared>>
      tpu.enqueue_indirect_dma source(%arg11 : memref<128x64xf32, #tpu.memory_space<vmem>>) target(%dma_start3A_194 : memref<10112x64xf32, #tpu.memory_space<vmem_shared>>) offsets(%dma_start3A_191 : memref<128xi32, #tpu.memory_space<vmem>>) semaphore(%run_scoped3A_188 : memref<!tpu.dma_semaphore, #tpu.memory_space<semaphore_mem>>) {add = true}
      %dma_wait3A_195 = arith.constant 0 : i32
      %dma_wait3A_196 = tpu.memref_slice %arg9[%run_scoped3A_153, %dma_wait3A_195] : memref<160x128xi32, #tpu.memory_space<vmem>> -> memref<1x128xi32, #tpu.memory_space<vmem>>
      %dma_wait3A_197 = tpu.memref_squeeze %dma_wait3A_196 : memref<1x128xi32, #tpu.memory_space<vmem>> -> memref<128xi32, #tpu.memory_space<vmem>>
      %dma_wait3A_198 = arith.constant 0 : i32
      %dma_wait3A_199 = arith.constant 0 : i32
      %dma_wait3A_200 = tpu.memref_slice %arg20[%dma_wait3A_198, %dma_wait3A_199] : memref<10112x64xf32, #tpu.memory_space<vmem_shared>> -> memref<10112x64xf32, #tpu.memory_space<vmem_shared>>
      tpu.wait_indirect_dma semaphore(%run_scoped3A_188 : memref<!tpu.dma_semaphore, #tpu.memory_space<semaphore_mem>>) src(%arg11 : memref<128x64xf32, #tpu.memory_space<vmem>>) dst(%dma_wait3A_200 : memref<10112x64xf32, #tpu.memory_space<vmem_shared>>)
      tpu.yield
    }) : () -> ()
    %dma_wait3A_154 = arith.constant 157 : i32
    %dma_wait3A_155 = arith.constant 0 : i32
    %dma_wait3A_156 = tpu.memref_slice %arg8[%dma_wait3A_154, %dma_wait3A_155] : memref<160x128xi32, #tpu.memory_space<vmem>> -> memref<1x128xi32, #tpu.memory_space<vmem>>
    %dma_wait3A_157 = tpu.memref_squeeze %dma_wait3A_156 : memref<1x128xi32, #tpu.memory_space<vmem>> -> memref<128xi32, #tpu.memory_space<vmem>>
    %dma_wait3A_158 = arith.constant 0 : i32
    %dma_wait3A_159 = arith.constant 0 : i32
    %dma_wait3A_160 = tpu.memref_slice %arg3[%dma_wait3A_158, %dma_wait3A_159] : memref<20000x64xf32, #tpu.memory_space<hbm>> -> memref<20000x64xf32, #tpu.memory_space<hbm>>
    tpu.wait_indirect_dma semaphore(%arg17 : memref<!tpu.dma_semaphore, #tpu.memory_space<semaphore_mem>>) src(%dma_wait3A_160 : memref<20000x64xf32, #tpu.memory_space<hbm>>) dst(%arg12 : memref<128x64xf32, #tpu.memory_space<vmem>>)
    %run_scoped3A_161 = arith.constant 157 : i32
    "tpu.region"() ({
      %run_scoped3A_188 = tpu.sem_alloc : memref<!tpu.dma_semaphore, #tpu.memory_space<semaphore_mem>>
      %dma_start3A_189 = arith.constant 0 : i32
      %dma_start3A_190 = tpu.memref_slice %arg9[%run_scoped3A_161, %dma_start3A_189] : memref<160x128xi32, #tpu.memory_space<vmem>> -> memref<1x128xi32, #tpu.memory_space<vmem>>
      %dma_start3A_191 = tpu.memref_squeeze %dma_start3A_190 : memref<1x128xi32, #tpu.memory_space<vmem>> -> memref<128xi32, #tpu.memory_space<vmem>>
      %dma_start3A_192 = arith.constant 0 : i32
      %dma_start3A_193 = arith.constant 0 : i32
      %dma_start3A_194 = tpu.memref_slice %arg20[%dma_start3A_192, %dma_start3A_193] : memref<10112x64xf32, #tpu.memory_space<vmem_shared>> -> memref<10112x64xf32, #tpu.memory_space<vmem_shared>>
      tpu.enqueue_indirect_dma source(%arg12 : memref<128x64xf32, #tpu.memory_space<vmem>>) target(%dma_start3A_194 : memref<10112x64xf32, #tpu.memory_space<vmem_shared>>) offsets(%dma_start3A_191 : memref<128xi32, #tpu.memory_space<vmem>>) semaphore(%run_scoped3A_188 : memref<!tpu.dma_semaphore, #tpu.memory_space<semaphore_mem>>) {add = true}
      %dma_wait3A_195 = arith.constant 0 : i32
      %dma_wait3A_196 = tpu.memref_slice %arg9[%run_scoped3A_161, %dma_wait3A_195] : memref<160x128xi32, #tpu.memory_space<vmem>> -> memref<1x128xi32, #tpu.memory_space<vmem>>
      %dma_wait3A_197 = tpu.memref_squeeze %dma_wait3A_196 : memref<1x128xi32, #tpu.memory_space<vmem>> -> memref<128xi32, #tpu.memory_space<vmem>>
      %dma_wait3A_198 = arith.constant 0 : i32
      %dma_wait3A_199 = arith.constant 0 : i32
      %dma_wait3A_200 = tpu.memref_slice %arg20[%dma_wait3A_198, %dma_wait3A_199] : memref<10112x64xf32, #tpu.memory_space<vmem_shared>> -> memref<10112x64xf32, #tpu.memory_space<vmem_shared>>
      tpu.wait_indirect_dma semaphore(%run_scoped3A_188 : memref<!tpu.dma_semaphore, #tpu.memory_space<semaphore_mem>>) src(%arg12 : memref<128x64xf32, #tpu.memory_space<vmem>>) dst(%dma_wait3A_200 : memref<10112x64xf32, #tpu.memory_space<vmem_shared>>)
      tpu.yield
    }) : () -> ()
    %dma_wait3A_162 = arith.constant 158 : i32
    %dma_wait3A_163 = arith.constant 0 : i32
    %dma_wait3A_164 = tpu.memref_slice %arg8[%dma_wait3A_162, %dma_wait3A_163] : memref<160x128xi32, #tpu.memory_space<vmem>> -> memref<1x128xi32, #tpu.memory_space<vmem>>
    %dma_wait3A_165 = tpu.memref_squeeze %dma_wait3A_164 : memref<1x128xi32, #tpu.memory_space<vmem>> -> memref<128xi32, #tpu.memory_space<vmem>>
    %dma_wait3A_166 = arith.constant 0 : i32
    %dma_wait3A_167 = arith.constant 0 : i32
    %dma_wait3A_168 = tpu.memref_slice %arg3[%dma_wait3A_166, %dma_wait3A_167] : memref<20000x64xf32, #tpu.memory_space<hbm>> -> memref<20000x64xf32, #tpu.memory_space<hbm>>
    tpu.wait_indirect_dma semaphore(%arg18 : memref<!tpu.dma_semaphore, #tpu.memory_space<semaphore_mem>>) src(%dma_wait3A_168 : memref<20000x64xf32, #tpu.memory_space<hbm>>) dst(%arg13 : memref<128x64xf32, #tpu.memory_space<vmem>>)
    %run_scoped3A_169 = arith.constant 158 : i32
    "tpu.region"() ({
      %run_scoped3A_188 = tpu.sem_alloc : memref<!tpu.dma_semaphore, #tpu.memory_space<semaphore_mem>>
      %dma_start3A_189 = arith.constant 0 : i32
      %dma_start3A_190 = tpu.memref_slice %arg9[%run_scoped3A_169, %dma_start3A_189] : memref<160x128xi32, #tpu.memory_space<vmem>> -> memref<1x128xi32, #tpu.memory_space<vmem>>
      %dma_start3A_191 = tpu.memref_squeeze %dma_start3A_190 : memref<1x128xi32, #tpu.memory_space<vmem>> -> memref<128xi32, #tpu.memory_space<vmem>>
      %dma_start3A_192 = arith.constant 0 : i32
      %dma_start3A_193 = arith.constant 0 : i32
      %dma_start3A_194 = tpu.memref_slice %arg20[%dma_start3A_192, %dma_start3A_193] : memref<10112x64xf32, #tpu.memory_space<vmem_shared>> -> memref<10112x64xf32, #tpu.memory_space<vmem_shared>>
      tpu.enqueue_indirect_dma source(%arg13 : memref<128x64xf32, #tpu.memory_space<vmem>>) target(%dma_start3A_194 : memref<10112x64xf32, #tpu.memory_space<vmem_shared>>) offsets(%dma_start3A_191 : memref<128xi32, #tpu.memory_space<vmem>>) semaphore(%run_scoped3A_188 : memref<!tpu.dma_semaphore, #tpu.memory_space<semaphore_mem>>) {add = true}
      %dma_wait3A_195 = arith.constant 0 : i32
      %dma_wait3A_196 = tpu.memref_slice %arg9[%run_scoped3A_169, %dma_wait3A_195] : memref<160x128xi32, #tpu.memory_space<vmem>> -> memref<1x128xi32, #tpu.memory_space<vmem>>
      %dma_wait3A_197 = tpu.memref_squeeze %dma_wait3A_196 : memref<1x128xi32, #tpu.memory_space<vmem>> -> memref<128xi32, #tpu.memory_space<vmem>>
      %dma_wait3A_198 = arith.constant 0 : i32
      %dma_wait3A_199 = arith.constant 0 : i32
      %dma_wait3A_200 = tpu.memref_slice %arg20[%dma_wait3A_198, %dma_wait3A_199] : memref<10112x64xf32, #tpu.memory_space<vmem_shared>> -> memref<10112x64xf32, #tpu.memory_space<vmem_shared>>
      tpu.wait_indirect_dma semaphore(%run_scoped3A_188 : memref<!tpu.dma_semaphore, #tpu.memory_space<semaphore_mem>>) src(%arg13 : memref<128x64xf32, #tpu.memory_space<vmem>>) dst(%dma_wait3A_200 : memref<10112x64xf32, #tpu.memory_space<vmem_shared>>)
      tpu.yield
    }) : () -> ()
    %dma_wait3A_170 = arith.constant 159 : i32
    %dma_wait3A_171 = arith.constant 0 : i32
    %dma_wait3A_172 = tpu.memref_slice %arg8[%dma_wait3A_170, %dma_wait3A_171] : memref<160x128xi32, #tpu.memory_space<vmem>> -> memref<1x128xi32, #tpu.memory_space<vmem>>
    %dma_wait3A_173 = tpu.memref_squeeze %dma_wait3A_172 : memref<1x128xi32, #tpu.memory_space<vmem>> -> memref<128xi32, #tpu.memory_space<vmem>>
    %dma_wait3A_174 = arith.constant 0 : i32
    %dma_wait3A_175 = arith.constant 0 : i32
    %dma_wait3A_176 = tpu.memref_slice %arg3[%dma_wait3A_174, %dma_wait3A_175] : memref<20000x64xf32, #tpu.memory_space<hbm>> -> memref<20000x64xf32, #tpu.memory_space<hbm>>
    tpu.wait_indirect_dma semaphore(%arg19 : memref<!tpu.dma_semaphore, #tpu.memory_space<semaphore_mem>>) src(%dma_wait3A_176 : memref<20000x64xf32, #tpu.memory_space<hbm>>) dst(%arg14 : memref<128x64xf32, #tpu.memory_space<vmem>>)
    %run_scoped3A_177 = arith.constant 159 : i32
    "tpu.region"() ({
      %run_scoped3A_188 = tpu.sem_alloc : memref<!tpu.dma_semaphore, #tpu.memory_space<semaphore_mem>>
      %dma_start3A_189 = arith.constant 0 : i32
      %dma_start3A_190 = tpu.memref_slice %arg9[%run_scoped3A_177, %dma_start3A_189] : memref<160x128xi32, #tpu.memory_space<vmem>> -> memref<1x128xi32, #tpu.memory_space<vmem>>
      %dma_start3A_191 = tpu.memref_squeeze %dma_start3A_190 : memref<1x128xi32, #tpu.memory_space<vmem>> -> memref<128xi32, #tpu.memory_space<vmem>>
      %dma_start3A_192 = arith.constant 0 : i32
      %dma_start3A_193 = arith.constant 0 : i32
      %dma_start3A_194 = tpu.memref_slice %arg20[%dma_start3A_192, %dma_start3A_193] : memref<10112x64xf32, #tpu.memory_space<vmem_shared>> -> memref<10112x64xf32, #tpu.memory_space<vmem_shared>>
      tpu.enqueue_indirect_dma source(%arg14 : memref<128x64xf32, #tpu.memory_space<vmem>>) target(%dma_start3A_194 : memref<10112x64xf32, #tpu.memory_space<vmem_shared>>) offsets(%dma_start3A_191 : memref<128xi32, #tpu.memory_space<vmem>>) semaphore(%run_scoped3A_188 : memref<!tpu.dma_semaphore, #tpu.memory_space<semaphore_mem>>) {add = true}
      %dma_wait3A_195 = arith.constant 0 : i32
      %dma_wait3A_196 = tpu.memref_slice %arg9[%run_scoped3A_177, %dma_wait3A_195] : memref<160x128xi32, #tpu.memory_space<vmem>> -> memref<1x128xi32, #tpu.memory_space<vmem>>
      %dma_wait3A_197 = tpu.memref_squeeze %dma_wait3A_196 : memref<1x128xi32, #tpu.memory_space<vmem>> -> memref<128xi32, #tpu.memory_space<vmem>>
      %dma_wait3A_198 = arith.constant 0 : i32
      %dma_wait3A_199 = arith.constant 0 : i32
      %dma_wait3A_200 = tpu.memref_slice %arg20[%dma_wait3A_198, %dma_wait3A_199] : memref<10112x64xf32, #tpu.memory_space<vmem_shared>> -> memref<10112x64xf32, #tpu.memory_space<vmem_shared>>
      tpu.wait_indirect_dma semaphore(%run_scoped3A_188 : memref<!tpu.dma_semaphore, #tpu.memory_space<semaphore_mem>>) src(%arg14 : memref<128x64xf32, #tpu.memory_space<vmem>>) dst(%dma_wait3A_200 : memref<10112x64xf32, #tpu.memory_space<vmem_shared>>)
      tpu.yield
    }) : () -> ()
    %barrier3A_178 = arith.constant 0 : index
    tpu.barrier barrier_id(%barrier3A_178)
    %mul3A_179 = arith.constant 632 : i32
    %mul3A_180 = arith.muli %arg1, %mul3A_179 : i32
    %add3A_181 = arith.constant 2 : i32
    %add3A_182 = arith.addi %add3A_181, %arg0 : i32
    %mul3A_183 = arith.constant 10112 : i32
    %mul3A_184 = arith.muli %add3A_182, %mul3A_183 : i32
    %mul3A_185 = arith.constant 632 : i32
    %mul3A_186 = arith.muli %arg1, %mul3A_185 : i32
    %add3A_187 = arith.addi %mul3A_184, %mul3A_186 : i32
    "tpu.region"() ({
      %run_scoped3A_188 = tpu.sem_alloc : memref<!tpu.dma_semaphore, #tpu.memory_space<semaphore_mem>>
      %dma_start3A_189 = arith.constant 0 : i32
      %dma_start3A_190 = tpu.memref_slice %arg7[%add3A_187, %dma_start3A_189] : memref<40448x64xf32, #tpu.memory_space<hbm>> -> memref<632x64xf32, #tpu.memory_space<hbm>>
      %dma_start3A_191 = arith.constant 0 : i32
      %dma_start3A_192 = tpu.memref_slice %arg20[%mul3A_180, %dma_start3A_191] : memref<10112x64xf32, #tpu.memory_space<vmem_shared>> -> memref<632x64xf32, #tpu.memory_space<vmem_shared>>
      tpu.enqueue_dma source(%dma_start3A_192 : memref<632x64xf32, #tpu.memory_space<vmem_shared>>) target(%dma_start3A_190 : memref<632x64xf32, #tpu.memory_space<hbm>>) target_semaphore(%run_scoped3A_188 : memref<!tpu.dma_semaphore, #tpu.memory_space<semaphore_mem>>)
      %dma_wait3A_193 = arith.constant 0 : i32
      %dma_wait3A_194 = tpu.memref_slice %arg7[%add3A_187, %dma_wait3A_193] : memref<40448x64xf32, #tpu.memory_space<hbm>> -> memref<632x64xf32, #tpu.memory_space<hbm>>
      %dma_wait3A_195 = arith.constant 0 : i32
      %dma_wait3A_196 = tpu.memref_slice %arg20[%mul3A_180, %dma_wait3A_195] : memref<10112x64xf32, #tpu.memory_space<vmem_shared>> -> memref<632x64xf32, #tpu.memory_space<vmem_shared>>
      tpu.wait_dma2 semaphore(%run_scoped3A_188 : memref<!tpu.dma_semaphore, #tpu.memory_space<semaphore_mem>>) src(%dma_wait3A_196 : memref<632x64xf32, #tpu.memory_space<vmem_shared>>) dst(%dma_wait3A_194 : memref<632x64xf32, #tpu.memory_space<hbm>>)
      tpu.yield
    }) : () -> ()
    return
  }
}

#map = affine_map<(d0, d1) -> (0, 0)>
#map1 = affine_map<(d0, d1) -> (0, 0, 0)>
module attributes {stable_mosaic.version = 14 : i64} {
  func.func @_sc_agg(%arg0: i32, %arg1: i32, %arg2: memref<20000x64xf32, #tpu.memory_space<hbm>>, %arg3: memref<20000x64xf32, #tpu.memory_space<hbm>>, %arg4: memref<32x160x128xi32, #tpu.memory_space<hbm>>, %arg5: memref<32x160x128xi32, #tpu.memory_space<hbm>>, %arg6: memref<10112x64xf32, #tpu.memory_space<hbm>>, %arg7: memref<40448x64xf32, #tpu.memory_space<hbm>>, %arg8: memref<160x128xi32, #tpu.memory_space<vmem>>, %arg9: memref<160x128xi32, #tpu.memory_space<vmem>>, %arg10: memref<128x64xf32, #tpu.memory_space<vmem>>, %arg11: memref<128x64xf32, #tpu.memory_space<vmem>>, %arg12: memref<128x64xf32, #tpu.memory_space<vmem>>, %arg13: memref<128x64xf32, #tpu.memory_space<vmem>>, %arg14: memref<128x64xf32, #tpu.memory_space<vmem>>, %arg15: memref<!tpu.dma_semaphore, #tpu.memory_space<semaphore_mem>>, %arg16: memref<!tpu.dma_semaphore, #tpu.memory_space<semaphore_mem>>, %arg17: memref<!tpu.dma_semaphore, #tpu.memory_space<semaphore_mem>>, %arg18: memref<!tpu.dma_semaphore, #tpu.memory_space<semaphore_mem>>, %arg19: memref<!tpu.dma_semaphore, #tpu.memory_space<semaphore_mem>>, %arg20: memref<10112x64xf32, #tpu.memory_space<vmem_shared>>) attributes {dimension_semantics = [#tpu.dimension_semantics<core_parallel>, #tpu.dimension_semantics<subcore_parallel>], iteration_bounds = array<i64: 2, 16>, scalar_prefetch = 0 : i64, scratch_operands = 13 : i64, tpu.core_type = #tpu.core_type<sc_vector_subcore>, window_params = [{transform_indices = #map}, {transform_indices = #map}, {transform_indices = #map1}, {transform_indices = #map1}, {transform_indices = #map}, {transform_indices = #map}]} {
    %mul3A = arith.constant 16 : i32
    %mul3A_0 = arith.muli %arg0, %mul3A : i32
    %add3A = arith.addi %mul3A_0, %arg1 : i32
    "tpu.region"() ({
      %run_scoped3A_188 = tpu.sem_alloc : memref<!tpu.dma_semaphore, #tpu.memory_space<semaphore_mem>>
      %dma_start3A_189 = arith.constant 0 : i32
      %dma_start3A_190 = arith.constant 0 : i32
      %dma_start3A_191 = tpu.memref_slice %arg4[%add3A, %dma_start3A_189, %dma_start3A_190] : memref<32x160x128xi32, #tpu.memory_space<hbm>> -> memref<1x160x128xi32, #tpu.memory_space<hbm>>
      %dma_start3A_192 = tpu.memref_squeeze %dma_start3A_191 : memref<1x160x128xi32, #tpu.memory_space<hbm>> -> memref<160x128xi32, #tpu.memory_space<hbm>>
      %dma_start3A_193 = arith.constant 0 : i32
      %dma_start3A_194 = arith.constant 0 : i32
      %dma_start3A_195 = tpu.memref_slice %arg4[%add3A, %dma_start3A_193, %dma_start3A_194] : memref<32x160x128xi32, #tpu.memory_space<hbm>> -> memref<1x160x128xi32, #tpu.memory_space<hbm>>
      %dma_start3A_196 = tpu.memref_squeeze %dma_start3A_195 : memref<1x160x128xi32, #tpu.memory_space<hbm>> -> memref<160x128xi32, #tpu.memory_space<hbm>>
      tpu.enqueue_dma source(%dma_start3A_196 : memref<160x128xi32, #tpu.memory_space<hbm>>) target(%arg8 : memref<160x128xi32, #tpu.memory_space<vmem>>) target_semaphore(%run_scoped3A_188 : memref<!tpu.dma_semaphore, #tpu.memory_space<semaphore_mem>>)
      %dma_wait3A_197 = arith.constant 0 : i32
      %dma_wait3A_198 = arith.constant 0 : i32
      %dma_wait3A_199 = tpu.memref_slice %arg4[%add3A, %dma_wait3A_197, %dma_wait3A_198] : memref<32x160x128xi32, #tpu.memory_space<hbm>> -> memref<1x160x128xi32, #tpu.memory_space<hbm>>
      %dma_wait3A_200 = tpu.memref_squeeze %dma_wait3A_199 : memref<1x160x128xi32, #tpu.memory_space<hbm>> -> memref<160x128xi32, #tpu.memory_space<hbm>>
      %dma_wait3A_201 = arith.constant 0 : i32
      %dma_wait3A_202 = arith.constant 0 : i32
      %dma_wait3A_203 = tpu.memref_slice %arg4[%add3A, %dma_wait3A_201, %dma_wait3A_202] : memref<32x160x128xi32, #tpu.memory_space<hbm>> -> memref<1x160x128xi32, #tpu.memory_space<hbm>>
      %dma_wait3A_204 = tpu.memref_squeeze %dma_wait3A_203 : memref<1x160x128xi32, #tpu.memory_space<hbm>> -> memref<160x128xi32, #tpu.memory_space<hbm>>
      tpu.wait_dma2 semaphore(%run_scoped3A_188 : memref<!tpu.dma_semaphore, #tpu.memory_space<semaphore_mem>>) src(%dma_wait3A_204 : memref<160x128xi32, #tpu.memory_space<hbm>>) dst(%arg8 : memref<160x128xi32, #tpu.memory_space<vmem>>)
      tpu.yield
    }) : () -> ()
    "tpu.region"() ({
      %run_scoped3A_188 = tpu.sem_alloc : memref<!tpu.dma_semaphore, #tpu.memory_space<semaphore_mem>>
      %dma_start3A_189 = arith.constant 0 : i32
      %dma_start3A_190 = arith.constant 0 : i32
      %dma_start3A_191 = tpu.memref_slice %arg5[%add3A, %dma_start3A_189, %dma_start3A_190] : memref<32x160x128xi32, #tpu.memory_space<hbm>> -> memref<1x160x128xi32, #tpu.memory_space<hbm>>
      %dma_start3A_192 = tpu.memref_squeeze %dma_start3A_191 : memref<1x160x128xi32, #tpu.memory_space<hbm>> -> memref<160x128xi32, #tpu.memory_space<hbm>>
      %dma_start3A_193 = arith.constant 0 : i32
      %dma_start3A_194 = arith.constant 0 : i32
      %dma_start3A_195 = tpu.memref_slice %arg5[%add3A, %dma_start3A_193, %dma_start3A_194] : memref<32x160x128xi32, #tpu.memory_space<hbm>> -> memref<1x160x128xi32, #tpu.memory_space<hbm>>
      %dma_start3A_196 = tpu.memref_squeeze %dma_start3A_195 : memref<1x160x128xi32, #tpu.memory_space<hbm>> -> memref<160x128xi32, #tpu.memory_space<hbm>>
      tpu.enqueue_dma source(%dma_start3A_196 : memref<160x128xi32, #tpu.memory_space<hbm>>) target(%arg9 : memref<160x128xi32, #tpu.memory_space<vmem>>) target_semaphore(%run_scoped3A_188 : memref<!tpu.dma_semaphore, #tpu.memory_space<semaphore_mem>>)
      %dma_wait3A_197 = arith.constant 0 : i32
      %dma_wait3A_198 = arith.constant 0 : i32
      %dma_wait3A_199 = tpu.memref_slice %arg5[%add3A, %dma_wait3A_197, %dma_wait3A_198] : memref<32x160x128xi32, #tpu.memory_space<hbm>> -> memref<1x160x128xi32, #tpu.memory_space<hbm>>
      %dma_wait3A_200 = tpu.memref_squeeze %dma_wait3A_199 : memref<1x160x128xi32, #tpu.memory_space<hbm>> -> memref<160x128xi32, #tpu.memory_space<hbm>>
      %dma_wait3A_201 = arith.constant 0 : i32
      %dma_wait3A_202 = arith.constant 0 : i32
      %dma_wait3A_203 = tpu.memref_slice %arg5[%add3A, %dma_wait3A_201, %dma_wait3A_202] : memref<32x160x128xi32, #tpu.memory_space<hbm>> -> memref<1x160x128xi32, #tpu.memory_space<hbm>>
      %dma_wait3A_204 = tpu.memref_squeeze %dma_wait3A_203 : memref<1x160x128xi32, #tpu.memory_space<hbm>> -> memref<160x128xi32, #tpu.memory_space<hbm>>
      tpu.wait_dma2 semaphore(%run_scoped3A_188 : memref<!tpu.dma_semaphore, #tpu.memory_space<semaphore_mem>>) src(%dma_wait3A_204 : memref<160x128xi32, #tpu.memory_space<hbm>>) dst(%arg9 : memref<160x128xi32, #tpu.memory_space<vmem>>)
      tpu.yield
    }) : () -> ()
    %mul3A_1 = arith.constant 632 : i32
    %mul3A_2 = arith.muli %arg1, %mul3A_1 : i32
    %mul3A_3 = arith.constant 632 : i32
    %mul3A_4 = arith.muli %arg1, %mul3A_3 : i32
    "tpu.region"() ({
      %run_scoped3A_188 = tpu.sem_alloc : memref<!tpu.dma_semaphore, #tpu.memory_space<semaphore_mem>>
      %dma_start3A_189 = arith.constant 0 : i32
      %dma_start3A_190 = tpu.memref_slice %arg20[%mul3A_4, %dma_start3A_189] : memref<10112x64xf32, #tpu.memory_space<vmem_shared>> -> memref<632x64xf32, #tpu.memory_space<vmem_shared>>
      %dma_start3A_191 = arith.constant 0 : i32
      %dma_start3A_192 = tpu.memref_slice %arg6[%mul3A_2, %dma_start3A_191] : memref<10112x64xf32, #tpu.memory_space<hbm>> -> memref<632x64xf32, #tpu.memory_space<hbm>>
      tpu.enqueue_dma source(%dma_start3A_192 : memref<632x64xf32, #tpu.memory_space<hbm>>) target(%dma_start3A_190 : memref<632x64xf32, #tpu.memory_space<vmem_shared>>) target_semaphore(%run_scoped3A_188 : memref<!tpu.dma_semaphore, #tpu.memory_space<semaphore_mem>>)
      %dma_wait3A_193 = arith.constant 0 : i32
      %dma_wait3A_194 = tpu.memref_slice %arg20[%mul3A_4, %dma_wait3A_193] : memref<10112x64xf32, #tpu.memory_space<vmem_shared>> -> memref<632x64xf32, #tpu.memory_space<vmem_shared>>
      %dma_wait3A_195 = arith.constant 0 : i32
      %dma_wait3A_196 = tpu.memref_slice %arg6[%mul3A_2, %dma_wait3A_195] : memref<10112x64xf32, #tpu.memory_space<hbm>> -> memref<632x64xf32, #tpu.memory_space<hbm>>
      tpu.wait_dma2 semaphore(%run_scoped3A_188 : memref<!tpu.dma_semaphore, #tpu.memory_space<semaphore_mem>>) src(%dma_wait3A_196 : memref<632x64xf32, #tpu.memory_space<hbm>>) dst(%dma_wait3A_194 : memref<632x64xf32, #tpu.memory_space<vmem_shared>>)
      tpu.yield
    }) : () -> ()
    %barrier3A = arith.constant 0 : index
    tpu.barrier barrier_id(%barrier3A)
    %dma_start3A = arith.constant 0 : i32
    %dma_start3A_5 = arith.constant 0 : i32
    %dma_start3A_6 = tpu.memref_slice %arg8[%dma_start3A, %dma_start3A_5] : memref<160x128xi32, #tpu.memory_space<vmem>> -> memref<1x128xi32, #tpu.memory_space<vmem>>
    %dma_start3A_7 = tpu.memref_squeeze %dma_start3A_6 : memref<1x128xi32, #tpu.memory_space<vmem>> -> memref<128xi32, #tpu.memory_space<vmem>>
    %dma_start3A_8 = arith.constant 0 : i32
    %dma_start3A_9 = arith.constant 0 : i32
    %dma_start3A_10 = tpu.memref_slice %arg2[%dma_start3A_8, %dma_start3A_9] : memref<20000x64xf32, #tpu.memory_space<hbm>> -> memref<20000x64xf32, #tpu.memory_space<hbm>>
    tpu.enqueue_indirect_dma source(%dma_start3A_10 : memref<20000x64xf32, #tpu.memory_space<hbm>>) target(%arg10 : memref<128x64xf32, #tpu.memory_space<vmem>>) offsets(%dma_start3A_7 : memref<128xi32, #tpu.memory_space<vmem>>) semaphore(%arg15 : memref<!tpu.dma_semaphore, #tpu.memory_space<semaphore_mem>>)
    %dma_start3A_11 = arith.constant 1 : i32
    %dma_start3A_12 = arith.constant 0 : i32
    %dma_start3A_13 = tpu.memref_slice %arg8[%dma_start3A_11, %dma_start3A_12] : memref<160x128xi32, #tpu.memory_space<vmem>> -> memref<1x128xi32, #tpu.memory_space<vmem>>
    %dma_start3A_14 = tpu.memref_squeeze %dma_start3A_13 : memref<1x128xi32, #tpu.memory_space<vmem>> -> memref<128xi32, #tpu.memory_space<vmem>>
    %dma_start3A_15 = arith.constant 0 : i32
    %dma_start3A_16 = arith.constant 0 : i32
    %dma_start3A_17 = tpu.memref_slice %arg2[%dma_start3A_15, %dma_start3A_16] : memref<20000x64xf32, #tpu.memory_space<hbm>> -> memref<20000x64xf32, #tpu.memory_space<hbm>>
    tpu.enqueue_indirect_dma source(%dma_start3A_17 : memref<20000x64xf32, #tpu.memory_space<hbm>>) target(%arg11 : memref<128x64xf32, #tpu.memory_space<vmem>>) offsets(%dma_start3A_14 : memref<128xi32, #tpu.memory_space<vmem>>) semaphore(%arg16 : memref<!tpu.dma_semaphore, #tpu.memory_space<semaphore_mem>>)
    %dma_start3A_18 = arith.constant 2 : i32
    %dma_start3A_19 = arith.constant 0 : i32
    %dma_start3A_20 = tpu.memref_slice %arg8[%dma_start3A_18, %dma_start3A_19] : memref<160x128xi32, #tpu.memory_space<vmem>> -> memref<1x128xi32, #tpu.memory_space<vmem>>
    %dma_start3A_21 = tpu.memref_squeeze %dma_start3A_20 : memref<1x128xi32, #tpu.memory_space<vmem>> -> memref<128xi32, #tpu.memory_space<vmem>>
    %dma_start3A_22 = arith.constant 0 : i32
    %dma_start3A_23 = arith.constant 0 : i32
    %dma_start3A_24 = tpu.memref_slice %arg2[%dma_start3A_22, %dma_start3A_23] : memref<20000x64xf32, #tpu.memory_space<hbm>> -> memref<20000x64xf32, #tpu.memory_space<hbm>>
    tpu.enqueue_indirect_dma source(%dma_start3A_24 : memref<20000x64xf32, #tpu.memory_space<hbm>>) target(%arg12 : memref<128x64xf32, #tpu.memory_space<vmem>>) offsets(%dma_start3A_21 : memref<128xi32, #tpu.memory_space<vmem>>) semaphore(%arg17 : memref<!tpu.dma_semaphore, #tpu.memory_space<semaphore_mem>>)
    %dma_start3A_25 = arith.constant 3 : i32
    %dma_start3A_26 = arith.constant 0 : i32
    %dma_start3A_27 = tpu.memref_slice %arg8[%dma_start3A_25, %dma_start3A_26] : memref<160x128xi32, #tpu.memory_space<vmem>> -> memref<1x128xi32, #tpu.memory_space<vmem>>
    %dma_start3A_28 = tpu.memref_squeeze %dma_start3A_27 : memref<1x128xi32, #tpu.memory_space<vmem>> -> memref<128xi32, #tpu.memory_space<vmem>>
    %dma_start3A_29 = arith.constant 0 : i32
    %dma_start3A_30 = arith.constant 0 : i32
    %dma_start3A_31 = tpu.memref_slice %arg2[%dma_start3A_29, %dma_start3A_30] : memref<20000x64xf32, #tpu.memory_space<hbm>> -> memref<20000x64xf32, #tpu.memory_space<hbm>>
    tpu.enqueue_indirect_dma source(%dma_start3A_31 : memref<20000x64xf32, #tpu.memory_space<hbm>>) target(%arg13 : memref<128x64xf32, #tpu.memory_space<vmem>>) offsets(%dma_start3A_28 : memref<128xi32, #tpu.memory_space<vmem>>) semaphore(%arg18 : memref<!tpu.dma_semaphore, #tpu.memory_space<semaphore_mem>>)
    %dma_start3A_32 = arith.constant 4 : i32
    %dma_start3A_33 = arith.constant 0 : i32
    %dma_start3A_34 = tpu.memref_slice %arg8[%dma_start3A_32, %dma_start3A_33] : memref<160x128xi32, #tpu.memory_space<vmem>> -> memref<1x128xi32, #tpu.memory_space<vmem>>
    %dma_start3A_35 = tpu.memref_squeeze %dma_start3A_34 : memref<1x128xi32, #tpu.memory_space<vmem>> -> memref<128xi32, #tpu.memory_space<vmem>>
    %dma_start3A_36 = arith.constant 0 : i32
    %dma_start3A_37 = arith.constant 0 : i32
    %dma_start3A_38 = tpu.memref_slice %arg2[%dma_start3A_36, %dma_start3A_37] : memref<20000x64xf32, #tpu.memory_space<hbm>> -> memref<20000x64xf32, #tpu.memory_space<hbm>>
    tpu.enqueue_indirect_dma source(%dma_start3A_38 : memref<20000x64xf32, #tpu.memory_space<hbm>>) target(%arg14 : memref<128x64xf32, #tpu.memory_space<vmem>>) offsets(%dma_start3A_35 : memref<128xi32, #tpu.memory_space<vmem>>) semaphore(%arg19 : memref<!tpu.dma_semaphore, #tpu.memory_space<semaphore_mem>>)
    %scan3A = arith.constant 0 : i32
    %scan3A_39 = arith.constant 0 : i32
    %scan3A_40 = arith.constant 31 : i32
    %scan3A_41 = arith.addi %scan3A_39, %scan3A_40 : i32
    %scan3A_42 = arith.constant 1 : i32
    scf.for %scan3A_188 = %scan3A_39 to %scan3A_41 step %scan3A_42  : i32 {
      %mul3A_189 = arith.constant 5 : i32
      %mul3A_190 = arith.muli %scan3A_188, %mul3A_189 : i32
      %add3A_191 = arith.constant 0 : i32
      %add3A_192 = arith.addi %mul3A_190, %add3A_191 : i32
      %dma_wait3A_193 = arith.constant 0 : i32
      %dma_wait3A_194 = tpu.memref_slice %arg8[%add3A_192, %dma_wait3A_193] : memref<160x128xi32, #tpu.memory_space<vmem>> -> memref<1x128xi32, #tpu.memory_space<vmem>>
      %dma_wait3A_195 = tpu.memref_squeeze %dma_wait3A_194 : memref<1x128xi32, #tpu.memory_space<vmem>> -> memref<128xi32, #tpu.memory_space<vmem>>
      %dma_wait3A_196 = arith.constant 0 : i32
      %dma_wait3A_197 = arith.constant 0 : i32
      %dma_wait3A_198 = tpu.memref_slice %arg2[%dma_wait3A_196, %dma_wait3A_197] : memref<20000x64xf32, #tpu.memory_space<hbm>> -> memref<20000x64xf32, #tpu.memory_space<hbm>>
      tpu.wait_indirect_dma semaphore(%arg15 : memref<!tpu.dma_semaphore, #tpu.memory_space<semaphore_mem>>) src(%dma_wait3A_198 : memref<20000x64xf32, #tpu.memory_space<hbm>>) dst(%arg10 : memref<128x64xf32, #tpu.memory_space<vmem>>)
      "tpu.region"() ({
        %run_scoped3A_279 = tpu.sem_alloc : memref<!tpu.dma_semaphore, #tpu.memory_space<semaphore_mem>>
        %dma_start3A_280 = arith.constant 0 : i32
        %dma_start3A_281 = tpu.memref_slice %arg9[%add3A_192, %dma_start3A_280] : memref<160x128xi32, #tpu.memory_space<vmem>> -> memref<1x128xi32, #tpu.memory_space<vmem>>
        %dma_start3A_282 = tpu.memref_squeeze %dma_start3A_281 : memref<1x128xi32, #tpu.memory_space<vmem>> -> memref<128xi32, #tpu.memory_space<vmem>>
        %dma_start3A_283 = arith.constant 0 : i32
        %dma_start3A_284 = arith.constant 0 : i32
        %dma_start3A_285 = tpu.memref_slice %arg20[%dma_start3A_283, %dma_start3A_284] : memref<10112x64xf32, #tpu.memory_space<vmem_shared>> -> memref<10112x64xf32, #tpu.memory_space<vmem_shared>>
        tpu.enqueue_indirect_dma source(%arg10 : memref<128x64xf32, #tpu.memory_space<vmem>>) target(%dma_start3A_285 : memref<10112x64xf32, #tpu.memory_space<vmem_shared>>) offsets(%dma_start3A_282 : memref<128xi32, #tpu.memory_space<vmem>>) semaphore(%run_scoped3A_279 : memref<!tpu.dma_semaphore, #tpu.memory_space<semaphore_mem>>) {add = true}
        %dma_wait3A_286 = arith.constant 0 : i32
        %dma_wait3A_287 = tpu.memref_slice %arg9[%add3A_192, %dma_wait3A_286] : memref<160x128xi32, #tpu.memory_space<vmem>> -> memref<1x128xi32, #tpu.memory_space<vmem>>
        %dma_wait3A_288 = tpu.memref_squeeze %dma_wait3A_287 : memref<1x128xi32, #tpu.memory_space<vmem>> -> memref<128xi32, #tpu.memory_space<vmem>>
        %dma_wait3A_289 = arith.constant 0 : i32
        %dma_wait3A_290 = arith.constant 0 : i32
        %dma_wait3A_291 = tpu.memref_slice %arg20[%dma_wait3A_289, %dma_wait3A_290] : memref<10112x64xf32, #tpu.memory_space<vmem_shared>> -> memref<10112x64xf32, #tpu.memory_space<vmem_shared>>
        tpu.wait_indirect_dma semaphore(%run_scoped3A_279 : memref<!tpu.dma_semaphore, #tpu.memory_space<semaphore_mem>>) src(%arg10 : memref<128x64xf32, #tpu.memory_space<vmem>>) dst(%dma_wait3A_291 : memref<10112x64xf32, #tpu.memory_space<vmem_shared>>)
        tpu.yield
      }) : () -> ()
      %add3A_199 = arith.constant 5 : i32
      %add3A_200 = arith.addi %add3A_192, %add3A_199 : i32
      %dma_start3A_201 = arith.constant 0 : i32
      %dma_start3A_202 = tpu.memref_slice %arg8[%add3A_200, %dma_start3A_201] : memref<160x128xi32, #tpu.memory_space<vmem>> -> memref<1x128xi32, #tpu.memory_space<vmem>>
      %dma_start3A_203 = tpu.memref_squeeze %dma_start3A_202 : memref<1x128xi32, #tpu.memory_space<vmem>> -> memref<128xi32, #tpu.memory_space<vmem>>
      %dma_start3A_204 = arith.constant 0 : i32
      %dma_start3A_205 = arith.constant 0 : i32
      %dma_start3A_206 = tpu.memref_slice %arg2[%dma_start3A_204, %dma_start3A_205] : memref<20000x64xf32, #tpu.memory_space<hbm>> -> memref<20000x64xf32, #tpu.memory_space<hbm>>
      tpu.enqueue_indirect_dma source(%dma_start3A_206 : memref<20000x64xf32, #tpu.memory_space<hbm>>) target(%arg10 : memref<128x64xf32, #tpu.memory_space<vmem>>) offsets(%dma_start3A_203 : memref<128xi32, #tpu.memory_space<vmem>>) semaphore(%arg15 : memref<!tpu.dma_semaphore, #tpu.memory_space<semaphore_mem>>)
      %mul3A_207 = arith.constant 5 : i32
      %mul3A_208 = arith.muli %scan3A_188, %mul3A_207 : i32
      %add3A_209 = arith.constant 1 : i32
      %add3A_210 = arith.addi %mul3A_208, %add3A_209 : i32
      %dma_wait3A_211 = arith.constant 0 : i32
      %dma_wait3A_212 = tpu.memref_slice %arg8[%add3A_210, %dma_wait3A_211] : memref<160x128xi32, #tpu.memory_space<vmem>> -> memref<1x128xi32, #tpu.memory_space<vmem>>
      %dma_wait3A_213 = tpu.memref_squeeze %dma_wait3A_212 : memref<1x128xi32, #tpu.memory_space<vmem>> -> memref<128xi32, #tpu.memory_space<vmem>>
      %dma_wait3A_214 = arith.constant 0 : i32
      %dma_wait3A_215 = arith.constant 0 : i32
      %dma_wait3A_216 = tpu.memref_slice %arg2[%dma_wait3A_214, %dma_wait3A_215] : memref<20000x64xf32, #tpu.memory_space<hbm>> -> memref<20000x64xf32, #tpu.memory_space<hbm>>
      tpu.wait_indirect_dma semaphore(%arg16 : memref<!tpu.dma_semaphore, #tpu.memory_space<semaphore_mem>>) src(%dma_wait3A_216 : memref<20000x64xf32, #tpu.memory_space<hbm>>) dst(%arg11 : memref<128x64xf32, #tpu.memory_space<vmem>>)
      "tpu.region"() ({
        %run_scoped3A_279 = tpu.sem_alloc : memref<!tpu.dma_semaphore, #tpu.memory_space<semaphore_mem>>
        %dma_start3A_280 = arith.constant 0 : i32
        %dma_start3A_281 = tpu.memref_slice %arg9[%add3A_210, %dma_start3A_280] : memref<160x128xi32, #tpu.memory_space<vmem>> -> memref<1x128xi32, #tpu.memory_space<vmem>>
        %dma_start3A_282 = tpu.memref_squeeze %dma_start3A_281 : memref<1x128xi32, #tpu.memory_space<vmem>> -> memref<128xi32, #tpu.memory_space<vmem>>
        %dma_start3A_283 = arith.constant 0 : i32
        %dma_start3A_284 = arith.constant 0 : i32
        %dma_start3A_285 = tpu.memref_slice %arg20[%dma_start3A_283, %dma_start3A_284] : memref<10112x64xf32, #tpu.memory_space<vmem_shared>> -> memref<10112x64xf32, #tpu.memory_space<vmem_shared>>
        tpu.enqueue_indirect_dma source(%arg11 : memref<128x64xf32, #tpu.memory_space<vmem>>) target(%dma_start3A_285 : memref<10112x64xf32, #tpu.memory_space<vmem_shared>>) offsets(%dma_start3A_282 : memref<128xi32, #tpu.memory_space<vmem>>) semaphore(%run_scoped3A_279 : memref<!tpu.dma_semaphore, #tpu.memory_space<semaphore_mem>>) {add = true}
        %dma_wait3A_286 = arith.constant 0 : i32
        %dma_wait3A_287 = tpu.memref_slice %arg9[%add3A_210, %dma_wait3A_286] : memref<160x128xi32, #tpu.memory_space<vmem>> -> memref<1x128xi32, #tpu.memory_space<vmem>>
        %dma_wait3A_288 = tpu.memref_squeeze %dma_wait3A_287 : memref<1x128xi32, #tpu.memory_space<vmem>> -> memref<128xi32, #tpu.memory_space<vmem>>
        %dma_wait3A_289 = arith.constant 0 : i32
        %dma_wait3A_290 = arith.constant 0 : i32
        %dma_wait3A_291 = tpu.memref_slice %arg20[%dma_wait3A_289, %dma_wait3A_290] : memref<10112x64xf32, #tpu.memory_space<vmem_shared>> -> memref<10112x64xf32, #tpu.memory_space<vmem_shared>>
        tpu.wait_indirect_dma semaphore(%run_scoped3A_279 : memref<!tpu.dma_semaphore, #tpu.memory_space<semaphore_mem>>) src(%arg11 : memref<128x64xf32, #tpu.memory_space<vmem>>) dst(%dma_wait3A_291 : memref<10112x64xf32, #tpu.memory_space<vmem_shared>>)
        tpu.yield
      }) : () -> ()
      %add3A_217 = arith.constant 5 : i32
      %add3A_218 = arith.addi %add3A_210, %add3A_217 : i32
      %dma_start3A_219 = arith.constant 0 : i32
      %dma_start3A_220 = tpu.memref_slice %arg8[%add3A_218, %dma_start3A_219] : memref<160x128xi32, #tpu.memory_space<vmem>> -> memref<1x128xi32, #tpu.memory_space<vmem>>
      %dma_start3A_221 = tpu.memref_squeeze %dma_start3A_220 : memref<1x128xi32, #tpu.memory_space<vmem>> -> memref<128xi32, #tpu.memory_space<vmem>>
      %dma_start3A_222 = arith.constant 0 : i32
      %dma_start3A_223 = arith.constant 0 : i32
      %dma_start3A_224 = tpu.memref_slice %arg2[%dma_start3A_222, %dma_start3A_223] : memref<20000x64xf32, #tpu.memory_space<hbm>> -> memref<20000x64xf32, #tpu.memory_space<hbm>>
      tpu.enqueue_indirect_dma source(%dma_start3A_224 : memref<20000x64xf32, #tpu.memory_space<hbm>>) target(%arg11 : memref<128x64xf32, #tpu.memory_space<vmem>>) offsets(%dma_start3A_221 : memref<128xi32, #tpu.memory_space<vmem>>) semaphore(%arg16 : memref<!tpu.dma_semaphore, #tpu.memory_space<semaphore_mem>>)
      %mul3A_225 = arith.constant 5 : i32
      %mul3A_226 = arith.muli %scan3A_188, %mul3A_225 : i32
      %add3A_227 = arith.constant 2 : i32
      %add3A_228 = arith.addi %mul3A_226, %add3A_227 : i32
      %dma_wait3A_229 = arith.constant 0 : i32
      %dma_wait3A_230 = tpu.memref_slice %arg8[%add3A_228, %dma_wait3A_229] : memref<160x128xi32, #tpu.memory_space<vmem>> -> memref<1x128xi32, #tpu.memory_space<vmem>>
      %dma_wait3A_231 = tpu.memref_squeeze %dma_wait3A_230 : memref<1x128xi32, #tpu.memory_space<vmem>> -> memref<128xi32, #tpu.memory_space<vmem>>
      %dma_wait3A_232 = arith.constant 0 : i32
      %dma_wait3A_233 = arith.constant 0 : i32
      %dma_wait3A_234 = tpu.memref_slice %arg2[%dma_wait3A_232, %dma_wait3A_233] : memref<20000x64xf32, #tpu.memory_space<hbm>> -> memref<20000x64xf32, #tpu.memory_space<hbm>>
      tpu.wait_indirect_dma semaphore(%arg17 : memref<!tpu.dma_semaphore, #tpu.memory_space<semaphore_mem>>) src(%dma_wait3A_234 : memref<20000x64xf32, #tpu.memory_space<hbm>>) dst(%arg12 : memref<128x64xf32, #tpu.memory_space<vmem>>)
      "tpu.region"() ({
        %run_scoped3A_279 = tpu.sem_alloc : memref<!tpu.dma_semaphore, #tpu.memory_space<semaphore_mem>>
        %dma_start3A_280 = arith.constant 0 : i32
        %dma_start3A_281 = tpu.memref_slice %arg9[%add3A_228, %dma_start3A_280] : memref<160x128xi32, #tpu.memory_space<vmem>> -> memref<1x128xi32, #tpu.memory_space<vmem>>
        %dma_start3A_282 = tpu.memref_squeeze %dma_start3A_281 : memref<1x128xi32, #tpu.memory_space<vmem>> -> memref<128xi32, #tpu.memory_space<vmem>>
        %dma_start3A_283 = arith.constant 0 : i32
        %dma_start3A_284 = arith.constant 0 : i32
        %dma_start3A_285 = tpu.memref_slice %arg20[%dma_start3A_283, %dma_start3A_284] : memref<10112x64xf32, #tpu.memory_space<vmem_shared>> -> memref<10112x64xf32, #tpu.memory_space<vmem_shared>>
        tpu.enqueue_indirect_dma source(%arg12 : memref<128x64xf32, #tpu.memory_space<vmem>>) target(%dma_start3A_285 : memref<10112x64xf32, #tpu.memory_space<vmem_shared>>) offsets(%dma_start3A_282 : memref<128xi32, #tpu.memory_space<vmem>>) semaphore(%run_scoped3A_279 : memref<!tpu.dma_semaphore, #tpu.memory_space<semaphore_mem>>) {add = true}
        %dma_wait3A_286 = arith.constant 0 : i32
        %dma_wait3A_287 = tpu.memref_slice %arg9[%add3A_228, %dma_wait3A_286] : memref<160x128xi32, #tpu.memory_space<vmem>> -> memref<1x128xi32, #tpu.memory_space<vmem>>
        %dma_wait3A_288 = tpu.memref_squeeze %dma_wait3A_287 : memref<1x128xi32, #tpu.memory_space<vmem>> -> memref<128xi32, #tpu.memory_space<vmem>>
        %dma_wait3A_289 = arith.constant 0 : i32
        %dma_wait3A_290 = arith.constant 0 : i32
        %dma_wait3A_291 = tpu.memref_slice %arg20[%dma_wait3A_289, %dma_wait3A_290] : memref<10112x64xf32, #tpu.memory_space<vmem_shared>> -> memref<10112x64xf32, #tpu.memory_space<vmem_shared>>
        tpu.wait_indirect_dma semaphore(%run_scoped3A_279 : memref<!tpu.dma_semaphore, #tpu.memory_space<semaphore_mem>>) src(%arg12 : memref<128x64xf32, #tpu.memory_space<vmem>>) dst(%dma_wait3A_291 : memref<10112x64xf32, #tpu.memory_space<vmem_shared>>)
        tpu.yield
      }) : () -> ()
      %add3A_235 = arith.constant 5 : i32
      %add3A_236 = arith.addi %add3A_228, %add3A_235 : i32
      %dma_start3A_237 = arith.constant 0 : i32
      %dma_start3A_238 = tpu.memref_slice %arg8[%add3A_236, %dma_start3A_237] : memref<160x128xi32, #tpu.memory_space<vmem>> -> memref<1x128xi32, #tpu.memory_space<vmem>>
      %dma_start3A_239 = tpu.memref_squeeze %dma_start3A_238 : memref<1x128xi32, #tpu.memory_space<vmem>> -> memref<128xi32, #tpu.memory_space<vmem>>
      %dma_start3A_240 = arith.constant 0 : i32
      %dma_start3A_241 = arith.constant 0 : i32
      %dma_start3A_242 = tpu.memref_slice %arg2[%dma_start3A_240, %dma_start3A_241] : memref<20000x64xf32, #tpu.memory_space<hbm>> -> memref<20000x64xf32, #tpu.memory_space<hbm>>
      tpu.enqueue_indirect_dma source(%dma_start3A_242 : memref<20000x64xf32, #tpu.memory_space<hbm>>) target(%arg12 : memref<128x64xf32, #tpu.memory_space<vmem>>) offsets(%dma_start3A_239 : memref<128xi32, #tpu.memory_space<vmem>>) semaphore(%arg17 : memref<!tpu.dma_semaphore, #tpu.memory_space<semaphore_mem>>)
      %mul3A_243 = arith.constant 5 : i32
      %mul3A_244 = arith.muli %scan3A_188, %mul3A_243 : i32
      %add3A_245 = arith.constant 3 : i32
      %add3A_246 = arith.addi %mul3A_244, %add3A_245 : i32
      %dma_wait3A_247 = arith.constant 0 : i32
      %dma_wait3A_248 = tpu.memref_slice %arg8[%add3A_246, %dma_wait3A_247] : memref<160x128xi32, #tpu.memory_space<vmem>> -> memref<1x128xi32, #tpu.memory_space<vmem>>
      %dma_wait3A_249 = tpu.memref_squeeze %dma_wait3A_248 : memref<1x128xi32, #tpu.memory_space<vmem>> -> memref<128xi32, #tpu.memory_space<vmem>>
      %dma_wait3A_250 = arith.constant 0 : i32
      %dma_wait3A_251 = arith.constant 0 : i32
      %dma_wait3A_252 = tpu.memref_slice %arg2[%dma_wait3A_250, %dma_wait3A_251] : memref<20000x64xf32, #tpu.memory_space<hbm>> -> memref<20000x64xf32, #tpu.memory_space<hbm>>
      tpu.wait_indirect_dma semaphore(%arg18 : memref<!tpu.dma_semaphore, #tpu.memory_space<semaphore_mem>>) src(%dma_wait3A_252 : memref<20000x64xf32, #tpu.memory_space<hbm>>) dst(%arg13 : memref<128x64xf32, #tpu.memory_space<vmem>>)
      "tpu.region"() ({
        %run_scoped3A_279 = tpu.sem_alloc : memref<!tpu.dma_semaphore, #tpu.memory_space<semaphore_mem>>
        %dma_start3A_280 = arith.constant 0 : i32
        %dma_start3A_281 = tpu.memref_slice %arg9[%add3A_246, %dma_start3A_280] : memref<160x128xi32, #tpu.memory_space<vmem>> -> memref<1x128xi32, #tpu.memory_space<vmem>>
        %dma_start3A_282 = tpu.memref_squeeze %dma_start3A_281 : memref<1x128xi32, #tpu.memory_space<vmem>> -> memref<128xi32, #tpu.memory_space<vmem>>
        %dma_start3A_283 = arith.constant 0 : i32
        %dma_start3A_284 = arith.constant 0 : i32
        %dma_start3A_285 = tpu.memref_slice %arg20[%dma_start3A_283, %dma_start3A_284] : memref<10112x64xf32, #tpu.memory_space<vmem_shared>> -> memref<10112x64xf32, #tpu.memory_space<vmem_shared>>
        tpu.enqueue_indirect_dma source(%arg13 : memref<128x64xf32, #tpu.memory_space<vmem>>) target(%dma_start3A_285 : memref<10112x64xf32, #tpu.memory_space<vmem_shared>>) offsets(%dma_start3A_282 : memref<128xi32, #tpu.memory_space<vmem>>) semaphore(%run_scoped3A_279 : memref<!tpu.dma_semaphore, #tpu.memory_space<semaphore_mem>>) {add = true}
        %dma_wait3A_286 = arith.constant 0 : i32
        %dma_wait3A_287 = tpu.memref_slice %arg9[%add3A_246, %dma_wait3A_286] : memref<160x128xi32, #tpu.memory_space<vmem>> -> memref<1x128xi32, #tpu.memory_space<vmem>>
        %dma_wait3A_288 = tpu.memref_squeeze %dma_wait3A_287 : memref<1x128xi32, #tpu.memory_space<vmem>> -> memref<128xi32, #tpu.memory_space<vmem>>
        %dma_wait3A_289 = arith.constant 0 : i32
        %dma_wait3A_290 = arith.constant 0 : i32
        %dma_wait3A_291 = tpu.memref_slice %arg20[%dma_wait3A_289, %dma_wait3A_290] : memref<10112x64xf32, #tpu.memory_space<vmem_shared>> -> memref<10112x64xf32, #tpu.memory_space<vmem_shared>>
        tpu.wait_indirect_dma semaphore(%run_scoped3A_279 : memref<!tpu.dma_semaphore, #tpu.memory_space<semaphore_mem>>) src(%arg13 : memref<128x64xf32, #tpu.memory_space<vmem>>) dst(%dma_wait3A_291 : memref<10112x64xf32, #tpu.memory_space<vmem_shared>>)
        tpu.yield
      }) : () -> ()
      %add3A_253 = arith.constant 5 : i32
      %add3A_254 = arith.addi %add3A_246, %add3A_253 : i32
      %dma_start3A_255 = arith.constant 0 : i32
      %dma_start3A_256 = tpu.memref_slice %arg8[%add3A_254, %dma_start3A_255] : memref<160x128xi32, #tpu.memory_space<vmem>> -> memref<1x128xi32, #tpu.memory_space<vmem>>
      %dma_start3A_257 = tpu.memref_squeeze %dma_start3A_256 : memref<1x128xi32, #tpu.memory_space<vmem>> -> memref<128xi32, #tpu.memory_space<vmem>>
      %dma_start3A_258 = arith.constant 0 : i32
      %dma_start3A_259 = arith.constant 0 : i32
      %dma_start3A_260 = tpu.memref_slice %arg2[%dma_start3A_258, %dma_start3A_259] : memref<20000x64xf32, #tpu.memory_space<hbm>> -> memref<20000x64xf32, #tpu.memory_space<hbm>>
      tpu.enqueue_indirect_dma source(%dma_start3A_260 : memref<20000x64xf32, #tpu.memory_space<hbm>>) target(%arg13 : memref<128x64xf32, #tpu.memory_space<vmem>>) offsets(%dma_start3A_257 : memref<128xi32, #tpu.memory_space<vmem>>) semaphore(%arg18 : memref<!tpu.dma_semaphore, #tpu.memory_space<semaphore_mem>>)
      %mul3A_261 = arith.constant 5 : i32
      %mul3A_262 = arith.muli %scan3A_188, %mul3A_261 : i32
      %add3A_263 = arith.constant 4 : i32
      %add3A_264 = arith.addi %mul3A_262, %add3A_263 : i32
      %dma_wait3A_265 = arith.constant 0 : i32
      %dma_wait3A_266 = tpu.memref_slice %arg8[%add3A_264, %dma_wait3A_265] : memref<160x128xi32, #tpu.memory_space<vmem>> -> memref<1x128xi32, #tpu.memory_space<vmem>>
      %dma_wait3A_267 = tpu.memref_squeeze %dma_wait3A_266 : memref<1x128xi32, #tpu.memory_space<vmem>> -> memref<128xi32, #tpu.memory_space<vmem>>
      %dma_wait3A_268 = arith.constant 0 : i32
      %dma_wait3A_269 = arith.constant 0 : i32
      %dma_wait3A_270 = tpu.memref_slice %arg2[%dma_wait3A_268, %dma_wait3A_269] : memref<20000x64xf32, #tpu.memory_space<hbm>> -> memref<20000x64xf32, #tpu.memory_space<hbm>>
      tpu.wait_indirect_dma semaphore(%arg19 : memref<!tpu.dma_semaphore, #tpu.memory_space<semaphore_mem>>) src(%dma_wait3A_270 : memref<20000x64xf32, #tpu.memory_space<hbm>>) dst(%arg14 : memref<128x64xf32, #tpu.memory_space<vmem>>)
      "tpu.region"() ({
        %run_scoped3A_279 = tpu.sem_alloc : memref<!tpu.dma_semaphore, #tpu.memory_space<semaphore_mem>>
        %dma_start3A_280 = arith.constant 0 : i32
        %dma_start3A_281 = tpu.memref_slice %arg9[%add3A_264, %dma_start3A_280] : memref<160x128xi32, #tpu.memory_space<vmem>> -> memref<1x128xi32, #tpu.memory_space<vmem>>
        %dma_start3A_282 = tpu.memref_squeeze %dma_start3A_281 : memref<1x128xi32, #tpu.memory_space<vmem>> -> memref<128xi32, #tpu.memory_space<vmem>>
        %dma_start3A_283 = arith.constant 0 : i32
        %dma_start3A_284 = arith.constant 0 : i32
        %dma_start3A_285 = tpu.memref_slice %arg20[%dma_start3A_283, %dma_start3A_284] : memref<10112x64xf32, #tpu.memory_space<vmem_shared>> -> memref<10112x64xf32, #tpu.memory_space<vmem_shared>>
        tpu.enqueue_indirect_dma source(%arg14 : memref<128x64xf32, #tpu.memory_space<vmem>>) target(%dma_start3A_285 : memref<10112x64xf32, #tpu.memory_space<vmem_shared>>) offsets(%dma_start3A_282 : memref<128xi32, #tpu.memory_space<vmem>>) semaphore(%run_scoped3A_279 : memref<!tpu.dma_semaphore, #tpu.memory_space<semaphore_mem>>) {add = true}
        %dma_wait3A_286 = arith.constant 0 : i32
        %dma_wait3A_287 = tpu.memref_slice %arg9[%add3A_264, %dma_wait3A_286] : memref<160x128xi32, #tpu.memory_space<vmem>> -> memref<1x128xi32, #tpu.memory_space<vmem>>
        %dma_wait3A_288 = tpu.memref_squeeze %dma_wait3A_287 : memref<1x128xi32, #tpu.memory_space<vmem>> -> memref<128xi32, #tpu.memory_space<vmem>>
        %dma_wait3A_289 = arith.constant 0 : i32
        %dma_wait3A_290 = arith.constant 0 : i32
        %dma_wait3A_291 = tpu.memref_slice %arg20[%dma_wait3A_289, %dma_wait3A_290] : memref<10112x64xf32, #tpu.memory_space<vmem_shared>> -> memref<10112x64xf32, #tpu.memory_space<vmem_shared>>
        tpu.wait_indirect_dma semaphore(%run_scoped3A_279 : memref<!tpu.dma_semaphore, #tpu.memory_space<semaphore_mem>>) src(%arg14 : memref<128x64xf32, #tpu.memory_space<vmem>>) dst(%dma_wait3A_291 : memref<10112x64xf32, #tpu.memory_space<vmem_shared>>)
        tpu.yield
      }) : () -> ()
      %add3A_271 = arith.constant 5 : i32
      %add3A_272 = arith.addi %add3A_264, %add3A_271 : i32
      %dma_start3A_273 = arith.constant 0 : i32
      %dma_start3A_274 = tpu.memref_slice %arg8[%add3A_272, %dma_start3A_273] : memref<160x128xi32, #tpu.memory_space<vmem>> -> memref<1x128xi32, #tpu.memory_space<vmem>>
      %dma_start3A_275 = tpu.memref_squeeze %dma_start3A_274 : memref<1x128xi32, #tpu.memory_space<vmem>> -> memref<128xi32, #tpu.memory_space<vmem>>
      %dma_start3A_276 = arith.constant 0 : i32
      %dma_start3A_277 = arith.constant 0 : i32
      %dma_start3A_278 = tpu.memref_slice %arg2[%dma_start3A_276, %dma_start3A_277] : memref<20000x64xf32, #tpu.memory_space<hbm>> -> memref<20000x64xf32, #tpu.memory_space<hbm>>
      tpu.enqueue_indirect_dma source(%dma_start3A_278 : memref<20000x64xf32, #tpu.memory_space<hbm>>) target(%arg14 : memref<128x64xf32, #tpu.memory_space<vmem>>) offsets(%dma_start3A_275 : memref<128xi32, #tpu.memory_space<vmem>>) semaphore(%arg19 : memref<!tpu.dma_semaphore, #tpu.memory_space<semaphore_mem>>)
    }
    %scan3A_43 = arith.constant 31 : i32
    %dma_wait3A = arith.constant 155 : i32
    %dma_wait3A_44 = arith.constant 0 : i32
    %dma_wait3A_45 = tpu.memref_slice %arg8[%dma_wait3A, %dma_wait3A_44] : memref<160x128xi32, #tpu.memory_space<vmem>> -> memref<1x128xi32, #tpu.memory_space<vmem>>
    %dma_wait3A_46 = tpu.memref_squeeze %dma_wait3A_45 : memref<1x128xi32, #tpu.memory_space<vmem>> -> memref<128xi32, #tpu.memory_space<vmem>>
    %dma_wait3A_47 = arith.constant 0 : i32
    %dma_wait3A_48 = arith.constant 0 : i32
    %dma_wait3A_49 = tpu.memref_slice %arg2[%dma_wait3A_47, %dma_wait3A_48] : memref<20000x64xf32, #tpu.memory_space<hbm>> -> memref<20000x64xf32, #tpu.memory_space<hbm>>
    tpu.wait_indirect_dma semaphore(%arg15 : memref<!tpu.dma_semaphore, #tpu.memory_space<semaphore_mem>>) src(%dma_wait3A_49 : memref<20000x64xf32, #tpu.memory_space<hbm>>) dst(%arg10 : memref<128x64xf32, #tpu.memory_space<vmem>>)
    %run_scoped3A = arith.constant 155 : i32
    "tpu.region"() ({
      %run_scoped3A_188 = tpu.sem_alloc : memref<!tpu.dma_semaphore, #tpu.memory_space<semaphore_mem>>
      %dma_start3A_189 = arith.constant 0 : i32
      %dma_start3A_190 = tpu.memref_slice %arg9[%run_scoped3A, %dma_start3A_189] : memref<160x128xi32, #tpu.memory_space<vmem>> -> memref<1x128xi32, #tpu.memory_space<vmem>>
      %dma_start3A_191 = tpu.memref_squeeze %dma_start3A_190 : memref<1x128xi32, #tpu.memory_space<vmem>> -> memref<128xi32, #tpu.memory_space<vmem>>
      %dma_start3A_192 = arith.constant 0 : i32
      %dma_start3A_193 = arith.constant 0 : i32
      %dma_start3A_194 = tpu.memref_slice %arg20[%dma_start3A_192, %dma_start3A_193] : memref<10112x64xf32, #tpu.memory_space<vmem_shared>> -> memref<10112x64xf32, #tpu.memory_space<vmem_shared>>
      tpu.enqueue_indirect_dma source(%arg10 : memref<128x64xf32, #tpu.memory_space<vmem>>) target(%dma_start3A_194 : memref<10112x64xf32, #tpu.memory_space<vmem_shared>>) offsets(%dma_start3A_191 : memref<128xi32, #tpu.memory_space<vmem>>) semaphore(%run_scoped3A_188 : memref<!tpu.dma_semaphore, #tpu.memory_space<semaphore_mem>>) {add = true}
      %dma_wait3A_195 = arith.constant 0 : i32
      %dma_wait3A_196 = tpu.memref_slice %arg9[%run_scoped3A, %dma_wait3A_195] : memref<160x128xi32, #tpu.memory_space<vmem>> -> memref<1x128xi32, #tpu.memory_space<vmem>>
      %dma_wait3A_197 = tpu.memref_squeeze %dma_wait3A_196 : memref<1x128xi32, #tpu.memory_space<vmem>> -> memref<128xi32, #tpu.memory_space<vmem>>
      %dma_wait3A_198 = arith.constant 0 : i32
      %dma_wait3A_199 = arith.constant 0 : i32
      %dma_wait3A_200 = tpu.memref_slice %arg20[%dma_wait3A_198, %dma_wait3A_199] : memref<10112x64xf32, #tpu.memory_space<vmem_shared>> -> memref<10112x64xf32, #tpu.memory_space<vmem_shared>>
      tpu.wait_indirect_dma semaphore(%run_scoped3A_188 : memref<!tpu.dma_semaphore, #tpu.memory_space<semaphore_mem>>) src(%arg10 : memref<128x64xf32, #tpu.memory_space<vmem>>) dst(%dma_wait3A_200 : memref<10112x64xf32, #tpu.memory_space<vmem_shared>>)
      tpu.yield
    }) : () -> ()
    %dma_wait3A_50 = arith.constant 156 : i32
    %dma_wait3A_51 = arith.constant 0 : i32
    %dma_wait3A_52 = tpu.memref_slice %arg8[%dma_wait3A_50, %dma_wait3A_51] : memref<160x128xi32, #tpu.memory_space<vmem>> -> memref<1x128xi32, #tpu.memory_space<vmem>>
    %dma_wait3A_53 = tpu.memref_squeeze %dma_wait3A_52 : memref<1x128xi32, #tpu.memory_space<vmem>> -> memref<128xi32, #tpu.memory_space<vmem>>
    %dma_wait3A_54 = arith.constant 0 : i32
    %dma_wait3A_55 = arith.constant 0 : i32
    %dma_wait3A_56 = tpu.memref_slice %arg2[%dma_wait3A_54, %dma_wait3A_55] : memref<20000x64xf32, #tpu.memory_space<hbm>> -> memref<20000x64xf32, #tpu.memory_space<hbm>>
    tpu.wait_indirect_dma semaphore(%arg16 : memref<!tpu.dma_semaphore, #tpu.memory_space<semaphore_mem>>) src(%dma_wait3A_56 : memref<20000x64xf32, #tpu.memory_space<hbm>>) dst(%arg11 : memref<128x64xf32, #tpu.memory_space<vmem>>)
    %run_scoped3A_57 = arith.constant 156 : i32
    "tpu.region"() ({
      %run_scoped3A_188 = tpu.sem_alloc : memref<!tpu.dma_semaphore, #tpu.memory_space<semaphore_mem>>
      %dma_start3A_189 = arith.constant 0 : i32
      %dma_start3A_190 = tpu.memref_slice %arg9[%run_scoped3A_57, %dma_start3A_189] : memref<160x128xi32, #tpu.memory_space<vmem>> -> memref<1x128xi32, #tpu.memory_space<vmem>>
      %dma_start3A_191 = tpu.memref_squeeze %dma_start3A_190 : memref<1x128xi32, #tpu.memory_space<vmem>> -> memref<128xi32, #tpu.memory_space<vmem>>
      %dma_start3A_192 = arith.constant 0 : i32
      %dma_start3A_193 = arith.constant 0 : i32
      %dma_start3A_194 = tpu.memref_slice %arg20[%dma_start3A_192, %dma_start3A_193] : memref<10112x64xf32, #tpu.memory_space<vmem_shared>> -> memref<10112x64xf32, #tpu.memory_space<vmem_shared>>
      tpu.enqueue_indirect_dma source(%arg11 : memref<128x64xf32, #tpu.memory_space<vmem>>) target(%dma_start3A_194 : memref<10112x64xf32, #tpu.memory_space<vmem_shared>>) offsets(%dma_start3A_191 : memref<128xi32, #tpu.memory_space<vmem>>) semaphore(%run_scoped3A_188 : memref<!tpu.dma_semaphore, #tpu.memory_space<semaphore_mem>>) {add = true}
      %dma_wait3A_195 = arith.constant 0 : i32
      %dma_wait3A_196 = tpu.memref_slice %arg9[%run_scoped3A_57, %dma_wait3A_195] : memref<160x128xi32, #tpu.memory_space<vmem>> -> memref<1x128xi32, #tpu.memory_space<vmem>>
      %dma_wait3A_197 = tpu.memref_squeeze %dma_wait3A_196 : memref<1x128xi32, #tpu.memory_space<vmem>> -> memref<128xi32, #tpu.memory_space<vmem>>
      %dma_wait3A_198 = arith.constant 0 : i32
      %dma_wait3A_199 = arith.constant 0 : i32
      %dma_wait3A_200 = tpu.memref_slice %arg20[%dma_wait3A_198, %dma_wait3A_199] : memref<10112x64xf32, #tpu.memory_space<vmem_shared>> -> memref<10112x64xf32, #tpu.memory_space<vmem_shared>>
      tpu.wait_indirect_dma semaphore(%run_scoped3A_188 : memref<!tpu.dma_semaphore, #tpu.memory_space<semaphore_mem>>) src(%arg11 : memref<128x64xf32, #tpu.memory_space<vmem>>) dst(%dma_wait3A_200 : memref<10112x64xf32, #tpu.memory_space<vmem_shared>>)
      tpu.yield
    }) : () -> ()
    %dma_wait3A_58 = arith.constant 157 : i32
    %dma_wait3A_59 = arith.constant 0 : i32
    %dma_wait3A_60 = tpu.memref_slice %arg8[%dma_wait3A_58, %dma_wait3A_59] : memref<160x128xi32, #tpu.memory_space<vmem>> -> memref<1x128xi32, #tpu.memory_space<vmem>>
    %dma_wait3A_61 = tpu.memref_squeeze %dma_wait3A_60 : memref<1x128xi32, #tpu.memory_space<vmem>> -> memref<128xi32, #tpu.memory_space<vmem>>
    %dma_wait3A_62 = arith.constant 0 : i32
    %dma_wait3A_63 = arith.constant 0 : i32
    %dma_wait3A_64 = tpu.memref_slice %arg2[%dma_wait3A_62, %dma_wait3A_63] : memref<20000x64xf32, #tpu.memory_space<hbm>> -> memref<20000x64xf32, #tpu.memory_space<hbm>>
    tpu.wait_indirect_dma semaphore(%arg17 : memref<!tpu.dma_semaphore, #tpu.memory_space<semaphore_mem>>) src(%dma_wait3A_64 : memref<20000x64xf32, #tpu.memory_space<hbm>>) dst(%arg12 : memref<128x64xf32, #tpu.memory_space<vmem>>)
    %run_scoped3A_65 = arith.constant 157 : i32
    "tpu.region"() ({
      %run_scoped3A_188 = tpu.sem_alloc : memref<!tpu.dma_semaphore, #tpu.memory_space<semaphore_mem>>
      %dma_start3A_189 = arith.constant 0 : i32
      %dma_start3A_190 = tpu.memref_slice %arg9[%run_scoped3A_65, %dma_start3A_189] : memref<160x128xi32, #tpu.memory_space<vmem>> -> memref<1x128xi32, #tpu.memory_space<vmem>>
      %dma_start3A_191 = tpu.memref_squeeze %dma_start3A_190 : memref<1x128xi32, #tpu.memory_space<vmem>> -> memref<128xi32, #tpu.memory_space<vmem>>
      %dma_start3A_192 = arith.constant 0 : i32
      %dma_start3A_193 = arith.constant 0 : i32
      %dma_start3A_194 = tpu.memref_slice %arg20[%dma_start3A_192, %dma_start3A_193] : memref<10112x64xf32, #tpu.memory_space<vmem_shared>> -> memref<10112x64xf32, #tpu.memory_space<vmem_shared>>
      tpu.enqueue_indirect_dma source(%arg12 : memref<128x64xf32, #tpu.memory_space<vmem>>) target(%dma_start3A_194 : memref<10112x64xf32, #tpu.memory_space<vmem_shared>>) offsets(%dma_start3A_191 : memref<128xi32, #tpu.memory_space<vmem>>) semaphore(%run_scoped3A_188 : memref<!tpu.dma_semaphore, #tpu.memory_space<semaphore_mem>>) {add = true}
      %dma_wait3A_195 = arith.constant 0 : i32
      %dma_wait3A_196 = tpu.memref_slice %arg9[%run_scoped3A_65, %dma_wait3A_195] : memref<160x128xi32, #tpu.memory_space<vmem>> -> memref<1x128xi32, #tpu.memory_space<vmem>>
      %dma_wait3A_197 = tpu.memref_squeeze %dma_wait3A_196 : memref<1x128xi32, #tpu.memory_space<vmem>> -> memref<128xi32, #tpu.memory_space<vmem>>
      %dma_wait3A_198 = arith.constant 0 : i32
      %dma_wait3A_199 = arith.constant 0 : i32
      %dma_wait3A_200 = tpu.memref_slice %arg20[%dma_wait3A_198, %dma_wait3A_199] : memref<10112x64xf32, #tpu.memory_space<vmem_shared>> -> memref<10112x64xf32, #tpu.memory_space<vmem_shared>>
      tpu.wait_indirect_dma semaphore(%run_scoped3A_188 : memref<!tpu.dma_semaphore, #tpu.memory_space<semaphore_mem>>) src(%arg12 : memref<128x64xf32, #tpu.memory_space<vmem>>) dst(%dma_wait3A_200 : memref<10112x64xf32, #tpu.memory_space<vmem_shared>>)
      tpu.yield
    }) : () -> ()
    %dma_wait3A_66 = arith.constant 158 : i32
    %dma_wait3A_67 = arith.constant 0 : i32
    %dma_wait3A_68 = tpu.memref_slice %arg8[%dma_wait3A_66, %dma_wait3A_67] : memref<160x128xi32, #tpu.memory_space<vmem>> -> memref<1x128xi32, #tpu.memory_space<vmem>>
    %dma_wait3A_69 = tpu.memref_squeeze %dma_wait3A_68 : memref<1x128xi32, #tpu.memory_space<vmem>> -> memref<128xi32, #tpu.memory_space<vmem>>
    %dma_wait3A_70 = arith.constant 0 : i32
    %dma_wait3A_71 = arith.constant 0 : i32
    %dma_wait3A_72 = tpu.memref_slice %arg2[%dma_wait3A_70, %dma_wait3A_71] : memref<20000x64xf32, #tpu.memory_space<hbm>> -> memref<20000x64xf32, #tpu.memory_space<hbm>>
    tpu.wait_indirect_dma semaphore(%arg18 : memref<!tpu.dma_semaphore, #tpu.memory_space<semaphore_mem>>) src(%dma_wait3A_72 : memref<20000x64xf32, #tpu.memory_space<hbm>>) dst(%arg13 : memref<128x64xf32, #tpu.memory_space<vmem>>)
    %run_scoped3A_73 = arith.constant 158 : i32
    "tpu.region"() ({
      %run_scoped3A_188 = tpu.sem_alloc : memref<!tpu.dma_semaphore, #tpu.memory_space<semaphore_mem>>
      %dma_start3A_189 = arith.constant 0 : i32
      %dma_start3A_190 = tpu.memref_slice %arg9[%run_scoped3A_73, %dma_start3A_189] : memref<160x128xi32, #tpu.memory_space<vmem>> -> memref<1x128xi32, #tpu.memory_space<vmem>>
      %dma_start3A_191 = tpu.memref_squeeze %dma_start3A_190 : memref<1x128xi32, #tpu.memory_space<vmem>> -> memref<128xi32, #tpu.memory_space<vmem>>
      %dma_start3A_192 = arith.constant 0 : i32
      %dma_start3A_193 = arith.constant 0 : i32
      %dma_start3A_194 = tpu.memref_slice %arg20[%dma_start3A_192, %dma_start3A_193] : memref<10112x64xf32, #tpu.memory_space<vmem_shared>> -> memref<10112x64xf32, #tpu.memory_space<vmem_shared>>
      tpu.enqueue_indirect_dma source(%arg13 : memref<128x64xf32, #tpu.memory_space<vmem>>) target(%dma_start3A_194 : memref<10112x64xf32, #tpu.memory_space<vmem_shared>>) offsets(%dma_start3A_191 : memref<128xi32, #tpu.memory_space<vmem>>) semaphore(%run_scoped3A_188 : memref<!tpu.dma_semaphore, #tpu.memory_space<semaphore_mem>>) {add = true}
      %dma_wait3A_195 = arith.constant 0 : i32
      %dma_wait3A_196 = tpu.memref_slice %arg9[%run_scoped3A_73, %dma_wait3A_195] : memref<160x128xi32, #tpu.memory_space<vmem>> -> memref<1x128xi32, #tpu.memory_space<vmem>>
      %dma_wait3A_197 = tpu.memref_squeeze %dma_wait3A_196 : memref<1x128xi32, #tpu.memory_space<vmem>> -> memref<128xi32, #tpu.memory_space<vmem>>
      %dma_wait3A_198 = arith.constant 0 : i32
      %dma_wait3A_199 = arith.constant 0 : i32
      %dma_wait3A_200 = tpu.memref_slice %arg20[%dma_wait3A_198, %dma_wait3A_199] : memref<10112x64xf32, #tpu.memory_space<vmem_shared>> -> memref<10112x64xf32, #tpu.memory_space<vmem_shared>>
      tpu.wait_indirect_dma semaphore(%run_scoped3A_188 : memref<!tpu.dma_semaphore, #tpu.memory_space<semaphore_mem>>) src(%arg13 : memref<128x64xf32, #tpu.memory_space<vmem>>) dst(%dma_wait3A_200 : memref<10112x64xf32, #tpu.memory_space<vmem_shared>>)
      tpu.yield
    }) : () -> ()
    %dma_wait3A_74 = arith.constant 159 : i32
    %dma_wait3A_75 = arith.constant 0 : i32
    %dma_wait3A_76 = tpu.memref_slice %arg8[%dma_wait3A_74, %dma_wait3A_75] : memref<160x128xi32, #tpu.memory_space<vmem>> -> memref<1x128xi32, #tpu.memory_space<vmem>>
    %dma_wait3A_77 = tpu.memref_squeeze %dma_wait3A_76 : memref<1x128xi32, #tpu.memory_space<vmem>> -> memref<128xi32, #tpu.memory_space<vmem>>
    %dma_wait3A_78 = arith.constant 0 : i32
    %dma_wait3A_79 = arith.constant 0 : i32
    %dma_wait3A_80 = tpu.memref_slice %arg2[%dma_wait3A_78, %dma_wait3A_79] : memref<20000x64xf32, #tpu.memory_space<hbm>> -> memref<20000x64xf32, #tpu.memory_space<hbm>>
    tpu.wait_indirect_dma semaphore(%arg19 : memref<!tpu.dma_semaphore, #tpu.memory_space<semaphore_mem>>) src(%dma_wait3A_80 : memref<20000x64xf32, #tpu.memory_space<hbm>>) dst(%arg14 : memref<128x64xf32, #tpu.memory_space<vmem>>)
    %run_scoped3A_81 = arith.constant 159 : i32
    "tpu.region"() ({
      %run_scoped3A_188 = tpu.sem_alloc : memref<!tpu.dma_semaphore, #tpu.memory_space<semaphore_mem>>
      %dma_start3A_189 = arith.constant 0 : i32
      %dma_start3A_190 = tpu.memref_slice %arg9[%run_scoped3A_81, %dma_start3A_189] : memref<160x128xi32, #tpu.memory_space<vmem>> -> memref<1x128xi32, #tpu.memory_space<vmem>>
      %dma_start3A_191 = tpu.memref_squeeze %dma_start3A_190 : memref<1x128xi32, #tpu.memory_space<vmem>> -> memref<128xi32, #tpu.memory_space<vmem>>
      %dma_start3A_192 = arith.constant 0 : i32
      %dma_start3A_193 = arith.constant 0 : i32
      %dma_start3A_194 = tpu.memref_slice %arg20[%dma_start3A_192, %dma_start3A_193] : memref<10112x64xf32, #tpu.memory_space<vmem_shared>> -> memref<10112x64xf32, #tpu.memory_space<vmem_shared>>
      tpu.enqueue_indirect_dma source(%arg14 : memref<128x64xf32, #tpu.memory_space<vmem>>) target(%dma_start3A_194 : memref<10112x64xf32, #tpu.memory_space<vmem_shared>>) offsets(%dma_start3A_191 : memref<128xi32, #tpu.memory_space<vmem>>) semaphore(%run_scoped3A_188 : memref<!tpu.dma_semaphore, #tpu.memory_space<semaphore_mem>>) {add = true}
      %dma_wait3A_195 = arith.constant 0 : i32
      %dma_wait3A_196 = tpu.memref_slice %arg9[%run_scoped3A_81, %dma_wait3A_195] : memref<160x128xi32, #tpu.memory_space<vmem>> -> memref<1x128xi32, #tpu.memory_space<vmem>>
      %dma_wait3A_197 = tpu.memref_squeeze %dma_wait3A_196 : memref<1x128xi32, #tpu.memory_space<vmem>> -> memref<128xi32, #tpu.memory_space<vmem>>
      %dma_wait3A_198 = arith.constant 0 : i32
      %dma_wait3A_199 = arith.constant 0 : i32
      %dma_wait3A_200 = tpu.memref_slice %arg20[%dma_wait3A_198, %dma_wait3A_199] : memref<10112x64xf32, #tpu.memory_space<vmem_shared>> -> memref<10112x64xf32, #tpu.memory_space<vmem_shared>>
      tpu.wait_indirect_dma semaphore(%run_scoped3A_188 : memref<!tpu.dma_semaphore, #tpu.memory_space<semaphore_mem>>) src(%arg14 : memref<128x64xf32, #tpu.memory_space<vmem>>) dst(%dma_wait3A_200 : memref<10112x64xf32, #tpu.memory_space<vmem_shared>>)
      tpu.yield
    }) : () -> ()
    %barrier3A_82 = arith.constant 0 : index
    tpu.barrier barrier_id(%barrier3A_82)
    %mul3A_83 = arith.constant 632 : i32
    %mul3A_84 = arith.muli %arg1, %mul3A_83 : i32
    %add3A_85 = arith.constant 0 : i32
    %add3A_86 = arith.addi %add3A_85, %arg0 : i32
    %mul3A_87 = arith.constant 10112 : i32
    %mul3A_88 = arith.muli %add3A_86, %mul3A_87 : i32
    %mul3A_89 = arith.constant 632 : i32
    %mul3A_90 = arith.muli %arg1, %mul3A_89 : i32
    %add3A_91 = arith.addi %mul3A_88, %mul3A_90 : i32
    "tpu.region"() ({
      %run_scoped3A_188 = tpu.sem_alloc : memref<!tpu.dma_semaphore, #tpu.memory_space<semaphore_mem>>
      %dma_start3A_189 = arith.constant 0 : i32
      %dma_start3A_190 = tpu.memref_slice %arg7[%add3A_91, %dma_start3A_189] : memref<40448x64xf32, #tpu.memory_space<hbm>> -> memref<632x64xf32, #tpu.memory_space<hbm>>
      %dma_start3A_191 = arith.constant 0 : i32
      %dma_start3A_192 = tpu.memref_slice %arg20[%mul3A_84, %dma_start3A_191] : memref<10112x64xf32, #tpu.memory_space<vmem_shared>> -> memref<632x64xf32, #tpu.memory_space<vmem_shared>>
      tpu.enqueue_dma source(%dma_start3A_192 : memref<632x64xf32, #tpu.memory_space<vmem_shared>>) target(%dma_start3A_190 : memref<632x64xf32, #tpu.memory_space<hbm>>) target_semaphore(%run_scoped3A_188 : memref<!tpu.dma_semaphore, #tpu.memory_space<semaphore_mem>>)
      %dma_wait3A_193 = arith.constant 0 : i32
      %dma_wait3A_194 = tpu.memref_slice %arg7[%add3A_91, %dma_wait3A_193] : memref<40448x64xf32, #tpu.memory_space<hbm>> -> memref<632x64xf32, #tpu.memory_space<hbm>>
      %dma_wait3A_195 = arith.constant 0 : i32
      %dma_wait3A_196 = tpu.memref_slice %arg20[%mul3A_84, %dma_wait3A_195] : memref<10112x64xf32, #tpu.memory_space<vmem_shared>> -> memref<632x64xf32, #tpu.memory_space<vmem_shared>>
      tpu.wait_dma2 semaphore(%run_scoped3A_188 : memref<!tpu.dma_semaphore, #tpu.memory_space<semaphore_mem>>) src(%dma_wait3A_196 : memref<632x64xf32, #tpu.memory_space<vmem_shared>>) dst(%dma_wait3A_194 : memref<632x64xf32, #tpu.memory_space<hbm>>)
      tpu.yield
    }) : () -> ()
    %mul3A_92 = arith.constant 632 : i32
    %mul3A_93 = arith.muli %arg1, %mul3A_92 : i32
    %mul3A_94 = arith.constant 632 : i32
    %mul3A_95 = arith.muli %arg1, %mul3A_94 : i32
    "tpu.region"() ({
      %run_scoped3A_188 = tpu.sem_alloc : memref<!tpu.dma_semaphore, #tpu.memory_space<semaphore_mem>>
      %dma_start3A_189 = arith.constant 0 : i32
      %dma_start3A_190 = tpu.memref_slice %arg20[%mul3A_95, %dma_start3A_189] : memref<10112x64xf32, #tpu.memory_space<vmem_shared>> -> memref<632x64xf32, #tpu.memory_space<vmem_shared>>
      %dma_start3A_191 = arith.constant 0 : i32
      %dma_start3A_192 = tpu.memref_slice %arg6[%mul3A_93, %dma_start3A_191] : memref<10112x64xf32, #tpu.memory_space<hbm>> -> memref<632x64xf32, #tpu.memory_space<hbm>>
      tpu.enqueue_dma source(%dma_start3A_192 : memref<632x64xf32, #tpu.memory_space<hbm>>) target(%dma_start3A_190 : memref<632x64xf32, #tpu.memory_space<vmem_shared>>) target_semaphore(%run_scoped3A_188 : memref<!tpu.dma_semaphore, #tpu.memory_space<semaphore_mem>>)
      %dma_wait3A_193 = arith.constant 0 : i32
      %dma_wait3A_194 = tpu.memref_slice %arg20[%mul3A_95, %dma_wait3A_193] : memref<10112x64xf32, #tpu.memory_space<vmem_shared>> -> memref<632x64xf32, #tpu.memory_space<vmem_shared>>
      %dma_wait3A_195 = arith.constant 0 : i32
      %dma_wait3A_196 = tpu.memref_slice %arg6[%mul3A_93, %dma_wait3A_195] : memref<10112x64xf32, #tpu.memory_space<hbm>> -> memref<632x64xf32, #tpu.memory_space<hbm>>
      tpu.wait_dma2 semaphore(%run_scoped3A_188 : memref<!tpu.dma_semaphore, #tpu.memory_space<semaphore_mem>>) src(%dma_wait3A_196 : memref<632x64xf32, #tpu.memory_space<hbm>>) dst(%dma_wait3A_194 : memref<632x64xf32, #tpu.memory_space<vmem_shared>>)
      tpu.yield
    }) : () -> ()
    %barrier3A_96 = arith.constant 0 : index
    tpu.barrier barrier_id(%barrier3A_96)
    %dma_start3A_97 = arith.constant 0 : i32
    %dma_start3A_98 = arith.constant 0 : i32
    %dma_start3A_99 = tpu.memref_slice %arg8[%dma_start3A_97, %dma_start3A_98] : memref<160x128xi32, #tpu.memory_space<vmem>> -> memref<1x128xi32, #tpu.memory_space<vmem>>
    %dma_start3A_100 = tpu.memref_squeeze %dma_start3A_99 : memref<1x128xi32, #tpu.memory_space<vmem>> -> memref<128xi32, #tpu.memory_space<vmem>>
    %dma_start3A_101 = arith.constant 0 : i32
    %dma_start3A_102 = arith.constant 0 : i32
    %dma_start3A_103 = tpu.memref_slice %arg3[%dma_start3A_101, %dma_start3A_102] : memref<20000x64xf32, #tpu.memory_space<hbm>> -> memref<20000x64xf32, #tpu.memory_space<hbm>>
    tpu.enqueue_indirect_dma source(%dma_start3A_103 : memref<20000x64xf32, #tpu.memory_space<hbm>>) target(%arg10 : memref<128x64xf32, #tpu.memory_space<vmem>>) offsets(%dma_start3A_100 : memref<128xi32, #tpu.memory_space<vmem>>) semaphore(%arg15 : memref<!tpu.dma_semaphore, #tpu.memory_space<semaphore_mem>>)
    %dma_start3A_104 = arith.constant 1 : i32
    %dma_start3A_105 = arith.constant 0 : i32
    %dma_start3A_106 = tpu.memref_slice %arg8[%dma_start3A_104, %dma_start3A_105] : memref<160x128xi32, #tpu.memory_space<vmem>> -> memref<1x128xi32, #tpu.memory_space<vmem>>
    %dma_start3A_107 = tpu.memref_squeeze %dma_start3A_106 : memref<1x128xi32, #tpu.memory_space<vmem>> -> memref<128xi32, #tpu.memory_space<vmem>>
    %dma_start3A_108 = arith.constant 0 : i32
    %dma_start3A_109 = arith.constant 0 : i32
    %dma_start3A_110 = tpu.memref_slice %arg3[%dma_start3A_108, %dma_start3A_109] : memref<20000x64xf32, #tpu.memory_space<hbm>> -> memref<20000x64xf32, #tpu.memory_space<hbm>>
    tpu.enqueue_indirect_dma source(%dma_start3A_110 : memref<20000x64xf32, #tpu.memory_space<hbm>>) target(%arg11 : memref<128x64xf32, #tpu.memory_space<vmem>>) offsets(%dma_start3A_107 : memref<128xi32, #tpu.memory_space<vmem>>) semaphore(%arg16 : memref<!tpu.dma_semaphore, #tpu.memory_space<semaphore_mem>>)
    %dma_start3A_111 = arith.constant 2 : i32
    %dma_start3A_112 = arith.constant 0 : i32
    %dma_start3A_113 = tpu.memref_slice %arg8[%dma_start3A_111, %dma_start3A_112] : memref<160x128xi32, #tpu.memory_space<vmem>> -> memref<1x128xi32, #tpu.memory_space<vmem>>
    %dma_start3A_114 = tpu.memref_squeeze %dma_start3A_113 : memref<1x128xi32, #tpu.memory_space<vmem>> -> memref<128xi32, #tpu.memory_space<vmem>>
    %dma_start3A_115 = arith.constant 0 : i32
    %dma_start3A_116 = arith.constant 0 : i32
    %dma_start3A_117 = tpu.memref_slice %arg3[%dma_start3A_115, %dma_start3A_116] : memref<20000x64xf32, #tpu.memory_space<hbm>> -> memref<20000x64xf32, #tpu.memory_space<hbm>>
    tpu.enqueue_indirect_dma source(%dma_start3A_117 : memref<20000x64xf32, #tpu.memory_space<hbm>>) target(%arg12 : memref<128x64xf32, #tpu.memory_space<vmem>>) offsets(%dma_start3A_114 : memref<128xi32, #tpu.memory_space<vmem>>) semaphore(%arg17 : memref<!tpu.dma_semaphore, #tpu.memory_space<semaphore_mem>>)
    %dma_start3A_118 = arith.constant 3 : i32
    %dma_start3A_119 = arith.constant 0 : i32
    %dma_start3A_120 = tpu.memref_slice %arg8[%dma_start3A_118, %dma_start3A_119] : memref<160x128xi32, #tpu.memory_space<vmem>> -> memref<1x128xi32, #tpu.memory_space<vmem>>
    %dma_start3A_121 = tpu.memref_squeeze %dma_start3A_120 : memref<1x128xi32, #tpu.memory_space<vmem>> -> memref<128xi32, #tpu.memory_space<vmem>>
    %dma_start3A_122 = arith.constant 0 : i32
    %dma_start3A_123 = arith.constant 0 : i32
    %dma_start3A_124 = tpu.memref_slice %arg3[%dma_start3A_122, %dma_start3A_123] : memref<20000x64xf32, #tpu.memory_space<hbm>> -> memref<20000x64xf32, #tpu.memory_space<hbm>>
    tpu.enqueue_indirect_dma source(%dma_start3A_124 : memref<20000x64xf32, #tpu.memory_space<hbm>>) target(%arg13 : memref<128x64xf32, #tpu.memory_space<vmem>>) offsets(%dma_start3A_121 : memref<128xi32, #tpu.memory_space<vmem>>) semaphore(%arg18 : memref<!tpu.dma_semaphore, #tpu.memory_space<semaphore_mem>>)
    %dma_start3A_125 = arith.constant 4 : i32
    %dma_start3A_126 = arith.constant 0 : i32
    %dma_start3A_127 = tpu.memref_slice %arg8[%dma_start3A_125, %dma_start3A_126] : memref<160x128xi32, #tpu.memory_space<vmem>> -> memref<1x128xi32, #tpu.memory_space<vmem>>
    %dma_start3A_128 = tpu.memref_squeeze %dma_start3A_127 : memref<1x128xi32, #tpu.memory_space<vmem>> -> memref<128xi32, #tpu.memory_space<vmem>>
    %dma_start3A_129 = arith.constant 0 : i32
    %dma_start3A_130 = arith.constant 0 : i32
    %dma_start3A_131 = tpu.memref_slice %arg3[%dma_start3A_129, %dma_start3A_130] : memref<20000x64xf32, #tpu.memory_space<hbm>> -> memref<20000x64xf32, #tpu.memory_space<hbm>>
    tpu.enqueue_indirect_dma source(%dma_start3A_131 : memref<20000x64xf32, #tpu.memory_space<hbm>>) target(%arg14 : memref<128x64xf32, #tpu.memory_space<vmem>>) offsets(%dma_start3A_128 : memref<128xi32, #tpu.memory_space<vmem>>) semaphore(%arg19 : memref<!tpu.dma_semaphore, #tpu.memory_space<semaphore_mem>>)
    %scan3A_132 = arith.constant 0 : i32
    %scan3A_133 = arith.constant 0 : i32
    %scan3A_134 = arith.constant 31 : i32
    %scan3A_135 = arith.addi %scan3A_133, %scan3A_134 : i32
    %scan3A_136 = arith.constant 1 : i32
    scf.for %scan3A_188 = %scan3A_133 to %scan3A_135 step %scan3A_136  : i32 {
      %mul3A_189 = arith.constant 5 : i32
      %mul3A_190 = arith.muli %scan3A_188, %mul3A_189 : i32
      %add3A_191 = arith.constant 0 : i32
      %add3A_192 = arith.addi %mul3A_190, %add3A_191 : i32
      %dma_wait3A_193 = arith.constant 0 : i32
      %dma_wait3A_194 = tpu.memref_slice %arg8[%add3A_192, %dma_wait3A_193] : memref<160x128xi32, #tpu.memory_space<vmem>> -> memref<1x128xi32, #tpu.memory_space<vmem>>
      %dma_wait3A_195 = tpu.memref_squeeze %dma_wait3A_194 : memref<1x128xi32, #tpu.memory_space<vmem>> -> memref<128xi32, #tpu.memory_space<vmem>>
      %dma_wait3A_196 = arith.constant 0 : i32
      %dma_wait3A_197 = arith.constant 0 : i32
      %dma_wait3A_198 = tpu.memref_slice %arg3[%dma_wait3A_196, %dma_wait3A_197] : memref<20000x64xf32, #tpu.memory_space<hbm>> -> memref<20000x64xf32, #tpu.memory_space<hbm>>
      tpu.wait_indirect_dma semaphore(%arg15 : memref<!tpu.dma_semaphore, #tpu.memory_space<semaphore_mem>>) src(%dma_wait3A_198 : memref<20000x64xf32, #tpu.memory_space<hbm>>) dst(%arg10 : memref<128x64xf32, #tpu.memory_space<vmem>>)
      "tpu.region"() ({
        %run_scoped3A_279 = tpu.sem_alloc : memref<!tpu.dma_semaphore, #tpu.memory_space<semaphore_mem>>
        %dma_start3A_280 = arith.constant 0 : i32
        %dma_start3A_281 = tpu.memref_slice %arg9[%add3A_192, %dma_start3A_280] : memref<160x128xi32, #tpu.memory_space<vmem>> -> memref<1x128xi32, #tpu.memory_space<vmem>>
        %dma_start3A_282 = tpu.memref_squeeze %dma_start3A_281 : memref<1x128xi32, #tpu.memory_space<vmem>> -> memref<128xi32, #tpu.memory_space<vmem>>
        %dma_start3A_283 = arith.constant 0 : i32
        %dma_start3A_284 = arith.constant 0 : i32
        %dma_start3A_285 = tpu.memref_slice %arg20[%dma_start3A_283, %dma_start3A_284] : memref<10112x64xf32, #tpu.memory_space<vmem_shared>> -> memref<10112x64xf32, #tpu.memory_space<vmem_shared>>
        tpu.enqueue_indirect_dma source(%arg10 : memref<128x64xf32, #tpu.memory_space<vmem>>) target(%dma_start3A_285 : memref<10112x64xf32, #tpu.memory_space<vmem_shared>>) offsets(%dma_start3A_282 : memref<128xi32, #tpu.memory_space<vmem>>) semaphore(%run_scoped3A_279 : memref<!tpu.dma_semaphore, #tpu.memory_space<semaphore_mem>>) {add = true}
        %dma_wait3A_286 = arith.constant 0 : i32
        %dma_wait3A_287 = tpu.memref_slice %arg9[%add3A_192, %dma_wait3A_286] : memref<160x128xi32, #tpu.memory_space<vmem>> -> memref<1x128xi32, #tpu.memory_space<vmem>>
        %dma_wait3A_288 = tpu.memref_squeeze %dma_wait3A_287 : memref<1x128xi32, #tpu.memory_space<vmem>> -> memref<128xi32, #tpu.memory_space<vmem>>
        %dma_wait3A_289 = arith.constant 0 : i32
        %dma_wait3A_290 = arith.constant 0 : i32
        %dma_wait3A_291 = tpu.memref_slice %arg20[%dma_wait3A_289, %dma_wait3A_290] : memref<10112x64xf32, #tpu.memory_space<vmem_shared>> -> memref<10112x64xf32, #tpu.memory_space<vmem_shared>>
        tpu.wait_indirect_dma semaphore(%run_scoped3A_279 : memref<!tpu.dma_semaphore, #tpu.memory_space<semaphore_mem>>) src(%arg10 : memref<128x64xf32, #tpu.memory_space<vmem>>) dst(%dma_wait3A_291 : memref<10112x64xf32, #tpu.memory_space<vmem_shared>>)
        tpu.yield
      }) : () -> ()
      %add3A_199 = arith.constant 5 : i32
      %add3A_200 = arith.addi %add3A_192, %add3A_199 : i32
      %dma_start3A_201 = arith.constant 0 : i32
      %dma_start3A_202 = tpu.memref_slice %arg8[%add3A_200, %dma_start3A_201] : memref<160x128xi32, #tpu.memory_space<vmem>> -> memref<1x128xi32, #tpu.memory_space<vmem>>
      %dma_start3A_203 = tpu.memref_squeeze %dma_start3A_202 : memref<1x128xi32, #tpu.memory_space<vmem>> -> memref<128xi32, #tpu.memory_space<vmem>>
      %dma_start3A_204 = arith.constant 0 : i32
      %dma_start3A_205 = arith.constant 0 : i32
      %dma_start3A_206 = tpu.memref_slice %arg3[%dma_start3A_204, %dma_start3A_205] : memref<20000x64xf32, #tpu.memory_space<hbm>> -> memref<20000x64xf32, #tpu.memory_space<hbm>>
      tpu.enqueue_indirect_dma source(%dma_start3A_206 : memref<20000x64xf32, #tpu.memory_space<hbm>>) target(%arg10 : memref<128x64xf32, #tpu.memory_space<vmem>>) offsets(%dma_start3A_203 : memref<128xi32, #tpu.memory_space<vmem>>) semaphore(%arg15 : memref<!tpu.dma_semaphore, #tpu.memory_space<semaphore_mem>>)
      %mul3A_207 = arith.constant 5 : i32
      %mul3A_208 = arith.muli %scan3A_188, %mul3A_207 : i32
      %add3A_209 = arith.constant 1 : i32
      %add3A_210 = arith.addi %mul3A_208, %add3A_209 : i32
      %dma_wait3A_211 = arith.constant 0 : i32
      %dma_wait3A_212 = tpu.memref_slice %arg8[%add3A_210, %dma_wait3A_211] : memref<160x128xi32, #tpu.memory_space<vmem>> -> memref<1x128xi32, #tpu.memory_space<vmem>>
      %dma_wait3A_213 = tpu.memref_squeeze %dma_wait3A_212 : memref<1x128xi32, #tpu.memory_space<vmem>> -> memref<128xi32, #tpu.memory_space<vmem>>
      %dma_wait3A_214 = arith.constant 0 : i32
      %dma_wait3A_215 = arith.constant 0 : i32
      %dma_wait3A_216 = tpu.memref_slice %arg3[%dma_wait3A_214, %dma_wait3A_215] : memref<20000x64xf32, #tpu.memory_space<hbm>> -> memref<20000x64xf32, #tpu.memory_space<hbm>>
      tpu.wait_indirect_dma semaphore(%arg16 : memref<!tpu.dma_semaphore, #tpu.memory_space<semaphore_mem>>) src(%dma_wait3A_216 : memref<20000x64xf32, #tpu.memory_space<hbm>>) dst(%arg11 : memref<128x64xf32, #tpu.memory_space<vmem>>)
      "tpu.region"() ({
        %run_scoped3A_279 = tpu.sem_alloc : memref<!tpu.dma_semaphore, #tpu.memory_space<semaphore_mem>>
        %dma_start3A_280 = arith.constant 0 : i32
        %dma_start3A_281 = tpu.memref_slice %arg9[%add3A_210, %dma_start3A_280] : memref<160x128xi32, #tpu.memory_space<vmem>> -> memref<1x128xi32, #tpu.memory_space<vmem>>
        %dma_start3A_282 = tpu.memref_squeeze %dma_start3A_281 : memref<1x128xi32, #tpu.memory_space<vmem>> -> memref<128xi32, #tpu.memory_space<vmem>>
        %dma_start3A_283 = arith.constant 0 : i32
        %dma_start3A_284 = arith.constant 0 : i32
        %dma_start3A_285 = tpu.memref_slice %arg20[%dma_start3A_283, %dma_start3A_284] : memref<10112x64xf32, #tpu.memory_space<vmem_shared>> -> memref<10112x64xf32, #tpu.memory_space<vmem_shared>>
        tpu.enqueue_indirect_dma source(%arg11 : memref<128x64xf32, #tpu.memory_space<vmem>>) target(%dma_start3A_285 : memref<10112x64xf32, #tpu.memory_space<vmem_shared>>) offsets(%dma_start3A_282 : memref<128xi32, #tpu.memory_space<vmem>>) semaphore(%run_scoped3A_279 : memref<!tpu.dma_semaphore, #tpu.memory_space<semaphore_mem>>) {add = true}
        %dma_wait3A_286 = arith.constant 0 : i32
        %dma_wait3A_287 = tpu.memref_slice %arg9[%add3A_210, %dma_wait3A_286] : memref<160x128xi32, #tpu.memory_space<vmem>> -> memref<1x128xi32, #tpu.memory_space<vmem>>
        %dma_wait3A_288 = tpu.memref_squeeze %dma_wait3A_287 : memref<1x128xi32, #tpu.memory_space<vmem>> -> memref<128xi32, #tpu.memory_space<vmem>>
        %dma_wait3A_289 = arith.constant 0 : i32
        %dma_wait3A_290 = arith.constant 0 : i32
        %dma_wait3A_291 = tpu.memref_slice %arg20[%dma_wait3A_289, %dma_wait3A_290] : memref<10112x64xf32, #tpu.memory_space<vmem_shared>> -> memref<10112x64xf32, #tpu.memory_space<vmem_shared>>
        tpu.wait_indirect_dma semaphore(%run_scoped3A_279 : memref<!tpu.dma_semaphore, #tpu.memory_space<semaphore_mem>>) src(%arg11 : memref<128x64xf32, #tpu.memory_space<vmem>>) dst(%dma_wait3A_291 : memref<10112x64xf32, #tpu.memory_space<vmem_shared>>)
        tpu.yield
      }) : () -> ()
      %add3A_217 = arith.constant 5 : i32
      %add3A_218 = arith.addi %add3A_210, %add3A_217 : i32
      %dma_start3A_219 = arith.constant 0 : i32
      %dma_start3A_220 = tpu.memref_slice %arg8[%add3A_218, %dma_start3A_219] : memref<160x128xi32, #tpu.memory_space<vmem>> -> memref<1x128xi32, #tpu.memory_space<vmem>>
      %dma_start3A_221 = tpu.memref_squeeze %dma_start3A_220 : memref<1x128xi32, #tpu.memory_space<vmem>> -> memref<128xi32, #tpu.memory_space<vmem>>
      %dma_start3A_222 = arith.constant 0 : i32
      %dma_start3A_223 = arith.constant 0 : i32
      %dma_start3A_224 = tpu.memref_slice %arg3[%dma_start3A_222, %dma_start3A_223] : memref<20000x64xf32, #tpu.memory_space<hbm>> -> memref<20000x64xf32, #tpu.memory_space<hbm>>
      tpu.enqueue_indirect_dma source(%dma_start3A_224 : memref<20000x64xf32, #tpu.memory_space<hbm>>) target(%arg11 : memref<128x64xf32, #tpu.memory_space<vmem>>) offsets(%dma_start3A_221 : memref<128xi32, #tpu.memory_space<vmem>>) semaphore(%arg16 : memref<!tpu.dma_semaphore, #tpu.memory_space<semaphore_mem>>)
      %mul3A_225 = arith.constant 5 : i32
      %mul3A_226 = arith.muli %scan3A_188, %mul3A_225 : i32
      %add3A_227 = arith.constant 2 : i32
      %add3A_228 = arith.addi %mul3A_226, %add3A_227 : i32
      %dma_wait3A_229 = arith.constant 0 : i32
      %dma_wait3A_230 = tpu.memref_slice %arg8[%add3A_228, %dma_wait3A_229] : memref<160x128xi32, #tpu.memory_space<vmem>> -> memref<1x128xi32, #tpu.memory_space<vmem>>
      %dma_wait3A_231 = tpu.memref_squeeze %dma_wait3A_230 : memref<1x128xi32, #tpu.memory_space<vmem>> -> memref<128xi32, #tpu.memory_space<vmem>>
      %dma_wait3A_232 = arith.constant 0 : i32
      %dma_wait3A_233 = arith.constant 0 : i32
      %dma_wait3A_234 = tpu.memref_slice %arg3[%dma_wait3A_232, %dma_wait3A_233] : memref<20000x64xf32, #tpu.memory_space<hbm>> -> memref<20000x64xf32, #tpu.memory_space<hbm>>
      tpu.wait_indirect_dma semaphore(%arg17 : memref<!tpu.dma_semaphore, #tpu.memory_space<semaphore_mem>>) src(%dma_wait3A_234 : memref<20000x64xf32, #tpu.memory_space<hbm>>) dst(%arg12 : memref<128x64xf32, #tpu.memory_space<vmem>>)
      "tpu.region"() ({
        %run_scoped3A_279 = tpu.sem_alloc : memref<!tpu.dma_semaphore, #tpu.memory_space<semaphore_mem>>
        %dma_start3A_280 = arith.constant 0 : i32
        %dma_start3A_281 = tpu.memref_slice %arg9[%add3A_228, %dma_start3A_280] : memref<160x128xi32, #tpu.memory_space<vmem>> -> memref<1x128xi32, #tpu.memory_space<vmem>>
        %dma_start3A_282 = tpu.memref_squeeze %dma_start3A_281 : memref<1x128xi32, #tpu.memory_space<vmem>> -> memref<128xi32, #tpu.memory_space<vmem>>
        %dma_start3A_283 = arith.constant 0 : i32
        %dma_start3A_284 = arith.constant 0 : i32
        %dma_start3A_285 = tpu.memref_slice %arg20[%dma_start3A_283, %dma_start3A_284] : memref<10112x64xf32, #tpu.memory_space<vmem_shared>> -> memref<10112x64xf32, #tpu.memory_space<vmem_shared>>
        tpu.enqueue_indirect_dma source(%arg12 : memref<128x64xf32, #tpu.memory_space<vmem>>) target(%dma_start3A_285 : memref<10112x64xf32, #tpu.memory_space<vmem_shared>>) offsets(%dma_start3A_282 : memref<128xi32, #tpu.memory_space<vmem>>) semaphore(%run_scoped3A_279 : memref<!tpu.dma_semaphore, #tpu.memory_space<semaphore_mem>>) {add = true}
        %dma_wait3A_286 = arith.constant 0 : i32
        %dma_wait3A_287 = tpu.memref_slice %arg9[%add3A_228, %dma_wait3A_286] : memref<160x128xi32, #tpu.memory_space<vmem>> -> memref<1x128xi32, #tpu.memory_space<vmem>>
        %dma_wait3A_288 = tpu.memref_squeeze %dma_wait3A_287 : memref<1x128xi32, #tpu.memory_space<vmem>> -> memref<128xi32, #tpu.memory_space<vmem>>
        %dma_wait3A_289 = arith.constant 0 : i32
        %dma_wait3A_290 = arith.constant 0 : i32
        %dma_wait3A_291 = tpu.memref_slice %arg20[%dma_wait3A_289, %dma_wait3A_290] : memref<10112x64xf32, #tpu.memory_space<vmem_shared>> -> memref<10112x64xf32, #tpu.memory_space<vmem_shared>>
        tpu.wait_indirect_dma semaphore(%run_scoped3A_279 : memref<!tpu.dma_semaphore, #tpu.memory_space<semaphore_mem>>) src(%arg12 : memref<128x64xf32, #tpu.memory_space<vmem>>) dst(%dma_wait3A_291 : memref<10112x64xf32, #tpu.memory_space<vmem_shared>>)
        tpu.yield
      }) : () -> ()
      %add3A_235 = arith.constant 5 : i32
      %add3A_236 = arith.addi %add3A_228, %add3A_235 : i32
      %dma_start3A_237 = arith.constant 0 : i32
      %dma_start3A_238 = tpu.memref_slice %arg8[%add3A_236, %dma_start3A_237] : memref<160x128xi32, #tpu.memory_space<vmem>> -> memref<1x128xi32, #tpu.memory_space<vmem>>
      %dma_start3A_239 = tpu.memref_squeeze %dma_start3A_238 : memref<1x128xi32, #tpu.memory_space<vmem>> -> memref<128xi32, #tpu.memory_space<vmem>>
      %dma_start3A_240 = arith.constant 0 : i32
      %dma_start3A_241 = arith.constant 0 : i32
      %dma_start3A_242 = tpu.memref_slice %arg3[%dma_start3A_240, %dma_start3A_241] : memref<20000x64xf32, #tpu.memory_space<hbm>> -> memref<20000x64xf32, #tpu.memory_space<hbm>>
      tpu.enqueue_indirect_dma source(%dma_start3A_242 : memref<20000x64xf32, #tpu.memory_space<hbm>>) target(%arg12 : memref<128x64xf32, #tpu.memory_space<vmem>>) offsets(%dma_start3A_239 : memref<128xi32, #tpu.memory_space<vmem>>) semaphore(%arg17 : memref<!tpu.dma_semaphore, #tpu.memory_space<semaphore_mem>>)
      %mul3A_243 = arith.constant 5 : i32
      %mul3A_244 = arith.muli %scan3A_188, %mul3A_243 : i32
      %add3A_245 = arith.constant 3 : i32
      %add3A_246 = arith.addi %mul3A_244, %add3A_245 : i32
      %dma_wait3A_247 = arith.constant 0 : i32
      %dma_wait3A_248 = tpu.memref_slice %arg8[%add3A_246, %dma_wait3A_247] : memref<160x128xi32, #tpu.memory_space<vmem>> -> memref<1x128xi32, #tpu.memory_space<vmem>>
      %dma_wait3A_249 = tpu.memref_squeeze %dma_wait3A_248 : memref<1x128xi32, #tpu.memory_space<vmem>> -> memref<128xi32, #tpu.memory_space<vmem>>
      %dma_wait3A_250 = arith.constant 0 : i32
      %dma_wait3A_251 = arith.constant 0 : i32
      %dma_wait3A_252 = tpu.memref_slice %arg3[%dma_wait3A_250, %dma_wait3A_251] : memref<20000x64xf32, #tpu.memory_space<hbm>> -> memref<20000x64xf32, #tpu.memory_space<hbm>>
      tpu.wait_indirect_dma semaphore(%arg18 : memref<!tpu.dma_semaphore, #tpu.memory_space<semaphore_mem>>) src(%dma_wait3A_252 : memref<20000x64xf32, #tpu.memory_space<hbm>>) dst(%arg13 : memref<128x64xf32, #tpu.memory_space<vmem>>)
      "tpu.region"() ({
        %run_scoped3A_279 = tpu.sem_alloc : memref<!tpu.dma_semaphore, #tpu.memory_space<semaphore_mem>>
        %dma_start3A_280 = arith.constant 0 : i32
        %dma_start3A_281 = tpu.memref_slice %arg9[%add3A_246, %dma_start3A_280] : memref<160x128xi32, #tpu.memory_space<vmem>> -> memref<1x128xi32, #tpu.memory_space<vmem>>
        %dma_start3A_282 = tpu.memref_squeeze %dma_start3A_281 : memref<1x128xi32, #tpu.memory_space<vmem>> -> memref<128xi32, #tpu.memory_space<vmem>>
        %dma_start3A_283 = arith.constant 0 : i32
        %dma_start3A_284 = arith.constant 0 : i32
        %dma_start3A_285 = tpu.memref_slice %arg20[%dma_start3A_283, %dma_start3A_284] : memref<10112x64xf32, #tpu.memory_space<vmem_shared>> -> memref<10112x64xf32, #tpu.memory_space<vmem_shared>>
        tpu.enqueue_indirect_dma source(%arg13 : memref<128x64xf32, #tpu.memory_space<vmem>>) target(%dma_start3A_285 : memref<10112x64xf32, #tpu.memory_space<vmem_shared>>) offsets(%dma_start3A_282 : memref<128xi32, #tpu.memory_space<vmem>>) semaphore(%run_scoped3A_279 : memref<!tpu.dma_semaphore, #tpu.memory_space<semaphore_mem>>) {add = true}
        %dma_wait3A_286 = arith.constant 0 : i32
        %dma_wait3A_287 = tpu.memref_slice %arg9[%add3A_246, %dma_wait3A_286] : memref<160x128xi32, #tpu.memory_space<vmem>> -> memref<1x128xi32, #tpu.memory_space<vmem>>
        %dma_wait3A_288 = tpu.memref_squeeze %dma_wait3A_287 : memref<1x128xi32, #tpu.memory_space<vmem>> -> memref<128xi32, #tpu.memory_space<vmem>>
        %dma_wait3A_289 = arith.constant 0 : i32
        %dma_wait3A_290 = arith.constant 0 : i32
        %dma_wait3A_291 = tpu.memref_slice %arg20[%dma_wait3A_289, %dma_wait3A_290] : memref<10112x64xf32, #tpu.memory_space<vmem_shared>> -> memref<10112x64xf32, #tpu.memory_space<vmem_shared>>
        tpu.wait_indirect_dma semaphore(%run_scoped3A_279 : memref<!tpu.dma_semaphore, #tpu.memory_space<semaphore_mem>>) src(%arg13 : memref<128x64xf32, #tpu.memory_space<vmem>>) dst(%dma_wait3A_291 : memref<10112x64xf32, #tpu.memory_space<vmem_shared>>)
        tpu.yield
      }) : () -> ()
      %add3A_253 = arith.constant 5 : i32
      %add3A_254 = arith.addi %add3A_246, %add3A_253 : i32
      %dma_start3A_255 = arith.constant 0 : i32
      %dma_start3A_256 = tpu.memref_slice %arg8[%add3A_254, %dma_start3A_255] : memref<160x128xi32, #tpu.memory_space<vmem>> -> memref<1x128xi32, #tpu.memory_space<vmem>>
      %dma_start3A_257 = tpu.memref_squeeze %dma_start3A_256 : memref<1x128xi32, #tpu.memory_space<vmem>> -> memref<128xi32, #tpu.memory_space<vmem>>
      %dma_start3A_258 = arith.constant 0 : i32
      %dma_start3A_259 = arith.constant 0 : i32
      %dma_start3A_260 = tpu.memref_slice %arg3[%dma_start3A_258, %dma_start3A_259] : memref<20000x64xf32, #tpu.memory_space<hbm>> -> memref<20000x64xf32, #tpu.memory_space<hbm>>
      tpu.enqueue_indirect_dma source(%dma_start3A_260 : memref<20000x64xf32, #tpu.memory_space<hbm>>) target(%arg13 : memref<128x64xf32, #tpu.memory_space<vmem>>) offsets(%dma_start3A_257 : memref<128xi32, #tpu.memory_space<vmem>>) semaphore(%arg18 : memref<!tpu.dma_semaphore, #tpu.memory_space<semaphore_mem>>)
      %mul3A_261 = arith.constant 5 : i32
      %mul3A_262 = arith.muli %scan3A_188, %mul3A_261 : i32
      %add3A_263 = arith.constant 4 : i32
      %add3A_264 = arith.addi %mul3A_262, %add3A_263 : i32
      %dma_wait3A_265 = arith.constant 0 : i32
      %dma_wait3A_266 = tpu.memref_slice %arg8[%add3A_264, %dma_wait3A_265] : memref<160x128xi32, #tpu.memory_space<vmem>> -> memref<1x128xi32, #tpu.memory_space<vmem>>
      %dma_wait3A_267 = tpu.memref_squeeze %dma_wait3A_266 : memref<1x128xi32, #tpu.memory_space<vmem>> -> memref<128xi32, #tpu.memory_space<vmem>>
      %dma_wait3A_268 = arith.constant 0 : i32
      %dma_wait3A_269 = arith.constant 0 : i32
      %dma_wait3A_270 = tpu.memref_slice %arg3[%dma_wait3A_268, %dma_wait3A_269] : memref<20000x64xf32, #tpu.memory_space<hbm>> -> memref<20000x64xf32, #tpu.memory_space<hbm>>
      tpu.wait_indirect_dma semaphore(%arg19 : memref<!tpu.dma_semaphore, #tpu.memory_space<semaphore_mem>>) src(%dma_wait3A_270 : memref<20000x64xf32, #tpu.memory_space<hbm>>) dst(%arg14 : memref<128x64xf32, #tpu.memory_space<vmem>>)
      "tpu.region"() ({
        %run_scoped3A_279 = tpu.sem_alloc : memref<!tpu.dma_semaphore, #tpu.memory_space<semaphore_mem>>
        %dma_start3A_280 = arith.constant 0 : i32
        %dma_start3A_281 = tpu.memref_slice %arg9[%add3A_264, %dma_start3A_280] : memref<160x128xi32, #tpu.memory_space<vmem>> -> memref<1x128xi32, #tpu.memory_space<vmem>>
        %dma_start3A_282 = tpu.memref_squeeze %dma_start3A_281 : memref<1x128xi32, #tpu.memory_space<vmem>> -> memref<128xi32, #tpu.memory_space<vmem>>
        %dma_start3A_283 = arith.constant 0 : i32
        %dma_start3A_284 = arith.constant 0 : i32
        %dma_start3A_285 = tpu.memref_slice %arg20[%dma_start3A_283, %dma_start3A_284] : memref<10112x64xf32, #tpu.memory_space<vmem_shared>> -> memref<10112x64xf32, #tpu.memory_space<vmem_shared>>
        tpu.enqueue_indirect_dma source(%arg14 : memref<128x64xf32, #tpu.memory_space<vmem>>) target(%dma_start3A_285 : memref<10112x64xf32, #tpu.memory_space<vmem_shared>>) offsets(%dma_start3A_282 : memref<128xi32, #tpu.memory_space<vmem>>) semaphore(%run_scoped3A_279 : memref<!tpu.dma_semaphore, #tpu.memory_space<semaphore_mem>>) {add = true}
        %dma_wait3A_286 = arith.constant 0 : i32
        %dma_wait3A_287 = tpu.memref_slice %arg9[%add3A_264, %dma_wait3A_286] : memref<160x128xi32, #tpu.memory_space<vmem>> -> memref<1x128xi32, #tpu.memory_space<vmem>>
        %dma_wait3A_288 = tpu.memref_squeeze %dma_wait3A_287 : memref<1x128xi32, #tpu.memory_space<vmem>> -> memref<128xi32, #tpu.memory_space<vmem>>
        %dma_wait3A_289 = arith.constant 0 : i32
        %dma_wait3A_290 = arith.constant 0 : i32
        %dma_wait3A_291 = tpu.memref_slice %arg20[%dma_wait3A_289, %dma_wait3A_290] : memref<10112x64xf32, #tpu.memory_space<vmem_shared>> -> memref<10112x64xf32, #tpu.memory_space<vmem_shared>>
        tpu.wait_indirect_dma semaphore(%run_scoped3A_279 : memref<!tpu.dma_semaphore, #tpu.memory_space<semaphore_mem>>) src(%arg14 : memref<128x64xf32, #tpu.memory_space<vmem>>) dst(%dma_wait3A_291 : memref<10112x64xf32, #tpu.memory_space<vmem_shared>>)
        tpu.yield
      }) : () -> ()
      %add3A_271 = arith.constant 5 : i32
      %add3A_272 = arith.addi %add3A_264, %add3A_271 : i32
      %dma_start3A_273 = arith.constant 0 : i32
      %dma_start3A_274 = tpu.memref_slice %arg8[%add3A_272, %dma_start3A_273] : memref<160x128xi32, #tpu.memory_space<vmem>> -> memref<1x128xi32, #tpu.memory_space<vmem>>
      %dma_start3A_275 = tpu.memref_squeeze %dma_start3A_274 : memref<1x128xi32, #tpu.memory_space<vmem>> -> memref<128xi32, #tpu.memory_space<vmem>>
      %dma_start3A_276 = arith.constant 0 : i32
      %dma_start3A_277 = arith.constant 0 : i32
      %dma_start3A_278 = tpu.memref_slice %arg3[%dma_start3A_276, %dma_start3A_277] : memref<20000x64xf32, #tpu.memory_space<hbm>> -> memref<20000x64xf32, #tpu.memory_space<hbm>>
      tpu.enqueue_indirect_dma source(%dma_start3A_278 : memref<20000x64xf32, #tpu.memory_space<hbm>>) target(%arg14 : memref<128x64xf32, #tpu.memory_space<vmem>>) offsets(%dma_start3A_275 : memref<128xi32, #tpu.memory_space<vmem>>) semaphore(%arg19 : memref<!tpu.dma_semaphore, #tpu.memory_space<semaphore_mem>>)
    }
    %scan3A_137 = arith.constant 31 : i32
    %dma_wait3A_138 = arith.constant 155 : i32
    %dma_wait3A_139 = arith.constant 0 : i32
    %dma_wait3A_140 = tpu.memref_slice %arg8[%dma_wait3A_138, %dma_wait3A_139] : memref<160x128xi32, #tpu.memory_space<vmem>> -> memref<1x128xi32, #tpu.memory_space<vmem>>
    %dma_wait3A_141 = tpu.memref_squeeze %dma_wait3A_140 : memref<1x128xi32, #tpu.memory_space<vmem>> -> memref<128xi32, #tpu.memory_space<vmem>>
    %dma_wait3A_142 = arith.constant 0 : i32
    %dma_wait3A_143 = arith.constant 0 : i32
    %dma_wait3A_144 = tpu.memref_slice %arg3[%dma_wait3A_142, %dma_wait3A_143] : memref<20000x64xf32, #tpu.memory_space<hbm>> -> memref<20000x64xf32, #tpu.memory_space<hbm>>
    tpu.wait_indirect_dma semaphore(%arg15 : memref<!tpu.dma_semaphore, #tpu.memory_space<semaphore_mem>>) src(%dma_wait3A_144 : memref<20000x64xf32, #tpu.memory_space<hbm>>) dst(%arg10 : memref<128x64xf32, #tpu.memory_space<vmem>>)
    %run_scoped3A_145 = arith.constant 155 : i32
    "tpu.region"() ({
      %run_scoped3A_188 = tpu.sem_alloc : memref<!tpu.dma_semaphore, #tpu.memory_space<semaphore_mem>>
      %dma_start3A_189 = arith.constant 0 : i32
      %dma_start3A_190 = tpu.memref_slice %arg9[%run_scoped3A_145, %dma_start3A_189] : memref<160x128xi32, #tpu.memory_space<vmem>> -> memref<1x128xi32, #tpu.memory_space<vmem>>
      %dma_start3A_191 = tpu.memref_squeeze %dma_start3A_190 : memref<1x128xi32, #tpu.memory_space<vmem>> -> memref<128xi32, #tpu.memory_space<vmem>>
      %dma_start3A_192 = arith.constant 0 : i32
      %dma_start3A_193 = arith.constant 0 : i32
      %dma_start3A_194 = tpu.memref_slice %arg20[%dma_start3A_192, %dma_start3A_193] : memref<10112x64xf32, #tpu.memory_space<vmem_shared>> -> memref<10112x64xf32, #tpu.memory_space<vmem_shared>>
      tpu.enqueue_indirect_dma source(%arg10 : memref<128x64xf32, #tpu.memory_space<vmem>>) target(%dma_start3A_194 : memref<10112x64xf32, #tpu.memory_space<vmem_shared>>) offsets(%dma_start3A_191 : memref<128xi32, #tpu.memory_space<vmem>>) semaphore(%run_scoped3A_188 : memref<!tpu.dma_semaphore, #tpu.memory_space<semaphore_mem>>) {add = true}
      %dma_wait3A_195 = arith.constant 0 : i32
      %dma_wait3A_196 = tpu.memref_slice %arg9[%run_scoped3A_145, %dma_wait3A_195] : memref<160x128xi32, #tpu.memory_space<vmem>> -> memref<1x128xi32, #tpu.memory_space<vmem>>
      %dma_wait3A_197 = tpu.memref_squeeze %dma_wait3A_196 : memref<1x128xi32, #tpu.memory_space<vmem>> -> memref<128xi32, #tpu.memory_space<vmem>>
      %dma_wait3A_198 = arith.constant 0 : i32
      %dma_wait3A_199 = arith.constant 0 : i32
      %dma_wait3A_200 = tpu.memref_slice %arg20[%dma_wait3A_198, %dma_wait3A_199] : memref<10112x64xf32, #tpu.memory_space<vmem_shared>> -> memref<10112x64xf32, #tpu.memory_space<vmem_shared>>
      tpu.wait_indirect_dma semaphore(%run_scoped3A_188 : memref<!tpu.dma_semaphore, #tpu.memory_space<semaphore_mem>>) src(%arg10 : memref<128x64xf32, #tpu.memory_space<vmem>>) dst(%dma_wait3A_200 : memref<10112x64xf32, #tpu.memory_space<vmem_shared>>)
      tpu.yield
    }) : () -> ()
    %dma_wait3A_146 = arith.constant 156 : i32
    %dma_wait3A_147 = arith.constant 0 : i32
    %dma_wait3A_148 = tpu.memref_slice %arg8[%dma_wait3A_146, %dma_wait3A_147] : memref<160x128xi32, #tpu.memory_space<vmem>> -> memref<1x128xi32, #tpu.memory_space<vmem>>
    %dma_wait3A_149 = tpu.memref_squeeze %dma_wait3A_148 : memref<1x128xi32, #tpu.memory_space<vmem>> -> memref<128xi32, #tpu.memory_space<vmem>>
    %dma_wait3A_150 = arith.constant 0 : i32
    %dma_wait3A_151 = arith.constant 0 : i32
    %dma_wait3A_152 = tpu.memref_slice %arg3[%dma_wait3A_150, %dma_wait3A_151] : memref<20000x64xf32, #tpu.memory_space<hbm>> -> memref<20000x64xf32, #tpu.memory_space<hbm>>
    tpu.wait_indirect_dma semaphore(%arg16 : memref<!tpu.dma_semaphore, #tpu.memory_space<semaphore_mem>>) src(%dma_wait3A_152 : memref<20000x64xf32, #tpu.memory_space<hbm>>) dst(%arg11 : memref<128x64xf32, #tpu.memory_space<vmem>>)
    %run_scoped3A_153 = arith.constant 156 : i32
    "tpu.region"() ({
      %run_scoped3A_188 = tpu.sem_alloc : memref<!tpu.dma_semaphore, #tpu.memory_space<semaphore_mem>>
      %dma_start3A_189 = arith.constant 0 : i32
      %dma_start3A_190 = tpu.memref_slice %arg9[%run_scoped3A_153, %dma_start3A_189] : memref<160x128xi32, #tpu.memory_space<vmem>> -> memref<1x128xi32, #tpu.memory_space<vmem>>
      %dma_start3A_191 = tpu.memref_squeeze %dma_start3A_190 : memref<1x128xi32, #tpu.memory_space<vmem>> -> memref<128xi32, #tpu.memory_space<vmem>>
      %dma_start3A_192 = arith.constant 0 : i32
      %dma_start3A_193 = arith.constant 0 : i32
      %dma_start3A_194 = tpu.memref_slice %arg20[%dma_start3A_192, %dma_start3A_193] : memref<10112x64xf32, #tpu.memory_space<vmem_shared>> -> memref<10112x64xf32, #tpu.memory_space<vmem_shared>>
      tpu.enqueue_indirect_dma source(%arg11 : memref<128x64xf32, #tpu.memory_space<vmem>>) target(%dma_start3A_194 : memref<10112x64xf32, #tpu.memory_space<vmem_shared>>) offsets(%dma_start3A_191 : memref<128xi32, #tpu.memory_space<vmem>>) semaphore(%run_scoped3A_188 : memref<!tpu.dma_semaphore, #tpu.memory_space<semaphore_mem>>) {add = true}
      %dma_wait3A_195 = arith.constant 0 : i32
      %dma_wait3A_196 = tpu.memref_slice %arg9[%run_scoped3A_153, %dma_wait3A_195] : memref<160x128xi32, #tpu.memory_space<vmem>> -> memref<1x128xi32, #tpu.memory_space<vmem>>
      %dma_wait3A_197 = tpu.memref_squeeze %dma_wait3A_196 : memref<1x128xi32, #tpu.memory_space<vmem>> -> memref<128xi32, #tpu.memory_space<vmem>>
      %dma_wait3A_198 = arith.constant 0 : i32
      %dma_wait3A_199 = arith.constant 0 : i32
      %dma_wait3A_200 = tpu.memref_slice %arg20[%dma_wait3A_198, %dma_wait3A_199] : memref<10112x64xf32, #tpu.memory_space<vmem_shared>> -> memref<10112x64xf32, #tpu.memory_space<vmem_shared>>
      tpu.wait_indirect_dma semaphore(%run_scoped3A_188 : memref<!tpu.dma_semaphore, #tpu.memory_space<semaphore_mem>>) src(%arg11 : memref<128x64xf32, #tpu.memory_space<vmem>>) dst(%dma_wait3A_200 : memref<10112x64xf32, #tpu.memory_space<vmem_shared>>)
      tpu.yield
    }) : () -> ()
    %dma_wait3A_154 = arith.constant 157 : i32
    %dma_wait3A_155 = arith.constant 0 : i32
    %dma_wait3A_156 = tpu.memref_slice %arg8[%dma_wait3A_154, %dma_wait3A_155] : memref<160x128xi32, #tpu.memory_space<vmem>> -> memref<1x128xi32, #tpu.memory_space<vmem>>
    %dma_wait3A_157 = tpu.memref_squeeze %dma_wait3A_156 : memref<1x128xi32, #tpu.memory_space<vmem>> -> memref<128xi32, #tpu.memory_space<vmem>>
    %dma_wait3A_158 = arith.constant 0 : i32
    %dma_wait3A_159 = arith.constant 0 : i32
    %dma_wait3A_160 = tpu.memref_slice %arg3[%dma_wait3A_158, %dma_wait3A_159] : memref<20000x64xf32, #tpu.memory_space<hbm>> -> memref<20000x64xf32, #tpu.memory_space<hbm>>
    tpu.wait_indirect_dma semaphore(%arg17 : memref<!tpu.dma_semaphore, #tpu.memory_space<semaphore_mem>>) src(%dma_wait3A_160 : memref<20000x64xf32, #tpu.memory_space<hbm>>) dst(%arg12 : memref<128x64xf32, #tpu.memory_space<vmem>>)
    %run_scoped3A_161 = arith.constant 157 : i32
    "tpu.region"() ({
      %run_scoped3A_188 = tpu.sem_alloc : memref<!tpu.dma_semaphore, #tpu.memory_space<semaphore_mem>>
      %dma_start3A_189 = arith.constant 0 : i32
      %dma_start3A_190 = tpu.memref_slice %arg9[%run_scoped3A_161, %dma_start3A_189] : memref<160x128xi32, #tpu.memory_space<vmem>> -> memref<1x128xi32, #tpu.memory_space<vmem>>
      %dma_start3A_191 = tpu.memref_squeeze %dma_start3A_190 : memref<1x128xi32, #tpu.memory_space<vmem>> -> memref<128xi32, #tpu.memory_space<vmem>>
      %dma_start3A_192 = arith.constant 0 : i32
      %dma_start3A_193 = arith.constant 0 : i32
      %dma_start3A_194 = tpu.memref_slice %arg20[%dma_start3A_192, %dma_start3A_193] : memref<10112x64xf32, #tpu.memory_space<vmem_shared>> -> memref<10112x64xf32, #tpu.memory_space<vmem_shared>>
      tpu.enqueue_indirect_dma source(%arg12 : memref<128x64xf32, #tpu.memory_space<vmem>>) target(%dma_start3A_194 : memref<10112x64xf32, #tpu.memory_space<vmem_shared>>) offsets(%dma_start3A_191 : memref<128xi32, #tpu.memory_space<vmem>>) semaphore(%run_scoped3A_188 : memref<!tpu.dma_semaphore, #tpu.memory_space<semaphore_mem>>) {add = true}
      %dma_wait3A_195 = arith.constant 0 : i32
      %dma_wait3A_196 = tpu.memref_slice %arg9[%run_scoped3A_161, %dma_wait3A_195] : memref<160x128xi32, #tpu.memory_space<vmem>> -> memref<1x128xi32, #tpu.memory_space<vmem>>
      %dma_wait3A_197 = tpu.memref_squeeze %dma_wait3A_196 : memref<1x128xi32, #tpu.memory_space<vmem>> -> memref<128xi32, #tpu.memory_space<vmem>>
      %dma_wait3A_198 = arith.constant 0 : i32
      %dma_wait3A_199 = arith.constant 0 : i32
      %dma_wait3A_200 = tpu.memref_slice %arg20[%dma_wait3A_198, %dma_wait3A_199] : memref<10112x64xf32, #tpu.memory_space<vmem_shared>> -> memref<10112x64xf32, #tpu.memory_space<vmem_shared>>
      tpu.wait_indirect_dma semaphore(%run_scoped3A_188 : memref<!tpu.dma_semaphore, #tpu.memory_space<semaphore_mem>>) src(%arg12 : memref<128x64xf32, #tpu.memory_space<vmem>>) dst(%dma_wait3A_200 : memref<10112x64xf32, #tpu.memory_space<vmem_shared>>)
      tpu.yield
    }) : () -> ()
    %dma_wait3A_162 = arith.constant 158 : i32
    %dma_wait3A_163 = arith.constant 0 : i32
    %dma_wait3A_164 = tpu.memref_slice %arg8[%dma_wait3A_162, %dma_wait3A_163] : memref<160x128xi32, #tpu.memory_space<vmem>> -> memref<1x128xi32, #tpu.memory_space<vmem>>
    %dma_wait3A_165 = tpu.memref_squeeze %dma_wait3A_164 : memref<1x128xi32, #tpu.memory_space<vmem>> -> memref<128xi32, #tpu.memory_space<vmem>>
    %dma_wait3A_166 = arith.constant 0 : i32
    %dma_wait3A_167 = arith.constant 0 : i32
    %dma_wait3A_168 = tpu.memref_slice %arg3[%dma_wait3A_166, %dma_wait3A_167] : memref<20000x64xf32, #tpu.memory_space<hbm>> -> memref<20000x64xf32, #tpu.memory_space<hbm>>
    tpu.wait_indirect_dma semaphore(%arg18 : memref<!tpu.dma_semaphore, #tpu.memory_space<semaphore_mem>>) src(%dma_wait3A_168 : memref<20000x64xf32, #tpu.memory_space<hbm>>) dst(%arg13 : memref<128x64xf32, #tpu.memory_space<vmem>>)
    %run_scoped3A_169 = arith.constant 158 : i32
    "tpu.region"() ({
      %run_scoped3A_188 = tpu.sem_alloc : memref<!tpu.dma_semaphore, #tpu.memory_space<semaphore_mem>>
      %dma_start3A_189 = arith.constant 0 : i32
      %dma_start3A_190 = tpu.memref_slice %arg9[%run_scoped3A_169, %dma_start3A_189] : memref<160x128xi32, #tpu.memory_space<vmem>> -> memref<1x128xi32, #tpu.memory_space<vmem>>
      %dma_start3A_191 = tpu.memref_squeeze %dma_start3A_190 : memref<1x128xi32, #tpu.memory_space<vmem>> -> memref<128xi32, #tpu.memory_space<vmem>>
      %dma_start3A_192 = arith.constant 0 : i32
      %dma_start3A_193 = arith.constant 0 : i32
      %dma_start3A_194 = tpu.memref_slice %arg20[%dma_start3A_192, %dma_start3A_193] : memref<10112x64xf32, #tpu.memory_space<vmem_shared>> -> memref<10112x64xf32, #tpu.memory_space<vmem_shared>>
      tpu.enqueue_indirect_dma source(%arg13 : memref<128x64xf32, #tpu.memory_space<vmem>>) target(%dma_start3A_194 : memref<10112x64xf32, #tpu.memory_space<vmem_shared>>) offsets(%dma_start3A_191 : memref<128xi32, #tpu.memory_space<vmem>>) semaphore(%run_scoped3A_188 : memref<!tpu.dma_semaphore, #tpu.memory_space<semaphore_mem>>) {add = true}
      %dma_wait3A_195 = arith.constant 0 : i32
      %dma_wait3A_196 = tpu.memref_slice %arg9[%run_scoped3A_169, %dma_wait3A_195] : memref<160x128xi32, #tpu.memory_space<vmem>> -> memref<1x128xi32, #tpu.memory_space<vmem>>
      %dma_wait3A_197 = tpu.memref_squeeze %dma_wait3A_196 : memref<1x128xi32, #tpu.memory_space<vmem>> -> memref<128xi32, #tpu.memory_space<vmem>>
      %dma_wait3A_198 = arith.constant 0 : i32
      %dma_wait3A_199 = arith.constant 0 : i32
      %dma_wait3A_200 = tpu.memref_slice %arg20[%dma_wait3A_198, %dma_wait3A_199] : memref<10112x64xf32, #tpu.memory_space<vmem_shared>> -> memref<10112x64xf32, #tpu.memory_space<vmem_shared>>
      tpu.wait_indirect_dma semaphore(%run_scoped3A_188 : memref<!tpu.dma_semaphore, #tpu.memory_space<semaphore_mem>>) src(%arg13 : memref<128x64xf32, #tpu.memory_space<vmem>>) dst(%dma_wait3A_200 : memref<10112x64xf32, #tpu.memory_space<vmem_shared>>)
      tpu.yield
    }) : () -> ()
    %dma_wait3A_170 = arith.constant 159 : i32
    %dma_wait3A_171 = arith.constant 0 : i32
    %dma_wait3A_172 = tpu.memref_slice %arg8[%dma_wait3A_170, %dma_wait3A_171] : memref<160x128xi32, #tpu.memory_space<vmem>> -> memref<1x128xi32, #tpu.memory_space<vmem>>
    %dma_wait3A_173 = tpu.memref_squeeze %dma_wait3A_172 : memref<1x128xi32, #tpu.memory_space<vmem>> -> memref<128xi32, #tpu.memory_space<vmem>>
    %dma_wait3A_174 = arith.constant 0 : i32
    %dma_wait3A_175 = arith.constant 0 : i32
    %dma_wait3A_176 = tpu.memref_slice %arg3[%dma_wait3A_174, %dma_wait3A_175] : memref<20000x64xf32, #tpu.memory_space<hbm>> -> memref<20000x64xf32, #tpu.memory_space<hbm>>
    tpu.wait_indirect_dma semaphore(%arg19 : memref<!tpu.dma_semaphore, #tpu.memory_space<semaphore_mem>>) src(%dma_wait3A_176 : memref<20000x64xf32, #tpu.memory_space<hbm>>) dst(%arg14 : memref<128x64xf32, #tpu.memory_space<vmem>>)
    %run_scoped3A_177 = arith.constant 159 : i32
    "tpu.region"() ({
      %run_scoped3A_188 = tpu.sem_alloc : memref<!tpu.dma_semaphore, #tpu.memory_space<semaphore_mem>>
      %dma_start3A_189 = arith.constant 0 : i32
      %dma_start3A_190 = tpu.memref_slice %arg9[%run_scoped3A_177, %dma_start3A_189] : memref<160x128xi32, #tpu.memory_space<vmem>> -> memref<1x128xi32, #tpu.memory_space<vmem>>
      %dma_start3A_191 = tpu.memref_squeeze %dma_start3A_190 : memref<1x128xi32, #tpu.memory_space<vmem>> -> memref<128xi32, #tpu.memory_space<vmem>>
      %dma_start3A_192 = arith.constant 0 : i32
      %dma_start3A_193 = arith.constant 0 : i32
      %dma_start3A_194 = tpu.memref_slice %arg20[%dma_start3A_192, %dma_start3A_193] : memref<10112x64xf32, #tpu.memory_space<vmem_shared>> -> memref<10112x64xf32, #tpu.memory_space<vmem_shared>>
      tpu.enqueue_indirect_dma source(%arg14 : memref<128x64xf32, #tpu.memory_space<vmem>>) target(%dma_start3A_194 : memref<10112x64xf32, #tpu.memory_space<vmem_shared>>) offsets(%dma_start3A_191 : memref<128xi32, #tpu.memory_space<vmem>>) semaphore(%run_scoped3A_188 : memref<!tpu.dma_semaphore, #tpu.memory_space<semaphore_mem>>) {add = true}
      %dma_wait3A_195 = arith.constant 0 : i32
      %dma_wait3A_196 = tpu.memref_slice %arg9[%run_scoped3A_177, %dma_wait3A_195] : memref<160x128xi32, #tpu.memory_space<vmem>> -> memref<1x128xi32, #tpu.memory_space<vmem>>
      %dma_wait3A_197 = tpu.memref_squeeze %dma_wait3A_196 : memref<1x128xi32, #tpu.memory_space<vmem>> -> memref<128xi32, #tpu.memory_space<vmem>>
      %dma_wait3A_198 = arith.constant 0 : i32
      %dma_wait3A_199 = arith.constant 0 : i32
      %dma_wait3A_200 = tpu.memref_slice %arg20[%dma_wait3A_198, %dma_wait3A_199] : memref<10112x64xf32, #tpu.memory_space<vmem_shared>> -> memref<10112x64xf32, #tpu.memory_space<vmem_shared>>
      tpu.wait_indirect_dma semaphore(%run_scoped3A_188 : memref<!tpu.dma_semaphore, #tpu.memory_space<semaphore_mem>>) src(%arg14 : memref<128x64xf32, #tpu.memory_space<vmem>>) dst(%dma_wait3A_200 : memref<10112x64xf32, #tpu.memory_space<vmem_shared>>)
      tpu.yield
    }) : () -> ()
    %barrier3A_178 = arith.constant 0 : index
    tpu.barrier barrier_id(%barrier3A_178)
    %mul3A_179 = arith.constant 632 : i32
    %mul3A_180 = arith.muli %arg1, %mul3A_179 : i32
    %add3A_181 = arith.constant 2 : i32
    %add3A_182 = arith.addi %add3A_181, %arg0 : i32
    %mul3A_183 = arith.constant 10112 : i32
    %mul3A_184 = arith.muli %add3A_182, %mul3A_183 : i32
    %mul3A_185 = arith.constant 632 : i32
    %mul3A_186 = arith.muli %arg1, %mul3A_185 : i32
    %add3A_187 = arith.addi %mul3A_184, %mul3A_186 : i32
    "tpu.region"() ({
      %run_scoped3A_188 = tpu.sem_alloc : memref<!tpu.dma_semaphore, #tpu.memory_space<semaphore_mem>>
      %dma_start3A_189 = arith.constant 0 : i32
      %dma_start3A_190 = tpu.memref_slice %arg7[%add3A_187, %dma_start3A_189] : memref<40448x64xf32, #tpu.memory_space<hbm>> -> memref<632x64xf32, #tpu.memory_space<hbm>>
      %dma_start3A_191 = arith.constant 0 : i32
      %dma_start3A_192 = tpu.memref_slice %arg20[%mul3A_180, %dma_start3A_191] : memref<10112x64xf32, #tpu.memory_space<vmem_shared>> -> memref<632x64xf32, #tpu.memory_space<vmem_shared>>
      tpu.enqueue_dma source(%dma_start3A_192 : memref<632x64xf32, #tpu.memory_space<vmem_shared>>) target(%dma_start3A_190 : memref<632x64xf32, #tpu.memory_space<hbm>>) target_semaphore(%run_scoped3A_188 : memref<!tpu.dma_semaphore, #tpu.memory_space<semaphore_mem>>)
      %dma_wait3A_193 = arith.constant 0 : i32
      %dma_wait3A_194 = tpu.memref_slice %arg7[%add3A_187, %dma_wait3A_193] : memref<40448x64xf32, #tpu.memory_space<hbm>> -> memref<632x64xf32, #tpu.memory_space<hbm>>
      %dma_wait3A_195 = arith.constant 0 : i32
      %dma_wait3A_196 = tpu.memref_slice %arg20[%mul3A_180, %dma_wait3A_195] : memref<10112x64xf32, #tpu.memory_space<vmem_shared>> -> memref<632x64xf32, #tpu.memory_space<vmem_shared>>
      tpu.wait_dma2 semaphore(%run_scoped3A_188 : memref<!tpu.dma_semaphore, #tpu.memory_space<semaphore_mem>>) src(%dma_wait3A_196 : memref<632x64xf32, #tpu.memory_space<vmem_shared>>) dst(%dma_wait3A_194 : memref<632x64xf32, #tpu.memory_space<hbm>>)
      tpu.yield
    }) : () -> ()
    return
  }
}

#map = affine_map<(d0, d1) -> (0, 0)>
#map1 = affine_map<(d0, d1) -> (0, 0, 0)>
module attributes {stable_mosaic.version = 14 : i64} {
  func.func @_sc_agg(%arg0: i32, %arg1: i32, %arg2: memref<10000x64xf32, #tpu.memory_space<hbm>>, %arg3: memref<10000x64xf32, #tpu.memory_space<hbm>>, %arg4: memref<32x80x128xi32, #tpu.memory_space<hbm>>, %arg5: memref<32x80x128xi32, #tpu.memory_space<hbm>>, %arg6: memref<10112x64xf32, #tpu.memory_space<hbm>>, %arg7: memref<40448x64xf32, #tpu.memory_space<hbm>>, %arg8: memref<80x128xi32, #tpu.memory_space<vmem>>, %arg9: memref<80x128xi32, #tpu.memory_space<vmem>>, %arg10: memref<128x64xf32, #tpu.memory_space<vmem>>, %arg11: memref<128x64xf32, #tpu.memory_space<vmem>>, %arg12: memref<128x64xf32, #tpu.memory_space<vmem>>, %arg13: memref<128x64xf32, #tpu.memory_space<vmem>>, %arg14: memref<128x64xf32, #tpu.memory_space<vmem>>, %arg15: memref<!tpu.dma_semaphore, #tpu.memory_space<semaphore_mem>>, %arg16: memref<!tpu.dma_semaphore, #tpu.memory_space<semaphore_mem>>, %arg17: memref<!tpu.dma_semaphore, #tpu.memory_space<semaphore_mem>>, %arg18: memref<!tpu.dma_semaphore, #tpu.memory_space<semaphore_mem>>, %arg19: memref<!tpu.dma_semaphore, #tpu.memory_space<semaphore_mem>>, %arg20: memref<10112x64xf32, #tpu.memory_space<vmem_shared>>) attributes {dimension_semantics = [#tpu.dimension_semantics<core_parallel>, #tpu.dimension_semantics<subcore_parallel>], iteration_bounds = array<i64: 2, 16>, scalar_prefetch = 0 : i64, scratch_operands = 13 : i64, tpu.core_type = #tpu.core_type<sc_vector_subcore>, window_params = [{transform_indices = #map}, {transform_indices = #map}, {transform_indices = #map1}, {transform_indices = #map1}, {transform_indices = #map}, {transform_indices = #map}]} {
    %mul3A = arith.constant 16 : i32
    %mul3A_0 = arith.muli %arg0, %mul3A : i32
    %add3A = arith.addi %mul3A_0, %arg1 : i32
    "tpu.region"() ({
      %run_scoped3A_188 = tpu.sem_alloc : memref<!tpu.dma_semaphore, #tpu.memory_space<semaphore_mem>>
      %dma_start3A_189 = arith.constant 0 : i32
      %dma_start3A_190 = arith.constant 0 : i32
      %dma_start3A_191 = tpu.memref_slice %arg4[%add3A, %dma_start3A_189, %dma_start3A_190] : memref<32x80x128xi32, #tpu.memory_space<hbm>> -> memref<1x80x128xi32, #tpu.memory_space<hbm>>
      %dma_start3A_192 = tpu.memref_squeeze %dma_start3A_191 : memref<1x80x128xi32, #tpu.memory_space<hbm>> -> memref<80x128xi32, #tpu.memory_space<hbm>>
      %dma_start3A_193 = arith.constant 0 : i32
      %dma_start3A_194 = arith.constant 0 : i32
      %dma_start3A_195 = tpu.memref_slice %arg4[%add3A, %dma_start3A_193, %dma_start3A_194] : memref<32x80x128xi32, #tpu.memory_space<hbm>> -> memref<1x80x128xi32, #tpu.memory_space<hbm>>
      %dma_start3A_196 = tpu.memref_squeeze %dma_start3A_195 : memref<1x80x128xi32, #tpu.memory_space<hbm>> -> memref<80x128xi32, #tpu.memory_space<hbm>>
      tpu.enqueue_dma source(%dma_start3A_196 : memref<80x128xi32, #tpu.memory_space<hbm>>) target(%arg8 : memref<80x128xi32, #tpu.memory_space<vmem>>) target_semaphore(%run_scoped3A_188 : memref<!tpu.dma_semaphore, #tpu.memory_space<semaphore_mem>>)
      %dma_wait3A_197 = arith.constant 0 : i32
      %dma_wait3A_198 = arith.constant 0 : i32
      %dma_wait3A_199 = tpu.memref_slice %arg4[%add3A, %dma_wait3A_197, %dma_wait3A_198] : memref<32x80x128xi32, #tpu.memory_space<hbm>> -> memref<1x80x128xi32, #tpu.memory_space<hbm>>
      %dma_wait3A_200 = tpu.memref_squeeze %dma_wait3A_199 : memref<1x80x128xi32, #tpu.memory_space<hbm>> -> memref<80x128xi32, #tpu.memory_space<hbm>>
      %dma_wait3A_201 = arith.constant 0 : i32
      %dma_wait3A_202 = arith.constant 0 : i32
      %dma_wait3A_203 = tpu.memref_slice %arg4[%add3A, %dma_wait3A_201, %dma_wait3A_202] : memref<32x80x128xi32, #tpu.memory_space<hbm>> -> memref<1x80x128xi32, #tpu.memory_space<hbm>>
      %dma_wait3A_204 = tpu.memref_squeeze %dma_wait3A_203 : memref<1x80x128xi32, #tpu.memory_space<hbm>> -> memref<80x128xi32, #tpu.memory_space<hbm>>
      tpu.wait_dma2 semaphore(%run_scoped3A_188 : memref<!tpu.dma_semaphore, #tpu.memory_space<semaphore_mem>>) src(%dma_wait3A_204 : memref<80x128xi32, #tpu.memory_space<hbm>>) dst(%arg8 : memref<80x128xi32, #tpu.memory_space<vmem>>)
      tpu.yield
    }) : () -> ()
    "tpu.region"() ({
      %run_scoped3A_188 = tpu.sem_alloc : memref<!tpu.dma_semaphore, #tpu.memory_space<semaphore_mem>>
      %dma_start3A_189 = arith.constant 0 : i32
      %dma_start3A_190 = arith.constant 0 : i32
      %dma_start3A_191 = tpu.memref_slice %arg5[%add3A, %dma_start3A_189, %dma_start3A_190] : memref<32x80x128xi32, #tpu.memory_space<hbm>> -> memref<1x80x128xi32, #tpu.memory_space<hbm>>
      %dma_start3A_192 = tpu.memref_squeeze %dma_start3A_191 : memref<1x80x128xi32, #tpu.memory_space<hbm>> -> memref<80x128xi32, #tpu.memory_space<hbm>>
      %dma_start3A_193 = arith.constant 0 : i32
      %dma_start3A_194 = arith.constant 0 : i32
      %dma_start3A_195 = tpu.memref_slice %arg5[%add3A, %dma_start3A_193, %dma_start3A_194] : memref<32x80x128xi32, #tpu.memory_space<hbm>> -> memref<1x80x128xi32, #tpu.memory_space<hbm>>
      %dma_start3A_196 = tpu.memref_squeeze %dma_start3A_195 : memref<1x80x128xi32, #tpu.memory_space<hbm>> -> memref<80x128xi32, #tpu.memory_space<hbm>>
      tpu.enqueue_dma source(%dma_start3A_196 : memref<80x128xi32, #tpu.memory_space<hbm>>) target(%arg9 : memref<80x128xi32, #tpu.memory_space<vmem>>) target_semaphore(%run_scoped3A_188 : memref<!tpu.dma_semaphore, #tpu.memory_space<semaphore_mem>>)
      %dma_wait3A_197 = arith.constant 0 : i32
      %dma_wait3A_198 = arith.constant 0 : i32
      %dma_wait3A_199 = tpu.memref_slice %arg5[%add3A, %dma_wait3A_197, %dma_wait3A_198] : memref<32x80x128xi32, #tpu.memory_space<hbm>> -> memref<1x80x128xi32, #tpu.memory_space<hbm>>
      %dma_wait3A_200 = tpu.memref_squeeze %dma_wait3A_199 : memref<1x80x128xi32, #tpu.memory_space<hbm>> -> memref<80x128xi32, #tpu.memory_space<hbm>>
      %dma_wait3A_201 = arith.constant 0 : i32
      %dma_wait3A_202 = arith.constant 0 : i32
      %dma_wait3A_203 = tpu.memref_slice %arg5[%add3A, %dma_wait3A_201, %dma_wait3A_202] : memref<32x80x128xi32, #tpu.memory_space<hbm>> -> memref<1x80x128xi32, #tpu.memory_space<hbm>>
      %dma_wait3A_204 = tpu.memref_squeeze %dma_wait3A_203 : memref<1x80x128xi32, #tpu.memory_space<hbm>> -> memref<80x128xi32, #tpu.memory_space<hbm>>
      tpu.wait_dma2 semaphore(%run_scoped3A_188 : memref<!tpu.dma_semaphore, #tpu.memory_space<semaphore_mem>>) src(%dma_wait3A_204 : memref<80x128xi32, #tpu.memory_space<hbm>>) dst(%arg9 : memref<80x128xi32, #tpu.memory_space<vmem>>)
      tpu.yield
    }) : () -> ()
    %mul3A_1 = arith.constant 632 : i32
    %mul3A_2 = arith.muli %arg1, %mul3A_1 : i32
    %mul3A_3 = arith.constant 632 : i32
    %mul3A_4 = arith.muli %arg1, %mul3A_3 : i32
    "tpu.region"() ({
      %run_scoped3A_188 = tpu.sem_alloc : memref<!tpu.dma_semaphore, #tpu.memory_space<semaphore_mem>>
      %dma_start3A_189 = arith.constant 0 : i32
      %dma_start3A_190 = tpu.memref_slice %arg20[%mul3A_4, %dma_start3A_189] : memref<10112x64xf32, #tpu.memory_space<vmem_shared>> -> memref<632x64xf32, #tpu.memory_space<vmem_shared>>
      %dma_start3A_191 = arith.constant 0 : i32
      %dma_start3A_192 = tpu.memref_slice %arg6[%mul3A_2, %dma_start3A_191] : memref<10112x64xf32, #tpu.memory_space<hbm>> -> memref<632x64xf32, #tpu.memory_space<hbm>>
      tpu.enqueue_dma source(%dma_start3A_192 : memref<632x64xf32, #tpu.memory_space<hbm>>) target(%dma_start3A_190 : memref<632x64xf32, #tpu.memory_space<vmem_shared>>) target_semaphore(%run_scoped3A_188 : memref<!tpu.dma_semaphore, #tpu.memory_space<semaphore_mem>>)
      %dma_wait3A_193 = arith.constant 0 : i32
      %dma_wait3A_194 = tpu.memref_slice %arg20[%mul3A_4, %dma_wait3A_193] : memref<10112x64xf32, #tpu.memory_space<vmem_shared>> -> memref<632x64xf32, #tpu.memory_space<vmem_shared>>
      %dma_wait3A_195 = arith.constant 0 : i32
      %dma_wait3A_196 = tpu.memref_slice %arg6[%mul3A_2, %dma_wait3A_195] : memref<10112x64xf32, #tpu.memory_space<hbm>> -> memref<632x64xf32, #tpu.memory_space<hbm>>
      tpu.wait_dma2 semaphore(%run_scoped3A_188 : memref<!tpu.dma_semaphore, #tpu.memory_space<semaphore_mem>>) src(%dma_wait3A_196 : memref<632x64xf32, #tpu.memory_space<hbm>>) dst(%dma_wait3A_194 : memref<632x64xf32, #tpu.memory_space<vmem_shared>>)
      tpu.yield
    }) : () -> ()
    %barrier3A = arith.constant 0 : index
    tpu.barrier barrier_id(%barrier3A)
    %dma_start3A = arith.constant 0 : i32
    %dma_start3A_5 = arith.constant 0 : i32
    %dma_start3A_6 = tpu.memref_slice %arg8[%dma_start3A, %dma_start3A_5] : memref<80x128xi32, #tpu.memory_space<vmem>> -> memref<1x128xi32, #tpu.memory_space<vmem>>
    %dma_start3A_7 = tpu.memref_squeeze %dma_start3A_6 : memref<1x128xi32, #tpu.memory_space<vmem>> -> memref<128xi32, #tpu.memory_space<vmem>>
    %dma_start3A_8 = arith.constant 0 : i32
    %dma_start3A_9 = arith.constant 0 : i32
    %dma_start3A_10 = tpu.memref_slice %arg2[%dma_start3A_8, %dma_start3A_9] : memref<10000x64xf32, #tpu.memory_space<hbm>> -> memref<10000x64xf32, #tpu.memory_space<hbm>>
    tpu.enqueue_indirect_dma source(%dma_start3A_10 : memref<10000x64xf32, #tpu.memory_space<hbm>>) target(%arg10 : memref<128x64xf32, #tpu.memory_space<vmem>>) offsets(%dma_start3A_7 : memref<128xi32, #tpu.memory_space<vmem>>) semaphore(%arg15 : memref<!tpu.dma_semaphore, #tpu.memory_space<semaphore_mem>>)
    %dma_start3A_11 = arith.constant 1 : i32
    %dma_start3A_12 = arith.constant 0 : i32
    %dma_start3A_13 = tpu.memref_slice %arg8[%dma_start3A_11, %dma_start3A_12] : memref<80x128xi32, #tpu.memory_space<vmem>> -> memref<1x128xi32, #tpu.memory_space<vmem>>
    %dma_start3A_14 = tpu.memref_squeeze %dma_start3A_13 : memref<1x128xi32, #tpu.memory_space<vmem>> -> memref<128xi32, #tpu.memory_space<vmem>>
    %dma_start3A_15 = arith.constant 0 : i32
    %dma_start3A_16 = arith.constant 0 : i32
    %dma_start3A_17 = tpu.memref_slice %arg2[%dma_start3A_15, %dma_start3A_16] : memref<10000x64xf32, #tpu.memory_space<hbm>> -> memref<10000x64xf32, #tpu.memory_space<hbm>>
    tpu.enqueue_indirect_dma source(%dma_start3A_17 : memref<10000x64xf32, #tpu.memory_space<hbm>>) target(%arg11 : memref<128x64xf32, #tpu.memory_space<vmem>>) offsets(%dma_start3A_14 : memref<128xi32, #tpu.memory_space<vmem>>) semaphore(%arg16 : memref<!tpu.dma_semaphore, #tpu.memory_space<semaphore_mem>>)
    %dma_start3A_18 = arith.constant 2 : i32
    %dma_start3A_19 = arith.constant 0 : i32
    %dma_start3A_20 = tpu.memref_slice %arg8[%dma_start3A_18, %dma_start3A_19] : memref<80x128xi32, #tpu.memory_space<vmem>> -> memref<1x128xi32, #tpu.memory_space<vmem>>
    %dma_start3A_21 = tpu.memref_squeeze %dma_start3A_20 : memref<1x128xi32, #tpu.memory_space<vmem>> -> memref<128xi32, #tpu.memory_space<vmem>>
    %dma_start3A_22 = arith.constant 0 : i32
    %dma_start3A_23 = arith.constant 0 : i32
    %dma_start3A_24 = tpu.memref_slice %arg2[%dma_start3A_22, %dma_start3A_23] : memref<10000x64xf32, #tpu.memory_space<hbm>> -> memref<10000x64xf32, #tpu.memory_space<hbm>>
    tpu.enqueue_indirect_dma source(%dma_start3A_24 : memref<10000x64xf32, #tpu.memory_space<hbm>>) target(%arg12 : memref<128x64xf32, #tpu.memory_space<vmem>>) offsets(%dma_start3A_21 : memref<128xi32, #tpu.memory_space<vmem>>) semaphore(%arg17 : memref<!tpu.dma_semaphore, #tpu.memory_space<semaphore_mem>>)
    %dma_start3A_25 = arith.constant 3 : i32
    %dma_start3A_26 = arith.constant 0 : i32
    %dma_start3A_27 = tpu.memref_slice %arg8[%dma_start3A_25, %dma_start3A_26] : memref<80x128xi32, #tpu.memory_space<vmem>> -> memref<1x128xi32, #tpu.memory_space<vmem>>
    %dma_start3A_28 = tpu.memref_squeeze %dma_start3A_27 : memref<1x128xi32, #tpu.memory_space<vmem>> -> memref<128xi32, #tpu.memory_space<vmem>>
    %dma_start3A_29 = arith.constant 0 : i32
    %dma_start3A_30 = arith.constant 0 : i32
    %dma_start3A_31 = tpu.memref_slice %arg2[%dma_start3A_29, %dma_start3A_30] : memref<10000x64xf32, #tpu.memory_space<hbm>> -> memref<10000x64xf32, #tpu.memory_space<hbm>>
    tpu.enqueue_indirect_dma source(%dma_start3A_31 : memref<10000x64xf32, #tpu.memory_space<hbm>>) target(%arg13 : memref<128x64xf32, #tpu.memory_space<vmem>>) offsets(%dma_start3A_28 : memref<128xi32, #tpu.memory_space<vmem>>) semaphore(%arg18 : memref<!tpu.dma_semaphore, #tpu.memory_space<semaphore_mem>>)
    %dma_start3A_32 = arith.constant 4 : i32
    %dma_start3A_33 = arith.constant 0 : i32
    %dma_start3A_34 = tpu.memref_slice %arg8[%dma_start3A_32, %dma_start3A_33] : memref<80x128xi32, #tpu.memory_space<vmem>> -> memref<1x128xi32, #tpu.memory_space<vmem>>
    %dma_start3A_35 = tpu.memref_squeeze %dma_start3A_34 : memref<1x128xi32, #tpu.memory_space<vmem>> -> memref<128xi32, #tpu.memory_space<vmem>>
    %dma_start3A_36 = arith.constant 0 : i32
    %dma_start3A_37 = arith.constant 0 : i32
    %dma_start3A_38 = tpu.memref_slice %arg2[%dma_start3A_36, %dma_start3A_37] : memref<10000x64xf32, #tpu.memory_space<hbm>> -> memref<10000x64xf32, #tpu.memory_space<hbm>>
    tpu.enqueue_indirect_dma source(%dma_start3A_38 : memref<10000x64xf32, #tpu.memory_space<hbm>>) target(%arg14 : memref<128x64xf32, #tpu.memory_space<vmem>>) offsets(%dma_start3A_35 : memref<128xi32, #tpu.memory_space<vmem>>) semaphore(%arg19 : memref<!tpu.dma_semaphore, #tpu.memory_space<semaphore_mem>>)
    %scan3A = arith.constant 0 : i32
    %scan3A_39 = arith.constant 0 : i32
    %scan3A_40 = arith.constant 15 : i32
    %scan3A_41 = arith.addi %scan3A_39, %scan3A_40 : i32
    %scan3A_42 = arith.constant 1 : i32
    scf.for %scan3A_188 = %scan3A_39 to %scan3A_41 step %scan3A_42  : i32 {
      %mul3A_189 = arith.constant 5 : i32
      %mul3A_190 = arith.muli %scan3A_188, %mul3A_189 : i32
      %add3A_191 = arith.constant 0 : i32
      %add3A_192 = arith.addi %mul3A_190, %add3A_191 : i32
      %dma_wait3A_193 = arith.constant 0 : i32
      %dma_wait3A_194 = tpu.memref_slice %arg8[%add3A_192, %dma_wait3A_193] : memref<80x128xi32, #tpu.memory_space<vmem>> -> memref<1x128xi32, #tpu.memory_space<vmem>>
      %dma_wait3A_195 = tpu.memref_squeeze %dma_wait3A_194 : memref<1x128xi32, #tpu.memory_space<vmem>> -> memref<128xi32, #tpu.memory_space<vmem>>
      %dma_wait3A_196 = arith.constant 0 : i32
      %dma_wait3A_197 = arith.constant 0 : i32
      %dma_wait3A_198 = tpu.memref_slice %arg2[%dma_wait3A_196, %dma_wait3A_197] : memref<10000x64xf32, #tpu.memory_space<hbm>> -> memref<10000x64xf32, #tpu.memory_space<hbm>>
      tpu.wait_indirect_dma semaphore(%arg15 : memref<!tpu.dma_semaphore, #tpu.memory_space<semaphore_mem>>) src(%dma_wait3A_198 : memref<10000x64xf32, #tpu.memory_space<hbm>>) dst(%arg10 : memref<128x64xf32, #tpu.memory_space<vmem>>)
      "tpu.region"() ({
        %run_scoped3A_279 = tpu.sem_alloc : memref<!tpu.dma_semaphore, #tpu.memory_space<semaphore_mem>>
        %dma_start3A_280 = arith.constant 0 : i32
        %dma_start3A_281 = tpu.memref_slice %arg9[%add3A_192, %dma_start3A_280] : memref<80x128xi32, #tpu.memory_space<vmem>> -> memref<1x128xi32, #tpu.memory_space<vmem>>
        %dma_start3A_282 = tpu.memref_squeeze %dma_start3A_281 : memref<1x128xi32, #tpu.memory_space<vmem>> -> memref<128xi32, #tpu.memory_space<vmem>>
        %dma_start3A_283 = arith.constant 0 : i32
        %dma_start3A_284 = arith.constant 0 : i32
        %dma_start3A_285 = tpu.memref_slice %arg20[%dma_start3A_283, %dma_start3A_284] : memref<10112x64xf32, #tpu.memory_space<vmem_shared>> -> memref<10112x64xf32, #tpu.memory_space<vmem_shared>>
        tpu.enqueue_indirect_dma source(%arg10 : memref<128x64xf32, #tpu.memory_space<vmem>>) target(%dma_start3A_285 : memref<10112x64xf32, #tpu.memory_space<vmem_shared>>) offsets(%dma_start3A_282 : memref<128xi32, #tpu.memory_space<vmem>>) semaphore(%run_scoped3A_279 : memref<!tpu.dma_semaphore, #tpu.memory_space<semaphore_mem>>) {add = true}
        %dma_wait3A_286 = arith.constant 0 : i32
        %dma_wait3A_287 = tpu.memref_slice %arg9[%add3A_192, %dma_wait3A_286] : memref<80x128xi32, #tpu.memory_space<vmem>> -> memref<1x128xi32, #tpu.memory_space<vmem>>
        %dma_wait3A_288 = tpu.memref_squeeze %dma_wait3A_287 : memref<1x128xi32, #tpu.memory_space<vmem>> -> memref<128xi32, #tpu.memory_space<vmem>>
        %dma_wait3A_289 = arith.constant 0 : i32
        %dma_wait3A_290 = arith.constant 0 : i32
        %dma_wait3A_291 = tpu.memref_slice %arg20[%dma_wait3A_289, %dma_wait3A_290] : memref<10112x64xf32, #tpu.memory_space<vmem_shared>> -> memref<10112x64xf32, #tpu.memory_space<vmem_shared>>
        tpu.wait_indirect_dma semaphore(%run_scoped3A_279 : memref<!tpu.dma_semaphore, #tpu.memory_space<semaphore_mem>>) src(%arg10 : memref<128x64xf32, #tpu.memory_space<vmem>>) dst(%dma_wait3A_291 : memref<10112x64xf32, #tpu.memory_space<vmem_shared>>)
        tpu.yield
      }) : () -> ()
      %add3A_199 = arith.constant 5 : i32
      %add3A_200 = arith.addi %add3A_192, %add3A_199 : i32
      %dma_start3A_201 = arith.constant 0 : i32
      %dma_start3A_202 = tpu.memref_slice %arg8[%add3A_200, %dma_start3A_201] : memref<80x128xi32, #tpu.memory_space<vmem>> -> memref<1x128xi32, #tpu.memory_space<vmem>>
      %dma_start3A_203 = tpu.memref_squeeze %dma_start3A_202 : memref<1x128xi32, #tpu.memory_space<vmem>> -> memref<128xi32, #tpu.memory_space<vmem>>
      %dma_start3A_204 = arith.constant 0 : i32
      %dma_start3A_205 = arith.constant 0 : i32
      %dma_start3A_206 = tpu.memref_slice %arg2[%dma_start3A_204, %dma_start3A_205] : memref<10000x64xf32, #tpu.memory_space<hbm>> -> memref<10000x64xf32, #tpu.memory_space<hbm>>
      tpu.enqueue_indirect_dma source(%dma_start3A_206 : memref<10000x64xf32, #tpu.memory_space<hbm>>) target(%arg10 : memref<128x64xf32, #tpu.memory_space<vmem>>) offsets(%dma_start3A_203 : memref<128xi32, #tpu.memory_space<vmem>>) semaphore(%arg15 : memref<!tpu.dma_semaphore, #tpu.memory_space<semaphore_mem>>)
      %mul3A_207 = arith.constant 5 : i32
      %mul3A_208 = arith.muli %scan3A_188, %mul3A_207 : i32
      %add3A_209 = arith.constant 1 : i32
      %add3A_210 = arith.addi %mul3A_208, %add3A_209 : i32
      %dma_wait3A_211 = arith.constant 0 : i32
      %dma_wait3A_212 = tpu.memref_slice %arg8[%add3A_210, %dma_wait3A_211] : memref<80x128xi32, #tpu.memory_space<vmem>> -> memref<1x128xi32, #tpu.memory_space<vmem>>
      %dma_wait3A_213 = tpu.memref_squeeze %dma_wait3A_212 : memref<1x128xi32, #tpu.memory_space<vmem>> -> memref<128xi32, #tpu.memory_space<vmem>>
      %dma_wait3A_214 = arith.constant 0 : i32
      %dma_wait3A_215 = arith.constant 0 : i32
      %dma_wait3A_216 = tpu.memref_slice %arg2[%dma_wait3A_214, %dma_wait3A_215] : memref<10000x64xf32, #tpu.memory_space<hbm>> -> memref<10000x64xf32, #tpu.memory_space<hbm>>
      tpu.wait_indirect_dma semaphore(%arg16 : memref<!tpu.dma_semaphore, #tpu.memory_space<semaphore_mem>>) src(%dma_wait3A_216 : memref<10000x64xf32, #tpu.memory_space<hbm>>) dst(%arg11 : memref<128x64xf32, #tpu.memory_space<vmem>>)
      "tpu.region"() ({
        %run_scoped3A_279 = tpu.sem_alloc : memref<!tpu.dma_semaphore, #tpu.memory_space<semaphore_mem>>
        %dma_start3A_280 = arith.constant 0 : i32
        %dma_start3A_281 = tpu.memref_slice %arg9[%add3A_210, %dma_start3A_280] : memref<80x128xi32, #tpu.memory_space<vmem>> -> memref<1x128xi32, #tpu.memory_space<vmem>>
        %dma_start3A_282 = tpu.memref_squeeze %dma_start3A_281 : memref<1x128xi32, #tpu.memory_space<vmem>> -> memref<128xi32, #tpu.memory_space<vmem>>
        %dma_start3A_283 = arith.constant 0 : i32
        %dma_start3A_284 = arith.constant 0 : i32
        %dma_start3A_285 = tpu.memref_slice %arg20[%dma_start3A_283, %dma_start3A_284] : memref<10112x64xf32, #tpu.memory_space<vmem_shared>> -> memref<10112x64xf32, #tpu.memory_space<vmem_shared>>
        tpu.enqueue_indirect_dma source(%arg11 : memref<128x64xf32, #tpu.memory_space<vmem>>) target(%dma_start3A_285 : memref<10112x64xf32, #tpu.memory_space<vmem_shared>>) offsets(%dma_start3A_282 : memref<128xi32, #tpu.memory_space<vmem>>) semaphore(%run_scoped3A_279 : memref<!tpu.dma_semaphore, #tpu.memory_space<semaphore_mem>>) {add = true}
        %dma_wait3A_286 = arith.constant 0 : i32
        %dma_wait3A_287 = tpu.memref_slice %arg9[%add3A_210, %dma_wait3A_286] : memref<80x128xi32, #tpu.memory_space<vmem>> -> memref<1x128xi32, #tpu.memory_space<vmem>>
        %dma_wait3A_288 = tpu.memref_squeeze %dma_wait3A_287 : memref<1x128xi32, #tpu.memory_space<vmem>> -> memref<128xi32, #tpu.memory_space<vmem>>
        %dma_wait3A_289 = arith.constant 0 : i32
        %dma_wait3A_290 = arith.constant 0 : i32
        %dma_wait3A_291 = tpu.memref_slice %arg20[%dma_wait3A_289, %dma_wait3A_290] : memref<10112x64xf32, #tpu.memory_space<vmem_shared>> -> memref<10112x64xf32, #tpu.memory_space<vmem_shared>>
        tpu.wait_indirect_dma semaphore(%run_scoped3A_279 : memref<!tpu.dma_semaphore, #tpu.memory_space<semaphore_mem>>) src(%arg11 : memref<128x64xf32, #tpu.memory_space<vmem>>) dst(%dma_wait3A_291 : memref<10112x64xf32, #tpu.memory_space<vmem_shared>>)
        tpu.yield
      }) : () -> ()
      %add3A_217 = arith.constant 5 : i32
      %add3A_218 = arith.addi %add3A_210, %add3A_217 : i32
      %dma_start3A_219 = arith.constant 0 : i32
      %dma_start3A_220 = tpu.memref_slice %arg8[%add3A_218, %dma_start3A_219] : memref<80x128xi32, #tpu.memory_space<vmem>> -> memref<1x128xi32, #tpu.memory_space<vmem>>
      %dma_start3A_221 = tpu.memref_squeeze %dma_start3A_220 : memref<1x128xi32, #tpu.memory_space<vmem>> -> memref<128xi32, #tpu.memory_space<vmem>>
      %dma_start3A_222 = arith.constant 0 : i32
      %dma_start3A_223 = arith.constant 0 : i32
      %dma_start3A_224 = tpu.memref_slice %arg2[%dma_start3A_222, %dma_start3A_223] : memref<10000x64xf32, #tpu.memory_space<hbm>> -> memref<10000x64xf32, #tpu.memory_space<hbm>>
      tpu.enqueue_indirect_dma source(%dma_start3A_224 : memref<10000x64xf32, #tpu.memory_space<hbm>>) target(%arg11 : memref<128x64xf32, #tpu.memory_space<vmem>>) offsets(%dma_start3A_221 : memref<128xi32, #tpu.memory_space<vmem>>) semaphore(%arg16 : memref<!tpu.dma_semaphore, #tpu.memory_space<semaphore_mem>>)
      %mul3A_225 = arith.constant 5 : i32
      %mul3A_226 = arith.muli %scan3A_188, %mul3A_225 : i32
      %add3A_227 = arith.constant 2 : i32
      %add3A_228 = arith.addi %mul3A_226, %add3A_227 : i32
      %dma_wait3A_229 = arith.constant 0 : i32
      %dma_wait3A_230 = tpu.memref_slice %arg8[%add3A_228, %dma_wait3A_229] : memref<80x128xi32, #tpu.memory_space<vmem>> -> memref<1x128xi32, #tpu.memory_space<vmem>>
      %dma_wait3A_231 = tpu.memref_squeeze %dma_wait3A_230 : memref<1x128xi32, #tpu.memory_space<vmem>> -> memref<128xi32, #tpu.memory_space<vmem>>
      %dma_wait3A_232 = arith.constant 0 : i32
      %dma_wait3A_233 = arith.constant 0 : i32
      %dma_wait3A_234 = tpu.memref_slice %arg2[%dma_wait3A_232, %dma_wait3A_233] : memref<10000x64xf32, #tpu.memory_space<hbm>> -> memref<10000x64xf32, #tpu.memory_space<hbm>>
      tpu.wait_indirect_dma semaphore(%arg17 : memref<!tpu.dma_semaphore, #tpu.memory_space<semaphore_mem>>) src(%dma_wait3A_234 : memref<10000x64xf32, #tpu.memory_space<hbm>>) dst(%arg12 : memref<128x64xf32, #tpu.memory_space<vmem>>)
      "tpu.region"() ({
        %run_scoped3A_279 = tpu.sem_alloc : memref<!tpu.dma_semaphore, #tpu.memory_space<semaphore_mem>>
        %dma_start3A_280 = arith.constant 0 : i32
        %dma_start3A_281 = tpu.memref_slice %arg9[%add3A_228, %dma_start3A_280] : memref<80x128xi32, #tpu.memory_space<vmem>> -> memref<1x128xi32, #tpu.memory_space<vmem>>
        %dma_start3A_282 = tpu.memref_squeeze %dma_start3A_281 : memref<1x128xi32, #tpu.memory_space<vmem>> -> memref<128xi32, #tpu.memory_space<vmem>>
        %dma_start3A_283 = arith.constant 0 : i32
        %dma_start3A_284 = arith.constant 0 : i32
        %dma_start3A_285 = tpu.memref_slice %arg20[%dma_start3A_283, %dma_start3A_284] : memref<10112x64xf32, #tpu.memory_space<vmem_shared>> -> memref<10112x64xf32, #tpu.memory_space<vmem_shared>>
        tpu.enqueue_indirect_dma source(%arg12 : memref<128x64xf32, #tpu.memory_space<vmem>>) target(%dma_start3A_285 : memref<10112x64xf32, #tpu.memory_space<vmem_shared>>) offsets(%dma_start3A_282 : memref<128xi32, #tpu.memory_space<vmem>>) semaphore(%run_scoped3A_279 : memref<!tpu.dma_semaphore, #tpu.memory_space<semaphore_mem>>) {add = true}
        %dma_wait3A_286 = arith.constant 0 : i32
        %dma_wait3A_287 = tpu.memref_slice %arg9[%add3A_228, %dma_wait3A_286] : memref<80x128xi32, #tpu.memory_space<vmem>> -> memref<1x128xi32, #tpu.memory_space<vmem>>
        %dma_wait3A_288 = tpu.memref_squeeze %dma_wait3A_287 : memref<1x128xi32, #tpu.memory_space<vmem>> -> memref<128xi32, #tpu.memory_space<vmem>>
        %dma_wait3A_289 = arith.constant 0 : i32
        %dma_wait3A_290 = arith.constant 0 : i32
        %dma_wait3A_291 = tpu.memref_slice %arg20[%dma_wait3A_289, %dma_wait3A_290] : memref<10112x64xf32, #tpu.memory_space<vmem_shared>> -> memref<10112x64xf32, #tpu.memory_space<vmem_shared>>
        tpu.wait_indirect_dma semaphore(%run_scoped3A_279 : memref<!tpu.dma_semaphore, #tpu.memory_space<semaphore_mem>>) src(%arg12 : memref<128x64xf32, #tpu.memory_space<vmem>>) dst(%dma_wait3A_291 : memref<10112x64xf32, #tpu.memory_space<vmem_shared>>)
        tpu.yield
      }) : () -> ()
      %add3A_235 = arith.constant 5 : i32
      %add3A_236 = arith.addi %add3A_228, %add3A_235 : i32
      %dma_start3A_237 = arith.constant 0 : i32
      %dma_start3A_238 = tpu.memref_slice %arg8[%add3A_236, %dma_start3A_237] : memref<80x128xi32, #tpu.memory_space<vmem>> -> memref<1x128xi32, #tpu.memory_space<vmem>>
      %dma_start3A_239 = tpu.memref_squeeze %dma_start3A_238 : memref<1x128xi32, #tpu.memory_space<vmem>> -> memref<128xi32, #tpu.memory_space<vmem>>
      %dma_start3A_240 = arith.constant 0 : i32
      %dma_start3A_241 = arith.constant 0 : i32
      %dma_start3A_242 = tpu.memref_slice %arg2[%dma_start3A_240, %dma_start3A_241] : memref<10000x64xf32, #tpu.memory_space<hbm>> -> memref<10000x64xf32, #tpu.memory_space<hbm>>
      tpu.enqueue_indirect_dma source(%dma_start3A_242 : memref<10000x64xf32, #tpu.memory_space<hbm>>) target(%arg12 : memref<128x64xf32, #tpu.memory_space<vmem>>) offsets(%dma_start3A_239 : memref<128xi32, #tpu.memory_space<vmem>>) semaphore(%arg17 : memref<!tpu.dma_semaphore, #tpu.memory_space<semaphore_mem>>)
      %mul3A_243 = arith.constant 5 : i32
      %mul3A_244 = arith.muli %scan3A_188, %mul3A_243 : i32
      %add3A_245 = arith.constant 3 : i32
      %add3A_246 = arith.addi %mul3A_244, %add3A_245 : i32
      %dma_wait3A_247 = arith.constant 0 : i32
      %dma_wait3A_248 = tpu.memref_slice %arg8[%add3A_246, %dma_wait3A_247] : memref<80x128xi32, #tpu.memory_space<vmem>> -> memref<1x128xi32, #tpu.memory_space<vmem>>
      %dma_wait3A_249 = tpu.memref_squeeze %dma_wait3A_248 : memref<1x128xi32, #tpu.memory_space<vmem>> -> memref<128xi32, #tpu.memory_space<vmem>>
      %dma_wait3A_250 = arith.constant 0 : i32
      %dma_wait3A_251 = arith.constant 0 : i32
      %dma_wait3A_252 = tpu.memref_slice %arg2[%dma_wait3A_250, %dma_wait3A_251] : memref<10000x64xf32, #tpu.memory_space<hbm>> -> memref<10000x64xf32, #tpu.memory_space<hbm>>
      tpu.wait_indirect_dma semaphore(%arg18 : memref<!tpu.dma_semaphore, #tpu.memory_space<semaphore_mem>>) src(%dma_wait3A_252 : memref<10000x64xf32, #tpu.memory_space<hbm>>) dst(%arg13 : memref<128x64xf32, #tpu.memory_space<vmem>>)
      "tpu.region"() ({
        %run_scoped3A_279 = tpu.sem_alloc : memref<!tpu.dma_semaphore, #tpu.memory_space<semaphore_mem>>
        %dma_start3A_280 = arith.constant 0 : i32
        %dma_start3A_281 = tpu.memref_slice %arg9[%add3A_246, %dma_start3A_280] : memref<80x128xi32, #tpu.memory_space<vmem>> -> memref<1x128xi32, #tpu.memory_space<vmem>>
        %dma_start3A_282 = tpu.memref_squeeze %dma_start3A_281 : memref<1x128xi32, #tpu.memory_space<vmem>> -> memref<128xi32, #tpu.memory_space<vmem>>
        %dma_start3A_283 = arith.constant 0 : i32
        %dma_start3A_284 = arith.constant 0 : i32
        %dma_start3A_285 = tpu.memref_slice %arg20[%dma_start3A_283, %dma_start3A_284] : memref<10112x64xf32, #tpu.memory_space<vmem_shared>> -> memref<10112x64xf32, #tpu.memory_space<vmem_shared>>
        tpu.enqueue_indirect_dma source(%arg13 : memref<128x64xf32, #tpu.memory_space<vmem>>) target(%dma_start3A_285 : memref<10112x64xf32, #tpu.memory_space<vmem_shared>>) offsets(%dma_start3A_282 : memref<128xi32, #tpu.memory_space<vmem>>) semaphore(%run_scoped3A_279 : memref<!tpu.dma_semaphore, #tpu.memory_space<semaphore_mem>>) {add = true}
        %dma_wait3A_286 = arith.constant 0 : i32
        %dma_wait3A_287 = tpu.memref_slice %arg9[%add3A_246, %dma_wait3A_286] : memref<80x128xi32, #tpu.memory_space<vmem>> -> memref<1x128xi32, #tpu.memory_space<vmem>>
        %dma_wait3A_288 = tpu.memref_squeeze %dma_wait3A_287 : memref<1x128xi32, #tpu.memory_space<vmem>> -> memref<128xi32, #tpu.memory_space<vmem>>
        %dma_wait3A_289 = arith.constant 0 : i32
        %dma_wait3A_290 = arith.constant 0 : i32
        %dma_wait3A_291 = tpu.memref_slice %arg20[%dma_wait3A_289, %dma_wait3A_290] : memref<10112x64xf32, #tpu.memory_space<vmem_shared>> -> memref<10112x64xf32, #tpu.memory_space<vmem_shared>>
        tpu.wait_indirect_dma semaphore(%run_scoped3A_279 : memref<!tpu.dma_semaphore, #tpu.memory_space<semaphore_mem>>) src(%arg13 : memref<128x64xf32, #tpu.memory_space<vmem>>) dst(%dma_wait3A_291 : memref<10112x64xf32, #tpu.memory_space<vmem_shared>>)
        tpu.yield
      }) : () -> ()
      %add3A_253 = arith.constant 5 : i32
      %add3A_254 = arith.addi %add3A_246, %add3A_253 : i32
      %dma_start3A_255 = arith.constant 0 : i32
      %dma_start3A_256 = tpu.memref_slice %arg8[%add3A_254, %dma_start3A_255] : memref<80x128xi32, #tpu.memory_space<vmem>> -> memref<1x128xi32, #tpu.memory_space<vmem>>
      %dma_start3A_257 = tpu.memref_squeeze %dma_start3A_256 : memref<1x128xi32, #tpu.memory_space<vmem>> -> memref<128xi32, #tpu.memory_space<vmem>>
      %dma_start3A_258 = arith.constant 0 : i32
      %dma_start3A_259 = arith.constant 0 : i32
      %dma_start3A_260 = tpu.memref_slice %arg2[%dma_start3A_258, %dma_start3A_259] : memref<10000x64xf32, #tpu.memory_space<hbm>> -> memref<10000x64xf32, #tpu.memory_space<hbm>>
      tpu.enqueue_indirect_dma source(%dma_start3A_260 : memref<10000x64xf32, #tpu.memory_space<hbm>>) target(%arg13 : memref<128x64xf32, #tpu.memory_space<vmem>>) offsets(%dma_start3A_257 : memref<128xi32, #tpu.memory_space<vmem>>) semaphore(%arg18 : memref<!tpu.dma_semaphore, #tpu.memory_space<semaphore_mem>>)
      %mul3A_261 = arith.constant 5 : i32
      %mul3A_262 = arith.muli %scan3A_188, %mul3A_261 : i32
      %add3A_263 = arith.constant 4 : i32
      %add3A_264 = arith.addi %mul3A_262, %add3A_263 : i32
      %dma_wait3A_265 = arith.constant 0 : i32
      %dma_wait3A_266 = tpu.memref_slice %arg8[%add3A_264, %dma_wait3A_265] : memref<80x128xi32, #tpu.memory_space<vmem>> -> memref<1x128xi32, #tpu.memory_space<vmem>>
      %dma_wait3A_267 = tpu.memref_squeeze %dma_wait3A_266 : memref<1x128xi32, #tpu.memory_space<vmem>> -> memref<128xi32, #tpu.memory_space<vmem>>
      %dma_wait3A_268 = arith.constant 0 : i32
      %dma_wait3A_269 = arith.constant 0 : i32
      %dma_wait3A_270 = tpu.memref_slice %arg2[%dma_wait3A_268, %dma_wait3A_269] : memref<10000x64xf32, #tpu.memory_space<hbm>> -> memref<10000x64xf32, #tpu.memory_space<hbm>>
      tpu.wait_indirect_dma semaphore(%arg19 : memref<!tpu.dma_semaphore, #tpu.memory_space<semaphore_mem>>) src(%dma_wait3A_270 : memref<10000x64xf32, #tpu.memory_space<hbm>>) dst(%arg14 : memref<128x64xf32, #tpu.memory_space<vmem>>)
      "tpu.region"() ({
        %run_scoped3A_279 = tpu.sem_alloc : memref<!tpu.dma_semaphore, #tpu.memory_space<semaphore_mem>>
        %dma_start3A_280 = arith.constant 0 : i32
        %dma_start3A_281 = tpu.memref_slice %arg9[%add3A_264, %dma_start3A_280] : memref<80x128xi32, #tpu.memory_space<vmem>> -> memref<1x128xi32, #tpu.memory_space<vmem>>
        %dma_start3A_282 = tpu.memref_squeeze %dma_start3A_281 : memref<1x128xi32, #tpu.memory_space<vmem>> -> memref<128xi32, #tpu.memory_space<vmem>>
        %dma_start3A_283 = arith.constant 0 : i32
        %dma_start3A_284 = arith.constant 0 : i32
        %dma_start3A_285 = tpu.memref_slice %arg20[%dma_start3A_283, %dma_start3A_284] : memref<10112x64xf32, #tpu.memory_space<vmem_shared>> -> memref<10112x64xf32, #tpu.memory_space<vmem_shared>>
        tpu.enqueue_indirect_dma source(%arg14 : memref<128x64xf32, #tpu.memory_space<vmem>>) target(%dma_start3A_285 : memref<10112x64xf32, #tpu.memory_space<vmem_shared>>) offsets(%dma_start3A_282 : memref<128xi32, #tpu.memory_space<vmem>>) semaphore(%run_scoped3A_279 : memref<!tpu.dma_semaphore, #tpu.memory_space<semaphore_mem>>) {add = true}
        %dma_wait3A_286 = arith.constant 0 : i32
        %dma_wait3A_287 = tpu.memref_slice %arg9[%add3A_264, %dma_wait3A_286] : memref<80x128xi32, #tpu.memory_space<vmem>> -> memref<1x128xi32, #tpu.memory_space<vmem>>
        %dma_wait3A_288 = tpu.memref_squeeze %dma_wait3A_287 : memref<1x128xi32, #tpu.memory_space<vmem>> -> memref<128xi32, #tpu.memory_space<vmem>>
        %dma_wait3A_289 = arith.constant 0 : i32
        %dma_wait3A_290 = arith.constant 0 : i32
        %dma_wait3A_291 = tpu.memref_slice %arg20[%dma_wait3A_289, %dma_wait3A_290] : memref<10112x64xf32, #tpu.memory_space<vmem_shared>> -> memref<10112x64xf32, #tpu.memory_space<vmem_shared>>
        tpu.wait_indirect_dma semaphore(%run_scoped3A_279 : memref<!tpu.dma_semaphore, #tpu.memory_space<semaphore_mem>>) src(%arg14 : memref<128x64xf32, #tpu.memory_space<vmem>>) dst(%dma_wait3A_291 : memref<10112x64xf32, #tpu.memory_space<vmem_shared>>)
        tpu.yield
      }) : () -> ()
      %add3A_271 = arith.constant 5 : i32
      %add3A_272 = arith.addi %add3A_264, %add3A_271 : i32
      %dma_start3A_273 = arith.constant 0 : i32
      %dma_start3A_274 = tpu.memref_slice %arg8[%add3A_272, %dma_start3A_273] : memref<80x128xi32, #tpu.memory_space<vmem>> -> memref<1x128xi32, #tpu.memory_space<vmem>>
      %dma_start3A_275 = tpu.memref_squeeze %dma_start3A_274 : memref<1x128xi32, #tpu.memory_space<vmem>> -> memref<128xi32, #tpu.memory_space<vmem>>
      %dma_start3A_276 = arith.constant 0 : i32
      %dma_start3A_277 = arith.constant 0 : i32
      %dma_start3A_278 = tpu.memref_slice %arg2[%dma_start3A_276, %dma_start3A_277] : memref<10000x64xf32, #tpu.memory_space<hbm>> -> memref<10000x64xf32, #tpu.memory_space<hbm>>
      tpu.enqueue_indirect_dma source(%dma_start3A_278 : memref<10000x64xf32, #tpu.memory_space<hbm>>) target(%arg14 : memref<128x64xf32, #tpu.memory_space<vmem>>) offsets(%dma_start3A_275 : memref<128xi32, #tpu.memory_space<vmem>>) semaphore(%arg19 : memref<!tpu.dma_semaphore, #tpu.memory_space<semaphore_mem>>)
    }
    %scan3A_43 = arith.constant 15 : i32
    %dma_wait3A = arith.constant 75 : i32
    %dma_wait3A_44 = arith.constant 0 : i32
    %dma_wait3A_45 = tpu.memref_slice %arg8[%dma_wait3A, %dma_wait3A_44] : memref<80x128xi32, #tpu.memory_space<vmem>> -> memref<1x128xi32, #tpu.memory_space<vmem>>
    %dma_wait3A_46 = tpu.memref_squeeze %dma_wait3A_45 : memref<1x128xi32, #tpu.memory_space<vmem>> -> memref<128xi32, #tpu.memory_space<vmem>>
    %dma_wait3A_47 = arith.constant 0 : i32
    %dma_wait3A_48 = arith.constant 0 : i32
    %dma_wait3A_49 = tpu.memref_slice %arg2[%dma_wait3A_47, %dma_wait3A_48] : memref<10000x64xf32, #tpu.memory_space<hbm>> -> memref<10000x64xf32, #tpu.memory_space<hbm>>
    tpu.wait_indirect_dma semaphore(%arg15 : memref<!tpu.dma_semaphore, #tpu.memory_space<semaphore_mem>>) src(%dma_wait3A_49 : memref<10000x64xf32, #tpu.memory_space<hbm>>) dst(%arg10 : memref<128x64xf32, #tpu.memory_space<vmem>>)
    %run_scoped3A = arith.constant 75 : i32
    "tpu.region"() ({
      %run_scoped3A_188 = tpu.sem_alloc : memref<!tpu.dma_semaphore, #tpu.memory_space<semaphore_mem>>
      %dma_start3A_189 = arith.constant 0 : i32
      %dma_start3A_190 = tpu.memref_slice %arg9[%run_scoped3A, %dma_start3A_189] : memref<80x128xi32, #tpu.memory_space<vmem>> -> memref<1x128xi32, #tpu.memory_space<vmem>>
      %dma_start3A_191 = tpu.memref_squeeze %dma_start3A_190 : memref<1x128xi32, #tpu.memory_space<vmem>> -> memref<128xi32, #tpu.memory_space<vmem>>
      %dma_start3A_192 = arith.constant 0 : i32
      %dma_start3A_193 = arith.constant 0 : i32
      %dma_start3A_194 = tpu.memref_slice %arg20[%dma_start3A_192, %dma_start3A_193] : memref<10112x64xf32, #tpu.memory_space<vmem_shared>> -> memref<10112x64xf32, #tpu.memory_space<vmem_shared>>
      tpu.enqueue_indirect_dma source(%arg10 : memref<128x64xf32, #tpu.memory_space<vmem>>) target(%dma_start3A_194 : memref<10112x64xf32, #tpu.memory_space<vmem_shared>>) offsets(%dma_start3A_191 : memref<128xi32, #tpu.memory_space<vmem>>) semaphore(%run_scoped3A_188 : memref<!tpu.dma_semaphore, #tpu.memory_space<semaphore_mem>>) {add = true}
      %dma_wait3A_195 = arith.constant 0 : i32
      %dma_wait3A_196 = tpu.memref_slice %arg9[%run_scoped3A, %dma_wait3A_195] : memref<80x128xi32, #tpu.memory_space<vmem>> -> memref<1x128xi32, #tpu.memory_space<vmem>>
      %dma_wait3A_197 = tpu.memref_squeeze %dma_wait3A_196 : memref<1x128xi32, #tpu.memory_space<vmem>> -> memref<128xi32, #tpu.memory_space<vmem>>
      %dma_wait3A_198 = arith.constant 0 : i32
      %dma_wait3A_199 = arith.constant 0 : i32
      %dma_wait3A_200 = tpu.memref_slice %arg20[%dma_wait3A_198, %dma_wait3A_199] : memref<10112x64xf32, #tpu.memory_space<vmem_shared>> -> memref<10112x64xf32, #tpu.memory_space<vmem_shared>>
      tpu.wait_indirect_dma semaphore(%run_scoped3A_188 : memref<!tpu.dma_semaphore, #tpu.memory_space<semaphore_mem>>) src(%arg10 : memref<128x64xf32, #tpu.memory_space<vmem>>) dst(%dma_wait3A_200 : memref<10112x64xf32, #tpu.memory_space<vmem_shared>>)
      tpu.yield
    }) : () -> ()
    %dma_wait3A_50 = arith.constant 76 : i32
    %dma_wait3A_51 = arith.constant 0 : i32
    %dma_wait3A_52 = tpu.memref_slice %arg8[%dma_wait3A_50, %dma_wait3A_51] : memref<80x128xi32, #tpu.memory_space<vmem>> -> memref<1x128xi32, #tpu.memory_space<vmem>>
    %dma_wait3A_53 = tpu.memref_squeeze %dma_wait3A_52 : memref<1x128xi32, #tpu.memory_space<vmem>> -> memref<128xi32, #tpu.memory_space<vmem>>
    %dma_wait3A_54 = arith.constant 0 : i32
    %dma_wait3A_55 = arith.constant 0 : i32
    %dma_wait3A_56 = tpu.memref_slice %arg2[%dma_wait3A_54, %dma_wait3A_55] : memref<10000x64xf32, #tpu.memory_space<hbm>> -> memref<10000x64xf32, #tpu.memory_space<hbm>>
    tpu.wait_indirect_dma semaphore(%arg16 : memref<!tpu.dma_semaphore, #tpu.memory_space<semaphore_mem>>) src(%dma_wait3A_56 : memref<10000x64xf32, #tpu.memory_space<hbm>>) dst(%arg11 : memref<128x64xf32, #tpu.memory_space<vmem>>)
    %run_scoped3A_57 = arith.constant 76 : i32
    "tpu.region"() ({
      %run_scoped3A_188 = tpu.sem_alloc : memref<!tpu.dma_semaphore, #tpu.memory_space<semaphore_mem>>
      %dma_start3A_189 = arith.constant 0 : i32
      %dma_start3A_190 = tpu.memref_slice %arg9[%run_scoped3A_57, %dma_start3A_189] : memref<80x128xi32, #tpu.memory_space<vmem>> -> memref<1x128xi32, #tpu.memory_space<vmem>>
      %dma_start3A_191 = tpu.memref_squeeze %dma_start3A_190 : memref<1x128xi32, #tpu.memory_space<vmem>> -> memref<128xi32, #tpu.memory_space<vmem>>
      %dma_start3A_192 = arith.constant 0 : i32
      %dma_start3A_193 = arith.constant 0 : i32
      %dma_start3A_194 = tpu.memref_slice %arg20[%dma_start3A_192, %dma_start3A_193] : memref<10112x64xf32, #tpu.memory_space<vmem_shared>> -> memref<10112x64xf32, #tpu.memory_space<vmem_shared>>
      tpu.enqueue_indirect_dma source(%arg11 : memref<128x64xf32, #tpu.memory_space<vmem>>) target(%dma_start3A_194 : memref<10112x64xf32, #tpu.memory_space<vmem_shared>>) offsets(%dma_start3A_191 : memref<128xi32, #tpu.memory_space<vmem>>) semaphore(%run_scoped3A_188 : memref<!tpu.dma_semaphore, #tpu.memory_space<semaphore_mem>>) {add = true}
      %dma_wait3A_195 = arith.constant 0 : i32
      %dma_wait3A_196 = tpu.memref_slice %arg9[%run_scoped3A_57, %dma_wait3A_195] : memref<80x128xi32, #tpu.memory_space<vmem>> -> memref<1x128xi32, #tpu.memory_space<vmem>>
      %dma_wait3A_197 = tpu.memref_squeeze %dma_wait3A_196 : memref<1x128xi32, #tpu.memory_space<vmem>> -> memref<128xi32, #tpu.memory_space<vmem>>
      %dma_wait3A_198 = arith.constant 0 : i32
      %dma_wait3A_199 = arith.constant 0 : i32
      %dma_wait3A_200 = tpu.memref_slice %arg20[%dma_wait3A_198, %dma_wait3A_199] : memref<10112x64xf32, #tpu.memory_space<vmem_shared>> -> memref<10112x64xf32, #tpu.memory_space<vmem_shared>>
      tpu.wait_indirect_dma semaphore(%run_scoped3A_188 : memref<!tpu.dma_semaphore, #tpu.memory_space<semaphore_mem>>) src(%arg11 : memref<128x64xf32, #tpu.memory_space<vmem>>) dst(%dma_wait3A_200 : memref<10112x64xf32, #tpu.memory_space<vmem_shared>>)
      tpu.yield
    }) : () -> ()
    %dma_wait3A_58 = arith.constant 77 : i32
    %dma_wait3A_59 = arith.constant 0 : i32
    %dma_wait3A_60 = tpu.memref_slice %arg8[%dma_wait3A_58, %dma_wait3A_59] : memref<80x128xi32, #tpu.memory_space<vmem>> -> memref<1x128xi32, #tpu.memory_space<vmem>>
    %dma_wait3A_61 = tpu.memref_squeeze %dma_wait3A_60 : memref<1x128xi32, #tpu.memory_space<vmem>> -> memref<128xi32, #tpu.memory_space<vmem>>
    %dma_wait3A_62 = arith.constant 0 : i32
    %dma_wait3A_63 = arith.constant 0 : i32
    %dma_wait3A_64 = tpu.memref_slice %arg2[%dma_wait3A_62, %dma_wait3A_63] : memref<10000x64xf32, #tpu.memory_space<hbm>> -> memref<10000x64xf32, #tpu.memory_space<hbm>>
    tpu.wait_indirect_dma semaphore(%arg17 : memref<!tpu.dma_semaphore, #tpu.memory_space<semaphore_mem>>) src(%dma_wait3A_64 : memref<10000x64xf32, #tpu.memory_space<hbm>>) dst(%arg12 : memref<128x64xf32, #tpu.memory_space<vmem>>)
    %run_scoped3A_65 = arith.constant 77 : i32
    "tpu.region"() ({
      %run_scoped3A_188 = tpu.sem_alloc : memref<!tpu.dma_semaphore, #tpu.memory_space<semaphore_mem>>
      %dma_start3A_189 = arith.constant 0 : i32
      %dma_start3A_190 = tpu.memref_slice %arg9[%run_scoped3A_65, %dma_start3A_189] : memref<80x128xi32, #tpu.memory_space<vmem>> -> memref<1x128xi32, #tpu.memory_space<vmem>>
      %dma_start3A_191 = tpu.memref_squeeze %dma_start3A_190 : memref<1x128xi32, #tpu.memory_space<vmem>> -> memref<128xi32, #tpu.memory_space<vmem>>
      %dma_start3A_192 = arith.constant 0 : i32
      %dma_start3A_193 = arith.constant 0 : i32
      %dma_start3A_194 = tpu.memref_slice %arg20[%dma_start3A_192, %dma_start3A_193] : memref<10112x64xf32, #tpu.memory_space<vmem_shared>> -> memref<10112x64xf32, #tpu.memory_space<vmem_shared>>
      tpu.enqueue_indirect_dma source(%arg12 : memref<128x64xf32, #tpu.memory_space<vmem>>) target(%dma_start3A_194 : memref<10112x64xf32, #tpu.memory_space<vmem_shared>>) offsets(%dma_start3A_191 : memref<128xi32, #tpu.memory_space<vmem>>) semaphore(%run_scoped3A_188 : memref<!tpu.dma_semaphore, #tpu.memory_space<semaphore_mem>>) {add = true}
      %dma_wait3A_195 = arith.constant 0 : i32
      %dma_wait3A_196 = tpu.memref_slice %arg9[%run_scoped3A_65, %dma_wait3A_195] : memref<80x128xi32, #tpu.memory_space<vmem>> -> memref<1x128xi32, #tpu.memory_space<vmem>>
      %dma_wait3A_197 = tpu.memref_squeeze %dma_wait3A_196 : memref<1x128xi32, #tpu.memory_space<vmem>> -> memref<128xi32, #tpu.memory_space<vmem>>
      %dma_wait3A_198 = arith.constant 0 : i32
      %dma_wait3A_199 = arith.constant 0 : i32
      %dma_wait3A_200 = tpu.memref_slice %arg20[%dma_wait3A_198, %dma_wait3A_199] : memref<10112x64xf32, #tpu.memory_space<vmem_shared>> -> memref<10112x64xf32, #tpu.memory_space<vmem_shared>>
      tpu.wait_indirect_dma semaphore(%run_scoped3A_188 : memref<!tpu.dma_semaphore, #tpu.memory_space<semaphore_mem>>) src(%arg12 : memref<128x64xf32, #tpu.memory_space<vmem>>) dst(%dma_wait3A_200 : memref<10112x64xf32, #tpu.memory_space<vmem_shared>>)
      tpu.yield
    }) : () -> ()
    %dma_wait3A_66 = arith.constant 78 : i32
    %dma_wait3A_67 = arith.constant 0 : i32
    %dma_wait3A_68 = tpu.memref_slice %arg8[%dma_wait3A_66, %dma_wait3A_67] : memref<80x128xi32, #tpu.memory_space<vmem>> -> memref<1x128xi32, #tpu.memory_space<vmem>>
    %dma_wait3A_69 = tpu.memref_squeeze %dma_wait3A_68 : memref<1x128xi32, #tpu.memory_space<vmem>> -> memref<128xi32, #tpu.memory_space<vmem>>
    %dma_wait3A_70 = arith.constant 0 : i32
    %dma_wait3A_71 = arith.constant 0 : i32
    %dma_wait3A_72 = tpu.memref_slice %arg2[%dma_wait3A_70, %dma_wait3A_71] : memref<10000x64xf32, #tpu.memory_space<hbm>> -> memref<10000x64xf32, #tpu.memory_space<hbm>>
    tpu.wait_indirect_dma semaphore(%arg18 : memref<!tpu.dma_semaphore, #tpu.memory_space<semaphore_mem>>) src(%dma_wait3A_72 : memref<10000x64xf32, #tpu.memory_space<hbm>>) dst(%arg13 : memref<128x64xf32, #tpu.memory_space<vmem>>)
    %run_scoped3A_73 = arith.constant 78 : i32
    "tpu.region"() ({
      %run_scoped3A_188 = tpu.sem_alloc : memref<!tpu.dma_semaphore, #tpu.memory_space<semaphore_mem>>
      %dma_start3A_189 = arith.constant 0 : i32
      %dma_start3A_190 = tpu.memref_slice %arg9[%run_scoped3A_73, %dma_start3A_189] : memref<80x128xi32, #tpu.memory_space<vmem>> -> memref<1x128xi32, #tpu.memory_space<vmem>>
      %dma_start3A_191 = tpu.memref_squeeze %dma_start3A_190 : memref<1x128xi32, #tpu.memory_space<vmem>> -> memref<128xi32, #tpu.memory_space<vmem>>
      %dma_start3A_192 = arith.constant 0 : i32
      %dma_start3A_193 = arith.constant 0 : i32
      %dma_start3A_194 = tpu.memref_slice %arg20[%dma_start3A_192, %dma_start3A_193] : memref<10112x64xf32, #tpu.memory_space<vmem_shared>> -> memref<10112x64xf32, #tpu.memory_space<vmem_shared>>
      tpu.enqueue_indirect_dma source(%arg13 : memref<128x64xf32, #tpu.memory_space<vmem>>) target(%dma_start3A_194 : memref<10112x64xf32, #tpu.memory_space<vmem_shared>>) offsets(%dma_start3A_191 : memref<128xi32, #tpu.memory_space<vmem>>) semaphore(%run_scoped3A_188 : memref<!tpu.dma_semaphore, #tpu.memory_space<semaphore_mem>>) {add = true}
      %dma_wait3A_195 = arith.constant 0 : i32
      %dma_wait3A_196 = tpu.memref_slice %arg9[%run_scoped3A_73, %dma_wait3A_195] : memref<80x128xi32, #tpu.memory_space<vmem>> -> memref<1x128xi32, #tpu.memory_space<vmem>>
      %dma_wait3A_197 = tpu.memref_squeeze %dma_wait3A_196 : memref<1x128xi32, #tpu.memory_space<vmem>> -> memref<128xi32, #tpu.memory_space<vmem>>
      %dma_wait3A_198 = arith.constant 0 : i32
      %dma_wait3A_199 = arith.constant 0 : i32
      %dma_wait3A_200 = tpu.memref_slice %arg20[%dma_wait3A_198, %dma_wait3A_199] : memref<10112x64xf32, #tpu.memory_space<vmem_shared>> -> memref<10112x64xf32, #tpu.memory_space<vmem_shared>>
      tpu.wait_indirect_dma semaphore(%run_scoped3A_188 : memref<!tpu.dma_semaphore, #tpu.memory_space<semaphore_mem>>) src(%arg13 : memref<128x64xf32, #tpu.memory_space<vmem>>) dst(%dma_wait3A_200 : memref<10112x64xf32, #tpu.memory_space<vmem_shared>>)
      tpu.yield
    }) : () -> ()
    %dma_wait3A_74 = arith.constant 79 : i32
    %dma_wait3A_75 = arith.constant 0 : i32
    %dma_wait3A_76 = tpu.memref_slice %arg8[%dma_wait3A_74, %dma_wait3A_75] : memref<80x128xi32, #tpu.memory_space<vmem>> -> memref<1x128xi32, #tpu.memory_space<vmem>>
    %dma_wait3A_77 = tpu.memref_squeeze %dma_wait3A_76 : memref<1x128xi32, #tpu.memory_space<vmem>> -> memref<128xi32, #tpu.memory_space<vmem>>
    %dma_wait3A_78 = arith.constant 0 : i32
    %dma_wait3A_79 = arith.constant 0 : i32
    %dma_wait3A_80 = tpu.memref_slice %arg2[%dma_wait3A_78, %dma_wait3A_79] : memref<10000x64xf32, #tpu.memory_space<hbm>> -> memref<10000x64xf32, #tpu.memory_space<hbm>>
    tpu.wait_indirect_dma semaphore(%arg19 : memref<!tpu.dma_semaphore, #tpu.memory_space<semaphore_mem>>) src(%dma_wait3A_80 : memref<10000x64xf32, #tpu.memory_space<hbm>>) dst(%arg14 : memref<128x64xf32, #tpu.memory_space<vmem>>)
    %run_scoped3A_81 = arith.constant 79 : i32
    "tpu.region"() ({
      %run_scoped3A_188 = tpu.sem_alloc : memref<!tpu.dma_semaphore, #tpu.memory_space<semaphore_mem>>
      %dma_start3A_189 = arith.constant 0 : i32
      %dma_start3A_190 = tpu.memref_slice %arg9[%run_scoped3A_81, %dma_start3A_189] : memref<80x128xi32, #tpu.memory_space<vmem>> -> memref<1x128xi32, #tpu.memory_space<vmem>>
      %dma_start3A_191 = tpu.memref_squeeze %dma_start3A_190 : memref<1x128xi32, #tpu.memory_space<vmem>> -> memref<128xi32, #tpu.memory_space<vmem>>
      %dma_start3A_192 = arith.constant 0 : i32
      %dma_start3A_193 = arith.constant 0 : i32
      %dma_start3A_194 = tpu.memref_slice %arg20[%dma_start3A_192, %dma_start3A_193] : memref<10112x64xf32, #tpu.memory_space<vmem_shared>> -> memref<10112x64xf32, #tpu.memory_space<vmem_shared>>
      tpu.enqueue_indirect_dma source(%arg14 : memref<128x64xf32, #tpu.memory_space<vmem>>) target(%dma_start3A_194 : memref<10112x64xf32, #tpu.memory_space<vmem_shared>>) offsets(%dma_start3A_191 : memref<128xi32, #tpu.memory_space<vmem>>) semaphore(%run_scoped3A_188 : memref<!tpu.dma_semaphore, #tpu.memory_space<semaphore_mem>>) {add = true}
      %dma_wait3A_195 = arith.constant 0 : i32
      %dma_wait3A_196 = tpu.memref_slice %arg9[%run_scoped3A_81, %dma_wait3A_195] : memref<80x128xi32, #tpu.memory_space<vmem>> -> memref<1x128xi32, #tpu.memory_space<vmem>>
      %dma_wait3A_197 = tpu.memref_squeeze %dma_wait3A_196 : memref<1x128xi32, #tpu.memory_space<vmem>> -> memref<128xi32, #tpu.memory_space<vmem>>
      %dma_wait3A_198 = arith.constant 0 : i32
      %dma_wait3A_199 = arith.constant 0 : i32
      %dma_wait3A_200 = tpu.memref_slice %arg20[%dma_wait3A_198, %dma_wait3A_199] : memref<10112x64xf32, #tpu.memory_space<vmem_shared>> -> memref<10112x64xf32, #tpu.memory_space<vmem_shared>>
      tpu.wait_indirect_dma semaphore(%run_scoped3A_188 : memref<!tpu.dma_semaphore, #tpu.memory_space<semaphore_mem>>) src(%arg14 : memref<128x64xf32, #tpu.memory_space<vmem>>) dst(%dma_wait3A_200 : memref<10112x64xf32, #tpu.memory_space<vmem_shared>>)
      tpu.yield
    }) : () -> ()
    %barrier3A_82 = arith.constant 0 : index
    tpu.barrier barrier_id(%barrier3A_82)
    %mul3A_83 = arith.constant 632 : i32
    %mul3A_84 = arith.muli %arg1, %mul3A_83 : i32
    %add3A_85 = arith.constant 0 : i32
    %add3A_86 = arith.addi %add3A_85, %arg0 : i32
    %mul3A_87 = arith.constant 10112 : i32
    %mul3A_88 = arith.muli %add3A_86, %mul3A_87 : i32
    %mul3A_89 = arith.constant 632 : i32
    %mul3A_90 = arith.muli %arg1, %mul3A_89 : i32
    %add3A_91 = arith.addi %mul3A_88, %mul3A_90 : i32
    "tpu.region"() ({
      %run_scoped3A_188 = tpu.sem_alloc : memref<!tpu.dma_semaphore, #tpu.memory_space<semaphore_mem>>
      %dma_start3A_189 = arith.constant 0 : i32
      %dma_start3A_190 = tpu.memref_slice %arg7[%add3A_91, %dma_start3A_189] : memref<40448x64xf32, #tpu.memory_space<hbm>> -> memref<632x64xf32, #tpu.memory_space<hbm>>
      %dma_start3A_191 = arith.constant 0 : i32
      %dma_start3A_192 = tpu.memref_slice %arg20[%mul3A_84, %dma_start3A_191] : memref<10112x64xf32, #tpu.memory_space<vmem_shared>> -> memref<632x64xf32, #tpu.memory_space<vmem_shared>>
      tpu.enqueue_dma source(%dma_start3A_192 : memref<632x64xf32, #tpu.memory_space<vmem_shared>>) target(%dma_start3A_190 : memref<632x64xf32, #tpu.memory_space<hbm>>) target_semaphore(%run_scoped3A_188 : memref<!tpu.dma_semaphore, #tpu.memory_space<semaphore_mem>>)
      %dma_wait3A_193 = arith.constant 0 : i32
      %dma_wait3A_194 = tpu.memref_slice %arg7[%add3A_91, %dma_wait3A_193] : memref<40448x64xf32, #tpu.memory_space<hbm>> -> memref<632x64xf32, #tpu.memory_space<hbm>>
      %dma_wait3A_195 = arith.constant 0 : i32
      %dma_wait3A_196 = tpu.memref_slice %arg20[%mul3A_84, %dma_wait3A_195] : memref<10112x64xf32, #tpu.memory_space<vmem_shared>> -> memref<632x64xf32, #tpu.memory_space<vmem_shared>>
      tpu.wait_dma2 semaphore(%run_scoped3A_188 : memref<!tpu.dma_semaphore, #tpu.memory_space<semaphore_mem>>) src(%dma_wait3A_196 : memref<632x64xf32, #tpu.memory_space<vmem_shared>>) dst(%dma_wait3A_194 : memref<632x64xf32, #tpu.memory_space<hbm>>)
      tpu.yield
    }) : () -> ()
    %mul3A_92 = arith.constant 632 : i32
    %mul3A_93 = arith.muli %arg1, %mul3A_92 : i32
    %mul3A_94 = arith.constant 632 : i32
    %mul3A_95 = arith.muli %arg1, %mul3A_94 : i32
    "tpu.region"() ({
      %run_scoped3A_188 = tpu.sem_alloc : memref<!tpu.dma_semaphore, #tpu.memory_space<semaphore_mem>>
      %dma_start3A_189 = arith.constant 0 : i32
      %dma_start3A_190 = tpu.memref_slice %arg20[%mul3A_95, %dma_start3A_189] : memref<10112x64xf32, #tpu.memory_space<vmem_shared>> -> memref<632x64xf32, #tpu.memory_space<vmem_shared>>
      %dma_start3A_191 = arith.constant 0 : i32
      %dma_start3A_192 = tpu.memref_slice %arg6[%mul3A_93, %dma_start3A_191] : memref<10112x64xf32, #tpu.memory_space<hbm>> -> memref<632x64xf32, #tpu.memory_space<hbm>>
      tpu.enqueue_dma source(%dma_start3A_192 : memref<632x64xf32, #tpu.memory_space<hbm>>) target(%dma_start3A_190 : memref<632x64xf32, #tpu.memory_space<vmem_shared>>) target_semaphore(%run_scoped3A_188 : memref<!tpu.dma_semaphore, #tpu.memory_space<semaphore_mem>>)
      %dma_wait3A_193 = arith.constant 0 : i32
      %dma_wait3A_194 = tpu.memref_slice %arg20[%mul3A_95, %dma_wait3A_193] : memref<10112x64xf32, #tpu.memory_space<vmem_shared>> -> memref<632x64xf32, #tpu.memory_space<vmem_shared>>
      %dma_wait3A_195 = arith.constant 0 : i32
      %dma_wait3A_196 = tpu.memref_slice %arg6[%mul3A_93, %dma_wait3A_195] : memref<10112x64xf32, #tpu.memory_space<hbm>> -> memref<632x64xf32, #tpu.memory_space<hbm>>
      tpu.wait_dma2 semaphore(%run_scoped3A_188 : memref<!tpu.dma_semaphore, #tpu.memory_space<semaphore_mem>>) src(%dma_wait3A_196 : memref<632x64xf32, #tpu.memory_space<hbm>>) dst(%dma_wait3A_194 : memref<632x64xf32, #tpu.memory_space<vmem_shared>>)
      tpu.yield
    }) : () -> ()
    %barrier3A_96 = arith.constant 0 : index
    tpu.barrier barrier_id(%barrier3A_96)
    %dma_start3A_97 = arith.constant 0 : i32
    %dma_start3A_98 = arith.constant 0 : i32
    %dma_start3A_99 = tpu.memref_slice %arg8[%dma_start3A_97, %dma_start3A_98] : memref<80x128xi32, #tpu.memory_space<vmem>> -> memref<1x128xi32, #tpu.memory_space<vmem>>
    %dma_start3A_100 = tpu.memref_squeeze %dma_start3A_99 : memref<1x128xi32, #tpu.memory_space<vmem>> -> memref<128xi32, #tpu.memory_space<vmem>>
    %dma_start3A_101 = arith.constant 0 : i32
    %dma_start3A_102 = arith.constant 0 : i32
    %dma_start3A_103 = tpu.memref_slice %arg3[%dma_start3A_101, %dma_start3A_102] : memref<10000x64xf32, #tpu.memory_space<hbm>> -> memref<10000x64xf32, #tpu.memory_space<hbm>>
    tpu.enqueue_indirect_dma source(%dma_start3A_103 : memref<10000x64xf32, #tpu.memory_space<hbm>>) target(%arg10 : memref<128x64xf32, #tpu.memory_space<vmem>>) offsets(%dma_start3A_100 : memref<128xi32, #tpu.memory_space<vmem>>) semaphore(%arg15 : memref<!tpu.dma_semaphore, #tpu.memory_space<semaphore_mem>>)
    %dma_start3A_104 = arith.constant 1 : i32
    %dma_start3A_105 = arith.constant 0 : i32
    %dma_start3A_106 = tpu.memref_slice %arg8[%dma_start3A_104, %dma_start3A_105] : memref<80x128xi32, #tpu.memory_space<vmem>> -> memref<1x128xi32, #tpu.memory_space<vmem>>
    %dma_start3A_107 = tpu.memref_squeeze %dma_start3A_106 : memref<1x128xi32, #tpu.memory_space<vmem>> -> memref<128xi32, #tpu.memory_space<vmem>>
    %dma_start3A_108 = arith.constant 0 : i32
    %dma_start3A_109 = arith.constant 0 : i32
    %dma_start3A_110 = tpu.memref_slice %arg3[%dma_start3A_108, %dma_start3A_109] : memref<10000x64xf32, #tpu.memory_space<hbm>> -> memref<10000x64xf32, #tpu.memory_space<hbm>>
    tpu.enqueue_indirect_dma source(%dma_start3A_110 : memref<10000x64xf32, #tpu.memory_space<hbm>>) target(%arg11 : memref<128x64xf32, #tpu.memory_space<vmem>>) offsets(%dma_start3A_107 : memref<128xi32, #tpu.memory_space<vmem>>) semaphore(%arg16 : memref<!tpu.dma_semaphore, #tpu.memory_space<semaphore_mem>>)
    %dma_start3A_111 = arith.constant 2 : i32
    %dma_start3A_112 = arith.constant 0 : i32
    %dma_start3A_113 = tpu.memref_slice %arg8[%dma_start3A_111, %dma_start3A_112] : memref<80x128xi32, #tpu.memory_space<vmem>> -> memref<1x128xi32, #tpu.memory_space<vmem>>
    %dma_start3A_114 = tpu.memref_squeeze %dma_start3A_113 : memref<1x128xi32, #tpu.memory_space<vmem>> -> memref<128xi32, #tpu.memory_space<vmem>>
    %dma_start3A_115 = arith.constant 0 : i32
    %dma_start3A_116 = arith.constant 0 : i32
    %dma_start3A_117 = tpu.memref_slice %arg3[%dma_start3A_115, %dma_start3A_116] : memref<10000x64xf32, #tpu.memory_space<hbm>> -> memref<10000x64xf32, #tpu.memory_space<hbm>>
    tpu.enqueue_indirect_dma source(%dma_start3A_117 : memref<10000x64xf32, #tpu.memory_space<hbm>>) target(%arg12 : memref<128x64xf32, #tpu.memory_space<vmem>>) offsets(%dma_start3A_114 : memref<128xi32, #tpu.memory_space<vmem>>) semaphore(%arg17 : memref<!tpu.dma_semaphore, #tpu.memory_space<semaphore_mem>>)
    %dma_start3A_118 = arith.constant 3 : i32
    %dma_start3A_119 = arith.constant 0 : i32
    %dma_start3A_120 = tpu.memref_slice %arg8[%dma_start3A_118, %dma_start3A_119] : memref<80x128xi32, #tpu.memory_space<vmem>> -> memref<1x128xi32, #tpu.memory_space<vmem>>
    %dma_start3A_121 = tpu.memref_squeeze %dma_start3A_120 : memref<1x128xi32, #tpu.memory_space<vmem>> -> memref<128xi32, #tpu.memory_space<vmem>>
    %dma_start3A_122 = arith.constant 0 : i32
    %dma_start3A_123 = arith.constant 0 : i32
    %dma_start3A_124 = tpu.memref_slice %arg3[%dma_start3A_122, %dma_start3A_123] : memref<10000x64xf32, #tpu.memory_space<hbm>> -> memref<10000x64xf32, #tpu.memory_space<hbm>>
    tpu.enqueue_indirect_dma source(%dma_start3A_124 : memref<10000x64xf32, #tpu.memory_space<hbm>>) target(%arg13 : memref<128x64xf32, #tpu.memory_space<vmem>>) offsets(%dma_start3A_121 : memref<128xi32, #tpu.memory_space<vmem>>) semaphore(%arg18 : memref<!tpu.dma_semaphore, #tpu.memory_space<semaphore_mem>>)
    %dma_start3A_125 = arith.constant 4 : i32
    %dma_start3A_126 = arith.constant 0 : i32
    %dma_start3A_127 = tpu.memref_slice %arg8[%dma_start3A_125, %dma_start3A_126] : memref<80x128xi32, #tpu.memory_space<vmem>> -> memref<1x128xi32, #tpu.memory_space<vmem>>
    %dma_start3A_128 = tpu.memref_squeeze %dma_start3A_127 : memref<1x128xi32, #tpu.memory_space<vmem>> -> memref<128xi32, #tpu.memory_space<vmem>>
    %dma_start3A_129 = arith.constant 0 : i32
    %dma_start3A_130 = arith.constant 0 : i32
    %dma_start3A_131 = tpu.memref_slice %arg3[%dma_start3A_129, %dma_start3A_130] : memref<10000x64xf32, #tpu.memory_space<hbm>> -> memref<10000x64xf32, #tpu.memory_space<hbm>>
    tpu.enqueue_indirect_dma source(%dma_start3A_131 : memref<10000x64xf32, #tpu.memory_space<hbm>>) target(%arg14 : memref<128x64xf32, #tpu.memory_space<vmem>>) offsets(%dma_start3A_128 : memref<128xi32, #tpu.memory_space<vmem>>) semaphore(%arg19 : memref<!tpu.dma_semaphore, #tpu.memory_space<semaphore_mem>>)
    %scan3A_132 = arith.constant 0 : i32
    %scan3A_133 = arith.constant 0 : i32
    %scan3A_134 = arith.constant 15 : i32
    %scan3A_135 = arith.addi %scan3A_133, %scan3A_134 : i32
    %scan3A_136 = arith.constant 1 : i32
    scf.for %scan3A_188 = %scan3A_133 to %scan3A_135 step %scan3A_136  : i32 {
      %mul3A_189 = arith.constant 5 : i32
      %mul3A_190 = arith.muli %scan3A_188, %mul3A_189 : i32
      %add3A_191 = arith.constant 0 : i32
      %add3A_192 = arith.addi %mul3A_190, %add3A_191 : i32
      %dma_wait3A_193 = arith.constant 0 : i32
      %dma_wait3A_194 = tpu.memref_slice %arg8[%add3A_192, %dma_wait3A_193] : memref<80x128xi32, #tpu.memory_space<vmem>> -> memref<1x128xi32, #tpu.memory_space<vmem>>
      %dma_wait3A_195 = tpu.memref_squeeze %dma_wait3A_194 : memref<1x128xi32, #tpu.memory_space<vmem>> -> memref<128xi32, #tpu.memory_space<vmem>>
      %dma_wait3A_196 = arith.constant 0 : i32
      %dma_wait3A_197 = arith.constant 0 : i32
      %dma_wait3A_198 = tpu.memref_slice %arg3[%dma_wait3A_196, %dma_wait3A_197] : memref<10000x64xf32, #tpu.memory_space<hbm>> -> memref<10000x64xf32, #tpu.memory_space<hbm>>
      tpu.wait_indirect_dma semaphore(%arg15 : memref<!tpu.dma_semaphore, #tpu.memory_space<semaphore_mem>>) src(%dma_wait3A_198 : memref<10000x64xf32, #tpu.memory_space<hbm>>) dst(%arg10 : memref<128x64xf32, #tpu.memory_space<vmem>>)
      "tpu.region"() ({
        %run_scoped3A_279 = tpu.sem_alloc : memref<!tpu.dma_semaphore, #tpu.memory_space<semaphore_mem>>
        %dma_start3A_280 = arith.constant 0 : i32
        %dma_start3A_281 = tpu.memref_slice %arg9[%add3A_192, %dma_start3A_280] : memref<80x128xi32, #tpu.memory_space<vmem>> -> memref<1x128xi32, #tpu.memory_space<vmem>>
        %dma_start3A_282 = tpu.memref_squeeze %dma_start3A_281 : memref<1x128xi32, #tpu.memory_space<vmem>> -> memref<128xi32, #tpu.memory_space<vmem>>
        %dma_start3A_283 = arith.constant 0 : i32
        %dma_start3A_284 = arith.constant 0 : i32
        %dma_start3A_285 = tpu.memref_slice %arg20[%dma_start3A_283, %dma_start3A_284] : memref<10112x64xf32, #tpu.memory_space<vmem_shared>> -> memref<10112x64xf32, #tpu.memory_space<vmem_shared>>
        tpu.enqueue_indirect_dma source(%arg10 : memref<128x64xf32, #tpu.memory_space<vmem>>) target(%dma_start3A_285 : memref<10112x64xf32, #tpu.memory_space<vmem_shared>>) offsets(%dma_start3A_282 : memref<128xi32, #tpu.memory_space<vmem>>) semaphore(%run_scoped3A_279 : memref<!tpu.dma_semaphore, #tpu.memory_space<semaphore_mem>>) {add = true}
        %dma_wait3A_286 = arith.constant 0 : i32
        %dma_wait3A_287 = tpu.memref_slice %arg9[%add3A_192, %dma_wait3A_286] : memref<80x128xi32, #tpu.memory_space<vmem>> -> memref<1x128xi32, #tpu.memory_space<vmem>>
        %dma_wait3A_288 = tpu.memref_squeeze %dma_wait3A_287 : memref<1x128xi32, #tpu.memory_space<vmem>> -> memref<128xi32, #tpu.memory_space<vmem>>
        %dma_wait3A_289 = arith.constant 0 : i32
        %dma_wait3A_290 = arith.constant 0 : i32
        %dma_wait3A_291 = tpu.memref_slice %arg20[%dma_wait3A_289, %dma_wait3A_290] : memref<10112x64xf32, #tpu.memory_space<vmem_shared>> -> memref<10112x64xf32, #tpu.memory_space<vmem_shared>>
        tpu.wait_indirect_dma semaphore(%run_scoped3A_279 : memref<!tpu.dma_semaphore, #tpu.memory_space<semaphore_mem>>) src(%arg10 : memref<128x64xf32, #tpu.memory_space<vmem>>) dst(%dma_wait3A_291 : memref<10112x64xf32, #tpu.memory_space<vmem_shared>>)
        tpu.yield
      }) : () -> ()
      %add3A_199 = arith.constant 5 : i32
      %add3A_200 = arith.addi %add3A_192, %add3A_199 : i32
      %dma_start3A_201 = arith.constant 0 : i32
      %dma_start3A_202 = tpu.memref_slice %arg8[%add3A_200, %dma_start3A_201] : memref<80x128xi32, #tpu.memory_space<vmem>> -> memref<1x128xi32, #tpu.memory_space<vmem>>
      %dma_start3A_203 = tpu.memref_squeeze %dma_start3A_202 : memref<1x128xi32, #tpu.memory_space<vmem>> -> memref<128xi32, #tpu.memory_space<vmem>>
      %dma_start3A_204 = arith.constant 0 : i32
      %dma_start3A_205 = arith.constant 0 : i32
      %dma_start3A_206 = tpu.memref_slice %arg3[%dma_start3A_204, %dma_start3A_205] : memref<10000x64xf32, #tpu.memory_space<hbm>> -> memref<10000x64xf32, #tpu.memory_space<hbm>>
      tpu.enqueue_indirect_dma source(%dma_start3A_206 : memref<10000x64xf32, #tpu.memory_space<hbm>>) target(%arg10 : memref<128x64xf32, #tpu.memory_space<vmem>>) offsets(%dma_start3A_203 : memref<128xi32, #tpu.memory_space<vmem>>) semaphore(%arg15 : memref<!tpu.dma_semaphore, #tpu.memory_space<semaphore_mem>>)
      %mul3A_207 = arith.constant 5 : i32
      %mul3A_208 = arith.muli %scan3A_188, %mul3A_207 : i32
      %add3A_209 = arith.constant 1 : i32
      %add3A_210 = arith.addi %mul3A_208, %add3A_209 : i32
      %dma_wait3A_211 = arith.constant 0 : i32
      %dma_wait3A_212 = tpu.memref_slice %arg8[%add3A_210, %dma_wait3A_211] : memref<80x128xi32, #tpu.memory_space<vmem>> -> memref<1x128xi32, #tpu.memory_space<vmem>>
      %dma_wait3A_213 = tpu.memref_squeeze %dma_wait3A_212 : memref<1x128xi32, #tpu.memory_space<vmem>> -> memref<128xi32, #tpu.memory_space<vmem>>
      %dma_wait3A_214 = arith.constant 0 : i32
      %dma_wait3A_215 = arith.constant 0 : i32
      %dma_wait3A_216 = tpu.memref_slice %arg3[%dma_wait3A_214, %dma_wait3A_215] : memref<10000x64xf32, #tpu.memory_space<hbm>> -> memref<10000x64xf32, #tpu.memory_space<hbm>>
      tpu.wait_indirect_dma semaphore(%arg16 : memref<!tpu.dma_semaphore, #tpu.memory_space<semaphore_mem>>) src(%dma_wait3A_216 : memref<10000x64xf32, #tpu.memory_space<hbm>>) dst(%arg11 : memref<128x64xf32, #tpu.memory_space<vmem>>)
      "tpu.region"() ({
        %run_scoped3A_279 = tpu.sem_alloc : memref<!tpu.dma_semaphore, #tpu.memory_space<semaphore_mem>>
        %dma_start3A_280 = arith.constant 0 : i32
        %dma_start3A_281 = tpu.memref_slice %arg9[%add3A_210, %dma_start3A_280] : memref<80x128xi32, #tpu.memory_space<vmem>> -> memref<1x128xi32, #tpu.memory_space<vmem>>
        %dma_start3A_282 = tpu.memref_squeeze %dma_start3A_281 : memref<1x128xi32, #tpu.memory_space<vmem>> -> memref<128xi32, #tpu.memory_space<vmem>>
        %dma_start3A_283 = arith.constant 0 : i32
        %dma_start3A_284 = arith.constant 0 : i32
        %dma_start3A_285 = tpu.memref_slice %arg20[%dma_start3A_283, %dma_start3A_284] : memref<10112x64xf32, #tpu.memory_space<vmem_shared>> -> memref<10112x64xf32, #tpu.memory_space<vmem_shared>>
        tpu.enqueue_indirect_dma source(%arg11 : memref<128x64xf32, #tpu.memory_space<vmem>>) target(%dma_start3A_285 : memref<10112x64xf32, #tpu.memory_space<vmem_shared>>) offsets(%dma_start3A_282 : memref<128xi32, #tpu.memory_space<vmem>>) semaphore(%run_scoped3A_279 : memref<!tpu.dma_semaphore, #tpu.memory_space<semaphore_mem>>) {add = true}
        %dma_wait3A_286 = arith.constant 0 : i32
        %dma_wait3A_287 = tpu.memref_slice %arg9[%add3A_210, %dma_wait3A_286] : memref<80x128xi32, #tpu.memory_space<vmem>> -> memref<1x128xi32, #tpu.memory_space<vmem>>
        %dma_wait3A_288 = tpu.memref_squeeze %dma_wait3A_287 : memref<1x128xi32, #tpu.memory_space<vmem>> -> memref<128xi32, #tpu.memory_space<vmem>>
        %dma_wait3A_289 = arith.constant 0 : i32
        %dma_wait3A_290 = arith.constant 0 : i32
        %dma_wait3A_291 = tpu.memref_slice %arg20[%dma_wait3A_289, %dma_wait3A_290] : memref<10112x64xf32, #tpu.memory_space<vmem_shared>> -> memref<10112x64xf32, #tpu.memory_space<vmem_shared>>
        tpu.wait_indirect_dma semaphore(%run_scoped3A_279 : memref<!tpu.dma_semaphore, #tpu.memory_space<semaphore_mem>>) src(%arg11 : memref<128x64xf32, #tpu.memory_space<vmem>>) dst(%dma_wait3A_291 : memref<10112x64xf32, #tpu.memory_space<vmem_shared>>)
        tpu.yield
      }) : () -> ()
      %add3A_217 = arith.constant 5 : i32
      %add3A_218 = arith.addi %add3A_210, %add3A_217 : i32
      %dma_start3A_219 = arith.constant 0 : i32
      %dma_start3A_220 = tpu.memref_slice %arg8[%add3A_218, %dma_start3A_219] : memref<80x128xi32, #tpu.memory_space<vmem>> -> memref<1x128xi32, #tpu.memory_space<vmem>>
      %dma_start3A_221 = tpu.memref_squeeze %dma_start3A_220 : memref<1x128xi32, #tpu.memory_space<vmem>> -> memref<128xi32, #tpu.memory_space<vmem>>
      %dma_start3A_222 = arith.constant 0 : i32
      %dma_start3A_223 = arith.constant 0 : i32
      %dma_start3A_224 = tpu.memref_slice %arg3[%dma_start3A_222, %dma_start3A_223] : memref<10000x64xf32, #tpu.memory_space<hbm>> -> memref<10000x64xf32, #tpu.memory_space<hbm>>
      tpu.enqueue_indirect_dma source(%dma_start3A_224 : memref<10000x64xf32, #tpu.memory_space<hbm>>) target(%arg11 : memref<128x64xf32, #tpu.memory_space<vmem>>) offsets(%dma_start3A_221 : memref<128xi32, #tpu.memory_space<vmem>>) semaphore(%arg16 : memref<!tpu.dma_semaphore, #tpu.memory_space<semaphore_mem>>)
      %mul3A_225 = arith.constant 5 : i32
      %mul3A_226 = arith.muli %scan3A_188, %mul3A_225 : i32
      %add3A_227 = arith.constant 2 : i32
      %add3A_228 = arith.addi %mul3A_226, %add3A_227 : i32
      %dma_wait3A_229 = arith.constant 0 : i32
      %dma_wait3A_230 = tpu.memref_slice %arg8[%add3A_228, %dma_wait3A_229] : memref<80x128xi32, #tpu.memory_space<vmem>> -> memref<1x128xi32, #tpu.memory_space<vmem>>
      %dma_wait3A_231 = tpu.memref_squeeze %dma_wait3A_230 : memref<1x128xi32, #tpu.memory_space<vmem>> -> memref<128xi32, #tpu.memory_space<vmem>>
      %dma_wait3A_232 = arith.constant 0 : i32
      %dma_wait3A_233 = arith.constant 0 : i32
      %dma_wait3A_234 = tpu.memref_slice %arg3[%dma_wait3A_232, %dma_wait3A_233] : memref<10000x64xf32, #tpu.memory_space<hbm>> -> memref<10000x64xf32, #tpu.memory_space<hbm>>
      tpu.wait_indirect_dma semaphore(%arg17 : memref<!tpu.dma_semaphore, #tpu.memory_space<semaphore_mem>>) src(%dma_wait3A_234 : memref<10000x64xf32, #tpu.memory_space<hbm>>) dst(%arg12 : memref<128x64xf32, #tpu.memory_space<vmem>>)
      "tpu.region"() ({
        %run_scoped3A_279 = tpu.sem_alloc : memref<!tpu.dma_semaphore, #tpu.memory_space<semaphore_mem>>
        %dma_start3A_280 = arith.constant 0 : i32
        %dma_start3A_281 = tpu.memref_slice %arg9[%add3A_228, %dma_start3A_280] : memref<80x128xi32, #tpu.memory_space<vmem>> -> memref<1x128xi32, #tpu.memory_space<vmem>>
        %dma_start3A_282 = tpu.memref_squeeze %dma_start3A_281 : memref<1x128xi32, #tpu.memory_space<vmem>> -> memref<128xi32, #tpu.memory_space<vmem>>
        %dma_start3A_283 = arith.constant 0 : i32
        %dma_start3A_284 = arith.constant 0 : i32
        %dma_start3A_285 = tpu.memref_slice %arg20[%dma_start3A_283, %dma_start3A_284] : memref<10112x64xf32, #tpu.memory_space<vmem_shared>> -> memref<10112x64xf32, #tpu.memory_space<vmem_shared>>
        tpu.enqueue_indirect_dma source(%arg12 : memref<128x64xf32, #tpu.memory_space<vmem>>) target(%dma_start3A_285 : memref<10112x64xf32, #tpu.memory_space<vmem_shared>>) offsets(%dma_start3A_282 : memref<128xi32, #tpu.memory_space<vmem>>) semaphore(%run_scoped3A_279 : memref<!tpu.dma_semaphore, #tpu.memory_space<semaphore_mem>>) {add = true}
        %dma_wait3A_286 = arith.constant 0 : i32
        %dma_wait3A_287 = tpu.memref_slice %arg9[%add3A_228, %dma_wait3A_286] : memref<80x128xi32, #tpu.memory_space<vmem>> -> memref<1x128xi32, #tpu.memory_space<vmem>>
        %dma_wait3A_288 = tpu.memref_squeeze %dma_wait3A_287 : memref<1x128xi32, #tpu.memory_space<vmem>> -> memref<128xi32, #tpu.memory_space<vmem>>
        %dma_wait3A_289 = arith.constant 0 : i32
        %dma_wait3A_290 = arith.constant 0 : i32
        %dma_wait3A_291 = tpu.memref_slice %arg20[%dma_wait3A_289, %dma_wait3A_290] : memref<10112x64xf32, #tpu.memory_space<vmem_shared>> -> memref<10112x64xf32, #tpu.memory_space<vmem_shared>>
        tpu.wait_indirect_dma semaphore(%run_scoped3A_279 : memref<!tpu.dma_semaphore, #tpu.memory_space<semaphore_mem>>) src(%arg12 : memref<128x64xf32, #tpu.memory_space<vmem>>) dst(%dma_wait3A_291 : memref<10112x64xf32, #tpu.memory_space<vmem_shared>>)
        tpu.yield
      }) : () -> ()
      %add3A_235 = arith.constant 5 : i32
      %add3A_236 = arith.addi %add3A_228, %add3A_235 : i32
      %dma_start3A_237 = arith.constant 0 : i32
      %dma_start3A_238 = tpu.memref_slice %arg8[%add3A_236, %dma_start3A_237] : memref<80x128xi32, #tpu.memory_space<vmem>> -> memref<1x128xi32, #tpu.memory_space<vmem>>
      %dma_start3A_239 = tpu.memref_squeeze %dma_start3A_238 : memref<1x128xi32, #tpu.memory_space<vmem>> -> memref<128xi32, #tpu.memory_space<vmem>>
      %dma_start3A_240 = arith.constant 0 : i32
      %dma_start3A_241 = arith.constant 0 : i32
      %dma_start3A_242 = tpu.memref_slice %arg3[%dma_start3A_240, %dma_start3A_241] : memref<10000x64xf32, #tpu.memory_space<hbm>> -> memref<10000x64xf32, #tpu.memory_space<hbm>>
      tpu.enqueue_indirect_dma source(%dma_start3A_242 : memref<10000x64xf32, #tpu.memory_space<hbm>>) target(%arg12 : memref<128x64xf32, #tpu.memory_space<vmem>>) offsets(%dma_start3A_239 : memref<128xi32, #tpu.memory_space<vmem>>) semaphore(%arg17 : memref<!tpu.dma_semaphore, #tpu.memory_space<semaphore_mem>>)
      %mul3A_243 = arith.constant 5 : i32
      %mul3A_244 = arith.muli %scan3A_188, %mul3A_243 : i32
      %add3A_245 = arith.constant 3 : i32
      %add3A_246 = arith.addi %mul3A_244, %add3A_245 : i32
      %dma_wait3A_247 = arith.constant 0 : i32
      %dma_wait3A_248 = tpu.memref_slice %arg8[%add3A_246, %dma_wait3A_247] : memref<80x128xi32, #tpu.memory_space<vmem>> -> memref<1x128xi32, #tpu.memory_space<vmem>>
      %dma_wait3A_249 = tpu.memref_squeeze %dma_wait3A_248 : memref<1x128xi32, #tpu.memory_space<vmem>> -> memref<128xi32, #tpu.memory_space<vmem>>
      %dma_wait3A_250 = arith.constant 0 : i32
      %dma_wait3A_251 = arith.constant 0 : i32
      %dma_wait3A_252 = tpu.memref_slice %arg3[%dma_wait3A_250, %dma_wait3A_251] : memref<10000x64xf32, #tpu.memory_space<hbm>> -> memref<10000x64xf32, #tpu.memory_space<hbm>>
      tpu.wait_indirect_dma semaphore(%arg18 : memref<!tpu.dma_semaphore, #tpu.memory_space<semaphore_mem>>) src(%dma_wait3A_252 : memref<10000x64xf32, #tpu.memory_space<hbm>>) dst(%arg13 : memref<128x64xf32, #tpu.memory_space<vmem>>)
      "tpu.region"() ({
        %run_scoped3A_279 = tpu.sem_alloc : memref<!tpu.dma_semaphore, #tpu.memory_space<semaphore_mem>>
        %dma_start3A_280 = arith.constant 0 : i32
        %dma_start3A_281 = tpu.memref_slice %arg9[%add3A_246, %dma_start3A_280] : memref<80x128xi32, #tpu.memory_space<vmem>> -> memref<1x128xi32, #tpu.memory_space<vmem>>
        %dma_start3A_282 = tpu.memref_squeeze %dma_start3A_281 : memref<1x128xi32, #tpu.memory_space<vmem>> -> memref<128xi32, #tpu.memory_space<vmem>>
        %dma_start3A_283 = arith.constant 0 : i32
        %dma_start3A_284 = arith.constant 0 : i32
        %dma_start3A_285 = tpu.memref_slice %arg20[%dma_start3A_283, %dma_start3A_284] : memref<10112x64xf32, #tpu.memory_space<vmem_shared>> -> memref<10112x64xf32, #tpu.memory_space<vmem_shared>>
        tpu.enqueue_indirect_dma source(%arg13 : memref<128x64xf32, #tpu.memory_space<vmem>>) target(%dma_start3A_285 : memref<10112x64xf32, #tpu.memory_space<vmem_shared>>) offsets(%dma_start3A_282 : memref<128xi32, #tpu.memory_space<vmem>>) semaphore(%run_scoped3A_279 : memref<!tpu.dma_semaphore, #tpu.memory_space<semaphore_mem>>) {add = true}
        %dma_wait3A_286 = arith.constant 0 : i32
        %dma_wait3A_287 = tpu.memref_slice %arg9[%add3A_246, %dma_wait3A_286] : memref<80x128xi32, #tpu.memory_space<vmem>> -> memref<1x128xi32, #tpu.memory_space<vmem>>
        %dma_wait3A_288 = tpu.memref_squeeze %dma_wait3A_287 : memref<1x128xi32, #tpu.memory_space<vmem>> -> memref<128xi32, #tpu.memory_space<vmem>>
        %dma_wait3A_289 = arith.constant 0 : i32
        %dma_wait3A_290 = arith.constant 0 : i32
        %dma_wait3A_291 = tpu.memref_slice %arg20[%dma_wait3A_289, %dma_wait3A_290] : memref<10112x64xf32, #tpu.memory_space<vmem_shared>> -> memref<10112x64xf32, #tpu.memory_space<vmem_shared>>
        tpu.wait_indirect_dma semaphore(%run_scoped3A_279 : memref<!tpu.dma_semaphore, #tpu.memory_space<semaphore_mem>>) src(%arg13 : memref<128x64xf32, #tpu.memory_space<vmem>>) dst(%dma_wait3A_291 : memref<10112x64xf32, #tpu.memory_space<vmem_shared>>)
        tpu.yield
      }) : () -> ()
      %add3A_253 = arith.constant 5 : i32
      %add3A_254 = arith.addi %add3A_246, %add3A_253 : i32
      %dma_start3A_255 = arith.constant 0 : i32
      %dma_start3A_256 = tpu.memref_slice %arg8[%add3A_254, %dma_start3A_255] : memref<80x128xi32, #tpu.memory_space<vmem>> -> memref<1x128xi32, #tpu.memory_space<vmem>>
      %dma_start3A_257 = tpu.memref_squeeze %dma_start3A_256 : memref<1x128xi32, #tpu.memory_space<vmem>> -> memref<128xi32, #tpu.memory_space<vmem>>
      %dma_start3A_258 = arith.constant 0 : i32
      %dma_start3A_259 = arith.constant 0 : i32
      %dma_start3A_260 = tpu.memref_slice %arg3[%dma_start3A_258, %dma_start3A_259] : memref<10000x64xf32, #tpu.memory_space<hbm>> -> memref<10000x64xf32, #tpu.memory_space<hbm>>
      tpu.enqueue_indirect_dma source(%dma_start3A_260 : memref<10000x64xf32, #tpu.memory_space<hbm>>) target(%arg13 : memref<128x64xf32, #tpu.memory_space<vmem>>) offsets(%dma_start3A_257 : memref<128xi32, #tpu.memory_space<vmem>>) semaphore(%arg18 : memref<!tpu.dma_semaphore, #tpu.memory_space<semaphore_mem>>)
      %mul3A_261 = arith.constant 5 : i32
      %mul3A_262 = arith.muli %scan3A_188, %mul3A_261 : i32
      %add3A_263 = arith.constant 4 : i32
      %add3A_264 = arith.addi %mul3A_262, %add3A_263 : i32
      %dma_wait3A_265 = arith.constant 0 : i32
      %dma_wait3A_266 = tpu.memref_slice %arg8[%add3A_264, %dma_wait3A_265] : memref<80x128xi32, #tpu.memory_space<vmem>> -> memref<1x128xi32, #tpu.memory_space<vmem>>
      %dma_wait3A_267 = tpu.memref_squeeze %dma_wait3A_266 : memref<1x128xi32, #tpu.memory_space<vmem>> -> memref<128xi32, #tpu.memory_space<vmem>>
      %dma_wait3A_268 = arith.constant 0 : i32
      %dma_wait3A_269 = arith.constant 0 : i32
      %dma_wait3A_270 = tpu.memref_slice %arg3[%dma_wait3A_268, %dma_wait3A_269] : memref<10000x64xf32, #tpu.memory_space<hbm>> -> memref<10000x64xf32, #tpu.memory_space<hbm>>
      tpu.wait_indirect_dma semaphore(%arg19 : memref<!tpu.dma_semaphore, #tpu.memory_space<semaphore_mem>>) src(%dma_wait3A_270 : memref<10000x64xf32, #tpu.memory_space<hbm>>) dst(%arg14 : memref<128x64xf32, #tpu.memory_space<vmem>>)
      "tpu.region"() ({
        %run_scoped3A_279 = tpu.sem_alloc : memref<!tpu.dma_semaphore, #tpu.memory_space<semaphore_mem>>
        %dma_start3A_280 = arith.constant 0 : i32
        %dma_start3A_281 = tpu.memref_slice %arg9[%add3A_264, %dma_start3A_280] : memref<80x128xi32, #tpu.memory_space<vmem>> -> memref<1x128xi32, #tpu.memory_space<vmem>>
        %dma_start3A_282 = tpu.memref_squeeze %dma_start3A_281 : memref<1x128xi32, #tpu.memory_space<vmem>> -> memref<128xi32, #tpu.memory_space<vmem>>
        %dma_start3A_283 = arith.constant 0 : i32
        %dma_start3A_284 = arith.constant 0 : i32
        %dma_start3A_285 = tpu.memref_slice %arg20[%dma_start3A_283, %dma_start3A_284] : memref<10112x64xf32, #tpu.memory_space<vmem_shared>> -> memref<10112x64xf32, #tpu.memory_space<vmem_shared>>
        tpu.enqueue_indirect_dma source(%arg14 : memref<128x64xf32, #tpu.memory_space<vmem>>) target(%dma_start3A_285 : memref<10112x64xf32, #tpu.memory_space<vmem_shared>>) offsets(%dma_start3A_282 : memref<128xi32, #tpu.memory_space<vmem>>) semaphore(%run_scoped3A_279 : memref<!tpu.dma_semaphore, #tpu.memory_space<semaphore_mem>>) {add = true}
        %dma_wait3A_286 = arith.constant 0 : i32
        %dma_wait3A_287 = tpu.memref_slice %arg9[%add3A_264, %dma_wait3A_286] : memref<80x128xi32, #tpu.memory_space<vmem>> -> memref<1x128xi32, #tpu.memory_space<vmem>>
        %dma_wait3A_288 = tpu.memref_squeeze %dma_wait3A_287 : memref<1x128xi32, #tpu.memory_space<vmem>> -> memref<128xi32, #tpu.memory_space<vmem>>
        %dma_wait3A_289 = arith.constant 0 : i32
        %dma_wait3A_290 = arith.constant 0 : i32
        %dma_wait3A_291 = tpu.memref_slice %arg20[%dma_wait3A_289, %dma_wait3A_290] : memref<10112x64xf32, #tpu.memory_space<vmem_shared>> -> memref<10112x64xf32, #tpu.memory_space<vmem_shared>>
        tpu.wait_indirect_dma semaphore(%run_scoped3A_279 : memref<!tpu.dma_semaphore, #tpu.memory_space<semaphore_mem>>) src(%arg14 : memref<128x64xf32, #tpu.memory_space<vmem>>) dst(%dma_wait3A_291 : memref<10112x64xf32, #tpu.memory_space<vmem_shared>>)
        tpu.yield
      }) : () -> ()
      %add3A_271 = arith.constant 5 : i32
      %add3A_272 = arith.addi %add3A_264, %add3A_271 : i32
      %dma_start3A_273 = arith.constant 0 : i32
      %dma_start3A_274 = tpu.memref_slice %arg8[%add3A_272, %dma_start3A_273] : memref<80x128xi32, #tpu.memory_space<vmem>> -> memref<1x128xi32, #tpu.memory_space<vmem>>
      %dma_start3A_275 = tpu.memref_squeeze %dma_start3A_274 : memref<1x128xi32, #tpu.memory_space<vmem>> -> memref<128xi32, #tpu.memory_space<vmem>>
      %dma_start3A_276 = arith.constant 0 : i32
      %dma_start3A_277 = arith.constant 0 : i32
      %dma_start3A_278 = tpu.memref_slice %arg3[%dma_start3A_276, %dma_start3A_277] : memref<10000x64xf32, #tpu.memory_space<hbm>> -> memref<10000x64xf32, #tpu.memory_space<hbm>>
      tpu.enqueue_indirect_dma source(%dma_start3A_278 : memref<10000x64xf32, #tpu.memory_space<hbm>>) target(%arg14 : memref<128x64xf32, #tpu.memory_space<vmem>>) offsets(%dma_start3A_275 : memref<128xi32, #tpu.memory_space<vmem>>) semaphore(%arg19 : memref<!tpu.dma_semaphore, #tpu.memory_space<semaphore_mem>>)
    }
    %scan3A_137 = arith.constant 15 : i32
    %dma_wait3A_138 = arith.constant 75 : i32
    %dma_wait3A_139 = arith.constant 0 : i32
    %dma_wait3A_140 = tpu.memref_slice %arg8[%dma_wait3A_138, %dma_wait3A_139] : memref<80x128xi32, #tpu.memory_space<vmem>> -> memref<1x128xi32, #tpu.memory_space<vmem>>
    %dma_wait3A_141 = tpu.memref_squeeze %dma_wait3A_140 : memref<1x128xi32, #tpu.memory_space<vmem>> -> memref<128xi32, #tpu.memory_space<vmem>>
    %dma_wait3A_142 = arith.constant 0 : i32
    %dma_wait3A_143 = arith.constant 0 : i32
    %dma_wait3A_144 = tpu.memref_slice %arg3[%dma_wait3A_142, %dma_wait3A_143] : memref<10000x64xf32, #tpu.memory_space<hbm>> -> memref<10000x64xf32, #tpu.memory_space<hbm>>
    tpu.wait_indirect_dma semaphore(%arg15 : memref<!tpu.dma_semaphore, #tpu.memory_space<semaphore_mem>>) src(%dma_wait3A_144 : memref<10000x64xf32, #tpu.memory_space<hbm>>) dst(%arg10 : memref<128x64xf32, #tpu.memory_space<vmem>>)
    %run_scoped3A_145 = arith.constant 75 : i32
    "tpu.region"() ({
      %run_scoped3A_188 = tpu.sem_alloc : memref<!tpu.dma_semaphore, #tpu.memory_space<semaphore_mem>>
      %dma_start3A_189 = arith.constant 0 : i32
      %dma_start3A_190 = tpu.memref_slice %arg9[%run_scoped3A_145, %dma_start3A_189] : memref<80x128xi32, #tpu.memory_space<vmem>> -> memref<1x128xi32, #tpu.memory_space<vmem>>
      %dma_start3A_191 = tpu.memref_squeeze %dma_start3A_190 : memref<1x128xi32, #tpu.memory_space<vmem>> -> memref<128xi32, #tpu.memory_space<vmem>>
      %dma_start3A_192 = arith.constant 0 : i32
      %dma_start3A_193 = arith.constant 0 : i32
      %dma_start3A_194 = tpu.memref_slice %arg20[%dma_start3A_192, %dma_start3A_193] : memref<10112x64xf32, #tpu.memory_space<vmem_shared>> -> memref<10112x64xf32, #tpu.memory_space<vmem_shared>>
      tpu.enqueue_indirect_dma source(%arg10 : memref<128x64xf32, #tpu.memory_space<vmem>>) target(%dma_start3A_194 : memref<10112x64xf32, #tpu.memory_space<vmem_shared>>) offsets(%dma_start3A_191 : memref<128xi32, #tpu.memory_space<vmem>>) semaphore(%run_scoped3A_188 : memref<!tpu.dma_semaphore, #tpu.memory_space<semaphore_mem>>) {add = true}
      %dma_wait3A_195 = arith.constant 0 : i32
      %dma_wait3A_196 = tpu.memref_slice %arg9[%run_scoped3A_145, %dma_wait3A_195] : memref<80x128xi32, #tpu.memory_space<vmem>> -> memref<1x128xi32, #tpu.memory_space<vmem>>
      %dma_wait3A_197 = tpu.memref_squeeze %dma_wait3A_196 : memref<1x128xi32, #tpu.memory_space<vmem>> -> memref<128xi32, #tpu.memory_space<vmem>>
      %dma_wait3A_198 = arith.constant 0 : i32
      %dma_wait3A_199 = arith.constant 0 : i32
      %dma_wait3A_200 = tpu.memref_slice %arg20[%dma_wait3A_198, %dma_wait3A_199] : memref<10112x64xf32, #tpu.memory_space<vmem_shared>> -> memref<10112x64xf32, #tpu.memory_space<vmem_shared>>
      tpu.wait_indirect_dma semaphore(%run_scoped3A_188 : memref<!tpu.dma_semaphore, #tpu.memory_space<semaphore_mem>>) src(%arg10 : memref<128x64xf32, #tpu.memory_space<vmem>>) dst(%dma_wait3A_200 : memref<10112x64xf32, #tpu.memory_space<vmem_shared>>)
      tpu.yield
    }) : () -> ()
    %dma_wait3A_146 = arith.constant 76 : i32
    %dma_wait3A_147 = arith.constant 0 : i32
    %dma_wait3A_148 = tpu.memref_slice %arg8[%dma_wait3A_146, %dma_wait3A_147] : memref<80x128xi32, #tpu.memory_space<vmem>> -> memref<1x128xi32, #tpu.memory_space<vmem>>
    %dma_wait3A_149 = tpu.memref_squeeze %dma_wait3A_148 : memref<1x128xi32, #tpu.memory_space<vmem>> -> memref<128xi32, #tpu.memory_space<vmem>>
    %dma_wait3A_150 = arith.constant 0 : i32
    %dma_wait3A_151 = arith.constant 0 : i32
    %dma_wait3A_152 = tpu.memref_slice %arg3[%dma_wait3A_150, %dma_wait3A_151] : memref<10000x64xf32, #tpu.memory_space<hbm>> -> memref<10000x64xf32, #tpu.memory_space<hbm>>
    tpu.wait_indirect_dma semaphore(%arg16 : memref<!tpu.dma_semaphore, #tpu.memory_space<semaphore_mem>>) src(%dma_wait3A_152 : memref<10000x64xf32, #tpu.memory_space<hbm>>) dst(%arg11 : memref<128x64xf32, #tpu.memory_space<vmem>>)
    %run_scoped3A_153 = arith.constant 76 : i32
    "tpu.region"() ({
      %run_scoped3A_188 = tpu.sem_alloc : memref<!tpu.dma_semaphore, #tpu.memory_space<semaphore_mem>>
      %dma_start3A_189 = arith.constant 0 : i32
      %dma_start3A_190 = tpu.memref_slice %arg9[%run_scoped3A_153, %dma_start3A_189] : memref<80x128xi32, #tpu.memory_space<vmem>> -> memref<1x128xi32, #tpu.memory_space<vmem>>
      %dma_start3A_191 = tpu.memref_squeeze %dma_start3A_190 : memref<1x128xi32, #tpu.memory_space<vmem>> -> memref<128xi32, #tpu.memory_space<vmem>>
      %dma_start3A_192 = arith.constant 0 : i32
      %dma_start3A_193 = arith.constant 0 : i32
      %dma_start3A_194 = tpu.memref_slice %arg20[%dma_start3A_192, %dma_start3A_193] : memref<10112x64xf32, #tpu.memory_space<vmem_shared>> -> memref<10112x64xf32, #tpu.memory_space<vmem_shared>>
      tpu.enqueue_indirect_dma source(%arg11 : memref<128x64xf32, #tpu.memory_space<vmem>>) target(%dma_start3A_194 : memref<10112x64xf32, #tpu.memory_space<vmem_shared>>) offsets(%dma_start3A_191 : memref<128xi32, #tpu.memory_space<vmem>>) semaphore(%run_scoped3A_188 : memref<!tpu.dma_semaphore, #tpu.memory_space<semaphore_mem>>) {add = true}
      %dma_wait3A_195 = arith.constant 0 : i32
      %dma_wait3A_196 = tpu.memref_slice %arg9[%run_scoped3A_153, %dma_wait3A_195] : memref<80x128xi32, #tpu.memory_space<vmem>> -> memref<1x128xi32, #tpu.memory_space<vmem>>
      %dma_wait3A_197 = tpu.memref_squeeze %dma_wait3A_196 : memref<1x128xi32, #tpu.memory_space<vmem>> -> memref<128xi32, #tpu.memory_space<vmem>>
      %dma_wait3A_198 = arith.constant 0 : i32
      %dma_wait3A_199 = arith.constant 0 : i32
      %dma_wait3A_200 = tpu.memref_slice %arg20[%dma_wait3A_198, %dma_wait3A_199] : memref<10112x64xf32, #tpu.memory_space<vmem_shared>> -> memref<10112x64xf32, #tpu.memory_space<vmem_shared>>
      tpu.wait_indirect_dma semaphore(%run_scoped3A_188 : memref<!tpu.dma_semaphore, #tpu.memory_space<semaphore_mem>>) src(%arg11 : memref<128x64xf32, #tpu.memory_space<vmem>>) dst(%dma_wait3A_200 : memref<10112x64xf32, #tpu.memory_space<vmem_shared>>)
      tpu.yield
    }) : () -> ()
    %dma_wait3A_154 = arith.constant 77 : i32
    %dma_wait3A_155 = arith.constant 0 : i32
    %dma_wait3A_156 = tpu.memref_slice %arg8[%dma_wait3A_154, %dma_wait3A_155] : memref<80x128xi32, #tpu.memory_space<vmem>> -> memref<1x128xi32, #tpu.memory_space<vmem>>
    %dma_wait3A_157 = tpu.memref_squeeze %dma_wait3A_156 : memref<1x128xi32, #tpu.memory_space<vmem>> -> memref<128xi32, #tpu.memory_space<vmem>>
    %dma_wait3A_158 = arith.constant 0 : i32
    %dma_wait3A_159 = arith.constant 0 : i32
    %dma_wait3A_160 = tpu.memref_slice %arg3[%dma_wait3A_158, %dma_wait3A_159] : memref<10000x64xf32, #tpu.memory_space<hbm>> -> memref<10000x64xf32, #tpu.memory_space<hbm>>
    tpu.wait_indirect_dma semaphore(%arg17 : memref<!tpu.dma_semaphore, #tpu.memory_space<semaphore_mem>>) src(%dma_wait3A_160 : memref<10000x64xf32, #tpu.memory_space<hbm>>) dst(%arg12 : memref<128x64xf32, #tpu.memory_space<vmem>>)
    %run_scoped3A_161 = arith.constant 77 : i32
    "tpu.region"() ({
      %run_scoped3A_188 = tpu.sem_alloc : memref<!tpu.dma_semaphore, #tpu.memory_space<semaphore_mem>>
      %dma_start3A_189 = arith.constant 0 : i32
      %dma_start3A_190 = tpu.memref_slice %arg9[%run_scoped3A_161, %dma_start3A_189] : memref<80x128xi32, #tpu.memory_space<vmem>> -> memref<1x128xi32, #tpu.memory_space<vmem>>
      %dma_start3A_191 = tpu.memref_squeeze %dma_start3A_190 : memref<1x128xi32, #tpu.memory_space<vmem>> -> memref<128xi32, #tpu.memory_space<vmem>>
      %dma_start3A_192 = arith.constant 0 : i32
      %dma_start3A_193 = arith.constant 0 : i32
      %dma_start3A_194 = tpu.memref_slice %arg20[%dma_start3A_192, %dma_start3A_193] : memref<10112x64xf32, #tpu.memory_space<vmem_shared>> -> memref<10112x64xf32, #tpu.memory_space<vmem_shared>>
      tpu.enqueue_indirect_dma source(%arg12 : memref<128x64xf32, #tpu.memory_space<vmem>>) target(%dma_start3A_194 : memref<10112x64xf32, #tpu.memory_space<vmem_shared>>) offsets(%dma_start3A_191 : memref<128xi32, #tpu.memory_space<vmem>>) semaphore(%run_scoped3A_188 : memref<!tpu.dma_semaphore, #tpu.memory_space<semaphore_mem>>) {add = true}
      %dma_wait3A_195 = arith.constant 0 : i32
      %dma_wait3A_196 = tpu.memref_slice %arg9[%run_scoped3A_161, %dma_wait3A_195] : memref<80x128xi32, #tpu.memory_space<vmem>> -> memref<1x128xi32, #tpu.memory_space<vmem>>
      %dma_wait3A_197 = tpu.memref_squeeze %dma_wait3A_196 : memref<1x128xi32, #tpu.memory_space<vmem>> -> memref<128xi32, #tpu.memory_space<vmem>>
      %dma_wait3A_198 = arith.constant 0 : i32
      %dma_wait3A_199 = arith.constant 0 : i32
      %dma_wait3A_200 = tpu.memref_slice %arg20[%dma_wait3A_198, %dma_wait3A_199] : memref<10112x64xf32, #tpu.memory_space<vmem_shared>> -> memref<10112x64xf32, #tpu.memory_space<vmem_shared>>
      tpu.wait_indirect_dma semaphore(%run_scoped3A_188 : memref<!tpu.dma_semaphore, #tpu.memory_space<semaphore_mem>>) src(%arg12 : memref<128x64xf32, #tpu.memory_space<vmem>>) dst(%dma_wait3A_200 : memref<10112x64xf32, #tpu.memory_space<vmem_shared>>)
      tpu.yield
    }) : () -> ()
    %dma_wait3A_162 = arith.constant 78 : i32
    %dma_wait3A_163 = arith.constant 0 : i32
    %dma_wait3A_164 = tpu.memref_slice %arg8[%dma_wait3A_162, %dma_wait3A_163] : memref<80x128xi32, #tpu.memory_space<vmem>> -> memref<1x128xi32, #tpu.memory_space<vmem>>
    %dma_wait3A_165 = tpu.memref_squeeze %dma_wait3A_164 : memref<1x128xi32, #tpu.memory_space<vmem>> -> memref<128xi32, #tpu.memory_space<vmem>>
    %dma_wait3A_166 = arith.constant 0 : i32
    %dma_wait3A_167 = arith.constant 0 : i32
    %dma_wait3A_168 = tpu.memref_slice %arg3[%dma_wait3A_166, %dma_wait3A_167] : memref<10000x64xf32, #tpu.memory_space<hbm>> -> memref<10000x64xf32, #tpu.memory_space<hbm>>
    tpu.wait_indirect_dma semaphore(%arg18 : memref<!tpu.dma_semaphore, #tpu.memory_space<semaphore_mem>>) src(%dma_wait3A_168 : memref<10000x64xf32, #tpu.memory_space<hbm>>) dst(%arg13 : memref<128x64xf32, #tpu.memory_space<vmem>>)
    %run_scoped3A_169 = arith.constant 78 : i32
    "tpu.region"() ({
      %run_scoped3A_188 = tpu.sem_alloc : memref<!tpu.dma_semaphore, #tpu.memory_space<semaphore_mem>>
      %dma_start3A_189 = arith.constant 0 : i32
      %dma_start3A_190 = tpu.memref_slice %arg9[%run_scoped3A_169, %dma_start3A_189] : memref<80x128xi32, #tpu.memory_space<vmem>> -> memref<1x128xi32, #tpu.memory_space<vmem>>
      %dma_start3A_191 = tpu.memref_squeeze %dma_start3A_190 : memref<1x128xi32, #tpu.memory_space<vmem>> -> memref<128xi32, #tpu.memory_space<vmem>>
      %dma_start3A_192 = arith.constant 0 : i32
      %dma_start3A_193 = arith.constant 0 : i32
      %dma_start3A_194 = tpu.memref_slice %arg20[%dma_start3A_192, %dma_start3A_193] : memref<10112x64xf32, #tpu.memory_space<vmem_shared>> -> memref<10112x64xf32, #tpu.memory_space<vmem_shared>>
      tpu.enqueue_indirect_dma source(%arg13 : memref<128x64xf32, #tpu.memory_space<vmem>>) target(%dma_start3A_194 : memref<10112x64xf32, #tpu.memory_space<vmem_shared>>) offsets(%dma_start3A_191 : memref<128xi32, #tpu.memory_space<vmem>>) semaphore(%run_scoped3A_188 : memref<!tpu.dma_semaphore, #tpu.memory_space<semaphore_mem>>) {add = true}
      %dma_wait3A_195 = arith.constant 0 : i32
      %dma_wait3A_196 = tpu.memref_slice %arg9[%run_scoped3A_169, %dma_wait3A_195] : memref<80x128xi32, #tpu.memory_space<vmem>> -> memref<1x128xi32, #tpu.memory_space<vmem>>
      %dma_wait3A_197 = tpu.memref_squeeze %dma_wait3A_196 : memref<1x128xi32, #tpu.memory_space<vmem>> -> memref<128xi32, #tpu.memory_space<vmem>>
      %dma_wait3A_198 = arith.constant 0 : i32
      %dma_wait3A_199 = arith.constant 0 : i32
      %dma_wait3A_200 = tpu.memref_slice %arg20[%dma_wait3A_198, %dma_wait3A_199] : memref<10112x64xf32, #tpu.memory_space<vmem_shared>> -> memref<10112x64xf32, #tpu.memory_space<vmem_shared>>
      tpu.wait_indirect_dma semaphore(%run_scoped3A_188 : memref<!tpu.dma_semaphore, #tpu.memory_space<semaphore_mem>>) src(%arg13 : memref<128x64xf32, #tpu.memory_space<vmem>>) dst(%dma_wait3A_200 : memref<10112x64xf32, #tpu.memory_space<vmem_shared>>)
      tpu.yield
    }) : () -> ()
    %dma_wait3A_170 = arith.constant 79 : i32
    %dma_wait3A_171 = arith.constant 0 : i32
    %dma_wait3A_172 = tpu.memref_slice %arg8[%dma_wait3A_170, %dma_wait3A_171] : memref<80x128xi32, #tpu.memory_space<vmem>> -> memref<1x128xi32, #tpu.memory_space<vmem>>
    %dma_wait3A_173 = tpu.memref_squeeze %dma_wait3A_172 : memref<1x128xi32, #tpu.memory_space<vmem>> -> memref<128xi32, #tpu.memory_space<vmem>>
    %dma_wait3A_174 = arith.constant 0 : i32
    %dma_wait3A_175 = arith.constant 0 : i32
    %dma_wait3A_176 = tpu.memref_slice %arg3[%dma_wait3A_174, %dma_wait3A_175] : memref<10000x64xf32, #tpu.memory_space<hbm>> -> memref<10000x64xf32, #tpu.memory_space<hbm>>
    tpu.wait_indirect_dma semaphore(%arg19 : memref<!tpu.dma_semaphore, #tpu.memory_space<semaphore_mem>>) src(%dma_wait3A_176 : memref<10000x64xf32, #tpu.memory_space<hbm>>) dst(%arg14 : memref<128x64xf32, #tpu.memory_space<vmem>>)
    %run_scoped3A_177 = arith.constant 79 : i32
    "tpu.region"() ({
      %run_scoped3A_188 = tpu.sem_alloc : memref<!tpu.dma_semaphore, #tpu.memory_space<semaphore_mem>>
      %dma_start3A_189 = arith.constant 0 : i32
      %dma_start3A_190 = tpu.memref_slice %arg9[%run_scoped3A_177, %dma_start3A_189] : memref<80x128xi32, #tpu.memory_space<vmem>> -> memref<1x128xi32, #tpu.memory_space<vmem>>
      %dma_start3A_191 = tpu.memref_squeeze %dma_start3A_190 : memref<1x128xi32, #tpu.memory_space<vmem>> -> memref<128xi32, #tpu.memory_space<vmem>>
      %dma_start3A_192 = arith.constant 0 : i32
      %dma_start3A_193 = arith.constant 0 : i32
      %dma_start3A_194 = tpu.memref_slice %arg20[%dma_start3A_192, %dma_start3A_193] : memref<10112x64xf32, #tpu.memory_space<vmem_shared>> -> memref<10112x64xf32, #tpu.memory_space<vmem_shared>>
      tpu.enqueue_indirect_dma source(%arg14 : memref<128x64xf32, #tpu.memory_space<vmem>>) target(%dma_start3A_194 : memref<10112x64xf32, #tpu.memory_space<vmem_shared>>) offsets(%dma_start3A_191 : memref<128xi32, #tpu.memory_space<vmem>>) semaphore(%run_scoped3A_188 : memref<!tpu.dma_semaphore, #tpu.memory_space<semaphore_mem>>) {add = true}
      %dma_wait3A_195 = arith.constant 0 : i32
      %dma_wait3A_196 = tpu.memref_slice %arg9[%run_scoped3A_177, %dma_wait3A_195] : memref<80x128xi32, #tpu.memory_space<vmem>> -> memref<1x128xi32, #tpu.memory_space<vmem>>
      %dma_wait3A_197 = tpu.memref_squeeze %dma_wait3A_196 : memref<1x128xi32, #tpu.memory_space<vmem>> -> memref<128xi32, #tpu.memory_space<vmem>>
      %dma_wait3A_198 = arith.constant 0 : i32
      %dma_wait3A_199 = arith.constant 0 : i32
      %dma_wait3A_200 = tpu.memref_slice %arg20[%dma_wait3A_198, %dma_wait3A_199] : memref<10112x64xf32, #tpu.memory_space<vmem_shared>> -> memref<10112x64xf32, #tpu.memory_space<vmem_shared>>
      tpu.wait_indirect_dma semaphore(%run_scoped3A_188 : memref<!tpu.dma_semaphore, #tpu.memory_space<semaphore_mem>>) src(%arg14 : memref<128x64xf32, #tpu.memory_space<vmem>>) dst(%dma_wait3A_200 : memref<10112x64xf32, #tpu.memory_space<vmem_shared>>)
      tpu.yield
    }) : () -> ()
    %barrier3A_178 = arith.constant 0 : index
    tpu.barrier barrier_id(%barrier3A_178)
    %mul3A_179 = arith.constant 632 : i32
    %mul3A_180 = arith.muli %arg1, %mul3A_179 : i32
    %add3A_181 = arith.constant 2 : i32
    %add3A_182 = arith.addi %add3A_181, %arg0 : i32
    %mul3A_183 = arith.constant 10112 : i32
    %mul3A_184 = arith.muli %add3A_182, %mul3A_183 : i32
    %mul3A_185 = arith.constant 632 : i32
    %mul3A_186 = arith.muli %arg1, %mul3A_185 : i32
    %add3A_187 = arith.addi %mul3A_184, %mul3A_186 : i32
    "tpu.region"() ({
      %run_scoped3A_188 = tpu.sem_alloc : memref<!tpu.dma_semaphore, #tpu.memory_space<semaphore_mem>>
      %dma_start3A_189 = arith.constant 0 : i32
      %dma_start3A_190 = tpu.memref_slice %arg7[%add3A_187, %dma_start3A_189] : memref<40448x64xf32, #tpu.memory_space<hbm>> -> memref<632x64xf32, #tpu.memory_space<hbm>>
      %dma_start3A_191 = arith.constant 0 : i32
      %dma_start3A_192 = tpu.memref_slice %arg20[%mul3A_180, %dma_start3A_191] : memref<10112x64xf32, #tpu.memory_space<vmem_shared>> -> memref<632x64xf32, #tpu.memory_space<vmem_shared>>
      tpu.enqueue_dma source(%dma_start3A_192 : memref<632x64xf32, #tpu.memory_space<vmem_shared>>) target(%dma_start3A_190 : memref<632x64xf32, #tpu.memory_space<hbm>>) target_semaphore(%run_scoped3A_188 : memref<!tpu.dma_semaphore, #tpu.memory_space<semaphore_mem>>)
      %dma_wait3A_193 = arith.constant 0 : i32
      %dma_wait3A_194 = tpu.memref_slice %arg7[%add3A_187, %dma_wait3A_193] : memref<40448x64xf32, #tpu.memory_space<hbm>> -> memref<632x64xf32, #tpu.memory_space<hbm>>
      %dma_wait3A_195 = arith.constant 0 : i32
      %dma_wait3A_196 = tpu.memref_slice %arg20[%mul3A_180, %dma_wait3A_195] : memref<10112x64xf32, #tpu.memory_space<vmem_shared>> -> memref<632x64xf32, #tpu.memory_space<vmem_shared>>
      tpu.wait_dma2 semaphore(%run_scoped3A_188 : memref<!tpu.dma_semaphore, #tpu.memory_space<semaphore_mem>>) src(%dma_wait3A_196 : memref<632x64xf32, #tpu.memory_space<vmem_shared>>) dst(%dma_wait3A_194 : memref<632x64xf32, #tpu.memory_space<hbm>>)
      tpu.yield
    }) : () -> ()
    return
  }
}

#map = affine_map<(d0, d1) -> (0, 0, 0)>
#map1 = affine_map<(d0, d1) -> (0, 0)>
module attributes {stable_mosaic.version = 14 : i64} {
  func.func @_sc_degrees(%arg0: i32, %arg1: i32, %arg2: memref<32x160x128xi32, #tpu.memory_space<hbm>>, %arg3: memref<128x64xf32, #tpu.memory_space<hbm>>, %arg4: memref<10112x64xf32, #tpu.memory_space<hbm>>, %arg5: memref<20224x64xf32, #tpu.memory_space<hbm>>, %arg6: memref<160x128xi32, #tpu.memory_space<vmem>>, %arg7: memref<128x64xf32, #tpu.memory_space<vmem>>, %arg8: memref<10112x64xf32, #tpu.memory_space<vmem_shared>>) attributes {dimension_semantics = [#tpu.dimension_semantics<core_parallel>, #tpu.dimension_semantics<subcore_parallel>], iteration_bounds = array<i64: 2, 16>, scalar_prefetch = 0 : i64, scratch_operands = 3 : i64, tpu.core_type = #tpu.core_type<sc_vector_subcore>, window_params = [{transform_indices = #map}, {transform_indices = #map1}, {transform_indices = #map1}, {transform_indices = #map1}]} {
    %mul3A = arith.constant 16 : i32
    %mul3A_0 = arith.muli %arg0, %mul3A : i32
    %add3A = arith.addi %mul3A_0, %arg1 : i32
    "tpu.region"() ({
      %run_scoped3A = tpu.sem_alloc : memref<!tpu.dma_semaphore, #tpu.memory_space<semaphore_mem>>
      %dma_start3A = arith.constant 0 : i32
      %dma_start3A_18 = arith.constant 0 : i32
      %dma_start3A_19 = tpu.memref_slice %arg2[%add3A, %dma_start3A, %dma_start3A_18] : memref<32x160x128xi32, #tpu.memory_space<hbm>> -> memref<1x160x128xi32, #tpu.memory_space<hbm>>
      %dma_start3A_20 = tpu.memref_squeeze %dma_start3A_19 : memref<1x160x128xi32, #tpu.memory_space<hbm>> -> memref<160x128xi32, #tpu.memory_space<hbm>>
      %dma_start3A_21 = arith.constant 0 : i32
      %dma_start3A_22 = arith.constant 0 : i32
      %dma_start3A_23 = tpu.memref_slice %arg2[%add3A, %dma_start3A_21, %dma_start3A_22] : memref<32x160x128xi32, #tpu.memory_space<hbm>> -> memref<1x160x128xi32, #tpu.memory_space<hbm>>
      %dma_start3A_24 = tpu.memref_squeeze %dma_start3A_23 : memref<1x160x128xi32, #tpu.memory_space<hbm>> -> memref<160x128xi32, #tpu.memory_space<hbm>>
      tpu.enqueue_dma source(%dma_start3A_24 : memref<160x128xi32, #tpu.memory_space<hbm>>) target(%arg6 : memref<160x128xi32, #tpu.memory_space<vmem>>) target_semaphore(%run_scoped3A : memref<!tpu.dma_semaphore, #tpu.memory_space<semaphore_mem>>)
      %dma_wait3A = arith.constant 0 : i32
      %dma_wait3A_25 = arith.constant 0 : i32
      %dma_wait3A_26 = tpu.memref_slice %arg2[%add3A, %dma_wait3A, %dma_wait3A_25] : memref<32x160x128xi32, #tpu.memory_space<hbm>> -> memref<1x160x128xi32, #tpu.memory_space<hbm>>
      %dma_wait3A_27 = tpu.memref_squeeze %dma_wait3A_26 : memref<1x160x128xi32, #tpu.memory_space<hbm>> -> memref<160x128xi32, #tpu.memory_space<hbm>>
      %dma_wait3A_28 = arith.constant 0 : i32
      %dma_wait3A_29 = arith.constant 0 : i32
      %dma_wait3A_30 = tpu.memref_slice %arg2[%add3A, %dma_wait3A_28, %dma_wait3A_29] : memref<32x160x128xi32, #tpu.memory_space<hbm>> -> memref<1x160x128xi32, #tpu.memory_space<hbm>>
      %dma_wait3A_31 = tpu.memref_squeeze %dma_wait3A_30 : memref<1x160x128xi32, #tpu.memory_space<hbm>> -> memref<160x128xi32, #tpu.memory_space<hbm>>
      tpu.wait_dma2 semaphore(%run_scoped3A : memref<!tpu.dma_semaphore, #tpu.memory_space<semaphore_mem>>) src(%dma_wait3A_31 : memref<160x128xi32, #tpu.memory_space<hbm>>) dst(%arg6 : memref<160x128xi32, #tpu.memory_space<vmem>>)
      tpu.yield
    }) : () -> ()
    "tpu.region"() ({
      %run_scoped3A = tpu.sem_alloc : memref<!tpu.dma_semaphore, #tpu.memory_space<semaphore_mem>>
      tpu.enqueue_dma source(%arg3 : memref<128x64xf32, #tpu.memory_space<hbm>>) target(%arg7 : memref<128x64xf32, #tpu.memory_space<vmem>>) target_semaphore(%run_scoped3A : memref<!tpu.dma_semaphore, #tpu.memory_space<semaphore_mem>>)
      tpu.wait_dma2 semaphore(%run_scoped3A : memref<!tpu.dma_semaphore, #tpu.memory_space<semaphore_mem>>) src(%arg3 : memref<128x64xf32, #tpu.memory_space<hbm>>) dst(%arg7 : memref<128x64xf32, #tpu.memory_space<vmem>>)
      tpu.yield
    }) : () -> ()
    %mul3A_1 = arith.constant 632 : i32
    %mul3A_2 = arith.muli %arg1, %mul3A_1 : i32
    %mul3A_3 = arith.constant 632 : i32
    %mul3A_4 = arith.muli %arg1, %mul3A_3 : i32
    "tpu.region"() ({
      %run_scoped3A = tpu.sem_alloc : memref<!tpu.dma_semaphore, #tpu.memory_space<semaphore_mem>>
      %dma_start3A = arith.constant 0 : i32
      %dma_start3A_18 = tpu.memref_slice %arg8[%mul3A_4, %dma_start3A] : memref<10112x64xf32, #tpu.memory_space<vmem_shared>> -> memref<632x64xf32, #tpu.memory_space<vmem_shared>>
      %dma_start3A_19 = arith.constant 0 : i32
      %dma_start3A_20 = tpu.memref_slice %arg4[%mul3A_2, %dma_start3A_19] : memref<10112x64xf32, #tpu.memory_space<hbm>> -> memref<632x64xf32, #tpu.memory_space<hbm>>
      tpu.enqueue_dma source(%dma_start3A_20 : memref<632x64xf32, #tpu.memory_space<hbm>>) target(%dma_start3A_18 : memref<632x64xf32, #tpu.memory_space<vmem_shared>>) target_semaphore(%run_scoped3A : memref<!tpu.dma_semaphore, #tpu.memory_space<semaphore_mem>>)
      %dma_wait3A = arith.constant 0 : i32
      %dma_wait3A_21 = tpu.memref_slice %arg8[%mul3A_4, %dma_wait3A] : memref<10112x64xf32, #tpu.memory_space<vmem_shared>> -> memref<632x64xf32, #tpu.memory_space<vmem_shared>>
      %dma_wait3A_22 = arith.constant 0 : i32
      %dma_wait3A_23 = tpu.memref_slice %arg4[%mul3A_2, %dma_wait3A_22] : memref<10112x64xf32, #tpu.memory_space<hbm>> -> memref<632x64xf32, #tpu.memory_space<hbm>>
      tpu.wait_dma2 semaphore(%run_scoped3A : memref<!tpu.dma_semaphore, #tpu.memory_space<semaphore_mem>>) src(%dma_wait3A_23 : memref<632x64xf32, #tpu.memory_space<hbm>>) dst(%dma_wait3A_21 : memref<632x64xf32, #tpu.memory_space<vmem_shared>>)
      tpu.yield
    }) : () -> ()
    %barrier3A = arith.constant 0 : index
    tpu.barrier barrier_id(%barrier3A)
    %scan3A = arith.constant 0 : i32
    %scan3A_5 = arith.constant 0 : i32
    %scan3A_6 = arith.constant 160 : i32
    %scan3A_7 = arith.addi %scan3A_5, %scan3A_6 : i32
    %scan3A_8 = arith.constant 1 : i32
    scf.for %scan3A_18 = %scan3A_5 to %scan3A_7 step %scan3A_8  : i32 {
      "tpu.region"() ({
        %run_scoped3A = tpu.sem_alloc : memref<!tpu.dma_semaphore, #tpu.memory_space<semaphore_mem>>
        %dma_start3A = arith.constant 0 : i32
        %dma_start3A_19 = tpu.memref_slice %arg6[%scan3A_18, %dma_start3A] : memref<160x128xi32, #tpu.memory_space<vmem>> -> memref<1x128xi32, #tpu.memory_space<vmem>>
        %dma_start3A_20 = tpu.memref_squeeze %dma_start3A_19 : memref<1x128xi32, #tpu.memory_space<vmem>> -> memref<128xi32, #tpu.memory_space<vmem>>
        %dma_start3A_21 = arith.constant 0 : i32
        %dma_start3A_22 = arith.constant 0 : i32
        %dma_start3A_23 = tpu.memref_slice %arg8[%dma_start3A_21, %dma_start3A_22] : memref<10112x64xf32, #tpu.memory_space<vmem_shared>> -> memref<10112x64xf32, #tpu.memory_space<vmem_shared>>
        tpu.enqueue_indirect_dma source(%arg7 : memref<128x64xf32, #tpu.memory_space<vmem>>) target(%dma_start3A_23 : memref<10112x64xf32, #tpu.memory_space<vmem_shared>>) offsets(%dma_start3A_20 : memref<128xi32, #tpu.memory_space<vmem>>) semaphore(%run_scoped3A : memref<!tpu.dma_semaphore, #tpu.memory_space<semaphore_mem>>) {add = true}
        %dma_wait3A = arith.constant 0 : i32
        %dma_wait3A_24 = tpu.memref_slice %arg6[%scan3A_18, %dma_wait3A] : memref<160x128xi32, #tpu.memory_space<vmem>> -> memref<1x128xi32, #tpu.memory_space<vmem>>
        %dma_wait3A_25 = tpu.memref_squeeze %dma_wait3A_24 : memref<1x128xi32, #tpu.memory_space<vmem>> -> memref<128xi32, #tpu.memory_space<vmem>>
        %dma_wait3A_26 = arith.constant 0 : i32
        %dma_wait3A_27 = arith.constant 0 : i32
        %dma_wait3A_28 = tpu.memref_slice %arg8[%dma_wait3A_26, %dma_wait3A_27] : memref<10112x64xf32, #tpu.memory_space<vmem_shared>> -> memref<10112x64xf32, #tpu.memory_space<vmem_shared>>
        tpu.wait_indirect_dma semaphore(%run_scoped3A : memref<!tpu.dma_semaphore, #tpu.memory_space<semaphore_mem>>) src(%arg7 : memref<128x64xf32, #tpu.memory_space<vmem>>) dst(%dma_wait3A_28 : memref<10112x64xf32, #tpu.memory_space<vmem_shared>>)
        tpu.yield
      }) : () -> ()
    }
    %scan3A_9 = arith.constant 160 : i32
    %barrier3A_10 = arith.constant 0 : index
    tpu.barrier barrier_id(%barrier3A_10)
    %mul3A_11 = arith.constant 632 : i32
    %mul3A_12 = arith.muli %arg1, %mul3A_11 : i32
    %mul3A_13 = arith.constant 10112 : i32
    %mul3A_14 = arith.muli %arg0, %mul3A_13 : i32
    %mul3A_15 = arith.constant 632 : i32
    %mul3A_16 = arith.muli %arg1, %mul3A_15 : i32
    %add3A_17 = arith.addi %mul3A_14, %mul3A_16 : i32
    "tpu.region"() ({
      %run_scoped3A = tpu.sem_alloc : memref<!tpu.dma_semaphore, #tpu.memory_space<semaphore_mem>>
      %dma_start3A = arith.constant 0 : i32
      %dma_start3A_18 = tpu.memref_slice %arg5[%add3A_17, %dma_start3A] : memref<20224x64xf32, #tpu.memory_space<hbm>> -> memref<632x64xf32, #tpu.memory_space<hbm>>
      %dma_start3A_19 = arith.constant 0 : i32
      %dma_start3A_20 = tpu.memref_slice %arg8[%mul3A_12, %dma_start3A_19] : memref<10112x64xf32, #tpu.memory_space<vmem_shared>> -> memref<632x64xf32, #tpu.memory_space<vmem_shared>>
      tpu.enqueue_dma source(%dma_start3A_20 : memref<632x64xf32, #tpu.memory_space<vmem_shared>>) target(%dma_start3A_18 : memref<632x64xf32, #tpu.memory_space<hbm>>) target_semaphore(%run_scoped3A : memref<!tpu.dma_semaphore, #tpu.memory_space<semaphore_mem>>)
      %dma_wait3A = arith.constant 0 : i32
      %dma_wait3A_21 = tpu.memref_slice %arg5[%add3A_17, %dma_wait3A] : memref<20224x64xf32, #tpu.memory_space<hbm>> -> memref<632x64xf32, #tpu.memory_space<hbm>>
      %dma_wait3A_22 = arith.constant 0 : i32
      %dma_wait3A_23 = tpu.memref_slice %arg8[%mul3A_12, %dma_wait3A_22] : memref<10112x64xf32, #tpu.memory_space<vmem_shared>> -> memref<632x64xf32, #tpu.memory_space<vmem_shared>>
      tpu.wait_dma2 semaphore(%run_scoped3A : memref<!tpu.dma_semaphore, #tpu.memory_space<semaphore_mem>>) src(%dma_wait3A_23 : memref<632x64xf32, #tpu.memory_space<vmem_shared>>) dst(%dma_wait3A_21 : memref<632x64xf32, #tpu.memory_space<hbm>>)
      tpu.yield
    }) : () -> ()
    return
  }
}

module attributes {stable_mosaic.version = 14 : i64} {
  func.func @_tc_body(%arg0: i32, %arg1: memref<400x128xf32, #tpu.memory_space<vmem>>, %arg2: memref<400x128xf32, #tpu.memory_space<vmem>>, %arg3: memref<400x64xf32, #tpu.memory_space<vmem>>, %arg4: memref<400x128xf32, #tpu.memory_space<vmem>>, %arg5: memref<400x128xf32, #tpu.memory_space<vmem>>, %arg6: memref<400x64xf32, #tpu.memory_space<vmem>>, %arg7: memref<128x128xf32, #tpu.memory_space<vmem>>, %arg8: memref<1x128xf32, #tpu.memory_space<vmem>>, %arg9: memref<128x128xf32, #tpu.memory_space<vmem>>, %arg10: memref<1x128xf32, #tpu.memory_space<vmem>>, %arg11: memref<400x128xf32, #tpu.memory_space<vmem>>, %arg12: memref<400x128xf32, #tpu.memory_space<vmem>>) attributes {dimension_semantics = [#tpu.dimension_semantics<arbitrary>], iteration_bounds = array<i64: 25>, scalar_prefetch = 0 : i64, scratch_operands = 0 : i64, tpu.core_type = #tpu.core_type<tc>, window_params = [{transform_indices = @transform_0, window_bounds = array<i64: 400, 128>}, {transform_indices = @transform_1, window_bounds = array<i64: 400, 128>}, {transform_indices = @transform_2, window_bounds = array<i64: 400, 64>}, {transform_indices = @transform_3, window_bounds = array<i64: 400, 128>}, {transform_indices = @transform_4, window_bounds = array<i64: 400, 128>}, {transform_indices = @transform_5, window_bounds = array<i64: 400, 64>}, {pipeline_mode = #tpu.pipeline_mode<synchronous>, transform_indices = @transform_6, window_bounds = array<i64: 128, 128>}, {pipeline_mode = #tpu.pipeline_mode<synchronous>, transform_indices = @transform_7, window_bounds = array<i64: 1, 128>}, {pipeline_mode = #tpu.pipeline_mode<synchronous>, transform_indices = @transform_8, window_bounds = array<i64: 128, 128>}, {pipeline_mode = #tpu.pipeline_mode<synchronous>, transform_indices = @transform_9, window_bounds = array<i64: 1, 128>}, {transform_indices = @transform_10, window_bounds = array<i64: 400, 128>}, {transform_indices = @transform_11, window_bounds = array<i64: 400, 128>}]} {
    %get3A = arith.constant 0 : index
    %get3A_0 = arith.constant 0 : index
    %get3A_1 = vector.load %arg3[%get3A, %get3A_0] : memref<400x64xf32, #tpu.memory_space<vmem>>, vector<400x1xf32>
    %max3A = arith.constant 1.000000e+00 : f32
    %max3A_2 = vector.broadcast %max3A : f32 to vector<400x1xf32>
    %max3A_3 = arith.maximumf %get3A_1, %max3A_2 : vector<400x1xf32>
    %get3A_4 = arith.constant 0 : index
    %get3A_5 = arith.constant 0 : index
    %get3A_6 = vector.load %arg1[%get3A_4, %get3A_5] : memref<400x128xf32, #tpu.memory_space<vmem>>, vector<400x128xf32>
    %get3A_7 = arith.constant 0 : index
    %get3A_8 = arith.constant 0 : index
    %get3A_9 = vector.load %arg2[%get3A_7, %get3A_8] : memref<400x128xf32, #tpu.memory_space<vmem>>, vector<400x128xf32>
    %div3A = vector.broadcast %max3A_3 : vector<400x1xf32> to vector<400x128xf32>
    %div3A_10 = arith.divf %get3A_9, %div3A : vector<400x128xf32>
    %add3A = arith.addf %get3A_6, %div3A_10 : vector<400x128xf32>
    %get3A_11 = arith.constant 0 : index
    %get3A_12 = arith.constant 0 : index
    %get3A_13 = vector.load %arg7[%get3A_11, %get3A_12] : memref<128x128xf32, #tpu.memory_space<vmem>>, vector<128x128xf32>
    %dot_general3A = arith.constant dense<0.000000e+00> : vector<400x128xf32>
    %dot_general3A_14 = tpu.matmul %add3A, %get3A_13, %dot_general3A {dimension_numbers = #tpu.dot_dimension_numbers<[1], [0], [0], [1], [0, 0, 1, 1], [], []>, transpose_lhs_hint = false} : vector<400x128xf32>, vector<128x128xf32>, vector<400x128xf32> -> vector<400x128xf32>
    %get3A_15 = arith.constant 0 : index
    %get3A_16 = arith.constant 0 : index
    %get3A_17 = vector.load %arg8[%get3A_15, %get3A_16] : memref<1x128xf32, #tpu.memory_space<vmem>>, vector<1x128xf32>
    %add3A_18 = vector.broadcast %get3A_17 : vector<1x128xf32> to vector<400x128xf32>
    %add3A_19 = arith.addf %dot_general3A_14, %add3A_18 : vector<400x128xf32>
    %get3A_20 = arith.constant 0 : index
    %get3A_21 = arith.constant 0 : index
    %get3A_22 = vector.load %arg6[%get3A_20, %get3A_21] : memref<400x64xf32, #tpu.memory_space<vmem>>, vector<400x1xf32>
    %max3A_23 = arith.constant 1.000000e+00 : f32
    %max3A_24 = vector.broadcast %max3A_23 : f32 to vector<400x1xf32>
    %max3A_25 = arith.maximumf %get3A_22, %max3A_24 : vector<400x1xf32>
    %get3A_26 = arith.constant 0 : index
    %get3A_27 = arith.constant 0 : index
    %get3A_28 = vector.load %arg4[%get3A_26, %get3A_27] : memref<400x128xf32, #tpu.memory_space<vmem>>, vector<400x128xf32>
    %get3A_29 = arith.constant 0 : index
    %get3A_30 = arith.constant 0 : index
    %get3A_31 = vector.load %arg5[%get3A_29, %get3A_30] : memref<400x128xf32, #tpu.memory_space<vmem>>, vector<400x128xf32>
    %div3A_32 = vector.broadcast %max3A_25 : vector<400x1xf32> to vector<400x128xf32>
    %div3A_33 = arith.divf %get3A_31, %div3A_32 : vector<400x128xf32>
    %add3A_34 = arith.addf %get3A_28, %div3A_33 : vector<400x128xf32>
    %get3A_35 = arith.constant 0 : index
    %get3A_36 = arith.constant 0 : index
    %get3A_37 = vector.load %arg9[%get3A_35, %get3A_36] : memref<128x128xf32, #tpu.memory_space<vmem>>, vector<128x128xf32>
    %dot_general3A_38 = arith.constant dense<0.000000e+00> : vector<400x128xf32>
    %dot_general3A_39 = tpu.matmul %add3A_34, %get3A_37, %dot_general3A_38 {dimension_numbers = #tpu.dot_dimension_numbers<[1], [0], [0], [1], [0, 0, 1, 1], [], []>, transpose_lhs_hint = false} : vector<400x128xf32>, vector<128x128xf32>, vector<400x128xf32> -> vector<400x128xf32>
    %get3A_40 = arith.constant 0 : index
    %get3A_41 = arith.constant 0 : index
    %get3A_42 = vector.load %arg10[%get3A_40, %get3A_41] : memref<1x128xf32, #tpu.memory_space<vmem>>, vector<1x128xf32>
    %add3A_43 = vector.broadcast %get3A_42 : vector<1x128xf32> to vector<400x128xf32>
    %add3A_44 = arith.addf %dot_general3A_39, %add3A_43 : vector<400x128xf32>
    %max3A_45 = arith.constant 0.000000e+00 : f32
    %max3A_46 = vector.broadcast %max3A_45 : f32 to vector<400x128xf32>
    %max3A_47 = arith.maximumf %add3A_19, %max3A_46 : vector<400x128xf32>
    %max3A_48 = arith.constant 0.000000e+00 : f32
    %max3A_49 = vector.broadcast %max3A_48 : f32 to vector<400x128xf32>
    %max3A_50 = arith.maximumf %add3A_44, %max3A_49 : vector<400x128xf32>
    %swap3A = arith.constant 0 : index
    %swap3A_51 = arith.constant 0 : index
    %swap3A_52 = vector.load %arg11[%swap3A, %swap3A_51] : memref<400x128xf32, #tpu.memory_space<vmem>>, vector<400x128xf32>
    tpu.vector_store %arg11[%swap3A, %swap3A_51], %max3A_47 {strides = array<i32>} : memref<400x128xf32, #tpu.memory_space<vmem>>, vector<400x128xf32>,
    %swap3A_53 = arith.constant 0 : index
    %swap3A_54 = arith.constant 0 : index
    %swap3A_55 = vector.load %arg12[%swap3A_53, %swap3A_54] : memref<400x128xf32, #tpu.memory_space<vmem>>, vector<400x128xf32>
    tpu.vector_store %arg12[%swap3A_53, %swap3A_54], %max3A_50 {strides = array<i32>} : memref<400x128xf32, #tpu.memory_space<vmem>>, vector<400x128xf32>,
    return
  }
  func.func @transform_0(%arg0: i32) -> (i32, i32) {
    %c0_i32 = arith.constant 0 : i32
    %c0_i32_0 = arith.constant 0 : i32
    return %arg0, %c0_i32 : i32, i32
  }
  func.func @transform_1(%arg0: i32) -> (i32, i32) {
    %c0_i32 = arith.constant 0 : i32
    %c0_i32_0 = arith.constant 0 : i32
    return %arg0, %c0_i32 : i32, i32
  }
  func.func @transform_2(%arg0: i32) -> (i32, i32) {
    %c0_i32 = arith.constant 0 : i32
    %c0_i32_0 = arith.constant 0 : i32
    return %arg0, %c0_i32 : i32, i32
  }
  func.func @transform_3(%arg0: i32) -> (i32, i32) {
    %c0_i32 = arith.constant 0 : i32
    %c0_i32_0 = arith.constant 0 : i32
    return %arg0, %c0_i32 : i32, i32
  }
  func.func @transform_4(%arg0: i32) -> (i32, i32) {
    %c0_i32 = arith.constant 0 : i32
    %c0_i32_0 = arith.constant 0 : i32
    return %arg0, %c0_i32 : i32, i32
  }
  func.func @transform_5(%arg0: i32) -> (i32, i32) {
    %c0_i32 = arith.constant 0 : i32
    %c0_i32_0 = arith.constant 0 : i32
    return %arg0, %c0_i32 : i32, i32
  }
  func.func @transform_6(%arg0: i32) -> (i32, i32) {
    %c0_i32 = arith.constant 0 : i32
    %c0_i32_0 = arith.constant 0 : i32
    %c0_i32_1 = arith.constant 0 : i32
    return %c0_i32, %c0_i32_0 : i32, i32
  }
  func.func @transform_7(%arg0: i32) -> (i32, i32) {
    %c0_i32 = arith.constant 0 : i32
    %c0_i32_0 = arith.constant 0 : i32
    %c0_i32_1 = arith.constant 0 : i32
    return %c0_i32, %c0_i32_0 : i32, i32
  }
  func.func @transform_8(%arg0: i32) -> (i32, i32) {
    %c0_i32 = arith.constant 0 : i32
    %c0_i32_0 = arith.constant 0 : i32
    %c0_i32_1 = arith.constant 0 : i32
    return %c0_i32, %c0_i32_0 : i32, i32
  }
  func.func @transform_9(%arg0: i32) -> (i32, i32) {
    %c0_i32 = arith.constant 0 : i32
    %c0_i32_0 = arith.constant 0 : i32
    %c0_i32_1 = arith.constant 0 : i32
    return %c0_i32, %c0_i32_0 : i32, i32
  }
  func.func @transform_10(%arg0: i32) -> (i32, i32) {
    %c0_i32 = arith.constant 0 : i32
    %c0_i32_0 = arith.constant 0 : i32
    return %arg0, %c0_i32 : i32, i32
  }
  func.func @transform_11(%arg0: i32) -> (i32, i32) {
    %c0_i32 = arith.constant 0 : i32
    %c0_i32_0 = arith.constant 0 : i32
    return %arg0, %c0_i32 : i32, i32
  }
}

module attributes {stable_mosaic.version = 14 : i64} {
  func.func @_tc_final_body(%arg0: i32, %arg1: memref<400x128xf32, #tpu.memory_space<vmem>>, %arg2: memref<400x128xf32, #tpu.memory_space<vmem>>, %arg3: memref<400x128xf32, #tpu.memory_space<vmem>>, %arg4: memref<400x64xf32, #tpu.memory_space<vmem>>, %arg5: memref<128x128xf32, #tpu.memory_space<vmem>>, %arg6: memref<1x128xf32, #tpu.memory_space<vmem>>, %arg7: memref<400x128xf32, #tpu.memory_space<vmem>>) attributes {dimension_semantics = [#tpu.dimension_semantics<arbitrary>], iteration_bounds = array<i64: 25>, scalar_prefetch = 0 : i64, scratch_operands = 0 : i64, tpu.core_type = #tpu.core_type<tc>, window_params = [{transform_indices = @transform_0, window_bounds = array<i64: 400, 128>}, {transform_indices = @transform_1, window_bounds = array<i64: 400, 128>}, {transform_indices = @transform_2, window_bounds = array<i64: 400, 128>}, {transform_indices = @transform_3, window_bounds = array<i64: 400, 64>}, {pipeline_mode = #tpu.pipeline_mode<synchronous>, transform_indices = @transform_4, window_bounds = array<i64: 128, 128>}, {pipeline_mode = #tpu.pipeline_mode<synchronous>, transform_indices = @transform_5, window_bounds = array<i64: 1, 128>}, {transform_indices = @transform_6, window_bounds = array<i64: 400, 128>}]} {
    %get3A = arith.constant 0 : index
    %get3A_0 = arith.constant 0 : index
    %get3A_1 = vector.load %arg4[%get3A, %get3A_0] : memref<400x64xf32, #tpu.memory_space<vmem>>, vector<400x1xf32>
    %max3A = arith.constant 1.000000e+00 : f32
    %max3A_2 = vector.broadcast %max3A : f32 to vector<400x1xf32>
    %max3A_3 = arith.maximumf %get3A_1, %max3A_2 : vector<400x1xf32>
    %get3A_4 = arith.constant 0 : index
    %get3A_5 = arith.constant 0 : index
    %get3A_6 = vector.load %arg1[%get3A_4, %get3A_5] : memref<400x128xf32, #tpu.memory_space<vmem>>, vector<400x128xf32>
    %get3A_7 = arith.constant 0 : index
    %get3A_8 = arith.constant 0 : index
    %get3A_9 = vector.load %arg2[%get3A_7, %get3A_8] : memref<400x128xf32, #tpu.memory_space<vmem>>, vector<400x128xf32>
    %get3A_10 = arith.constant 0 : index
    %get3A_11 = arith.constant 0 : index
    %get3A_12 = vector.load %arg3[%get3A_10, %get3A_11] : memref<400x128xf32, #tpu.memory_space<vmem>>, vector<400x128xf32>
    %add3A = arith.addf %get3A_9, %get3A_12 : vector<400x128xf32>
    %div3A = vector.broadcast %max3A_3 : vector<400x1xf32> to vector<400x128xf32>
    %div3A_13 = arith.divf %add3A, %div3A : vector<400x128xf32>
    %add3A_14 = arith.addf %get3A_6, %div3A_13 : vector<400x128xf32>
    %get3A_15 = arith.constant 0 : index
    %get3A_16 = arith.constant 0 : index
    %get3A_17 = vector.load %arg5[%get3A_15, %get3A_16] : memref<128x128xf32, #tpu.memory_space<vmem>>, vector<128x128xf32>
    %dot_general3A = arith.constant dense<0.000000e+00> : vector<400x128xf32>
    %dot_general3A_18 = tpu.matmul %add3A_14, %get3A_17, %dot_general3A {dimension_numbers = #tpu.dot_dimension_numbers<[1], [0], [0], [1], [0, 0, 1, 1], [], []>, transpose_lhs_hint = false} : vector<400x128xf32>, vector<128x128xf32>, vector<400x128xf32> -> vector<400x128xf32>
    %get3A_19 = arith.constant 0 : index
    %get3A_20 = arith.constant 0 : index
    %get3A_21 = vector.load %arg6[%get3A_19, %get3A_20] : memref<1x128xf32, #tpu.memory_space<vmem>>, vector<1x128xf32>
    %add3A_22 = vector.broadcast %get3A_21 : vector<1x128xf32> to vector<400x128xf32>
    %add3A_23 = arith.addf %dot_general3A_18, %add3A_22 : vector<400x128xf32>
    %swap3A = arith.constant 0 : index
    %swap3A_24 = arith.constant 0 : index
    %swap3A_25 = vector.load %arg7[%swap3A, %swap3A_24] : memref<400x128xf32, #tpu.memory_space<vmem>>, vector<400x128xf32>
    tpu.vector_store %arg7[%swap3A, %swap3A_24], %add3A_23 {strides = array<i32>} : memref<400x128xf32, #tpu.memory_space<vmem>>, vector<400x128xf32>,
    return
  }
  func.func @transform_0(%arg0: i32) -> (i32, i32) {
    %c0_i32 = arith.constant 0 : i32
    %c0_i32_0 = arith.constant 0 : i32
    return %arg0, %c0_i32 : i32, i32
  }
  func.func @transform_1(%arg0: i32) -> (i32, i32) {
    %c0_i32 = arith.constant 0 : i32
    %c0_i32_0 = arith.constant 0 : i32
    return %arg0, %c0_i32 : i32, i32
  }
  func.func @transform_2(%arg0: i32) -> (i32, i32) {
    %c0_i32 = arith.constant 0 : i32
    %c0_i32_0 = arith.constant 0 : i32
    return %arg0, %c0_i32 : i32, i32
  }
  func.func @transform_3(%arg0: i32) -> (i32, i32) {
    %c0_i32 = arith.constant 0 : i32
    %c0_i32_0 = arith.constant 0 : i32
    return %arg0, %c0_i32 : i32, i32
  }
  func.func @transform_4(%arg0: i32) -> (i32, i32) {
    %c0_i32 = arith.constant 0 : i32
    %c0_i32_0 = arith.constant 0 : i32
    %c0_i32_1 = arith.constant 0 : i32
    return %c0_i32, %c0_i32_0 : i32, i32
  }
  func.func @transform_5(%arg0: i32) -> (i32, i32) {
    %c0_i32 = arith.constant 0 : i32
    %c0_i32_0 = arith.constant 0 : i32
    %c0_i32_1 = arith.constant 0 : i32
    return %c0_i32, %c0_i32_0 : i32, i32
  }
  func.func @transform_6(%arg0: i32) -> (i32, i32) {
    %c0_i32 = arith.constant 0 : i32
    %c0_i32_0 = arith.constant 0 : i32
    return %arg0, %c0_i32 : i32, i32
  }
}

</mosaic_0001>

<sc_bundles>
// kernel: kernel.12.cloned.1.call-start
scs
__scs_entry_jumppad:
0x0: {  	(pc) =	sbr.rel $0x88, $3  }
0x1: {  	(tag) =	ssettag $0x0;
	lr =	simm.s32 $0x1  }
0x2: {  	[smem:$0x3F9A] =	sst lr;
	_ =	strace $0xD0000000  }
0x3: {  	_ = 	snop  }
0x4: {  	_ = 	snop  }
0x5: {  	_ = 	snop  }
0x6: {  	_ = 	snop  }
0x7: {  	_ = 	snop  }
__scs_overlays_trampoline_lowered:
0x8: {  	[smem:$0x3FA9] =	sst s0  }
0x9: {  	[smem:$0x3FAA] =	sst s1  }
0xa: {  	[smem:$0x3FAB] =	sst s2  }
0xb: {  	[smem:$0x3FAC] =	sst s3  }
0xc: {  	[smem:$0x3FAD] =	sst s4  }
0xd: {  	[smem:$0x3FAE] =	sst s5  }
0xe: {  	[smem:$0x3FAF] =	sst s6  }
0xf: {  	[smem:$0x3FB0] =	sst s7  }
0x10: {  	[smem:$0x3FB1] =	sst s8  }
0x11: {  	[smem:$0x3FB2] =	sst s9;
	s0 =	simm.s32 @!p0 $0x0  }
0x12: {  	s1 =	sld [smem:$0x3F98];
	s0 =	simm.s32 @p0 $0x1  }
0x13: {  	[smem:$0x3FB3] =	sst s0;
	s0 =	simm.s32 @!p1 $0x0  }
0x14: {  	s2 =	sld [smem:$0x3F97];
	s0 =	simm.s32 @p1 $0x1  }
0x15: {  	[smem:$0x3FB4] =	sst s0;
	s0 =	simm.s32 @!p2 $0x0  }
0x16: {  	s3 =	sld [smem:$0x3FDB];
	s0 =	simm.s32 @p2 $0x1  }
0x17: {  	s4 =	simm.s32 $0x1BF5;
	[smem:$0x3FB6] =	sst s0  }
0x18: {  	s0 =	sld [smem:$0x3F99];
	_ =	swait.ge [sflag:s4], $0x0  }
0x19: {  	s7 =	sld [smem:$0x3F9A]  }
0x1a: {  	s8 =	sadd.s32 $0xFFFFE003, lr  }
0x1b: {  	s9 =	sadd.s32 $0xFFFFFEF7, lr;
	s5 =	simm.s32 $0xFFFFFFFF;
	p2 =	slt.u32 s8, $0xFFFFF086  }
0x1c: {  	p1 =	slt.u32 s9, $0xF7A;
	s5 =	simm.s32 @!p2 $0x0  }
0x1d: {  	s5 =	simm.s32 @p1 $0x1;
	p0 =	seq.s32 s7, s2  }
0x1e: {  	s7 =	smul.u32 @!p0 $0xF7A, s2;
	p2 =	seq.s32 @!p0 s5, $0x0  }
0x1f: {  	s9 =	smul.u32 $0xF7A, s1;
	s8 =	simm.s32 @!p0 $0x1BF5;
	p2 =	por !p2, p0  }
0x20: {  	[sflag:s8] =	ssyncset.s32 @!p0 $0xFFFFF086;
	s6 =	sadd.s32 @!p0 s3, s7;
	s7 =	simm.s32 @!p0 $0x108  }
0x21: {  	s3 =	sadd.s32 s3, s9;
	s6 =	sadd.s32 @!p0 $0x88, s6;
	s7 =	simm.s32 @p2 $0x1082  }
0x22: {  	[simem:s7], [sflag:s8] =	dma.local @!p0 [hbm:s6], $0xF7A  }
0x23: {  	s9 =	sor.u32 $0xD0000000, s2;
	s6 =	simm.s32 $0x108;
	_ =	swait.ge @!p0 [sflag:s8], $0x0  }
0x24: {  	s3 =	sadd.s32 $0x88, s3;
	s6 =	simm.s32 @!p1 $0x1082;
	[sflag:s4] =	ssyncset.s32 $0xFFFFF086  }
0x25: {  	[simem:s6], [sflag:s4] =	dma.local [hbm:s3], $0xF7A  }
0x26: {  	[smem:$0x3F9A] =	sst s1;
	(tag) =	ssettag s2;
	_ =	strace s9  }
0x27: {  	s1 =	sld [smem:$0x3FAA]  }
0x28: {  	s2 =	sld [smem:$0x3FAB]  }
0x29: {  	s4 =	sld [smem:$0x3FAD]  }
0x2a: {  	p0 =	seq.s32 s5, $0x0;
	s5 =	sld [smem:$0x3FAE]  }
0x2b: {  	s6 =	sld [smem:$0x3FAF]  }
0x2c: {  	s7 =	sld [smem:$0x3FB0]  }
0x2d: {  	s3 =	simm.s32 $0x108;
	s8 =	sld [smem:$0x3FB1]  }
0x2e: {  	s3 =	simm.s32 @!p0 $0x1082;
	s9 =	sld [smem:$0x3FB2]  }
0x2f: {  	lr =	sadd.s32 s0, s3;
	s0 =	sld [smem:$0x3FA9]  }
0x30: {  	s3 =	sld [smem:$0x3FAC]  }
0x31: {  	[smem:$0x3FB5] =	sst s10  }
0x32: {  	s10 =	sld [smem:$0x3FB3];
	_ =	sdelay $0x3  }
0x33: {  	p0 =	seq.s32 s10, $0x1;
	s10 =	sld [smem:$0x3FB5];
	_ =	sdelay $0x3  }
0x34: {  	[smem:$0x3FB5] =	sst s10  }
0x35: {  	s10 =	sld [smem:$0x3FB4];
	_ =	sdelay $0x3  }
0x36: {  	p1 =	seq.s32 s10, $0x1;
	s10 =	sld [smem:$0x3FB5];
	_ =	sdelay $0x3  }
0x37: {  	[smem:$0x3FB5] =	sst s10  }
0x38: {  	s10 =	sld [smem:$0x3FB6]  }
0x39: {  	_ = 	snop;
	(pc) =	sbr.ind lr, $3  }
0x3a: {  	_ = 	snop  }
0x3b: {  	_ = 	snop  }
0x3c: {  	p2 =	seq.s32 s10, $0x1;
	s10 =	sld [smem:$0x3FB5]  }
0x3d: {  	_ =	shalt  }
0x3e: {  	_ =	shalt  }
0x3f: {  	_ =	shalt  }
0x40: {  	_ =	shalt  }
0x41: {  	_ =	shalt  }
0x42: {  	_ =	shalt  }
0x43: {  	_ =	shalt  }
0x44: {  	_ =	shalt  }
0x45: {  	_ =	shalt  }
0x46: {  	_ =	shalt  }
0x47: {  	_ =	shalt  }
0x48: {  	_ =	shalt  }
0x49: {  	_ =	shalt  }
0x4a: {  	_ =	shalt  }
0x4b: {  	_ =	shalt  }
0x4c: {  	_ =	shalt  }
0x4d: {  	_ =	shalt  }
0x4e: {  	_ =	shalt  }
0x4f: {  	_ =	shalt  }
0x50: {  	_ =	shalt  }
0x51: {  	_ =	shalt  }
0x52: {  	_ =	shalt  }
0x53: {  	_ =	shalt  }
0x54: {  	_ =	shalt  }
0x55: {  	_ =	shalt  }
0x56: {  	_ =	shalt  }
0x57: {  	_ =	shalt  }
0x58: {  	_ =	shalt  }
0x59: {  	_ =	shalt  }
0x5a: {  	_ =	shalt  }
0x5b: {  	_ =	shalt  }
0x5c: {  	_ =	shalt  }
0x5d: {  	_ =	shalt  }
0x5e: {  	_ =	shalt  }
0x5f: {  	_ =	shalt  }
0x60: {  	_ =	shalt  }
0x61: {  	_ =	shalt  }
0x62: {  	_ =	shalt  }
0x63: {  	_ =	shalt  }
0x64: {  	_ =	shalt  }
0x65: {  	_ =	shalt  }
0x66: {  	_ =	shalt  }
0x67: {  	_ =	shalt  }
0x68: {  	_ =	shalt  }
0x69: {  	_ =	shalt  }
0x6a: {  	_ =	shalt  }
0x6b: {  	_ =	shalt  }
0x6c: {  	_ =	shalt  }
0x6d: {  	_ =	shalt  }
0x6e: {  	_ =	shalt  }
0x6f: {  	_ =	shalt  }
0x70: {  	_ =	shalt  }
0x71: {  	_ =	shalt  }
0x72: {  	_ =	shalt  }
0x73: {  	_ =	shalt  }
0x74: {  	_ =	shalt  }
0x75: {  	_ =	shalt  }
0x76: {  	_ =	shalt  }
0x77: {  	_ =	shalt  }
0x78: {  	_ =	shalt  }
0x79: {  	_ =	shalt  }
0x7a: {  	_ =	shalt  }
0x7b: {  	_ =	shalt  }
0x7c: {  	_ =	shalt  }
0x7d: {  	_ =	shalt  }
0x7e: {  	_ =	shalt  }
0x7f: {  	_ =	shalt  }
0x80: {  	_ =	shalt  }
0x81: {  	_ =	shalt  }
0x82: {  	_ =	shalt  }
0x83: {  	_ =	shalt  }
0x84: {  	_ =	shalt  }
0x85: {  	_ =	shalt  }
0x86: {  	_ =	shalt  }
0x87: {  	_ =	shalt  }
.Lfunc_end0:
.L_simem_size_0:
called_computation.1_lowered:
.L_overlay_start_0:
0x88: {  	s2 =	sld [smem:$0x3FD9]  }
0x89: {  	s3 =	sld [smem:$0x3FFE];
	_ =	sdelay $0x1  }
0x8a: {  	s1 =	srdreg.scid  }
0x8b: {  	s0 =	sand.u32 $0x1, s1  }
0x8c: {  	s17 =	sshll.u32 s0, $0xA;
	s2 =	sadd.s32 s3, s2  }
0x8d: {  	s2 =	sadd.s32 s2, s17  }
0x8e: {  	[smem:$0x3FC1] =	sst s2  }
0x8f: {  	_ = 	snop  }
0x90: {  	s18 =	sld [smem:$0x3FD0];
	(tm) =	ssettm $0x1  }
0x91: {  	s19 =	sld [smem:$0x3FFB];
	_ =	sdelay $0x3  }
0x92: {  	_ =	strace s19  }
0x93: {  	s2 =	sld [smem:$0x3FFC];
	_ =	sdelay $0x3  }
0x94: {  	_ =	strace s2  }
0x95: {  	s2 =	sld [smem:$0x3FFD];
	_ =	sdelay $0x3  }
0x96: {  	_ =	strace s2  }
0x97: {  	_ =	strace $0x8FFFFFFF  }
0x98: {  	s20 =	sld [smem:$0x3FDB];
	_ =	sdelay $0x1  }
0x99: {  	s4 =	simm.s32 $_scs_section_size  }
0x9a: {  	s5 =	simm.s32 $_size__tile_overlayer_lowered;
	s6 =	simm.s32 $_tile_overlayer_lowered  }
0x9b: {  	s7 =	simm.s32 $0x1BFF;
	s21 =	sshll.u32 s6, $0x1;
	s4 =	sadd.s32 s4, s20  }
0x9c: {  	s22 =	simm.s32 $0x0;
	s5 =	sshll.u32 s5, $0x1;
	s6 =	sadd.s32 s21, s4  }
0x9d: {  	[timem:s22], [sflag:s7] =	dma.local [hbm:s6], s5  }
0x9e: {  	_ =	swait.ge [sflag:s7], s5  }
0x9f: {  	s5 =	ssub.s32 $0x0, s5;
	[sflag:s7] =	ssyncset.done $0x0  }
0xa0: {  	[sflag:s7] =	ssyncadd.s32 s5;
	_ =	sdelay $0x1  }
0xa1: {  	s23 =	simm.s32 $0x1B8B  }
0xa2: {  	_ =	swait.ge [sflag:s23], $0x1  }
0xa3: {  	[sflag:s23] =	ssyncset.done $0x0  }
0xa4: {  	[sflag:s23] =	ssyncadd.s32 $0xFFFFFFFF  }
0xa5: {  	s5 =	sld [smem:$0x0]  }
0xa6: {  	s6 =	sand.u32 $0xFFFFFFFE, s1  }
0xa7: {  	p0 =	sne.s32 s1, s6  }
0xa8: {  	s6 =	sshll.u32 @p0 s6, $0xE  }
0xa9: {  	s6 =	sadd.s32 @p0 $0x11B8D, s6;
	s7 =	sshll.u32 @p0 s5, $0x11  }
0xaa: {  	s6 =	sor.u32 @p0 s7, s6  }
0xab: {  	[sflag:s6] =	ssyncadd.remote.s32 @p0 $0x1;
	_ =	sdelay $0x1  }
0xac: {  	s6 =	simm.s32 @p0 $0x1B8D  }
0xad: {  	_ =	swait.eq @p0 [sflag:s6], $0x1  }
0xae: {  	[sflag:s6] =	ssyncadd.s32 @p0 $0xFFFFFFFF  }
0xaf: {  	s7 =	sshll.u32 @!p0 s1, $0xE  }
0xb0: {  	s7 =	sor.u32 @!p0 $0x4000, s7;
	s6 =	simm.s32 @!p0 $0x1B8D  }
0xb1: {  	s5 =	sshll.u32 @!p0 s5, $0x11;
	s7 =	sadd.s32 @!p0 $0x11B8D, s7;
	_ =	swait.eq @!p0 [sflag:s6], $0x1  }
0xb2: {  	s5 =	sor.u32 @!p0 s5, s7;
	[sflag:s6] =	ssyncadd.s32 @!p0 $0xFFFFFFFF  }
0xb3: {  	s25 =	simm.s32 $0x1B8E;
	s24 =	sld [smem:$0x3FFE];
	[sflag:s5] =	ssyncadd.remote.s32 @!p0 $0x1  }
0xb4: {  	s26 =	simm.s32 $execute0_lowered;
	[smem:$0x3FD2] =	sst s25  }
0xb5: {  	s6 =	sshll.u32 s26, $0x1;
	_ =	strace $0x80000049;
	[dreg:$0x1] =	wrdreg $0xFFFFFFFF  }
0xb6: {  	s28 =	simm.s32 $_size_execute0_lowered;
	s4 =	sadd.s32 s4, s6;
	[dreg:$0x0] =	wrdreg $0x0  }
0xb7: {  	s6 =	sshll.u32 s28, $0x1;
	[dreg:$0x2] =	wrdreg s4  }
0xb8: {  	[dreg:$0x3] =	wrdreg s6  }
0xb9: {  	[dreg:$0x4] =	wrdreg $0xC0  }
0xba: {  	_ =	task [dreg:s22], $0x5FFFF  }
0xbb: {  	[dreg:$0x1] =	wrdreg $0xFFFFFFFF  }
0xbc: {  	[dreg:$0x0] =	wrdreg $0x60  }
0xbd: {  	[dreg:$0x2] =	wrdreg s18  }
0xbe: {  	[dreg:$0x3] =	wrdreg s24  }
0xbf: {  	[dreg:$0x4] =	wrdreg $0x140000  }
0xc0: {  	[dreg:$0x5] =	wrdreg $0xA  }
0xc1: {  	_ =	task.clear_ibuf [dreg:s22], $0x6FFFF;
	_ =	strace $0x90000049  }
0xc2: {  	s29 =	simm.s32 $0xA;
	_ =	strace $0x8000004B  }
0xc3: {  	_ =	swait.ge [sflag:s29], $0x1  }
0xc4: {  	[sflag:s29] =	ssyncadd.s32 $0xFFFFFFFF  }
0xc5: {  	_ =	strace $0x9000004B  }
0xc6: {  	_ =	sfence  }
0xc7: {  	s30 =	sld [smem:$0x0];
	_ =	sdelay $0x2  }
0xc8: {  	s31 =	sshll.u32 s1, $0xD;
	s1 =	sshrl.u32 s1, $0x2  }
0xc9: {  	s4 =	sand.u32 $0x4000, s31;
	s1 =	sadd.s32 s1, s30  }
0xca: {  	s0 =	sor.u32 s4, s0;
	s1 =	sshll.u32 s1, $0x11  }
0xcb: {  	s0 =	sor.u32 s1, s0  }
0xcc: {  	s0 =	sadd.s32 $0x8F2B, s0  }
0xcd: {  	[sflag:s0] =	ssyncadd.remote.s32 $0x1  }
0xce: {  	_ =	sfence.sel $0xFFFF  }
0xcf: {  	[dreg:$0x0] =	wrdreg $0xFFFFFFFF;
	(pc) =	sbr.abs _section_cstart, $3  }
0xd0: {  	[dreg:$0x1] =	wrdreg $0xFFFFFFFF  }
0xd1: {  	_ =	task.clear_ibuf [dreg:s22], $0x2FFFF;
	_ =	strace $0x9FFFFFFF  }
0xd2: {  	(tm) =	ssettm $0x7FFFFFFF  }
0xd3: {  	_ =	shalt  }
tec
execute0_lowered:
.L_overlay_start_1:
0x0: {  	(tag) =	ssettag $0x1  }
0x1: {  	s0 =	srdreg.scid;
	s1 =	rddreg [dreg:$0x0]  }
0x2: {  	s10 =	stileid.u32;
	s6 =	rddreg [dreg:$0x1]  }
0x3: {  	s3 =	rddreg [dreg:$0x2];
	s4 =	simm.s32 $0x0;
	s12 =	simm.s32 $0x6  }
0x4: {  	s16 =	simm.s32 $0x80;
	s17 =	simm.s32 $0xA000;
	s18 =	simm.s32 $0xC000  }
0x5: {  	s19 =	simm.s32 $0x100;
	s20 =	simm.s32 $0xE000;
	s28 =	simm.s32 $0x3  }
0x6: {  	s29 =	simm.s32 $0x4;
	s30 =	simm.s32 $0x5;
	s31 =	simm.s32 $0x9D80  }
0x7: {  	s13 =	simm.s32 $0x9F00;
	s0 =	sand.u32 $0x1, s0;
	s7 =	smul.u32 $0x278, s10  }
0x8: {  	[smem:$0x7FF] =	sst s4;
	s9 =	smul.u32 $0x9E00, s10;
	s5 =	sadd.s32 $0xCA400, s6  }
0x9: {  	s26 =	sshll.u32 s10, $0x6;
	s2 =	sshll.u32 s0, $0x4;
	s8 =	smul.u32 $0x2780, s0  }
0xa: {  	_ =	strace $0x8000004A;
	s0 =	ssub.s32 $0x2, s0;
	s14 =	sor.u32 $0x1C06, s26  }
0xb: {  	s26 =	simm.s32 $0x2;
	s2 =	sor.u32 s10, s2;
	s21 =	sshrl.u32 s9, $0x3  }
0xc: {  	s22 =	sshrl.u32 s0, $0x1;
	s24 =	sadd.s32 s9, s3;
	s2 =	smul.u32 $0xA00, s2  }
0xd: {  	s7 =	sadd.s32 s7, s8;
	s8 =	sadd.s32 s21, s6;
	s0 =	ssub.s32 s0, s22  }
0xe: {  	s15 =	sshrl.u32 s24, $0x3;
	s21 =	simm.s32 $0x180;
	s22 =	simm.s32 $0x10000  }
0xf: {  	s24 =	simm.s32 $0x12000;
	s0 =	smax.u32 s0, $0x1;
	s2 =	sadd.s32 s2, s6  }
0x10: {  	s7 =	sshll.u32 s7, $0x3;
	[dreg:$0x8] =	wrdreg s0;
	s23 =	sadd.s32 $0x68200, s2  }
0x11: {  	s6 =	sadd.s32 s7, s6;
	s2 =	sadd.s32 $0x18A00, s2;
	[dreg:$0x4] =	wrdreg s23  }
0x12: {  	s8 =	sadd.s32 $0x2CE00, s8;
	s25 =	sadd.s32 $0xF1600, s6;
	[dreg:$0x5] =	wrdreg s2  }
0x13: {  	s0 =	simm.s32 $0x9E80;
	s6 =	sadd.s32 $0x118E00, s6;
	[dreg:$0x6] =	wrdreg s25  }
0x14: {  	s7 =	simm.s32 $0x0;
	[dreg:$0x7] =	wrdreg s6;
	s23 =	simm.s32 $0x200  }
0x15: {  	s25 =	simm.s32 $0x1;
	s2 =	simm.s32 $0x9E00;
	s6 =	simm.s32 $0x9F80  }
.LBB2_1:
0x16: {  	s9 =	rddreg [dreg:$0x4]  }
0x17: {  	[tilespmem:s4], [sflag:$0x6] =	stream.linear.gather [hbm4b:s9+s4], $0x5000, $0x38;
	[tilespmem:$0x1DE00] =	vst v63  }
0x18: {  	_ =	swait.ge [sflag:s12], $0x5000  }
0x19: {  	[sflag:s12] =	ssyncset.done $0x0  }
0x1a: {  	s10 =	simm.s32 $0x5000;
	s11 =	rddreg [dreg:$0x5];
	[sflag:s12] =	ssyncadd.s32 $0xFFFFB000  }
0x1b: {  	[tilespmem:s10], [sflag:$0x6] =	stream.linear.gather [hbm4b:s11+s4], $0x5000, $0x38;
	[tilespmem:$0x1DE00] =	vst v63  }
0x1c: {  	_ =	swait.ge [sflag:s12], $0x5000  }
0x1d: {  	[sflag:s12] =	ssyncset.done $0x0  }
0x1e: {  	[sflag:s12] =	ssyncadd.s32 $0xFFFFB000  }
0x1f: {  	[spmem:s15], [sflag:s14] =	dma.local [hbm:s8], $0x13C0  }
0x20: {  	_ =	swait.ge [sflag:s12], $0x13C0  }
0x21: {  	[sflag:s12] =	ssyncset.done $0x0  }
0x22: {  	[sflag:s12] =	ssyncadd.s32 $0xFFFFEC40  }
0x23: {  	[bflag:$0x0] =	sbarrier.arrive $0xFFFF  }
0x24: {  	[tilespmem:s17], [sflag:$0x1] =	stream.indirect.gather [hbm4b:s1+s16], $0x40, s4, s16, $0xb8;
	[tilespmem:$0x1DE00] =	vst v63  }
0x25: {  	_ = 	snop  }
0x26: {  	[tilespmem:s18], [sflag:$0x2] =	stream.indirect.gather [hbm4b:s1+s16], $0x40, s16, s16, $0xb8;
	[tilespmem:$0x1DE00] =	vst v63  }
0x27: {  	_ = 	snop  }
0x28: {  	[tilespmem:s20], [sflag:$0x3] =	stream.indirect.gather [hbm4b:s1+s16], $0x40, s19, s16, $0xb8;
	[tilespmem:$0x1DE00] =	vst v63  }
0x29: {  	_ = 	snop  }
0x2a: {  	[tilespmem:s22], [sflag:$0x4] =	stream.indirect.gather [hbm4b:s1+s16], $0x40, s21, s16, $0xb8;
	[tilespmem:$0x1DE00] =	vst v63  }
0x2b: {  	_ = 	snop  }
0x2c: {  	[tilespmem:s24], [sflag:$0x5] =	stream.indirect.gather [hbm4b:s1+s16], $0x40, s23, s16, $0xb8;
	[tilespmem:$0x1DE00] =	vst v63  }
0x2d: {  	_ =	swait.ge [sflag:s25], $0x2000  }
0x2e: {  	[sflag:s25] =	ssyncset.done $0x0  }
0x2f: {  	s11 =	simm.s32 $0x5000;
	[sflag:s25] =	ssyncadd.s32 $0xFFFFE000  }
0x30: {  	[spmem:s3] =	stream.indirect.scatter.add.f32 [tilespmem:s17], [sflag:$0x6], $0x40, s11, s16, $0xb8;
	[tilespmem:$0x1DE00] =	vst v63  }
0x31: {  	_ =	swait.ge [sflag:s12], $0x2000  }
0x32: {  	[sflag:s12] =	ssyncset.done $0x0  }
0x33: {  	s10 =	simm.s32 $0x280;
	[sflag:s12] =	ssyncadd.s32 $0xFFFFE000  }
0x34: {  	[tilespmem:s17], [sflag:$0x1] =	stream.indirect.gather [hbm4b:s1+s16], $0x40, s10, s16, $0xb8;
	[tilespmem:$0x1DE00] =	vst v63  }
0x35: {  	_ =	swait.ge [sflag:s26], $0x2000  }
0x36: {  	[sflag:s26] =	ssyncset.done $0x0  }
0x37: {  	s11 =	simm.s32 $0x5080;
	[sflag:s26] =	ssyncadd.s32 $0xFFFFE000  }
0x38: {  	[spmem:s3] =	stream.indirect.scatter.add.f32 [tilespmem:s18], [sflag:$0x6], $0x40, s11, s16, $0xb8;
	[tilespmem:$0x1DE00] =	vst v63  }
0x39: {  	_ =	swait.ge [sflag:s12], $0x2000  }
0x3a: {  	[sflag:s12] =	ssyncset.done $0x0  }
0x3b: {  	s10 =	simm.s32 $0x300;
	[sflag:s12] =	ssyncadd.s32 $0xFFFFE000  }
0x3c: {  	[tilespmem:s18], [sflag:$0x2] =	stream.indirect.gather [hbm4b:s1+s16], $0x40, s10, s16, $0xb8;
	[tilespmem:$0x1DE00] =	vst v63  }
0x3d: {  	_ =	swait.ge [sflag:s28], $0x2000  }
0x3e: {  	[sflag:s28] =	ssyncset.done $0x0  }
0x3f: {  	s11 =	simm.s32 $0x5100;
	[sflag:s28] =	ssyncadd.s32 $0xFFFFE000  }
0x40: {  	[spmem:s3] =	stream.indirect.scatter.add.f32 [tilespmem:s20], [sflag:$0x6], $0x40, s11, s16, $0xb8;
	[tilespmem:$0x1DE00] =	vst v63  }
0x41: {  	_ =	swait.ge [sflag:s12], $0x2000  }
0x42: {  	[sflag:s12] =	ssyncset.done $0x0  }
0x43: {  	s10 =	simm.s32 $0x380;
	[sflag:s12] =	ssyncadd.s32 $0xFFFFE000  }
0x44: {  	[tilespmem:s20], [sflag:$0x3] =	stream.indirect.gather [hbm4b:s1+s16], $0x40, s10, s16, $0xb8;
	[tilespmem:$0x1DE00] =	vst v63  }
0x45: {  	_ =	swait.ge [sflag:s29], $0x2000  }
0x46: {  	[sflag:s29] =	ssyncset.done $0x0  }
0x47: {  	s11 =	simm.s32 $0x5180;
	[sflag:s29] =	ssyncadd.s32 $0xFFFFE000  }
0x48: {  	[spmem:s3] =	stream.indirect.scatter.add.f32 [tilespmem:s22], [sflag:$0x6], $0x40, s11, s16, $0xb8;
	[tilespmem:$0x1DE00] =	vst v63  }
0x49: {  	_ =	swait.ge [sflag:s12], $0x2000  }
0x4a: {  	[sflag:s12] =	ssyncset.done $0x0  }
0x4b: {  	s10 =	simm.s32 $0x400;
	[sflag:s12] =	ssyncadd.s32 $0xFFFFE000  }
0x4c: {  	[tilespmem:s22], [sflag:$0x4] =	stream.indirect.gather [hbm4b:s1+s16], $0x40, s10, s16, $0xb8;
	[tilespmem:$0x1DE00] =	vst v63  }
0x4d: {  	_ =	swait.ge [sflag:s30], $0x2000  }
0x4e: {  	[sflag:s30] =	ssyncset.done $0x0  }
0x4f: {  	s11 =	simm.s32 $0x5200;
	[sflag:s30] =	ssyncadd.s32 $0xFFFFE000  }
0x50: {  	[spmem:s3] =	stream.indirect.scatter.add.f32 [tilespmem:s24], [sflag:$0x6], $0x40, s11, s16, $0xb8;
	[tilespmem:$0x1DE00] =	vst v63  }
0x51: {  	_ =	swait.ge [sflag:s12], $0x2000  }
0x52: {  	[sflag:s12] =	ssyncset.done $0x0  }
0x53: {  	s9 =	simm.s32 $0xA00;
	s10 =	simm.s32 $0x480;
	[sflag:s12] =	ssyncadd.s32 $0xFFFFE000  }
.LBB2_2:
0x54: {  	[tilespmem:s24], [sflag:$0x5] =	stream.indirect.gather [hbm4b:s1+s16], $0x40, s10, s16, $0xb8;
	[tilespmem:$0x1DE00] =	vst v63  }
0x55: {  	s10 =	smov.u32 s9  }
0x56: {  	p0 =	sne.s32 s9, $0x12C00;
	s9 =	sadd.s32 $0xA00, s9;
	_ =	swait.ge [sflag:s25], $0x2000  }
0x57: {  	s10 =	sshra.s32 s10, $0x2;
	[sflag:s25] =	ssyncset.done $0x0  }
0x58: {  	s11 =	sadd.s32 $0x5000, s10;
	[sflag:s25] =	ssyncadd.s32 $0xFFFFE000  }
0x59: {  	[spmem:s3] =	stream.indirect.scatter.add.f32 [tilespmem:s17], [sflag:$0x6], $0x40, s11, s16, $0xb8;
	[tilespmem:$0x1DE00] =	vst v63  }
0x5a: {  	_ =	swait.ge [sflag:s12], $0x2000  }
0x5b: {  	[sflag:s12] =	ssyncset.done $0x0  }
0x5c: {  	s11 =	sadd.s32 $0x280, s10;
	[sflag:s12] =	ssyncadd.s32 $0xFFFFE000  }
0x5d: {  	[tilespmem:s17], [sflag:$0x1] =	stream.indirect.gather [hbm4b:s1+s16], $0x40, s11, s16, $0xb8;
	[tilespmem:$0x1DE00] =	vst v63  }
0x5e: {  	_ =	swait.ge [sflag:s26], $0x2000  }
0x5f: {  	[sflag:s26] =	ssyncset.done $0x0  }
0x60: {  	s11 =	sadd.s32 $0x5080, s10;
	[sflag:s26] =	ssyncadd.s32 $0xFFFFE000  }
0x61: {  	[spmem:s3] =	stream.indirect.scatter.add.f32 [tilespmem:s18], [sflag:$0x6], $0x40, s11, s16, $0xb8;
	[tilespmem:$0x1DE00] =	vst v63  }
0x62: {  	_ =	swait.ge [sflag:s12], $0x2000  }
0x63: {  	[sflag:s12] =	ssyncset.done $0x0  }
0x64: {  	s11 =	sadd.s32 $0x300, s10;
	[sflag:s12] =	ssyncadd.s32 $0xFFFFE000  }
0x65: {  	[tilespmem:s18], [sflag:$0x2] =	stream.indirect.gather [hbm4b:s1+s16], $0x40, s11, s16, $0xb8;
	[tilespmem:$0x1DE00] =	vst v63  }
0x66: {  	_ =	swait.ge [sflag:s28], $0x2000  }
0x67: {  	[sflag:s28] =	ssyncset.done $0x0  }
0x68: {  	s11 =	sadd.s32 $0x5100, s10;
	[sflag:s28] =	ssyncadd.s32 $0xFFFFE000  }
0x69: {  	[spmem:s3] =	stream.indirect.scatter.add.f32 [tilespmem:s20], [sflag:$0x6], $0x40, s11, s16, $0xb8;
	[tilespmem:$0x1DE00] =	vst v63  }
0x6a: {  	_ =	swait.ge [sflag:s12], $0x2000  }
0x6b: {  	[sflag:s12] =	ssyncset.done $0x0  }
0x6c: {  	s11 =	sadd.s32 $0x380, s10;
	[sflag:s12] =	ssyncadd.s32 $0xFFFFE000  }
0x6d: {  	[tilespmem:s20], [sflag:$0x3] =	stream.indirect.gather [hbm4b:s1+s16], $0x40, s11, s16, $0xb8;
	[tilespmem:$0x1DE00] =	vst v63  }
0x6e: {  	_ =	swait.ge [sflag:s29], $0x2000  }
0x6f: {  	[sflag:s29] =	ssyncset.done $0x0  }
0x70: {  	s11 =	sadd.s32 $0x5180, s10;
	[sflag:s29] =	ssyncadd.s32 $0xFFFFE000  }
0x71: {  	[spmem:s3] =	stream.indirect.scatter.add.f32 [tilespmem:s22], [sflag:$0x6], $0x40, s11, s16, $0xb8;
	[tilespmem:$0x1DE00] =	vst v63  }
0x72: {  	_ =	swait.ge [sflag:s12], $0x2000  }
0x73: {  	[sflag:s12] =	ssyncset.done $0x0  }
0x74: {  	s11 =	sadd.s32 $0x400, s10;
	[sflag:s12] =	ssyncadd.s32 $0xFFFFE000  }
0x75: {  	[tilespmem:s22], [sflag:$0x4] =	stream.indirect.gather [hbm4b:s1+s16], $0x40, s11, s16, $0xb8;
	[tilespmem:$0x1DE00] =	vst v63  }
0x76: {  	_ =	swait.ge [sflag:s30], $0x2000  }
0x77: {  	[sflag:s30] =	ssyncset.done $0x0  }
.Ltmp0:
0x78: {  	s11 =	sadd.s32 $0x5200, s10;
	[sflag:s30] =	ssyncadd.s32 $0xFFFFE000;
	(pc) =	sbr.rel @p0 .LBB2_2-.Ltmp0, $4  }
0x79: {  	[spmem:s3] =	stream.indirect.scatter.add.f32 [tilespmem:s24], [sflag:$0x6], $0x40, s11, s16, $0xb8;
	[tilespmem:$0x1DE00] =	vst v63  }
0x7a: {  	_ =	swait.ge [sflag:s12], $0x2000  }
0x7b: {  	[sflag:s12] =	ssyncset.done $0x0  }
0x7c: {  	s10 =	sadd.s32 $0x480, s10;
	[sflag:s12] =	ssyncadd.s32 $0xFFFFE000  }
0x7d: {  	[tilespmem:s24], [sflag:$0x5] =	stream.indirect.gather [hbm4b:s1+s16], $0x40, s10, s16, $0xb8;
	[tilespmem:$0x1DE00] =	vst v63  }
0x7e: {  	_ =	swait.ge [sflag:s25], $0x2000  }
0x7f: {  	[sflag:s25] =	ssyncset.done $0x0  }
0x80: {  	[sflag:s25] =	ssyncadd.s32 $0xFFFFE000  }
0x81: {  	[spmem:s3] =	stream.indirect.scatter.add.f32 [tilespmem:s17], [sflag:$0x6], $0x40, s31, s16, $0xb8;
	[tilespmem:$0x1DE00] =	vst v63  }
0x82: {  	_ =	swait.ge [sflag:s12], $0x2000  }
0x83: {  	[sflag:s12] =	ssyncset.done $0x0  }
0x84: {  	[sflag:s12] =	ssyncadd.s32 $0xFFFFE000  }
0x85: {  	_ =	swait.ge [sflag:s26], $0x2000  }
0x86: {  	[sflag:s26] =	ssyncset.done $0x0  }
0x87: {  	[sflag:s26] =	ssyncadd.s32 $0xFFFFE000  }
0x88: {  	[spmem:s3] =	stream.indirect.scatter.add.f32 [tilespmem:s18], [sflag:$0x6], $0x40, s2, s16, $0xb8;
	[tilespmem:$0x1DE00] =	vst v63  }
0x89: {  	_ =	swait.ge [sflag:s12], $0x2000  }
0x8a: {  	[sflag:s12] =	ssyncset.done $0x0  }
0x8b: {  	[sflag:s12] =	ssyncadd.s32 $0xFFFFE000  }
0x8c: {  	_ =	swait.ge [sflag:s28], $0x2000  }
0x8d: {  	[sflag:s28] =	ssyncset.done $0x0  }
0x8e: {  	[sflag:s28] =	ssyncadd.s32 $0xFFFFE000  }
0x8f: {  	[spmem:s3] =	stream.indirect.scatter.add.f32 [tilespmem:s20], [sflag:$0x6], $0x40, s0, s16, $0xb8;
	[tilespmem:$0x1DE00] =	vst v63  }
0x90: {  	_ =	swait.ge [sflag:s12], $0x2000  }
0x91: {  	[sflag:s12] =	ssyncset.done $0x0  }
0x92: {  	[sflag:s12] =	ssyncadd.s32 $0xFFFFE000  }
0x93: {  	_ =	swait.ge [sflag:s29], $0x2000  }
0x94: {  	[sflag:s29] =	ssyncset.done $0x0  }
0x95: {  	[sflag:s29] =	ssyncadd.s32 $0xFFFFE000  }
0x96: {  	[spmem:s3] =	stream.indirect.scatter.add.f32 [tilespmem:s22], [sflag:$0x6], $0x40, s13, s16, $0xb8;
	[tilespmem:$0x1DE00] =	vst v63  }
0x97: {  	_ =	swait.ge [sflag:s12], $0x2000  }
0x98: {  	[sflag:s12] =	ssyncset.done $0x0  }
0x99: {  	[sflag:s12] =	ssyncadd.s32 $0xFFFFE000  }
0x9a: {  	_ =	swait.ge [sflag:s30], $0x2000  }
0x9b: {  	[sflag:s30] =	ssyncset.done $0x0  }
0x9c: {  	[sflag:s30] =	ssyncadd.s32 $0xFFFFE000  }
0x9d: {  	[spmem:s3] =	stream.indirect.scatter.add.f32 [tilespmem:s24], [sflag:$0x6], $0x40, s6, s16, $0xb8;
	[tilespmem:$0x1DE00] =	vst v63  }
0x9e: {  	_ =	swait.ge [sflag:s12], $0x2000  }
0x9f: {  	[sflag:s12] =	ssyncset.done $0x0  }
0xa0: {  	[sflag:s12] =	ssyncadd.s32 $0xFFFFE000  }
0xa1: {  	[bflag:$0x0] =	sbarrier.arrive $0xFFFF  }
0xa2: {  	s9 =	rddreg [dreg:$0x6]  }
0xa3: {  	[hbm:s9], [sflag:s14] =	dma.local [spmem:s15], $0x13C0  }
0xa4: {  	_ =	swait.ge [sflag:s12], $0x13C0  }
0xa5: {  	[sflag:s12] =	ssyncset.done $0x0  }
0xa6: {  	[sflag:s12] =	ssyncadd.s32 $0xFFFFEC40  }
0xa7: {  	[spmem:s15], [sflag:s14] =	dma.local [hbm:s8], $0x13C0  }
0xa8: {  	_ =	swait.ge [sflag:s12], $0x13C0  }
0xa9: {  	[sflag:s12] =	ssyncset.done $0x0  }
0xaa: {  	[sflag:s12] =	ssyncadd.s32 $0xFFFFEC40  }
0xab: {  	s10 =	simm.s32 $0x0;
	[bflag:$0x0] =	sbarrier.arrive $0xFFFF  }
0xac: {  	[tilespmem:s17], [sflag:$0x1] =	stream.indirect.gather [hbm4b:s5+s16], $0x40, s10, s16, $0xb8;
	[tilespmem:$0x1DE00] =	vst v63  }
0xad: {  	_ = 	snop  }
0xae: {  	[tilespmem:s18], [sflag:$0x2] =	stream.indirect.gather [hbm4b:s5+s16], $0x40, s16, s16, $0xb8;
	[tilespmem:$0x1DE00] =	vst v63  }
0xaf: {  	_ = 	snop  }
0xb0: {  	[tilespmem:s20], [sflag:$0x3] =	stream.indirect.gather [hbm4b:s5+s16], $0x40, s19, s16, $0xb8;
	[tilespmem:$0x1DE00] =	vst v63  }
0xb1: {  	_ = 	snop  }
0xb2: {  	[tilespmem:s22], [sflag:$0x4] =	stream.indirect.gather [hbm4b:s5+s16], $0x40, s21, s16, $0xb8;
	[tilespmem:$0x1DE00] =	vst v63  }
0xb3: {  	_ = 	snop  }
0xb4: {  	[tilespmem:s24], [sflag:$0x5] =	stream.indirect.gather [hbm4b:s5+s16], $0x40, s23, s16, $0xb8;
	[tilespmem:$0x1DE00] =	vst v63  }
0xb5: {  	_ =	swait.ge [sflag:s25], $0x2000  }
0xb6: {  	[sflag:s25] =	ssyncset.done $0x0  }
0xb7: {  	s11 =	simm.s32 $0x5000;
	[sflag:s25] =	ssyncadd.s32 $0xFFFFE000  }
0xb8: {  	[spmem:s3] =	stream.indirect.scatter.add.f32 [tilespmem:s17], [sflag:$0x6], $0x40, s11, s16, $0xb8;
	[tilespmem:$0x1DE00] =	vst v63  }
0xb9: {  	_ =	swait.ge [sflag:s12], $0x2000  }
0xba: {  	[sflag:s12] =	ssyncset.done $0x0  }
0xbb: {  	s10 =	simm.s32 $0x280;
	[sflag:s12] =	ssyncadd.s32 $0xFFFFE000  }
0xbc: {  	[tilespmem:s17], [sflag:$0x1] =	stream.indirect.gather [hbm4b:s5+s16], $0x40, s10, s16, $0xb8;
	[tilespmem:$0x1DE00] =	vst v63  }
0xbd: {  	_ =	swait.ge [sflag:s26], $0x2000  }
0xbe: {  	[sflag:s26] =	ssyncset.done $0x0  }
0xbf: {  	s11 =	simm.s32 $0x5080;
	[sflag:s26] =	ssyncadd.s32 $0xFFFFE000  }
0xc0: {  	[spmem:s3] =	stream.indirect.scatter.add.f32 [tilespmem:s18], [sflag:$0x6], $0x40, s11, s16, $0xb8;
	[tilespmem:$0x1DE00] =	vst v63  }
0xc1: {  	_ =	swait.ge [sflag:s12], $0x2000  }
0xc2: {  	[sflag:s12] =	ssyncset.done $0x0  }
0xc3: {  	s10 =	simm.s32 $0x300;
	[sflag:s12] =	ssyncadd.s32 $0xFFFFE000  }
0xc4: {  	[tilespmem:s18], [sflag:$0x2] =	stream.indirect.gather [hbm4b:s5+s16], $0x40, s10, s16, $0xb8;
	[tilespmem:$0x1DE00] =	vst v63  }
0xc5: {  	_ =	swait.ge [sflag:s28], $0x2000  }
0xc6: {  	[sflag:s28] =	ssyncset.done $0x0  }
0xc7: {  	s11 =	simm.s32 $0x5100;
	[sflag:s28] =	ssyncadd.s32 $0xFFFFE000  }
0xc8: {  	[spmem:s3] =	stream.indirect.scatter.add.f32 [tilespmem:s20], [sflag:$0x6], $0x40, s11, s16, $0xb8;
	[tilespmem:$0x1DE00] =	vst v63  }
0xc9: {  	_ =	swait.ge [sflag:s12], $0x2000  }
0xca: {  	[sflag:s12] =	ssyncset.done $0x0  }
0xcb: {  	s10 =	simm.s32 $0x380;
	[sflag:s12] =	ssyncadd.s32 $0xFFFFE000  }
0xcc: {  	[tilespmem:s20], [sflag:$0x3] =	stream.indirect.gather [hbm4b:s5+s16], $0x40, s10, s16, $0xb8;
	[tilespmem:$0x1DE00] =	vst v63  }
0xcd: {  	_ =	swait.ge [sflag:s29], $0x2000  }
0xce: {  	[sflag:s29] =	ssyncset.done $0x0  }
0xcf: {  	s11 =	simm.s32 $0x5180;
	[sflag:s29] =	ssyncadd.s32 $0xFFFFE000  }
0xd0: {  	[spmem:s3] =	stream.indirect.scatter.add.f32 [tilespmem:s22], [sflag:$0x6], $0x40, s11, s16, $0xb8;
	[tilespmem:$0x1DE00] =	vst v63  }
0xd1: {  	_ =	swait.ge [sflag:s12], $0x2000  }
0xd2: {  	[sflag:s12] =	ssyncset.done $0x0  }
0xd3: {  	s10 =	simm.s32 $0x400;
	[sflag:s12] =	ssyncadd.s32 $0xFFFFE000  }
0xd4: {  	[tilespmem:s22], [sflag:$0x4] =	stream.indirect.gather [hbm4b:s5+s16], $0x40, s10, s16, $0xb8;
	[tilespmem:$0x1DE00] =	vst v63  }
0xd5: {  	_ =	swait.ge [sflag:s30], $0x2000  }
0xd6: {  	[sflag:s30] =	ssyncset.done $0x0  }
0xd7: {  	s11 =	simm.s32 $0x5200;
	[sflag:s30] =	ssyncadd.s32 $0xFFFFE000  }
0xd8: {  	[spmem:s3] =	stream.indirect.scatter.add.f32 [tilespmem:s24], [sflag:$0x6], $0x40, s11, s16, $0xb8;
	[tilespmem:$0x1DE00] =	vst v63  }
0xd9: {  	_ =	swait.ge [sflag:s12], $0x2000  }
0xda: {  	[sflag:s12] =	ssyncset.done $0x0  }
0xdb: {  	s9 =	simm.s32 $0xA00;
	s10 =	simm.s32 $0x480;
	[sflag:s12] =	ssyncadd.s32 $0xFFFFE000  }
.LBB2_4:
0xdc: {  	[tilespmem:s24], [sflag:$0x5] =	stream.indirect.gather [hbm4b:s5+s16], $0x40, s10, s16, $0xb8;
	[tilespmem:$0x1DE00] =	vst v63  }
0xdd: {  	s10 =	smov.u32 s9  }
0xde: {  	p0 =	sne.s32 s9, $0x12C00;
	s9 =	sadd.s32 $0xA00, s9;
	_ =	swait.ge [sflag:s25], $0x2000  }
0xdf: {  	s10 =	sshra.s32 s10, $0x2;
	[sflag:s25] =	ssyncset.done $0x0  }
0xe0: {  	s11 =	sadd.s32 $0x5000, s10;
	[sflag:s25] =	ssyncadd.s32 $0xFFFFE000  }
0xe1: {  	[spmem:s3] =	stream.indirect.scatter.add.f32 [tilespmem:s17], [sflag:$0x6], $0x40, s11, s16, $0xb8;
	[tilespmem:$0x1DE00] =	vst v63  }
0xe2: {  	_ =	swait.ge [sflag:s12], $0x2000  }
0xe3: {  	[sflag:s12] =	ssyncset.done $0x0  }
0xe4: {  	s11 =	sadd.s32 $0x280, s10;
	[sflag:s12] =	ssyncadd.s32 $0xFFFFE000  }
0xe5: {  	[tilespmem:s17], [sflag:$0x1] =	stream.indirect.gather [hbm4b:s5+s16], $0x40, s11, s16, $0xb8;
	[tilespmem:$0x1DE00] =	vst v63  }
0xe6: {  	_ =	swait.ge [sflag:s26], $0x2000  }
0xe7: {  	[sflag:s26] =	ssyncset.done $0x0  }
0xe8: {  	s11 =	sadd.s32 $0x5080, s10;
	[sflag:s26] =	ssyncadd.s32 $0xFFFFE000  }
0xe9: {  	[spmem:s3] =	stream.indirect.scatter.add.f32 [tilespmem:s18], [sflag:$0x6], $0x40, s11, s16, $0xb8;
	[tilespmem:$0x1DE00] =	vst v63  }
0xea: {  	_ =	swait.ge [sflag:s12], $0x2000  }
0xeb: {  	[sflag:s12] =	ssyncset.done $0x0  }
0xec: {  	s11 =	sadd.s32 $0x300, s10;
	[sflag:s12] =	ssyncadd.s32 $0xFFFFE000  }
0xed: {  	[tilespmem:s18], [sflag:$0x2] =	stream.indirect.gather [hbm4b:s5+s16], $0x40, s11, s16, $0xb8;
	[tilespmem:$0x1DE00] =	vst v63  }
0xee: {  	_ =	swait.ge [sflag:s28], $0x2000  }
0xef: {  	[sflag:s28] =	ssyncset.done $0x0  }
0xf0: {  	s11 =	sadd.s32 $0x5100, s10;
	[sflag:s28] =	ssyncadd.s32 $0xFFFFE000  }
0xf1: {  	[spmem:s3] =	stream.indirect.scatter.add.f32 [tilespmem:s20], [sflag:$0x6], $0x40, s11, s16, $0xb8;
	[tilespmem:$0x1DE00] =	vst v63  }
0xf2: {  	_ =	swait.ge [sflag:s12], $0x2000  }
0xf3: {  	[sflag:s12] =	ssyncset.done $0x0  }
0xf4: {  	s11 =	sadd.s32 $0x380, s10;
	[sflag:s12] =	ssyncadd.s32 $0xFFFFE000  }
0xf5: {  	[tilespmem:s20], [sflag:$0x3] =	stream.indirect.gather [hbm4b:s5+s16], $0x40, s11, s16, $0xb8;
	[tilespmem:$0x1DE00] =	vst v63  }
0xf6: {  	_ =	swait.ge [sflag:s29], $0x2000  }
0xf7: {  	[sflag:s29] =	ssyncset.done $0x0  }
0xf8: {  	s11 =	sadd.s32 $0x5180, s10;
	[sflag:s29] =	ssyncadd.s32 $0xFFFFE000  }
0xf9: {  	[spmem:s3] =	stream.indirect.scatter.add.f32 [tilespmem:s22], [sflag:$0x6], $0x40, s11, s16, $0xb8;
	[tilespmem:$0x1DE00] =	vst v63  }
0xfa: {  	_ =	swait.ge [sflag:s12], $0x2000  }
0xfb: {  	[sflag:s12] =	ssyncset.done $0x0  }
0xfc: {  	s11 =	sadd.s32 $0x400, s10;
	[sflag:s12] =	ssyncadd.s32 $0xFFFFE000  }
0xfd: {  	[tilespmem:s22], [sflag:$0x4] =	stream.indirect.gather [hbm4b:s5+s16], $0x40, s11, s16, $0xb8;
	[tilespmem:$0x1DE00] =	vst v63  }
0xfe: {  	_ =	swait.ge [sflag:s30], $0x2000  }
0xff: {  	[sflag:s30] =	ssyncset.done $0x0  }
.Ltmp1:
0x100: {  	s11 =	sadd.s32 $0x5200, s10;
	[sflag:s30] =	ssyncadd.s32 $0xFFFFE000;
	(pc) =	sbr.rel @p0 .LBB2_4-.Ltmp1, $4  }
0x101: {  	[spmem:s3] =	stream.indirect.scatter.add.f32 [tilespmem:s24], [sflag:$0x6], $0x40, s11, s16, $0xb8;
	[tilespmem:$0x1DE00] =	vst v63  }
0x102: {  	_ =	swait.ge [sflag:s12], $0x2000  }
0x103: {  	[sflag:s12] =	ssyncset.done $0x0  }
0x104: {  	s10 =	sadd.s32 $0x480, s10;
	[sflag:s12] =	ssyncadd.s32 $0xFFFFE000  }
0x105: {  	[tilespmem:s24], [sflag:$0x5] =	stream.indirect.gather [hbm4b:s5+s16], $0x40, s10, s16, $0xb8;
	[tilespmem:$0x1DE00] =	vst v63  }
0x106: {  	_ =	swait.ge [sflag:s25], $0x2000  }
0x107: {  	[sflag:s25] =	ssyncset.done $0x0  }
0x108: {  	[sflag:s25] =	ssyncadd.s32 $0xFFFFE000  }
0x109: {  	[spmem:s3] =	stream.indirect.scatter.add.f32 [tilespmem:s17], [sflag:$0x6], $0x40, s31, s16, $0xb8;
	[tilespmem:$0x1DE00] =	vst v63  }
0x10a: {  	_ =	swait.ge [sflag:s12], $0x2000  }
0x10b: {  	[sflag:s12] =	ssyncset.done $0x0  }
0x10c: {  	[sflag:s12] =	ssyncadd.s32 $0xFFFFE000  }
0x10d: {  	_ =	swait.ge [sflag:s26], $0x2000  }
0x10e: {  	[sflag:s26] =	ssyncset.done $0x0  }
0x10f: {  	[sflag:s26] =	ssyncadd.s32 $0xFFFFE000  }
0x110: {  	[spmem:s3] =	stream.indirect.scatter.add.f32 [tilespmem:s18], [sflag:$0x6], $0x40, s2, s16, $0xb8;
	[tilespmem:$0x1DE00] =	vst v63  }
0x111: {  	_ =	swait.ge [sflag:s12], $0x2000  }
0x112: {  	[sflag:s12] =	ssyncset.done $0x0  }
0x113: {  	[sflag:s12] =	ssyncadd.s32 $0xFFFFE000  }
0x114: {  	_ =	swait.ge [sflag:s28], $0x2000  }
0x115: {  	[sflag:s28] =	ssyncset.done $0x0  }
0x116: {  	[sflag:s28] =	ssyncadd.s32 $0xFFFFE000  }
0x117: {  	[spmem:s3] =	stream.indirect.scatter.add.f32 [tilespmem:s20], [sflag:$0x6], $0x40, s0, s16, $0xb8;
	[tilespmem:$0x1DE00] =	vst v63  }
0x118: {  	_ =	swait.ge [sflag:s12], $0x2000  }
0x119: {  	[sflag:s12] =	ssyncset.done $0x0  }
0x11a: {  	[sflag:s12] =	ssyncadd.s32 $0xFFFFE000  }
0x11b: {  	_ =	swait.ge [sflag:s29], $0x2000  }
0x11c: {  	[sflag:s29] =	ssyncset.done $0x0  }
0x11d: {  	[sflag:s29] =	ssyncadd.s32 $0xFFFFE000  }
0x11e: {  	[spmem:s3] =	stream.indirect.scatter.add.f32 [tilespmem:s22], [sflag:$0x6], $0x40, s13, s16, $0xb8;
	[tilespmem:$0x1DE00] =	vst v63  }
0x11f: {  	_ =	swait.ge [sflag:s12], $0x2000  }
0x120: {  	[sflag:s12] =	ssyncset.done $0x0  }
0x121: {  	[sflag:s12] =	ssyncadd.s32 $0xFFFFE000  }
0x122: {  	_ =	swait.ge [sflag:s30], $0x2000  }
0x123: {  	[sflag:s30] =	ssyncset.done $0x0  }
0x124: {  	[sflag:s30] =	ssyncadd.s32 $0xFFFFE000  }
0x125: {  	[spmem:s3] =	stream.indirect.scatter.add.f32 [tilespmem:s24], [sflag:$0x6], $0x40, s6, s16, $0xb8;
	[tilespmem:$0x1DE00] =	vst v63  }
0x126: {  	_ =	swait.ge [sflag:s12], $0x2000  }
0x127: {  	[sflag:s12] =	ssyncset.done $0x0  }
0x128: {  	[sflag:s12] =	ssyncadd.s32 $0xFFFFE000  }
0x129: {  	[bflag:$0x0] =	sbarrier.arrive $0xFFFF  }
0x12a: {  	s9 =	rddreg [dreg:$0x7]  }
0x12b: {  	[hbm:s9], [sflag:s14] =	dma.local [spmem:s15], $0x13C0  }
0x12c: {  	_ =	swait.ge [sflag:s12], $0x13C0  }
0x12d: {  	s7 =	sadd.s32 $0x1, s7;
	s11 =	rddreg [dreg:$0x8]  }
0x12e: {  	p0 =	sne.s32 s7, s11  }
.Ltmp2:
0x12f: {  	_ = 	snop;
	(pc) =	sbr.rel @p0 .LBB2_1-.Ltmp2, $3  }
0x130: {  	_ =	sdelay $0x1  }
0x131: {  	[sflag:s12] =	ssyncset.done $0x0  }
0x132: {  	[sflag:s12] =	ssyncadd.s32 $0xFFFFEC40  }
0x133: {  	_ =	sfence.sel $0x180000  }
0x134: {  	[bflag:$0x0] =	sbarrier.arrive $0xFFFF  }
0x135: {  	_ =	strace $0x9000004A  }
0x136: {  	s0 =	stileid.u32;
	[bflag:$0x2] =	sbarrier.arrive $0xFFFF  }
0x137: {  	p0 =	sne.s32 s0, $0x0;
	s0 =	rddreg [dreg:$0x3]  }
0x138: {  	s0 =	sadd.s32 @!p0 $0x100000, s0  }
0x139: {  	[sflag:s0] =	ssyncadd.tile.s32 @!p0 $0x1;
	_ =	shalt  }
.Lfunc_end2:
_tile_overlayer_lowered:
.L_overlay_start_2:
0x13a: {  	(tag) =	ssettag $0x2  }
0x13b: {  	s0 =	rddreg [dreg:$0x0];
	s2 =	stileid.u32  }
0x13c: {  	s1 =	rddreg [dreg:$0x1];
	p0 =	sne.s32 s2, $0x0  }
0x13d: {  	s3 =	rddreg [dreg:$0x2];
	[bflag:$0x3] =	sbarrier.arrive $0xFFFF;
	s2 =	simm.s32 @!p0 $0x1C06  }
0x13e: {  	[timem:s3], [sflag:s2] =	dma.local @!p0 [hbm:s0], s1  }
0x13f: {  	s0 =	simm.s32 @!p0 $0x6  }
0x140: {  	_ =	swait.ge @!p0 [sflag:s0], s1  }
0x141: {  	s1 =	ssub.s32 @!p0 $0x0, s1;
	[sflag:s0] =	ssyncset.done @!p0 $0x0  }
0x142: {  	[sflag:s0] =	ssyncadd.s32 @!p0 s1  }
0x143: {  	[bflag:$0x3] =	sbarrier.arrive $0xFFFF  }
0x144: {  	_ =	shalt  }

// kernel: kernel.15.cloned.1.call-start
scs
__scs_entry_jumppad:
0x0: {  	(pc) =	sbr.rel $0x88, $3  }
0x1: {  	(tag) =	ssettag $0x0;
	lr =	simm.s32 $0x1  }
0x2: {  	[smem:$0x3F9A] =	sst lr;
	_ =	strace $0xD0000000  }
0x3: {  	_ = 	snop  }
0x4: {  	_ = 	snop  }
0x5: {  	_ = 	snop  }
0x6: {  	_ = 	snop  }
0x7: {  	_ = 	snop  }
__scs_overlays_trampoline_lowered:
0x8: {  	[smem:$0x3FA9] =	sst s0  }
0x9: {  	[smem:$0x3FAA] =	sst s1  }
0xa: {  	[smem:$0x3FAB] =	sst s2  }
0xb: {  	[smem:$0x3FAC] =	sst s3  }
0xc: {  	[smem:$0x3FAD] =	sst s4  }
0xd: {  	[smem:$0x3FAE] =	sst s5  }
0xe: {  	[smem:$0x3FAF] =	sst s6  }
0xf: {  	[smem:$0x3FB0] =	sst s7  }
0x10: {  	[smem:$0x3FB1] =	sst s8  }
0x11: {  	[smem:$0x3FB2] =	sst s9;
	s0 =	simm.s32 @!p0 $0x0  }
0x12: {  	s1 =	sld [smem:$0x3F98];
	s0 =	simm.s32 @p0 $0x1  }
0x13: {  	[smem:$0x3FB3] =	sst s0;
	s0 =	simm.s32 @!p1 $0x0  }
0x14: {  	s2 =	sld [smem:$0x3F97];
	s0 =	simm.s32 @p1 $0x1  }
0x15: {  	[smem:$0x3FB4] =	sst s0;
	s0 =	simm.s32 @!p2 $0x0  }
0x16: {  	s3 =	sld [smem:$0x3FDB];
	s0 =	simm.s32 @p2 $0x1  }
0x17: {  	s4 =	simm.s32 $0x1BF5;
	[smem:$0x3FB6] =	sst s0  }
0x18: {  	s0 =	sld [smem:$0x3F99];
	_ =	swait.ge [sflag:s4], $0x0  }
0x19: {  	s7 =	sld [smem:$0x3F9A]  }
0x1a: {  	s8 =	sadd.s32 $0xFFFFE003, lr  }
0x1b: {  	s9 =	sadd.s32 $0xFFFFFEF7, lr;
	s5 =	simm.s32 $0xFFFFFFFF;
	p2 =	slt.u32 s8, $0xFFFFF086  }
0x1c: {  	p1 =	slt.u32 s9, $0xF7A;
	s5 =	simm.s32 @!p2 $0x0  }
0x1d: {  	s5 =	simm.s32 @p1 $0x1;
	p0 =	seq.s32 s7, s2  }
0x1e: {  	s7 =	smul.u32 @!p0 $0xF7A, s2;
	p2 =	seq.s32 @!p0 s5, $0x0  }
0x1f: {  	s9 =	smul.u32 $0xF7A, s1;
	s8 =	simm.s32 @!p0 $0x1BF5;
	p2 =	por !p2, p0  }
0x20: {  	[sflag:s8] =	ssyncset.s32 @!p0 $0xFFFFF086;
	s6 =	sadd.s32 @!p0 s3, s7;
	s7 =	simm.s32 @!p0 $0x108  }
0x21: {  	s3 =	sadd.s32 s3, s9;
	s6 =	sadd.s32 @!p0 $0x88, s6;
	s7 =	simm.s32 @p2 $0x1082  }
0x22: {  	[simem:s7], [sflag:s8] =	dma.local @!p0 [hbm:s6], $0xF7A  }
0x23: {  	s9 =	sor.u32 $0xD0000000, s2;
	s6 =	simm.s32 $0x108;
	_ =	swait.ge @!p0 [sflag:s8], $0x0  }
0x24: {  	s3 =	sadd.s32 $0x88, s3;
	s6 =	simm.s32 @!p1 $0x1082;
	[sflag:s4] =	ssyncset.s32 $0xFFFFF086  }
0x25: {  	[simem:s6], [sflag:s4] =	dma.local [hbm:s3], $0xF7A  }
0x26: {  	[smem:$0x3F9A] =	sst s1;
	(tag) =	ssettag s2;
	_ =	strace s9  }
0x27: {  	s1 =	sld [smem:$0x3FAA]  }
0x28: {  	s2 =	sld [smem:$0x3FAB]  }
0x29: {  	s4 =	sld [smem:$0x3FAD]  }
0x2a: {  	p0 =	seq.s32 s5, $0x0;
	s5 =	sld [smem:$0x3FAE]  }
0x2b: {  	s6 =	sld [smem:$0x3FAF]  }
0x2c: {  	s7 =	sld [smem:$0x3FB0]  }
0x2d: {  	s3 =	simm.s32 $0x108;
	s8 =	sld [smem:$0x3FB1]  }
0x2e: {  	s3 =	simm.s32 @!p0 $0x1082;
	s9 =	sld [smem:$0x3FB2]  }
0x2f: {  	lr =	sadd.s32 s0, s3;
	s0 =	sld [smem:$0x3FA9]  }
0x30: {  	s3 =	sld [smem:$0x3FAC]  }
0x31: {  	[smem:$0x3FB5] =	sst s10  }
0x32: {  	s10 =	sld [smem:$0x3FB3];
	_ =	sdelay $0x3  }
0x33: {  	p0 =	seq.s32 s10, $0x1;
	s10 =	sld [smem:$0x3FB5];
	_ =	sdelay $0x3  }
0x34: {  	[smem:$0x3FB5] =	sst s10  }
0x35: {  	s10 =	sld [smem:$0x3FB4];
	_ =	sdelay $0x3  }
0x36: {  	p1 =	seq.s32 s10, $0x1;
	s10 =	sld [smem:$0x3FB5];
	_ =	sdelay $0x3  }
0x37: {  	[smem:$0x3FB5] =	sst s10  }
0x38: {  	s10 =	sld [smem:$0x3FB6]  }
0x39: {  	_ = 	snop;
	(pc) =	sbr.ind lr, $3  }
0x3a: {  	_ = 	snop  }
0x3b: {  	_ = 	snop  }
0x3c: {  	p2 =	seq.s32 s10, $0x1;
	s10 =	sld [smem:$0x3FB5]  }
0x3d: {  	_ =	shalt  }
0x3e: {  	_ =	shalt  }
0x3f: {  	_ =	shalt  }
0x40: {  	_ =	shalt  }
0x41: {  	_ =	shalt  }
0x42: {  	_ =	shalt  }
0x43: {  	_ =	shalt  }
0x44: {  	_ =	shalt  }
0x45: {  	_ =	shalt  }
0x46: {  	_ =	shalt  }
0x47: {  	_ =	shalt  }
0x48: {  	_ =	shalt  }
0x49: {  	_ =	shalt  }
0x4a: {  	_ =	shalt  }
0x4b: {  	_ =	shalt  }
0x4c: {  	_ =	shalt  }
0x4d: {  	_ =	shalt  }
0x4e: {  	_ =	shalt  }
0x4f: {  	_ =	shalt  }
0x50: {  	_ =	shalt  }
0x51: {  	_ =	shalt  }
0x52: {  	_ =	shalt  }
0x53: {  	_ =	shalt  }
0x54: {  	_ =	shalt  }
0x55: {  	_ =	shalt  }
0x56: {  	_ =	shalt  }
0x57: {  	_ =	shalt  }
0x58: {  	_ =	shalt  }
0x59: {  	_ =	shalt  }
0x5a: {  	_ =	shalt  }
0x5b: {  	_ =	shalt  }
0x5c: {  	_ =	shalt  }
0x5d: {  	_ =	shalt  }
0x5e: {  	_ =	shalt  }
0x5f: {  	_ =	shalt  }
0x60: {  	_ =	shalt  }
0x61: {  	_ =	shalt  }
0x62: {  	_ =	shalt  }
0x63: {  	_ =	shalt  }
0x64: {  	_ =	shalt  }
0x65: {  	_ =	shalt  }
0x66: {  	_ =	shalt  }
0x67: {  	_ =	shalt  }
0x68: {  	_ =	shalt  }
0x69: {  	_ =	shalt  }
0x6a: {  	_ =	shalt  }
0x6b: {  	_ =	shalt  }
0x6c: {  	_ =	shalt  }
0x6d: {  	_ =	shalt  }
0x6e: {  	_ =	shalt  }
0x6f: {  	_ =	shalt  }
0x70: {  	_ =	shalt  }
0x71: {  	_ =	shalt  }
0x72: {  	_ =	shalt  }
0x73: {  	_ =	shalt  }
0x74: {  	_ =	shalt  }
0x75: {  	_ =	shalt  }
0x76: {  	_ =	shalt  }
0x77: {  	_ =	shalt  }
0x78: {  	_ =	shalt  }
0x79: {  	_ =	shalt  }
0x7a: {  	_ =	shalt  }
0x7b: {  	_ =	shalt  }
0x7c: {  	_ =	shalt  }
0x7d: {  	_ =	shalt  }
0x7e: {  	_ =	shalt  }
0x7f: {  	_ =	shalt  }
0x80: {  	_ =	shalt  }
0x81: {  	_ =	shalt  }
0x82: {  	_ =	shalt  }
0x83: {  	_ =	shalt  }
0x84: {  	_ =	shalt  }
0x85: {  	_ =	shalt  }
0x86: {  	_ =	shalt  }
0x87: {  	_ =	shalt  }
.Lfunc_end0:
.L_simem_size_0:
called_computation.2_lowered:
.L_overlay_start_0:
0x88: {  	s2 =	sld [smem:$0x3FD9]  }
0x89: {  	s3 =	sld [smem:$0x3FFE];
	_ =	sdelay $0x1  }
0x8a: {  	s1 =	srdreg.scid  }
0x8b: {  	s0 =	sand.u32 $0x1, s1  }
0x8c: {  	s17 =	sshll.u32 s0, $0xA;
	s2 =	sadd.s32 s3, s2  }
0x8d: {  	s2 =	sadd.s32 s2, s17  }
0x8e: {  	[smem:$0x3FC1] =	sst s2  }
0x8f: {  	_ = 	snop  }
0x90: {  	s2 =	sld [smem:$0x3FD0];
	(tm) =	ssettm $0x1  }
0x91: {  	s18 =	sld [smem:$0x3FFB];
	_ =	sdelay $0x3  }
0x92: {  	_ =	strace s18  }
0x93: {  	s3 =	sld [smem:$0x3FFC];
	_ =	sdelay $0x3  }
0x94: {  	_ =	strace s3  }
0x95: {  	s3 =	sld [smem:$0x3FFD];
	_ =	sdelay $0x3  }
0x96: {  	_ =	strace s3  }
0x97: {  	_ =	strace $0x8FFFFFFF  }
0x98: {  	s19 =	sld [smem:$0x3FDB];
	_ =	sdelay $0x1  }
0x99: {  	s4 =	simm.s32 $_scs_section_size  }
0x9a: {  	s5 =	simm.s32 $_size__tile_overlayer_lowered;
	s6 =	simm.s32 $_tile_overlayer_lowered  }
0x9b: {  	s22 =	simm.s32 $0x1BFF;
	s21 =	sshll.u32 s6, $0x1;
	s3 =	sadd.s32 s4, s19  }
0x9c: {  	s7 =	simm.s32 $0x0;
	s20 =	sshll.u32 s5, $0x1;
	s5 =	sadd.s32 s21, s3  }
0x9d: {  	[timem:s7], [sflag:s22] =	dma.local [hbm:s5], s20  }
0x9e: {  	_ =	swait.ge [sflag:s22], s20  }
0x9f: {  	s4 =	ssub.s32 $0x0, s20;
	[sflag:s22] =	ssyncset.done $0x0  }
0xa0: {  	[sflag:s22] =	ssyncadd.s32 s4;
	_ =	sdelay $0x1  }
0xa1: {  	s23 =	simm.s32 $0x1B8B  }
0xa2: {  	_ =	swait.ge [sflag:s23], $0x1  }
0xa3: {  	[sflag:s23] =	ssyncset.done $0x0  }
0xa4: {  	s25 =	simm.s32 $0x1B8E;
	s24 =	sld [smem:$0x3FFE];
	[sflag:s23] =	ssyncadd.s32 $0xFFFFFFFF  }
0xa5: {  	s26 =	simm.s32 $execute0_lowered;
	[smem:$0x3FD2] =	sst s25  }
0xa6: {  	s5 =	sshll.u32 s26, $0x1;
	_ =	strace $0x8000004C;
	[dreg:$0x1] =	wrdreg $0xFFFFFFFF  }
0xa7: {  	s28 =	simm.s32 $_size_execute0_lowered;
	s3 =	sadd.s32 s3, s5;
	[dreg:$0x0] =	wrdreg $0x0  }
0xa8: {  	s5 =	sshll.u32 s28, $0x1;
	[dreg:$0x2] =	wrdreg s3  }
0xa9: {  	[dreg:$0x3] =	wrdreg s5  }
0xaa: {  	[dreg:$0x4] =	wrdreg $0xC0  }
0xab: {  	_ =	task [dreg:s7], $0x5FFFF  }
0xac: {  	[dreg:$0x1] =	wrdreg $0xFFFFFFFF  }
0xad: {  	[dreg:$0x0] =	wrdreg $0x60  }
0xae: {  	[dreg:$0x2] =	wrdreg s2  }
0xaf: {  	[dreg:$0x3] =	wrdreg s24  }
0xb0: {  	[dreg:$0x4] =	wrdreg $0x140000  }
0xb1: {  	[dreg:$0x5] =	wrdreg $0x9  }
0xb2: {  	_ =	task.clear_ibuf [dreg:s7], $0x6FFFF;
	_ =	strace $0x9000004C  }
0xb3: {  	s29 =	simm.s32 $0x9;
	_ =	strace $0x8000004E  }
0xb4: {  	_ =	swait.ge [sflag:s29], $0x1  }
0xb5: {  	[sflag:s29] =	ssyncadd.s32 $0xFFFFFFFF  }
0xb6: {  	_ =	strace $0x9000004E  }
0xb7: {  	_ =	sfence  }
0xb8: {  	s30 =	sld [smem:$0x0];
	_ =	sdelay $0x2  }
0xb9: {  	s31 =	sshll.u32 s1, $0xD;
	s1 =	sshrl.u32 s1, $0x2  }
0xba: {  	s3 =	sand.u32 $0x4000, s31;
	s1 =	sadd.s32 s1, s30  }
0xbb: {  	s0 =	sor.u32 s3, s0;
	s1 =	sshll.u32 s1, $0x11  }
0xbc: {  	s0 =	sor.u32 s1, s0  }
0xbd: {  	s0 =	sadd.s32 $0x8F2B, s0  }
0xbe: {  	[sflag:s0] =	ssyncadd.remote.s32 $0x1  }
0xbf: {  	_ =	sfence.sel $0xFFFF  }
0xc0: {  	[dreg:$0x0] =	wrdreg $0xFFFFFFFF;
	(pc) =	sbr.abs _section_cstart, $3  }
0xc1: {  	[dreg:$0x1] =	wrdreg $0xFFFFFFFF  }
0xc2: {  	_ =	task.clear_ibuf [dreg:s7], $0x2FFFF;
	_ =	strace $0x9FFFFFFF  }
0xc3: {  	(tm) =	ssettm $0x7FFFFFFF  }
tec
execute0_lowered:
.L_overlay_start_1:
0x0: {  	(tag) =	ssettag $0x1  }
0x1: {  	s0 =	srdreg.scid;
	s1 =	rddreg [dreg:$0x0]  }
0x2: {  	s10 =	stileid.u32;
	s6 =	rddreg [dreg:$0x1]  }
0x3: {  	s3 =	rddreg [dreg:$0x2];
	s4 =	simm.s32 $0x0;
	s12 =	simm.s32 $0x6  }
0x4: {  	s16 =	simm.s32 $0x80;
	s17 =	simm.s32 $0xA000;
	s18 =	simm.s32 $0xC000  }
0x5: {  	s19 =	simm.s32 $0x100;
	s20 =	simm.s32 $0xE000;
	s28 =	simm.s32 $0x3  }
0x6: {  	s29 =	simm.s32 $0x4;
	s30 =	simm.s32 $0x5;
	s31 =	simm.s32 $0x9D80  }
0x7: {  	s13 =	simm.s32 $0x9F00;
	s0 =	sand.u32 $0x1, s0;
	s7 =	smul.u32 $0x278, s10  }
0x8: {  	[smem:$0x7FF] =	sst s4;
	s9 =	smul.u32 $0x9E00, s10;
	s5 =	sadd.s32 $0x119200, s6  }
0x9: {  	s26 =	sshll.u32 s10, $0x6;
	s2 =	sshll.u32 s0, $0x4;
	s8 =	smul.u32 $0x2780, s0  }
0xa: {  	_ =	strace $0x8000004D;
	s0 =	ssub.s32 $0x2, s0;
	s14 =	sor.u32 $0x1C06, s26  }
0xb: {  	s26 =	simm.s32 $0x2;
	s2 =	sor.u32 s10, s2;
	s21 =	sshrl.u32 s9, $0x3  }
0xc: {  	s22 =	sshrl.u32 s0, $0x1;
	s24 =	sadd.s32 s9, s3;
	s2 =	smul.u32 $0xA00, s2  }
0xd: {  	s7 =	sadd.s32 s7, s8;
	s8 =	sadd.s32 s21, s6;
	s0 =	ssub.s32 s0, s22  }
0xe: {  	s15 =	sshrl.u32 s24, $0x3;
	s21 =	simm.s32 $0x180;
	s22 =	simm.s32 $0x10000  }
0xf: {  	s24 =	simm.s32 $0x12000;
	s0 =	smax.u32 s0, $0x1;
	s2 =	sadd.s32 s2, s6  }
0x10: {  	s7 =	sshll.u32 s7, $0x3;
	[dreg:$0x8] =	wrdreg s0;
	s23 =	sadd.s32 $0x68200, s2  }
0x11: {  	s6 =	sadd.s32 s7, s6;
	s2 =	sadd.s32 $0x18A00, s2;
	[dreg:$0x4] =	wrdreg s23  }
0x12: {  	s8 =	sadd.s32 $0x2CE00, s8;
	s25 =	sadd.s32 $0x140400, s6;
	[dreg:$0x5] =	wrdreg s2  }
0x13: {  	s0 =	simm.s32 $0x9E80;
	s6 =	sadd.s32 $0x167C00, s6;
	[dreg:$0x6] =	wrdreg s25  }
0x14: {  	s7 =	simm.s32 $0x0;
	[dreg:$0x7] =	wrdreg s6;
	s23 =	simm.s32 $0x200  }
0x15: {  	s25 =	simm.s32 $0x1;
	s2 =	simm.s32 $0x9E00;
	s6 =	simm.s32 $0x9F80  }
.LBB2_1:
0x16: {  	s9 =	rddreg [dreg:$0x4]  }
0x17: {  	[tilespmem:s4], [sflag:$0x6] =	stream.linear.gather [hbm4b:s9+s4], $0x5000, $0x38;
	[tilespmem:$0x1DE00] =	vst v63  }
0x18: {  	_ =	swait.ge [sflag:s12], $0x5000  }
0x19: {  	[sflag:s12] =	ssyncset.done $0x0  }
0x1a: {  	s10 =	simm.s32 $0x5000;
	s11 =	rddreg [dreg:$0x5];
	[sflag:s12] =	ssyncadd.s32 $0xFFFFB000  }
0x1b: {  	[tilespmem:s10], [sflag:$0x6] =	stream.linear.gather [hbm4b:s11+s4], $0x5000, $0x38;
	[tilespmem:$0x1DE00] =	vst v63  }
0x1c: {  	_ =	swait.ge [sflag:s12], $0x5000  }
0x1d: {  	[sflag:s12] =	ssyncset.done $0x0  }
0x1e: {  	[sflag:s12] =	ssyncadd.s32 $0xFFFFB000  }
0x1f: {  	[spmem:s15], [sflag:s14] =	dma.local [hbm:s8], $0x13C0  }
0x20: {  	_ =	swait.ge [sflag:s12], $0x13C0  }
0x21: {  	[sflag:s12] =	ssyncset.done $0x0  }
0x22: {  	[sflag:s12] =	ssyncadd.s32 $0xFFFFEC40  }
0x23: {  	[bflag:$0x0] =	sbarrier.arrive $0xFFFF  }
0x24: {  	[tilespmem:s17], [sflag:$0x1] =	stream.indirect.gather [hbm4b:s1+s16], $0x40, s4, s16, $0xb8;
	[tilespmem:$0x1DE00] =	vst v63  }
0x25: {  	_ = 	snop  }
0x26: {  	[tilespmem:s18], [sflag:$0x2] =	stream.indirect.gather [hbm4b:s1+s16], $0x40, s16, s16, $0xb8;
	[tilespmem:$0x1DE00] =	vst v63  }
0x27: {  	_ = 	snop  }
0x28: {  	[tilespmem:s20], [sflag:$0x3] =	stream.indirect.gather [hbm4b:s1+s16], $0x40, s19, s16, $0xb8;
	[tilespmem:$0x1DE00] =	vst v63  }
0x29: {  	_ = 	snop  }
0x2a: {  	[tilespmem:s22], [sflag:$0x4] =	stream.indirect.gather [hbm4b:s1+s16], $0x40, s21, s16, $0xb8;
	[tilespmem:$0x1DE00] =	vst v63  }
0x2b: {  	_ = 	snop  }
0x2c: {  	[tilespmem:s24], [sflag:$0x5] =	stream.indirect.gather [hbm4b:s1+s16], $0x40, s23, s16, $0xb8;
	[tilespmem:$0x1DE00] =	vst v63  }
0x2d: {  	_ =	swait.ge [sflag:s25], $0x2000  }
0x2e: {  	[sflag:s25] =	ssyncset.done $0x0  }
0x2f: {  	s11 =	simm.s32 $0x5000;
	[sflag:s25] =	ssyncadd.s32 $0xFFFFE000  }
0x30: {  	[spmem:s3] =	stream.indirect.scatter.add.f32 [tilespmem:s17], [sflag:$0x6], $0x40, s11, s16, $0xb8;
	[tilespmem:$0x1DE00] =	vst v63  }
0x31: {  	_ =	swait.ge [sflag:s12], $0x2000  }
0x32: {  	[sflag:s12] =	ssyncset.done $0x0  }
0x33: {  	s10 =	simm.s32 $0x280;
	[sflag:s12] =	ssyncadd.s32 $0xFFFFE000  }
0x34: {  	[tilespmem:s17], [sflag:$0x1] =	stream.indirect.gather [hbm4b:s1+s16], $0x40, s10, s16, $0xb8;
	[tilespmem:$0x1DE00] =	vst v63  }
0x35: {  	_ =	swait.ge [sflag:s26], $0x2000  }
0x36: {  	[sflag:s26] =	ssyncset.done $0x0  }
0x37: {  	s11 =	simm.s32 $0x5080;
	[sflag:s26] =	ssyncadd.s32 $0xFFFFE000  }
0x38: {  	[spmem:s3] =	stream.indirect.scatter.add.f32 [tilespmem:s18], [sflag:$0x6], $0x40, s11, s16, $0xb8;
	[tilespmem:$0x1DE00] =	vst v63  }
0x39: {  	_ =	swait.ge [sflag:s12], $0x2000  }
0x3a: {  	[sflag:s12] =	ssyncset.done $0x0  }
0x3b: {  	s10 =	simm.s32 $0x300;
	[sflag:s12] =	ssyncadd.s32 $0xFFFFE000  }
0x3c: {  	[tilespmem:s18], [sflag:$0x2] =	stream.indirect.gather [hbm4b:s1+s16], $0x40, s10, s16, $0xb8;
	[tilespmem:$0x1DE00] =	vst v63  }
0x3d: {  	_ =	swait.ge [sflag:s28], $0x2000  }
0x3e: {  	[sflag:s28] =	ssyncset.done $0x0  }
0x3f: {  	s11 =	simm.s32 $0x5100;
	[sflag:s28] =	ssyncadd.s32 $0xFFFFE000  }
0x40: {  	[spmem:s3] =	stream.indirect.scatter.add.f32 [tilespmem:s20], [sflag:$0x6], $0x40, s11, s16, $0xb8;
	[tilespmem:$0x1DE00] =	vst v63  }
0x41: {  	_ =	swait.ge [sflag:s12], $0x2000  }
0x42: {  	[sflag:s12] =	ssyncset.done $0x0  }
0x43: {  	s10 =	simm.s32 $0x380;
	[sflag:s12] =	ssyncadd.s32 $0xFFFFE000  }
0x44: {  	[tilespmem:s20], [sflag:$0x3] =	stream.indirect.gather [hbm4b:s1+s16], $0x40, s10, s16, $0xb8;
	[tilespmem:$0x1DE00] =	vst v63  }
0x45: {  	_ =	swait.ge [sflag:s29], $0x2000  }
0x46: {  	[sflag:s29] =	ssyncset.done $0x0  }
0x47: {  	s11 =	simm.s32 $0x5180;
	[sflag:s29] =	ssyncadd.s32 $0xFFFFE000  }
0x48: {  	[spmem:s3] =	stream.indirect.scatter.add.f32 [tilespmem:s22], [sflag:$0x6], $0x40, s11, s16, $0xb8;
	[tilespmem:$0x1DE00] =	vst v63  }
0x49: {  	_ =	swait.ge [sflag:s12], $0x2000  }
0x4a: {  	[sflag:s12] =	ssyncset.done $0x0  }
0x4b: {  	s10 =	simm.s32 $0x400;
	[sflag:s12] =	ssyncadd.s32 $0xFFFFE000  }
0x4c: {  	[tilespmem:s22], [sflag:$0x4] =	stream.indirect.gather [hbm4b:s1+s16], $0x40, s10, s16, $0xb8;
	[tilespmem:$0x1DE00] =	vst v63  }
0x4d: {  	_ =	swait.ge [sflag:s30], $0x2000  }
0x4e: {  	[sflag:s30] =	ssyncset.done $0x0  }
0x4f: {  	s11 =	simm.s32 $0x5200;
	[sflag:s30] =	ssyncadd.s32 $0xFFFFE000  }
0x50: {  	[spmem:s3] =	stream.indirect.scatter.add.f32 [tilespmem:s24], [sflag:$0x6], $0x40, s11, s16, $0xb8;
	[tilespmem:$0x1DE00] =	vst v63  }
0x51: {  	_ =	swait.ge [sflag:s12], $0x2000  }
0x52: {  	[sflag:s12] =	ssyncset.done $0x0  }
0x53: {  	s9 =	simm.s32 $0xA00;
	s10 =	simm.s32 $0x480;
	[sflag:s12] =	ssyncadd.s32 $0xFFFFE000  }
.LBB2_2:
0x54: {  	[tilespmem:s24], [sflag:$0x5] =	stream.indirect.gather [hbm4b:s1+s16], $0x40, s10, s16, $0xb8;
	[tilespmem:$0x1DE00] =	vst v63  }
0x55: {  	s10 =	smov.u32 s9  }
0x56: {  	p0 =	sne.s32 s9, $0x12C00;
	s9 =	sadd.s32 $0xA00, s9;
	_ =	swait.ge [sflag:s25], $0x2000  }
0x57: {  	s10 =	sshra.s32 s10, $0x2;
	[sflag:s25] =	ssyncset.done $0x0  }
0x58: {  	s11 =	sadd.s32 $0x5000, s10;
	[sflag:s25] =	ssyncadd.s32 $0xFFFFE000  }
0x59: {  	[spmem:s3] =	stream.indirect.scatter.add.f32 [tilespmem:s17], [sflag:$0x6], $0x40, s11, s16, $0xb8;
	[tilespmem:$0x1DE00] =	vst v63  }
0x5a: {  	_ =	swait.ge [sflag:s12], $0x2000  }
0x5b: {  	[sflag:s12] =	ssyncset.done $0x0  }
0x5c: {  	s11 =	sadd.s32 $0x280, s10;
	[sflag:s12] =	ssyncadd.s32 $0xFFFFE000  }
0x5d: {  	[tilespmem:s17], [sflag:$0x1] =	stream.indirect.gather [hbm4b:s1+s16], $0x40, s11, s16, $0xb8;
	[tilespmem:$0x1DE00] =	vst v63  }
0x5e: {  	_ =	swait.ge [sflag:s26], $0x2000  }
0x5f: {  	[sflag:s26] =	ssyncset.done $0x0  }
0x60: {  	s11 =	sadd.s32 $0x5080, s10;
	[sflag:s26] =	ssyncadd.s32 $0xFFFFE000  }
0x61: {  	[spmem:s3] =	stream.indirect.scatter.add.f32 [tilespmem:s18], [sflag:$0x6], $0x40, s11, s16, $0xb8;
	[tilespmem:$0x1DE00] =	vst v63  }
0x62: {  	_ =	swait.ge [sflag:s12], $0x2000  }
0x63: {  	[sflag:s12] =	ssyncset.done $0x0  }
0x64: {  	s11 =	sadd.s32 $0x300, s10;
	[sflag:s12] =	ssyncadd.s32 $0xFFFFE000  }
0x65: {  	[tilespmem:s18], [sflag:$0x2] =	stream.indirect.gather [hbm4b:s1+s16], $0x40, s11, s16, $0xb8;
	[tilespmem:$0x1DE00] =	vst v63  }
0x66: {  	_ =	swait.ge [sflag:s28], $0x2000  }
0x67: {  	[sflag:s28] =	ssyncset.done $0x0  }
0x68: {  	s11 =	sadd.s32 $0x5100, s10;
	[sflag:s28] =	ssyncadd.s32 $0xFFFFE000  }
0x69: {  	[spmem:s3] =	stream.indirect.scatter.add.f32 [tilespmem:s20], [sflag:$0x6], $0x40, s11, s16, $0xb8;
	[tilespmem:$0x1DE00] =	vst v63  }
0x6a: {  	_ =	swait.ge [sflag:s12], $0x2000  }
0x6b: {  	[sflag:s12] =	ssyncset.done $0x0  }
0x6c: {  	s11 =	sadd.s32 $0x380, s10;
	[sflag:s12] =	ssyncadd.s32 $0xFFFFE000  }
0x6d: {  	[tilespmem:s20], [sflag:$0x3] =	stream.indirect.gather [hbm4b:s1+s16], $0x40, s11, s16, $0xb8;
	[tilespmem:$0x1DE00] =	vst v63  }
0x6e: {  	_ =	swait.ge [sflag:s29], $0x2000  }
0x6f: {  	[sflag:s29] =	ssyncset.done $0x0  }
0x70: {  	s11 =	sadd.s32 $0x5180, s10;
	[sflag:s29] =	ssyncadd.s32 $0xFFFFE000  }
0x71: {  	[spmem:s3] =	stream.indirect.scatter.add.f32 [tilespmem:s22], [sflag:$0x6], $0x40, s11, s16, $0xb8;
	[tilespmem:$0x1DE00] =	vst v63  }
0x72: {  	_ =	swait.ge [sflag:s12], $0x2000  }
0x73: {  	[sflag:s12] =	ssyncset.done $0x0  }
0x74: {  	s11 =	sadd.s32 $0x400, s10;
	[sflag:s12] =	ssyncadd.s32 $0xFFFFE000  }
0x75: {  	[tilespmem:s22], [sflag:$0x4] =	stream.indirect.gather [hbm4b:s1+s16], $0x40, s11, s16, $0xb8;
	[tilespmem:$0x1DE00] =	vst v63  }
0x76: {  	_ =	swait.ge [sflag:s30], $0x2000  }
0x77: {  	[sflag:s30] =	ssyncset.done $0x0  }
.Ltmp0:
0x78: {  	s11 =	sadd.s32 $0x5200, s10;
	[sflag:s30] =	ssyncadd.s32 $0xFFFFE000;
	(pc) =	sbr.rel @p0 .LBB2_2-.Ltmp0, $4  }
0x79: {  	[spmem:s3] =	stream.indirect.scatter.add.f32 [tilespmem:s24], [sflag:$0x6], $0x40, s11, s16, $0xb8;
	[tilespmem:$0x1DE00] =	vst v63  }
0x7a: {  	_ =	swait.ge [sflag:s12], $0x2000  }
0x7b: {  	[sflag:s12] =	ssyncset.done $0x0  }
0x7c: {  	s10 =	sadd.s32 $0x480, s10;
	[sflag:s12] =	ssyncadd.s32 $0xFFFFE000  }
0x7d: {  	[tilespmem:s24], [sflag:$0x5] =	stream.indirect.gather [hbm4b:s1+s16], $0x40, s10, s16, $0xb8;
	[tilespmem:$0x1DE00] =	vst v63  }
0x7e: {  	_ =	swait.ge [sflag:s25], $0x2000  }
0x7f: {  	[sflag:s25] =	ssyncset.done $0x0  }
0x80: {  	[sflag:s25] =	ssyncadd.s32 $0xFFFFE000  }
0x81: {  	[spmem:s3] =	stream.indirect.scatter.add.f32 [tilespmem:s17], [sflag:$0x6], $0x40, s31, s16, $0xb8;
	[tilespmem:$0x1DE00] =	vst v63  }
0x82: {  	_ =	swait.ge [sflag:s12], $0x2000  }
0x83: {  	[sflag:s12] =	ssyncset.done $0x0  }
0x84: {  	[sflag:s12] =	ssyncadd.s32 $0xFFFFE000  }
0x85: {  	_ =	swait.ge [sflag:s26], $0x2000  }
0x86: {  	[sflag:s26] =	ssyncset.done $0x0  }
0x87: {  	[sflag:s26] =	ssyncadd.s32 $0xFFFFE000  }
0x88: {  	[spmem:s3] =	stream.indirect.scatter.add.f32 [tilespmem:s18], [sflag:$0x6], $0x40, s2, s16, $0xb8;
	[tilespmem:$0x1DE00] =	vst v63  }
0x89: {  	_ =	swait.ge [sflag:s12], $0x2000  }
0x8a: {  	[sflag:s12] =	ssyncset.done $0x0  }
0x8b: {  	[sflag:s12] =	ssyncadd.s32 $0xFFFFE000  }
0x8c: {  	_ =	swait.ge [sflag:s28], $0x2000  }
0x8d: {  	[sflag:s28] =	ssyncset.done $0x0  }
0x8e: {  	[sflag:s28] =	ssyncadd.s32 $0xFFFFE000  }
0x8f: {  	[spmem:s3] =	stream.indirect.scatter.add.f32 [tilespmem:s20], [sflag:$0x6], $0x40, s0, s16, $0xb8;
	[tilespmem:$0x1DE00] =	vst v63  }
0x90: {  	_ =	swait.ge [sflag:s12], $0x2000  }
0x91: {  	[sflag:s12] =	ssyncset.done $0x0  }
0x92: {  	[sflag:s12] =	ssyncadd.s32 $0xFFFFE000  }
0x93: {  	_ =	swait.ge [sflag:s29], $0x2000  }
0x94: {  	[sflag:s29] =	ssyncset.done $0x0  }
0x95: {  	[sflag:s29] =	ssyncadd.s32 $0xFFFFE000  }
0x96: {  	[spmem:s3] =	stream.indirect.scatter.add.f32 [tilespmem:s22], [sflag:$0x6], $0x40, s13, s16, $0xb8;
	[tilespmem:$0x1DE00] =	vst v63  }
0x97: {  	_ =	swait.ge [sflag:s12], $0x2000  }
0x98: {  	[sflag:s12] =	ssyncset.done $0x0  }
0x99: {  	[sflag:s12] =	ssyncadd.s32 $0xFFFFE000  }
0x9a: {  	_ =	swait.ge [sflag:s30], $0x2000  }
0x9b: {  	[sflag:s30] =	ssyncset.done $0x0  }
0x9c: {  	[sflag:s30] =	ssyncadd.s32 $0xFFFFE000  }
0x9d: {  	[spmem:s3] =	stream.indirect.scatter.add.f32 [tilespmem:s24], [sflag:$0x6], $0x40, s6, s16, $0xb8;
	[tilespmem:$0x1DE00] =	vst v63  }
0x9e: {  	_ =	swait.ge [sflag:s12], $0x2000  }
0x9f: {  	[sflag:s12] =	ssyncset.done $0x0  }
0xa0: {  	[sflag:s12] =	ssyncadd.s32 $0xFFFFE000  }
0xa1: {  	[bflag:$0x0] =	sbarrier.arrive $0xFFFF  }
0xa2: {  	s9 =	rddreg [dreg:$0x6]  }
0xa3: {  	[hbm:s9], [sflag:s14] =	dma.local [spmem:s15], $0x13C0  }
0xa4: {  	_ =	swait.ge [sflag:s12], $0x13C0  }
0xa5: {  	[sflag:s12] =	ssyncset.done $0x0  }
0xa6: {  	[sflag:s12] =	ssyncadd.s32 $0xFFFFEC40  }
0xa7: {  	[spmem:s15], [sflag:s14] =	dma.local [hbm:s8], $0x13C0  }
0xa8: {  	_ =	swait.ge [sflag:s12], $0x13C0  }
0xa9: {  	[sflag:s12] =	ssyncset.done $0x0  }
0xaa: {  	[sflag:s12] =	ssyncadd.s32 $0xFFFFEC40  }
0xab: {  	s10 =	simm.s32 $0x0;
	[bflag:$0x0] =	sbarrier.arrive $0xFFFF  }
0xac: {  	[tilespmem:s17], [sflag:$0x1] =	stream.indirect.gather [hbm4b:s5+s16], $0x40, s10, s16, $0xb8;
	[tilespmem:$0x1DE00] =	vst v63  }
0xad: {  	_ = 	snop  }
0xae: {  	[tilespmem:s18], [sflag:$0x2] =	stream.indirect.gather [hbm4b:s5+s16], $0x40, s16, s16, $0xb8;
	[tilespmem:$0x1DE00] =	vst v63  }
0xaf: {  	_ = 	snop  }
0xb0: {  	[tilespmem:s20], [sflag:$0x3] =	stream.indirect.gather [hbm4b:s5+s16], $0x40, s19, s16, $0xb8;
	[tilespmem:$0x1DE00] =	vst v63  }
0xb1: {  	_ = 	snop  }
0xb2: {  	[tilespmem:s22], [sflag:$0x4] =	stream.indirect.gather [hbm4b:s5+s16], $0x40, s21, s16, $0xb8;
	[tilespmem:$0x1DE00] =	vst v63  }
0xb3: {  	_ = 	snop  }
0xb4: {  	[tilespmem:s24], [sflag:$0x5] =	stream.indirect.gather [hbm4b:s5+s16], $0x40, s23, s16, $0xb8;
	[tilespmem:$0x1DE00] =	vst v63  }
0xb5: {  	_ =	swait.ge [sflag:s25], $0x2000  }
0xb6: {  	[sflag:s25] =	ssyncset.done $0x0  }
0xb7: {  	s11 =	simm.s32 $0x5000;
	[sflag:s25] =	ssyncadd.s32 $0xFFFFE000  }
0xb8: {  	[spmem:s3] =	stream.indirect.scatter.add.f32 [tilespmem:s17], [sflag:$0x6], $0x40, s11, s16, $0xb8;
	[tilespmem:$0x1DE00] =	vst v63  }
0xb9: {  	_ =	swait.ge [sflag:s12], $0x2000  }
0xba: {  	[sflag:s12] =	ssyncset.done $0x0  }
0xbb: {  	s10 =	simm.s32 $0x280;
	[sflag:s12] =	ssyncadd.s32 $0xFFFFE000  }
0xbc: {  	[tilespmem:s17], [sflag:$0x1] =	stream.indirect.gather [hbm4b:s5+s16], $0x40, s10, s16, $0xb8;
	[tilespmem:$0x1DE00] =	vst v63  }
0xbd: {  	_ =	swait.ge [sflag:s26], $0x2000  }
0xbe: {  	[sflag:s26] =	ssyncset.done $0x0  }
0xbf: {  	s11 =	simm.s32 $0x5080;
	[sflag:s26] =	ssyncadd.s32 $0xFFFFE000  }
0xc0: {  	[spmem:s3] =	stream.indirect.scatter.add.f32 [tilespmem:s18], [sflag:$0x6], $0x40, s11, s16, $0xb8;
	[tilespmem:$0x1DE00] =	vst v63  }
0xc1: {  	_ =	swait.ge [sflag:s12], $0x2000  }
0xc2: {  	[sflag:s12] =	ssyncset.done $0x0  }
0xc3: {  	s10 =	simm.s32 $0x300;
	[sflag:s12] =	ssyncadd.s32 $0xFFFFE000  }
0xc4: {  	[tilespmem:s18], [sflag:$0x2] =	stream.indirect.gather [hbm4b:s5+s16], $0x40, s10, s16, $0xb8;
	[tilespmem:$0x1DE00] =	vst v63  }
0xc5: {  	_ =	swait.ge [sflag:s28], $0x2000  }
0xc6: {  	[sflag:s28] =	ssyncset.done $0x0  }
0xc7: {  	s11 =	simm.s32 $0x5100;
	[sflag:s28] =	ssyncadd.s32 $0xFFFFE000  }
0xc8: {  	[spmem:s3] =	stream.indirect.scatter.add.f32 [tilespmem:s20], [sflag:$0x6], $0x40, s11, s16, $0xb8;
	[tilespmem:$0x1DE00] =	vst v63  }
0xc9: {  	_ =	swait.ge [sflag:s12], $0x2000  }
0xca: {  	[sflag:s12] =	ssyncset.done $0x0  }
0xcb: {  	s10 =	simm.s32 $0x380;
	[sflag:s12] =	ssyncadd.s32 $0xFFFFE000  }
0xcc: {  	[tilespmem:s20], [sflag:$0x3] =	stream.indirect.gather [hbm4b:s5+s16], $0x40, s10, s16, $0xb8;
	[tilespmem:$0x1DE00] =	vst v63  }
0xcd: {  	_ =	swait.ge [sflag:s29], $0x2000  }
0xce: {  	[sflag:s29] =	ssyncset.done $0x0  }
0xcf: {  	s11 =	simm.s32 $0x5180;
	[sflag:s29] =	ssyncadd.s32 $0xFFFFE000  }
0xd0: {  	[spmem:s3] =	stream.indirect.scatter.add.f32 [tilespmem:s22], [sflag:$0x6], $0x40, s11, s16, $0xb8;
	[tilespmem:$0x1DE00] =	vst v63  }
0xd1: {  	_ =	swait.ge [sflag:s12], $0x2000  }
0xd2: {  	[sflag:s12] =	ssyncset.done $0x0  }
0xd3: {  	s10 =	simm.s32 $0x400;
	[sflag:s12] =	ssyncadd.s32 $0xFFFFE000  }
0xd4: {  	[tilespmem:s22], [sflag:$0x4] =	stream.indirect.gather [hbm4b:s5+s16], $0x40, s10, s16, $0xb8;
	[tilespmem:$0x1DE00] =	vst v63  }
0xd5: {  	_ =	swait.ge [sflag:s30], $0x2000  }
0xd6: {  	[sflag:s30] =	ssyncset.done $0x0  }
0xd7: {  	s11 =	simm.s32 $0x5200;
	[sflag:s30] =	ssyncadd.s32 $0xFFFFE000  }
0xd8: {  	[spmem:s3] =	stream.indirect.scatter.add.f32 [tilespmem:s24], [sflag:$0x6], $0x40, s11, s16, $0xb8;
	[tilespmem:$0x1DE00] =	vst v63  }
0xd9: {  	_ =	swait.ge [sflag:s12], $0x2000  }
0xda: {  	[sflag:s12] =	ssyncset.done $0x0  }
0xdb: {  	s9 =	simm.s32 $0xA00;
	s10 =	simm.s32 $0x480;
	[sflag:s12] =	ssyncadd.s32 $0xFFFFE000  }
.LBB2_4:
0xdc: {  	[tilespmem:s24], [sflag:$0x5] =	stream.indirect.gather [hbm4b:s5+s16], $0x40, s10, s16, $0xb8;
	[tilespmem:$0x1DE00] =	vst v63  }
0xdd: {  	s10 =	smov.u32 s9  }
0xde: {  	p0 =	sne.s32 s9, $0x12C00;
	s9 =	sadd.s32 $0xA00, s9;
	_ =	swait.ge [sflag:s25], $0x2000  }
0xdf: {  	s10 =	sshra.s32 s10, $0x2;
	[sflag:s25] =	ssyncset.done $0x0  }
0xe0: {  	s11 =	sadd.s32 $0x5000, s10;
	[sflag:s25] =	ssyncadd.s32 $0xFFFFE000  }
0xe1: {  	[spmem:s3] =	stream.indirect.scatter.add.f32 [tilespmem:s17], [sflag:$0x6], $0x40, s11, s16, $0xb8;
	[tilespmem:$0x1DE00] =	vst v63  }
0xe2: {  	_ =	swait.ge [sflag:s12], $0x2000  }
0xe3: {  	[sflag:s12] =	ssyncset.done $0x0  }
0xe4: {  	s11 =	sadd.s32 $0x280, s10;
	[sflag:s12] =	ssyncadd.s32 $0xFFFFE000  }
0xe5: {  	[tilespmem:s17], [sflag:$0x1] =	stream.indirect.gather [hbm4b:s5+s16], $0x40, s11, s16, $0xb8;
	[tilespmem:$0x1DE00] =	vst v63  }
0xe6: {  	_ =	swait.ge [sflag:s26], $0x2000  }
0xe7: {  	[sflag:s26] =	ssyncset.done $0x0  }
0xe8: {  	s11 =	sadd.s32 $0x5080, s10;
	[sflag:s26] =	ssyncadd.s32 $0xFFFFE000  }
0xe9: {  	[spmem:s3] =	stream.indirect.scatter.add.f32 [tilespmem:s18], [sflag:$0x6], $0x40, s11, s16, $0xb8;
	[tilespmem:$0x1DE00] =	vst v63  }
0xea: {  	_ =	swait.ge [sflag:s12], $0x2000  }
0xeb: {  	[sflag:s12] =	ssyncset.done $0x0  }
0xec: {  	s11 =	sadd.s32 $0x300, s10;
	[sflag:s12] =	ssyncadd.s32 $0xFFFFE000  }
0xed: {  	[tilespmem:s18], [sflag:$0x2] =	stream.indirect.gather [hbm4b:s5+s16], $0x40, s11, s16, $0xb8;
	[tilespmem:$0x1DE00] =	vst v63  }
0xee: {  	_ =	swait.ge [sflag:s28], $0x2000  }
0xef: {  	[sflag:s28] =	ssyncset.done $0x0  }
0xf0: {  	s11 =	sadd.s32 $0x5100, s10;
	[sflag:s28] =	ssyncadd.s32 $0xFFFFE000  }
0xf1: {  	[spmem:s3] =	stream.indirect.scatter.add.f32 [tilespmem:s20], [sflag:$0x6], $0x40, s11, s16, $0xb8;
	[tilespmem:$0x1DE00] =	vst v63  }
0xf2: {  	_ =	swait.ge [sflag:s12], $0x2000  }
0xf3: {  	[sflag:s12] =	ssyncset.done $0x0  }
0xf4: {  	s11 =	sadd.s32 $0x380, s10;
	[sflag:s12] =	ssyncadd.s32 $0xFFFFE000  }
0xf5: {  	[tilespmem:s20], [sflag:$0x3] =	stream.indirect.gather [hbm4b:s5+s16], $0x40, s11, s16, $0xb8;
	[tilespmem:$0x1DE00] =	vst v63  }
0xf6: {  	_ =	swait.ge [sflag:s29], $0x2000  }
0xf7: {  	[sflag:s29] =	ssyncset.done $0x0  }
0xf8: {  	s11 =	sadd.s32 $0x5180, s10;
	[sflag:s29] =	ssyncadd.s32 $0xFFFFE000  }
0xf9: {  	[spmem:s3] =	stream.indirect.scatter.add.f32 [tilespmem:s22], [sflag:$0x6], $0x40, s11, s16, $0xb8;
	[tilespmem:$0x1DE00] =	vst v63  }
0xfa: {  	_ =	swait.ge [sflag:s12], $0x2000  }
0xfb: {  	[sflag:s12] =	ssyncset.done $0x0  }
0xfc: {  	s11 =	sadd.s32 $0x400, s10;
	[sflag:s12] =	ssyncadd.s32 $0xFFFFE000  }
0xfd: {  	[tilespmem:s22], [sflag:$0x4] =	stream.indirect.gather [hbm4b:s5+s16], $0x40, s11, s16, $0xb8;
	[tilespmem:$0x1DE00] =	vst v63  }
0xfe: {  	_ =	swait.ge [sflag:s30], $0x2000  }
0xff: {  	[sflag:s30] =	ssyncset.done $0x0  }
.Ltmp1:
0x100: {  	s11 =	sadd.s32 $0x5200, s10;
	[sflag:s30] =	ssyncadd.s32 $0xFFFFE000;
	(pc) =	sbr.rel @p0 .LBB2_4-.Ltmp1, $4  }
0x101: {  	[spmem:s3] =	stream.indirect.scatter.add.f32 [tilespmem:s24], [sflag:$0x6], $0x40, s11, s16, $0xb8;
	[tilespmem:$0x1DE00] =	vst v63  }
0x102: {  	_ =	swait.ge [sflag:s12], $0x2000  }
0x103: {  	[sflag:s12] =	ssyncset.done $0x0  }
0x104: {  	s10 =	sadd.s32 $0x480, s10;
	[sflag:s12] =	ssyncadd.s32 $0xFFFFE000  }
0x105: {  	[tilespmem:s24], [sflag:$0x5] =	stream.indirect.gather [hbm4b:s5+s16], $0x40, s10, s16, $0xb8;
	[tilespmem:$0x1DE00] =	vst v63  }
0x106: {  	_ =	swait.ge [sflag:s25], $0x2000  }
0x107: {  	[sflag:s25] =	ssyncset.done $0x0  }
0x108: {  	[sflag:s25] =	ssyncadd.s32 $0xFFFFE000  }
0x109: {  	[spmem:s3] =	stream.indirect.scatter.add.f32 [tilespmem:s17], [sflag:$0x6], $0x40, s31, s16, $0xb8;
	[tilespmem:$0x1DE00] =	vst v63  }
0x10a: {  	_ =	swait.ge [sflag:s12], $0x2000  }
0x10b: {  	[sflag:s12] =	ssyncset.done $0x0  }
0x10c: {  	[sflag:s12] =	ssyncadd.s32 $0xFFFFE000  }
0x10d: {  	_ =	swait.ge [sflag:s26], $0x2000  }
0x10e: {  	[sflag:s26] =	ssyncset.done $0x0  }
0x10f: {  	[sflag:s26] =	ssyncadd.s32 $0xFFFFE000  }
0x110: {  	[spmem:s3] =	stream.indirect.scatter.add.f32 [tilespmem:s18], [sflag:$0x6], $0x40, s2, s16, $0xb8;
	[tilespmem:$0x1DE00] =	vst v63  }
0x111: {  	_ =	swait.ge [sflag:s12], $0x2000  }
0x112: {  	[sflag:s12] =	ssyncset.done $0x0  }
0x113: {  	[sflag:s12] =	ssyncadd.s32 $0xFFFFE000  }
0x114: {  	_ =	swait.ge [sflag:s28], $0x2000  }
0x115: {  	[sflag:s28] =	ssyncset.done $0x0  }
0x116: {  	[sflag:s28] =	ssyncadd.s32 $0xFFFFE000  }
0x117: {  	[spmem:s3] =	stream.indirect.scatter.add.f32 [tilespmem:s20], [sflag:$0x6], $0x40, s0, s16, $0xb8;
	[tilespmem:$0x1DE00] =	vst v63  }
0x118: {  	_ =	swait.ge [sflag:s12], $0x2000  }
0x119: {  	[sflag:s12] =	ssyncset.done $0x0  }
0x11a: {  	[sflag:s12] =	ssyncadd.s32 $0xFFFFE000  }
0x11b: {  	_ =	swait.ge [sflag:s29], $0x2000  }
0x11c: {  	[sflag:s29] =	ssyncset.done $0x0  }
0x11d: {  	[sflag:s29] =	ssyncadd.s32 $0xFFFFE000  }
0x11e: {  	[spmem:s3] =	stream.indirect.scatter.add.f32 [tilespmem:s22], [sflag:$0x6], $0x40, s13, s16, $0xb8;
	[tilespmem:$0x1DE00] =	vst v63  }
0x11f: {  	_ =	swait.ge [sflag:s12], $0x2000  }
0x120: {  	[sflag:s12] =	ssyncset.done $0x0  }
0x121: {  	[sflag:s12] =	ssyncadd.s32 $0xFFFFE000  }
0x122: {  	_ =	swait.ge [sflag:s30], $0x2000  }
0x123: {  	[sflag:s30] =	ssyncset.done $0x0  }
0x124: {  	[sflag:s30] =	ssyncadd.s32 $0xFFFFE000  }
0x125: {  	[spmem:s3] =	stream.indirect.scatter.add.f32 [tilespmem:s24], [sflag:$0x6], $0x40, s6, s16, $0xb8;
	[tilespmem:$0x1DE00] =	vst v63  }
0x126: {  	_ =	swait.ge [sflag:s12], $0x2000  }
0x127: {  	[sflag:s12] =	ssyncset.done $0x0  }
0x128: {  	[sflag:s12] =	ssyncadd.s32 $0xFFFFE000  }
0x129: {  	[bflag:$0x0] =	sbarrier.arrive $0xFFFF  }
0x12a: {  	s9 =	rddreg [dreg:$0x7]  }
0x12b: {  	[hbm:s9], [sflag:s14] =	dma.local [spmem:s15], $0x13C0  }
0x12c: {  	_ =	swait.ge [sflag:s12], $0x13C0  }
0x12d: {  	s7 =	sadd.s32 $0x1, s7;
	s11 =	rddreg [dreg:$0x8]  }
0x12e: {  	p0 =	sne.s32 s7, s11  }
.Ltmp2:
0x12f: {  	_ = 	snop;
	(pc) =	sbr.rel @p0 .LBB2_1-.Ltmp2, $3  }
0x130: {  	_ =	sdelay $0x1  }
0x131: {  	[sflag:s12] =	ssyncset.done $0x0  }
0x132: {  	[sflag:s12] =	ssyncadd.s32 $0xFFFFEC40  }
0x133: {  	_ =	sfence.sel $0x180000  }
0x134: {  	[bflag:$0x0] =	sbarrier.arrive $0xFFFF  }
0x135: {  	_ =	strace $0x9000004D  }
0x136: {  	s0 =	stileid.u32;
	[bflag:$0x2] =	sbarrier.arrive $0xFFFF  }
0x137: {  	p0 =	sne.s32 s0, $0x0;
	s0 =	rddreg [dreg:$0x3]  }
0x138: {  	s0 =	sadd.s32 @!p0 $0x100000, s0  }
0x139: {  	[sflag:s0] =	ssyncadd.tile.s32 @!p0 $0x1;
	_ =	shalt  }
.Lfunc_end2:
_tile_overlayer_lowered:
.L_overlay_start_2:
0x13a: {  	(tag) =	ssettag $0x2  }
0x13b: {  	s0 =	rddreg [dreg:$0x0];
	s2 =	stileid.u32  }
0x13c: {  	s1 =	rddreg [dreg:$0x1];
	p0 =	sne.s32 s2, $0x0  }
0x13d: {  	s3 =	rddreg [dreg:$0x2];
	[bflag:$0x3] =	sbarrier.arrive $0xFFFF;
	s2 =	simm.s32 @!p0 $0x1C06  }
0x13e: {  	[timem:s3], [sflag:s2] =	dma.local @!p0 [hbm:s0], s1  }
0x13f: {  	s0 =	simm.s32 @!p0 $0x6  }
0x140: {  	_ =	swait.ge @!p0 [sflag:s0], s1  }
0x141: {  	s1 =	ssub.s32 @!p0 $0x0, s1;
	[sflag:s0] =	ssyncset.done @!p0 $0x0  }
0x142: {  	[sflag:s0] =	ssyncadd.s32 @!p0 s1  }
0x143: {  	[bflag:$0x3] =	sbarrier.arrive $0xFFFF  }
0x144: {  	_ =	shalt  }

// kernel: kernel.18.cloned.1.call-start
scs
__scs_entry_jumppad:
0x0: {  	(pc) =	sbr.rel $0x88, $3  }
0x1: {  	(tag) =	ssettag $0x0;
	lr =	simm.s32 $0x1  }
0x2: {  	[smem:$0x3F9A] =	sst lr;
	_ =	strace $0xD0000000  }
0x3: {  	_ = 	snop  }
0x4: {  	_ = 	snop  }
0x5: {  	_ = 	snop  }
0x6: {  	_ = 	snop  }
0x7: {  	_ = 	snop  }
__scs_overlays_trampoline_lowered:
0x8: {  	[smem:$0x3FA9] =	sst s0  }
0x9: {  	[smem:$0x3FAA] =	sst s1  }
0xa: {  	[smem:$0x3FAB] =	sst s2  }
0xb: {  	[smem:$0x3FAC] =	sst s3  }
0xc: {  	[smem:$0x3FAD] =	sst s4  }
0xd: {  	[smem:$0x3FAE] =	sst s5  }
0xe: {  	[smem:$0x3FAF] =	sst s6  }
0xf: {  	[smem:$0x3FB0] =	sst s7  }
0x10: {  	[smem:$0x3FB1] =	sst s8  }
0x11: {  	[smem:$0x3FB2] =	sst s9;
	s0 =	simm.s32 @!p0 $0x0  }
0x12: {  	s1 =	sld [smem:$0x3F98];
	s0 =	simm.s32 @p0 $0x1  }
0x13: {  	[smem:$0x3FB3] =	sst s0;
	s0 =	simm.s32 @!p1 $0x0  }
0x14: {  	s2 =	sld [smem:$0x3F97];
	s0 =	simm.s32 @p1 $0x1  }
0x15: {  	[smem:$0x3FB4] =	sst s0;
	s0 =	simm.s32 @!p2 $0x0  }
0x16: {  	s3 =	sld [smem:$0x3FDB];
	s0 =	simm.s32 @p2 $0x1  }
0x17: {  	s4 =	simm.s32 $0x1BF5;
	[smem:$0x3FB6] =	sst s0  }
0x18: {  	s0 =	sld [smem:$0x3F99];
	_ =	swait.ge [sflag:s4], $0x0  }
0x19: {  	s7 =	sld [smem:$0x3F9A]  }
0x1a: {  	s8 =	sadd.s32 $0xFFFFE003, lr  }
0x1b: {  	s9 =	sadd.s32 $0xFFFFFEF7, lr;
	s5 =	simm.s32 $0xFFFFFFFF;
	p2 =	slt.u32 s8, $0xFFFFF086  }
0x1c: {  	p1 =	slt.u32 s9, $0xF7A;
	s5 =	simm.s32 @!p2 $0x0  }
0x1d: {  	s5 =	simm.s32 @p1 $0x1;
	p0 =	seq.s32 s7, s2  }
0x1e: {  	s7 =	smul.u32 @!p0 $0xF7A, s2;
	p2 =	seq.s32 @!p0 s5, $0x0  }
0x1f: {  	s9 =	smul.u32 $0xF7A, s1;
	s8 =	simm.s32 @!p0 $0x1BF5;
	p2 =	por !p2, p0  }
0x20: {  	[sflag:s8] =	ssyncset.s32 @!p0 $0xFFFFF086;
	s6 =	sadd.s32 @!p0 s3, s7;
	s7 =	simm.s32 @!p0 $0x108  }
0x21: {  	s3 =	sadd.s32 s3, s9;
	s6 =	sadd.s32 @!p0 $0x88, s6;
	s7 =	simm.s32 @p2 $0x1082  }
0x22: {  	[simem:s7], [sflag:s8] =	dma.local @!p0 [hbm:s6], $0xF7A  }
0x23: {  	s9 =	sor.u32 $0xD0000000, s2;
	s6 =	simm.s32 $0x108;
	_ =	swait.ge @!p0 [sflag:s8], $0x0  }
0x24: {  	s3 =	sadd.s32 $0x88, s3;
	s6 =	simm.s32 @!p1 $0x1082;
	[sflag:s4] =	ssyncset.s32 $0xFFFFF086  }
0x25: {  	[simem:s6], [sflag:s4] =	dma.local [hbm:s3], $0xF7A  }
0x26: {  	[smem:$0x3F9A] =	sst s1;
	(tag) =	ssettag s2;
	_ =	strace s9  }
0x27: {  	s1 =	sld [smem:$0x3FAA]  }
0x28: {  	s2 =	sld [smem:$0x3FAB]  }
0x29: {  	s4 =	sld [smem:$0x3FAD]  }
0x2a: {  	p0 =	seq.s32 s5, $0x0;
	s5 =	sld [smem:$0x3FAE]  }
0x2b: {  	s6 =	sld [smem:$0x3FAF]  }
0x2c: {  	s7 =	sld [smem:$0x3FB0]  }
0x2d: {  	s3 =	simm.s32 $0x108;
	s8 =	sld [smem:$0x3FB1]  }
0x2e: {  	s3 =	simm.s32 @!p0 $0x1082;
	s9 =	sld [smem:$0x3FB2]  }
0x2f: {  	lr =	sadd.s32 s0, s3;
	s0 =	sld [smem:$0x3FA9]  }
0x30: {  	s3 =	sld [smem:$0x3FAC]  }
0x31: {  	[smem:$0x3FB5] =	sst s10  }
0x32: {  	s10 =	sld [smem:$0x3FB3];
	_ =	sdelay $0x3  }
0x33: {  	p0 =	seq.s32 s10, $0x1;
	s10 =	sld [smem:$0x3FB5];
	_ =	sdelay $0x3  }
0x34: {  	[smem:$0x3FB5] =	sst s10  }
0x35: {  	s10 =	sld [smem:$0x3FB4];
	_ =	sdelay $0x3  }
0x36: {  	p1 =	seq.s32 s10, $0x1;
	s10 =	sld [smem:$0x3FB5];
	_ =	sdelay $0x3  }
0x37: {  	[smem:$0x3FB5] =	sst s10  }
0x38: {  	s10 =	sld [smem:$0x3FB6]  }
0x39: {  	_ = 	snop;
	(pc) =	sbr.ind lr, $3  }
0x3a: {  	_ = 	snop  }
0x3b: {  	_ = 	snop  }
0x3c: {  	p2 =	seq.s32 s10, $0x1;
	s10 =	sld [smem:$0x3FB5]  }
0x3d: {  	_ =	shalt  }
0x3e: {  	_ =	shalt  }
0x3f: {  	_ =	shalt  }
0x40: {  	_ =	shalt  }
0x41: {  	_ =	shalt  }
0x42: {  	_ =	shalt  }
0x43: {  	_ =	shalt  }
0x44: {  	_ =	shalt  }
0x45: {  	_ =	shalt  }
0x46: {  	_ =	shalt  }
0x47: {  	_ =	shalt  }
0x48: {  	_ =	shalt  }
0x49: {  	_ =	shalt  }
0x4a: {  	_ =	shalt  }
0x4b: {  	_ =	shalt  }
0x4c: {  	_ =	shalt  }
0x4d: {  	_ =	shalt  }
0x4e: {  	_ =	shalt  }
0x4f: {  	_ =	shalt  }
0x50: {  	_ =	shalt  }
0x51: {  	_ =	shalt  }
0x52: {  	_ =	shalt  }
0x53: {  	_ =	shalt  }
0x54: {  	_ =	shalt  }
0x55: {  	_ =	shalt  }
0x56: {  	_ =	shalt  }
0x57: {  	_ =	shalt  }
0x58: {  	_ =	shalt  }
0x59: {  	_ =	shalt  }
0x5a: {  	_ =	shalt  }
0x5b: {  	_ =	shalt  }
0x5c: {  	_ =	shalt  }
0x5d: {  	_ =	shalt  }
0x5e: {  	_ =	shalt  }
0x5f: {  	_ =	shalt  }
0x60: {  	_ =	shalt  }
0x61: {  	_ =	shalt  }
0x62: {  	_ =	shalt  }
0x63: {  	_ =	shalt  }
0x64: {  	_ =	shalt  }
0x65: {  	_ =	shalt  }
0x66: {  	_ =	shalt  }
0x67: {  	_ =	shalt  }
0x68: {  	_ =	shalt  }
0x69: {  	_ =	shalt  }
0x6a: {  	_ =	shalt  }
0x6b: {  	_ =	shalt  }
0x6c: {  	_ =	shalt  }
0x6d: {  	_ =	shalt  }
0x6e: {  	_ =	shalt  }
0x6f: {  	_ =	shalt  }
0x70: {  	_ =	shalt  }
0x71: {  	_ =	shalt  }
0x72: {  	_ =	shalt  }
0x73: {  	_ =	shalt  }
0x74: {  	_ =	shalt  }
0x75: {  	_ =	shalt  }
0x76: {  	_ =	shalt  }
0x77: {  	_ =	shalt  }
0x78: {  	_ =	shalt  }
0x79: {  	_ =	shalt  }
0x7a: {  	_ =	shalt  }
0x7b: {  	_ =	shalt  }
0x7c: {  	_ =	shalt  }
0x7d: {  	_ =	shalt  }
0x7e: {  	_ =	shalt  }
0x7f: {  	_ =	shalt  }
0x80: {  	_ =	shalt  }
0x81: {  	_ =	shalt  }
0x82: {  	_ =	shalt  }
0x83: {  	_ =	shalt  }
0x84: {  	_ =	shalt  }
0x85: {  	_ =	shalt  }
0x86: {  	_ =	shalt  }
0x87: {  	_ =	shalt  }
.Lfunc_end0:
.L_simem_size_0:
called_computation.3_lowered:
.L_overlay_start_0:
0x88: {  	s2 =	sld [smem:$0x3FD9]  }
0x89: {  	s3 =	sld [smem:$0x3FFE];
	_ =	sdelay $0x1  }
0x8a: {  	s1 =	srdreg.scid  }
0x8b: {  	s0 =	sand.u32 $0x1, s1  }
0x8c: {  	s17 =	sshll.u32 s0, $0xA;
	s2 =	sadd.s32 s3, s2  }
0x8d: {  	s2 =	sadd.s32 s2, s17  }
0x8e: {  	[smem:$0x3FC1] =	sst s2  }
0x8f: {  	_ = 	snop  }
0x90: {  	s2 =	sld [smem:$0x3FD0];
	(tm) =	ssettm $0x1  }
0x91: {  	s18 =	sld [smem:$0x3FFB];
	_ =	sdelay $0x3  }
0x92: {  	_ =	strace s18  }
0x93: {  	s3 =	sld [smem:$0x3FFC];
	_ =	sdelay $0x3  }
0x94: {  	_ =	strace s3  }
0x95: {  	s3 =	sld [smem:$0x3FFD];
	_ =	sdelay $0x3  }
0x96: {  	_ =	strace s3  }
0x97: {  	_ =	strace $0x8FFFFFFF  }
0x98: {  	s19 =	sld [smem:$0x3FDB];
	_ =	sdelay $0x1  }
0x99: {  	s4 =	simm.s32 $_scs_section_size  }
0x9a: {  	s5 =	simm.s32 $_size__tile_overlayer_lowered;
	s6 =	simm.s32 $_tile_overlayer_lowered  }
0x9b: {  	s22 =	simm.s32 $0x1BFF;
	s21 =	sshll.u32 s6, $0x1;
	s3 =	sadd.s32 s4, s19  }
0x9c: {  	s7 =	simm.s32 $0x0;
	s20 =	sshll.u32 s5, $0x1;
	s5 =	sadd.s32 s21, s3  }
0x9d: {  	[timem:s7], [sflag:s22] =	dma.local [hbm:s5], s20  }
0x9e: {  	_ =	swait.ge [sflag:s22], s20  }
0x9f: {  	s4 =	ssub.s32 $0x0, s20;
	[sflag:s22] =	ssyncset.done $0x0  }
0xa0: {  	[sflag:s22] =	ssyncadd.s32 s4;
	_ =	sdelay $0x1  }
0xa1: {  	s23 =	simm.s32 $0x1B8B  }
0xa2: {  	_ =	swait.ge [sflag:s23], $0x1  }
0xa3: {  	[sflag:s23] =	ssyncset.done $0x0  }
0xa4: {  	s25 =	simm.s32 $0x1B8E;
	s24 =	sld [smem:$0x3FFE];
	[sflag:s23] =	ssyncadd.s32 $0xFFFFFFFF  }
0xa5: {  	s26 =	simm.s32 $execute0_lowered;
	[smem:$0x3FD2] =	sst s25  }
0xa6: {  	s5 =	sshll.u32 s26, $0x1;
	_ =	strace $0x8000004F;
	[dreg:$0x1] =	wrdreg $0xFFFFFFFF  }
0xa7: {  	s28 =	simm.s32 $_size_execute0_lowered;
	s3 =	sadd.s32 s3, s5;
	[dreg:$0x0] =	wrdreg $0x0  }
0xa8: {  	s5 =	sshll.u32 s28, $0x1;
	[dreg:$0x2] =	wrdreg s3  }
0xa9: {  	[dreg:$0x3] =	wrdreg s5  }
0xaa: {  	[dreg:$0x4] =	wrdreg $0xC0  }
0xab: {  	_ =	task [dreg:s7], $0x5FFFF  }
0xac: {  	[dreg:$0x1] =	wrdreg $0xFFFFFFFF  }
0xad: {  	[dreg:$0x0] =	wrdreg $0x60  }
0xae: {  	[dreg:$0x2] =	wrdreg s2  }
0xaf: {  	[dreg:$0x3] =	wrdreg s24  }
0xb0: {  	[dreg:$0x4] =	wrdreg $0xF0000  }
0xb1: {  	[dreg:$0x5] =	wrdreg $0x9  }
0xb2: {  	_ =	task.clear_ibuf [dreg:s7], $0x6FFFF;
	_ =	strace $0x9000004F  }
0xb3: {  	s29 =	simm.s32 $0x9;
	_ =	strace $0x80000051  }
0xb4: {  	_ =	swait.ge [sflag:s29], $0x1  }
0xb5: {  	[sflag:s29] =	ssyncadd.s32 $0xFFFFFFFF  }
0xb6: {  	_ =	strace $0x90000051  }
0xb7: {  	_ =	sfence  }
0xb8: {  	s30 =	sld [smem:$0x0];
	_ =	sdelay $0x2  }
0xb9: {  	s31 =	sshll.u32 s1, $0xD;
	s1 =	sshrl.u32 s1, $0x2  }
0xba: {  	s3 =	sand.u32 $0x4000, s31;
	s1 =	sadd.s32 s1, s30  }
0xbb: {  	s0 =	sor.u32 s3, s0;
	s1 =	sshll.u32 s1, $0x11  }
0xbc: {  	s0 =	sor.u32 s1, s0  }
0xbd: {  	s0 =	sadd.s32 $0x8F2B, s0  }
0xbe: {  	[sflag:s0] =	ssyncadd.remote.s32 $0x1  }
0xbf: {  	_ =	sfence.sel $0xFFFF  }
0xc0: {  	[dreg:$0x0] =	wrdreg $0xFFFFFFFF;
	(pc) =	sbr.abs _section_cstart, $3  }
0xc1: {  	[dreg:$0x1] =	wrdreg $0xFFFFFFFF  }
0xc2: {  	_ =	task.clear_ibuf [dreg:s7], $0x2FFFF;
	_ =	strace $0x9FFFFFFF  }
0xc3: {  	(tm) =	ssettm $0x7FFFFFFF  }
tec
execute0_lowered:
.L_overlay_start_1:
0x0: {  	(tag) =	ssettag $0x1  }
0x1: {  	s0 =	srdreg.scid;
	s1 =	rddreg [dreg:$0x0]  }
0x2: {  	s10 =	stileid.u32;
	s6 =	rddreg [dreg:$0x1]  }
0x3: {  	s3 =	rddreg [dreg:$0x2];
	s4 =	simm.s32 $0x0;
	s12 =	simm.s32 $0x6  }
0x4: {  	s16 =	simm.s32 $0x80;
	s17 =	simm.s32 $0x5000;
	s18 =	simm.s32 $0x7000  }
0x5: {  	s19 =	simm.s32 $0x100;
	s20 =	simm.s32 $0x9000;
	s28 =	simm.s32 $0x3  }
0x6: {  	s29 =	simm.s32 $0x4;
	s30 =	simm.s32 $0x5;
	s31 =	simm.s32 $0x4D80  }
0x7: {  	s13 =	simm.s32 $0x4F00;
	s0 =	sand.u32 $0x1, s0;
	s7 =	smul.u32 $0x278, s10  }
0x8: {  	[smem:$0x7FF] =	sst s4;
	s9 =	smul.u32 $0x9E00, s10;
	s5 =	sadd.s32 $0x18A00, s6  }
0x9: {  	s26 =	sshll.u32 s10, $0x6;
	s2 =	sshll.u32 s0, $0x4;
	s8 =	smul.u32 $0x2780, s0  }
0xa: {  	_ =	strace $0x80000050;
	s0 =	ssub.s32 $0x2, s0;
	s14 =	sor.u32 $0x1C06, s26  }
0xb: {  	s26 =	simm.s32 $0x2;
	s2 =	sor.u32 s10, s2;
	s21 =	sshrl.u32 s9, $0x3  }
0xc: {  	s22 =	sshrl.u32 s0, $0x1;
	s24 =	sadd.s32 s9, s3;
	s2 =	smul.u32 $0x500, s2  }
0xd: {  	s7 =	sadd.s32 s7, s8;
	s8 =	sadd.s32 s21, s6;
	s0 =	ssub.s32 s0, s22  }
0xe: {  	s15 =	sshrl.u32 s24, $0x3;
	s21 =	simm.s32 $0x180;
	s22 =	simm.s32 $0xB000  }
0xf: {  	s24 =	simm.s32 $0xD000;
	s0 =	smax.u32 s0, $0x1;
	s2 =	sadd.s32 s2, s6  }
0x10: {  	s7 =	sshll.u32 s7, $0x3;
	[dreg:$0x8] =	wrdreg s0;
	s23 =	sadd.s32 $0x4A00, s2  }
0x11: {  	s6 =	sadd.s32 s7, s6;
	s2 =	sadd.s32 $0xEA00, s2;
	[dreg:$0x4] =	wrdreg s23  }
0x12: {  	s8 =	sadd.s32 $0x2CE00, s8;
	s25 =	sadd.s32 $0xA3E00, s6;
	[dreg:$0x5] =	wrdreg s2  }
0x13: {  	s0 =	simm.s32 $0x4E80;
	s6 =	sadd.s32 $0xCB600, s6;
	[dreg:$0x6] =	wrdreg s25  }
0x14: {  	s7 =	simm.s32 $0x0;
	[dreg:$0x7] =	wrdreg s6;
	s23 =	simm.s32 $0x200  }
0x15: {  	s25 =	simm.s32 $0x1;
	s2 =	simm.s32 $0x4E00;
	s6 =	simm.s32 $0x4F80  }
.LBB2_1:
0x16: {  	s9 =	rddreg [dreg:$0x4]  }
0x17: {  	[tilespmem:s4], [sflag:$0x6] =	stream.linear.gather [hbm4b:s9+s4], $0x2800, $0x38;
	[tilespmem:$0x18E00] =	vst v63  }
0x18: {  	_ =	swait.ge [sflag:s12], $0x2800  }
0x19: {  	[sflag:s12] =	ssyncset.done $0x0  }
0x1a: {  	s10 =	simm.s32 $0x2800;
	s11 =	rddreg [dreg:$0x5];
	[sflag:s12] =	ssyncadd.s32 $0xFFFFD800  }
0x1b: {  	[tilespmem:s10], [sflag:$0x6] =	stream.linear.gather [hbm4b:s11+s4], $0x2800, $0x38;
	[tilespmem:$0x18E00] =	vst v63  }
0x1c: {  	_ =	swait.ge [sflag:s12], $0x2800  }
0x1d: {  	[sflag:s12] =	ssyncset.done $0x0  }
0x1e: {  	[sflag:s12] =	ssyncadd.s32 $0xFFFFD800  }
0x1f: {  	[spmem:s15], [sflag:s14] =	dma.local [hbm:s8], $0x13C0  }
0x20: {  	_ =	swait.ge [sflag:s12], $0x13C0  }
0x21: {  	[sflag:s12] =	ssyncset.done $0x0  }
0x22: {  	[sflag:s12] =	ssyncadd.s32 $0xFFFFEC40  }
0x23: {  	[bflag:$0x0] =	sbarrier.arrive $0xFFFF  }
0x24: {  	[tilespmem:s17], [sflag:$0x1] =	stream.indirect.gather [hbm4b:s1+s16], $0x40, s4, s16, $0xb8;
	[tilespmem:$0x18E00] =	vst v63  }
0x25: {  	_ = 	snop  }
0x26: {  	[tilespmem:s18], [sflag:$0x2] =	stream.indirect.gather [hbm4b:s1+s16], $0x40, s16, s16, $0xb8;
	[tilespmem:$0x18E00] =	vst v63  }
0x27: {  	_ = 	snop  }
0x28: {  	[tilespmem:s20], [sflag:$0x3] =	stream.indirect.gather [hbm4b:s1+s16], $0x40, s19, s16, $0xb8;
	[tilespmem:$0x18E00] =	vst v63  }
0x29: {  	_ = 	snop  }
0x2a: {  	[tilespmem:s22], [sflag:$0x4] =	stream.indirect.gather [hbm4b:s1+s16], $0x40, s21, s16, $0xb8;
	[tilespmem:$0x18E00] =	vst v63  }
0x2b: {  	_ = 	snop  }
0x2c: {  	[tilespmem:s24], [sflag:$0x5] =	stream.indirect.gather [hbm4b:s1+s16], $0x40, s23, s16, $0xb8;
	[tilespmem:$0x18E00] =	vst v63  }
0x2d: {  	_ =	swait.ge [sflag:s25], $0x2000  }
0x2e: {  	[sflag:s25] =	ssyncset.done $0x0  }
0x2f: {  	s11 =	simm.s32 $0x2800;
	[sflag:s25] =	ssyncadd.s32 $0xFFFFE000  }
0x30: {  	[spmem:s3] =	stream.indirect.scatter.add.f32 [tilespmem:s17], [sflag:$0x6], $0x40, s11, s16, $0xb8;
	[tilespmem:$0x18E00] =	vst v63  }
0x31: {  	_ =	swait.ge [sflag:s12], $0x2000  }
0x32: {  	[sflag:s12] =	ssyncset.done $0x0  }
0x33: {  	s10 =	simm.s32 $0x280;
	[sflag:s12] =	ssyncadd.s32 $0xFFFFE000  }
0x34: {  	[tilespmem:s17], [sflag:$0x1] =	stream.indirect.gather [hbm4b:s1+s16], $0x40, s10, s16, $0xb8;
	[tilespmem:$0x18E00] =	vst v63  }
0x35: {  	_ =	swait.ge [sflag:s26], $0x2000  }
0x36: {  	[sflag:s26] =	ssyncset.done $0x0  }
0x37: {  	s11 =	simm.s32 $0x2880;
	[sflag:s26] =	ssyncadd.s32 $0xFFFFE000  }
0x38: {  	[spmem:s3] =	stream.indirect.scatter.add.f32 [tilespmem:s18], [sflag:$0x6], $0x40, s11, s16, $0xb8;
	[tilespmem:$0x18E00] =	vst v63  }
0x39: {  	_ =	swait.ge [sflag:s12], $0x2000  }
0x3a: {  	[sflag:s12] =	ssyncset.done $0x0  }
0x3b: {  	s10 =	simm.s32 $0x300;
	[sflag:s12] =	ssyncadd.s32 $0xFFFFE000  }
0x3c: {  	[tilespmem:s18], [sflag:$0x2] =	stream.indirect.gather [hbm4b:s1+s16], $0x40, s10, s16, $0xb8;
	[tilespmem:$0x18E00] =	vst v63  }
0x3d: {  	_ =	swait.ge [sflag:s28], $0x2000  }
0x3e: {  	[sflag:s28] =	ssyncset.done $0x0  }
0x3f: {  	s11 =	simm.s32 $0x2900;
	[sflag:s28] =	ssyncadd.s32 $0xFFFFE000  }
0x40: {  	[spmem:s3] =	stream.indirect.scatter.add.f32 [tilespmem:s20], [sflag:$0x6], $0x40, s11, s16, $0xb8;
	[tilespmem:$0x18E00] =	vst v63  }
0x41: {  	_ =	swait.ge [sflag:s12], $0x2000  }
0x42: {  	[sflag:s12] =	ssyncset.done $0x0  }
0x43: {  	s10 =	simm.s32 $0x380;
	[sflag:s12] =	ssyncadd.s32 $0xFFFFE000  }
0x44: {  	[tilespmem:s20], [sflag:$0x3] =	stream.indirect.gather [hbm4b:s1+s16], $0x40, s10, s16, $0xb8;
	[tilespmem:$0x18E00] =	vst v63  }
0x45: {  	_ =	swait.ge [sflag:s29], $0x2000  }
0x46: {  	[sflag:s29] =	ssyncset.done $0x0  }
0x47: {  	s11 =	simm.s32 $0x2980;
	[sflag:s29] =	ssyncadd.s32 $0xFFFFE000  }
0x48: {  	[spmem:s3] =	stream.indirect.scatter.add.f32 [tilespmem:s22], [sflag:$0x6], $0x40, s11, s16, $0xb8;
	[tilespmem:$0x18E00] =	vst v63  }
0x49: {  	_ =	swait.ge [sflag:s12], $0x2000  }
0x4a: {  	[sflag:s12] =	ssyncset.done $0x0  }
0x4b: {  	s10 =	simm.s32 $0x400;
	[sflag:s12] =	ssyncadd.s32 $0xFFFFE000  }
0x4c: {  	[tilespmem:s22], [sflag:$0x4] =	stream.indirect.gather [hbm4b:s1+s16], $0x40, s10, s16, $0xb8;
	[tilespmem:$0x18E00] =	vst v63  }
0x4d: {  	_ =	swait.ge [sflag:s30], $0x2000  }
0x4e: {  	[sflag:s30] =	ssyncset.done $0x0  }
0x4f: {  	s11 =	simm.s32 $0x2A00;
	[sflag:s30] =	ssyncadd.s32 $0xFFFFE000  }
0x50: {  	[spmem:s3] =	stream.indirect.scatter.add.f32 [tilespmem:s24], [sflag:$0x6], $0x40, s11, s16, $0xb8;
	[tilespmem:$0x18E00] =	vst v63  }
0x51: {  	_ =	swait.ge [sflag:s12], $0x2000  }
0x52: {  	[sflag:s12] =	ssyncset.done $0x0  }
0x53: {  	s9 =	simm.s32 $0xA00;
	s10 =	simm.s32 $0x480;
	[sflag:s12] =	ssyncadd.s32 $0xFFFFE000  }
.LBB2_2:
0x54: {  	[tilespmem:s24], [sflag:$0x5] =	stream.indirect.gather [hbm4b:s1+s16], $0x40, s10, s16, $0xb8;
	[tilespmem:$0x18E00] =	vst v63  }
0x55: {  	s10 =	smov.u32 s9  }
0x56: {  	p0 =	sne.s32 s9, $0x8C00;
	s9 =	sadd.s32 $0xA00, s9;
	_ =	swait.ge [sflag:s25], $0x2000  }
0x57: {  	s10 =	sshra.s32 s10, $0x2;
	[sflag:s25] =	ssyncset.done $0x0  }
0x58: {  	s11 =	sadd.s32 $0x2800, s10;
	[sflag:s25] =	ssyncadd.s32 $0xFFFFE000  }
0x59: {  	[spmem:s3] =	stream.indirect.scatter.add.f32 [tilespmem:s17], [sflag:$0x6], $0x40, s11, s16, $0xb8;
	[tilespmem:$0x18E00] =	vst v63  }
0x5a: {  	_ =	swait.ge [sflag:s12], $0x2000  }
0x5b: {  	[sflag:s12] =	ssyncset.done $0x0  }
0x5c: {  	s11 =	sadd.s32 $0x280, s10;
	[sflag:s12] =	ssyncadd.s32 $0xFFFFE000  }
0x5d: {  	[tilespmem:s17], [sflag:$0x1] =	stream.indirect.gather [hbm4b:s1+s16], $0x40, s11, s16, $0xb8;
	[tilespmem:$0x18E00] =	vst v63  }
0x5e: {  	_ =	swait.ge [sflag:s26], $0x2000  }
0x5f: {  	[sflag:s26] =	ssyncset.done $0x0  }
0x60: {  	s11 =	sadd.s32 $0x2880, s10;
	[sflag:s26] =	ssyncadd.s32 $0xFFFFE000  }
0x61: {  	[spmem:s3] =	stream.indirect.scatter.add.f32 [tilespmem:s18], [sflag:$0x6], $0x40, s11, s16, $0xb8;
	[tilespmem:$0x18E00] =	vst v63  }
0x62: {  	_ =	swait.ge [sflag:s12], $0x2000  }
0x63: {  	[sflag:s12] =	ssyncset.done $0x0  }
0x64: {  	s11 =	sadd.s32 $0x300, s10;
	[sflag:s12] =	ssyncadd.s32 $0xFFFFE000  }
0x65: {  	[tilespmem:s18], [sflag:$0x2] =	stream.indirect.gather [hbm4b:s1+s16], $0x40, s11, s16, $0xb8;
	[tilespmem:$0x18E00] =	vst v63  }
0x66: {  	_ =	swait.ge [sflag:s28], $0x2000  }
0x67: {  	[sflag:s28] =	ssyncset.done $0x0  }
0x68: {  	s11 =	sadd.s32 $0x2900, s10;
	[sflag:s28] =	ssyncadd.s32 $0xFFFFE000  }
0x69: {  	[spmem:s3] =	stream.indirect.scatter.add.f32 [tilespmem:s20], [sflag:$0x6], $0x40, s11, s16, $0xb8;
	[tilespmem:$0x18E00] =	vst v63  }
0x6a: {  	_ =	swait.ge [sflag:s12], $0x2000  }
0x6b: {  	[sflag:s12] =	ssyncset.done $0x0  }
0x6c: {  	s11 =	sadd.s32 $0x380, s10;
	[sflag:s12] =	ssyncadd.s32 $0xFFFFE000  }
0x6d: {  	[tilespmem:s20], [sflag:$0x3] =	stream.indirect.gather [hbm4b:s1+s16], $0x40, s11, s16, $0xb8;
	[tilespmem:$0x18E00] =	vst v63  }
0x6e: {  	_ =	swait.ge [sflag:s29], $0x2000  }
0x6f: {  	[sflag:s29] =	ssyncset.done $0x0  }
0x70: {  	s11 =	sadd.s32 $0x2980, s10;
	[sflag:s29] =	ssyncadd.s32 $0xFFFFE000  }
0x71: {  	[spmem:s3] =	stream.indirect.scatter.add.f32 [tilespmem:s22], [sflag:$0x6], $0x40, s11, s16, $0xb8;
	[tilespmem:$0x18E00] =	vst v63  }
0x72: {  	_ =	swait.ge [sflag:s12], $0x2000  }
0x73: {  	[sflag:s12] =	ssyncset.done $0x0  }
0x74: {  	s11 =	sadd.s32 $0x400, s10;
	[sflag:s12] =	ssyncadd.s32 $0xFFFFE000  }
0x75: {  	[tilespmem:s22], [sflag:$0x4] =	stream.indirect.gather [hbm4b:s1+s16], $0x40, s11, s16, $0xb8;
	[tilespmem:$0x18E00] =	vst v63  }
0x76: {  	_ =	swait.ge [sflag:s30], $0x2000  }
0x77: {  	[sflag:s30] =	ssyncset.done $0x0  }
.Ltmp0:
0x78: {  	s11 =	sadd.s32 $0x2A00, s10;
	[sflag:s30] =	ssyncadd.s32 $0xFFFFE000;
	(pc) =	sbr.rel @p0 .LBB2_2-.Ltmp0, $4  }
0x79: {  	[spmem:s3] =	stream.indirect.scatter.add.f32 [tilespmem:s24], [sflag:$0x6], $0x40, s11, s16, $0xb8;
	[tilespmem:$0x18E00] =	vst v63  }
0x7a: {  	_ =	swait.ge [sflag:s12], $0x2000  }
0x7b: {  	[sflag:s12] =	ssyncset.done $0x0  }
0x7c: {  	s10 =	sadd.s32 $0x480, s10;
	[sflag:s12] =	ssyncadd.s32 $0xFFFFE000  }
0x7d: {  	[tilespmem:s24], [sflag:$0x5] =	stream.indirect.gather [hbm4b:s1+s16], $0x40, s10, s16, $0xb8;
	[tilespmem:$0x18E00] =	vst v63  }
0x7e: {  	_ =	swait.ge [sflag:s25], $0x2000  }
0x7f: {  	[sflag:s25] =	ssyncset.done $0x0  }
0x80: {  	[sflag:s25] =	ssyncadd.s32 $0xFFFFE000  }
0x81: {  	[spmem:s3] =	stream.indirect.scatter.add.f32 [tilespmem:s17], [sflag:$0x6], $0x40, s31, s16, $0xb8;
	[tilespmem:$0x18E00] =	vst v63  }
0x82: {  	_ =	swait.ge [sflag:s12], $0x2000  }
0x83: {  	[sflag:s12] =	ssyncset.done $0x0  }
0x84: {  	[sflag:s12] =	ssyncadd.s32 $0xFFFFE000  }
0x85: {  	_ =	swait.ge [sflag:s26], $0x2000  }
0x86: {  	[sflag:s26] =	ssyncset.done $0x0  }
0x87: {  	[sflag:s26] =	ssyncadd.s32 $0xFFFFE000  }
0x88: {  	[spmem:s3] =	stream.indirect.scatter.add.f32 [tilespmem:s18], [sflag:$0x6], $0x40, s2, s16, $0xb8;
	[tilespmem:$0x18E00] =	vst v63  }
0x89: {  	_ =	swait.ge [sflag:s12], $0x2000  }
0x8a: {  	[sflag:s12] =	ssyncset.done $0x0  }
0x8b: {  	[sflag:s12] =	ssyncadd.s32 $0xFFFFE000  }
0x8c: {  	_ =	swait.ge [sflag:s28], $0x2000  }
0x8d: {  	[sflag:s28] =	ssyncset.done $0x0  }
0x8e: {  	[sflag:s28] =	ssyncadd.s32 $0xFFFFE000  }
0x8f: {  	[spmem:s3] =	stream.indirect.scatter.add.f32 [tilespmem:s20], [sflag:$0x6], $0x40, s0, s16, $0xb8;
	[tilespmem:$0x18E00] =	vst v63  }
0x90: {  	_ =	swait.ge [sflag:s12], $0x2000  }
0x91: {  	[sflag:s12] =	ssyncset.done $0x0  }
0x92: {  	[sflag:s12] =	ssyncadd.s32 $0xFFFFE000  }
0x93: {  	_ =	swait.ge [sflag:s29], $0x2000  }
0x94: {  	[sflag:s29] =	ssyncset.done $0x0  }
0x95: {  	[sflag:s29] =	ssyncadd.s32 $0xFFFFE000  }
0x96: {  	[spmem:s3] =	stream.indirect.scatter.add.f32 [tilespmem:s22], [sflag:$0x6], $0x40, s13, s16, $0xb8;
	[tilespmem:$0x18E00] =	vst v63  }
0x97: {  	_ =	swait.ge [sflag:s12], $0x2000  }
0x98: {  	[sflag:s12] =	ssyncset.done $0x0  }
0x99: {  	[sflag:s12] =	ssyncadd.s32 $0xFFFFE000  }
0x9a: {  	_ =	swait.ge [sflag:s30], $0x2000  }
0x9b: {  	[sflag:s30] =	ssyncset.done $0x0  }
0x9c: {  	[sflag:s30] =	ssyncadd.s32 $0xFFFFE000  }
0x9d: {  	[spmem:s3] =	stream.indirect.scatter.add.f32 [tilespmem:s24], [sflag:$0x6], $0x40, s6, s16, $0xb8;
	[tilespmem:$0x18E00] =	vst v63  }
0x9e: {  	_ =	swait.ge [sflag:s12], $0x2000  }
0x9f: {  	[sflag:s12] =	ssyncset.done $0x0  }
0xa0: {  	[sflag:s12] =	ssyncadd.s32 $0xFFFFE000  }
0xa1: {  	[bflag:$0x0] =	sbarrier.arrive $0xFFFF  }
0xa2: {  	s9 =	rddreg [dreg:$0x6]  }
0xa3: {  	[hbm:s9], [sflag:s14] =	dma.local [spmem:s15], $0x13C0  }
0xa4: {  	_ =	swait.ge [sflag:s12], $0x13C0  }
0xa5: {  	[sflag:s12] =	ssyncset.done $0x0  }
0xa6: {  	[sflag:s12] =	ssyncadd.s32 $0xFFFFEC40  }
0xa7: {  	[spmem:s15], [sflag:s14] =	dma.local [hbm:s8], $0x13C0  }
0xa8: {  	_ =	swait.ge [sflag:s12], $0x13C0  }
0xa9: {  	[sflag:s12] =	ssyncset.done $0x0  }
0xaa: {  	[sflag:s12] =	ssyncadd.s32 $0xFFFFEC40  }
0xab: {  	s10 =	simm.s32 $0x0;
	[bflag:$0x0] =	sbarrier.arrive $0xFFFF  }
0xac: {  	[tilespmem:s17], [sflag:$0x1] =	stream.indirect.gather [hbm4b:s5+s16], $0x40, s10, s16, $0xb8;
	[tilespmem:$0x18E00] =	vst v63  }
0xad: {  	_ = 	snop  }
0xae: {  	[tilespmem:s18], [sflag:$0x2] =	stream.indirect.gather [hbm4b:s5+s16], $0x40, s16, s16, $0xb8;
	[tilespmem:$0x18E00] =	vst v63  }
0xaf: {  	_ = 	snop  }
0xb0: {  	[tilespmem:s20], [sflag:$0x3] =	stream.indirect.gather [hbm4b:s5+s16], $0x40, s19, s16, $0xb8;
	[tilespmem:$0x18E00] =	vst v63  }
0xb1: {  	_ = 	snop  }
0xb2: {  	[tilespmem:s22], [sflag:$0x4] =	stream.indirect.gather [hbm4b:s5+s16], $0x40, s21, s16, $0xb8;
	[tilespmem:$0x18E00] =	vst v63  }
0xb3: {  	_ = 	snop  }
0xb4: {  	[tilespmem:s24], [sflag:$0x5] =	stream.indirect.gather [hbm4b:s5+s16], $0x40, s23, s16, $0xb8;
	[tilespmem:$0x18E00] =	vst v63  }
0xb5: {  	_ =	swait.ge [sflag:s25], $0x2000  }
0xb6: {  	[sflag:s25] =	ssyncset.done $0x0  }
0xb7: {  	s11 =	simm.s32 $0x2800;
	[sflag:s25] =	ssyncadd.s32 $0xFFFFE000  }
0xb8: {  	[spmem:s3] =	stream.indirect.scatter.add.f32 [tilespmem:s17], [sflag:$0x6], $0x40, s11, s16, $0xb8;
	[tilespmem:$0x18E00] =	vst v63  }
0xb9: {  	_ =	swait.ge [sflag:s12], $0x2000  }
0xba: {  	[sflag:s12] =	ssyncset.done $0x0  }
0xbb: {  	s10 =	simm.s32 $0x280;
	[sflag:s12] =	ssyncadd.s32 $0xFFFFE000  }
0xbc: {  	[tilespmem:s17], [sflag:$0x1] =	stream.indirect.gather [hbm4b:s5+s16], $0x40, s10, s16, $0xb8;
	[tilespmem:$0x18E00] =	vst v63  }
0xbd: {  	_ =	swait.ge [sflag:s26], $0x2000  }
0xbe: {  	[sflag:s26] =	ssyncset.done $0x0  }
0xbf: {  	s11 =	simm.s32 $0x2880;
	[sflag:s26] =	ssyncadd.s32 $0xFFFFE000  }
0xc0: {  	[spmem:s3] =	stream.indirect.scatter.add.f32 [tilespmem:s18], [sflag:$0x6], $0x40, s11, s16, $0xb8;
	[tilespmem:$0x18E00] =	vst v63  }
0xc1: {  	_ =	swait.ge [sflag:s12], $0x2000  }
0xc2: {  	[sflag:s12] =	ssyncset.done $0x0  }
0xc3: {  	s10 =	simm.s32 $0x300;
	[sflag:s12] =	ssyncadd.s32 $0xFFFFE000  }
0xc4: {  	[tilespmem:s18], [sflag:$0x2] =	stream.indirect.gather [hbm4b:s5+s16], $0x40, s10, s16, $0xb8;
	[tilespmem:$0x18E00] =	vst v63  }
0xc5: {  	_ =	swait.ge [sflag:s28], $0x2000  }
0xc6: {  	[sflag:s28] =	ssyncset.done $0x0  }
0xc7: {  	s11 =	simm.s32 $0x2900;
	[sflag:s28] =	ssyncadd.s32 $0xFFFFE000  }
0xc8: {  	[spmem:s3] =	stream.indirect.scatter.add.f32 [tilespmem:s20], [sflag:$0x6], $0x40, s11, s16, $0xb8;
	[tilespmem:$0x18E00] =	vst v63  }
0xc9: {  	_ =	swait.ge [sflag:s12], $0x2000  }
0xca: {  	[sflag:s12] =	ssyncset.done $0x0  }
0xcb: {  	s10 =	simm.s32 $0x380;
	[sflag:s12] =	ssyncadd.s32 $0xFFFFE000  }
0xcc: {  	[tilespmem:s20], [sflag:$0x3] =	stream.indirect.gather [hbm4b:s5+s16], $0x40, s10, s16, $0xb8;
	[tilespmem:$0x18E00] =	vst v63  }
0xcd: {  	_ =	swait.ge [sflag:s29], $0x2000  }
0xce: {  	[sflag:s29] =	ssyncset.done $0x0  }
0xcf: {  	s11 =	simm.s32 $0x2980;
	[sflag:s29] =	ssyncadd.s32 $0xFFFFE000  }
0xd0: {  	[spmem:s3] =	stream.indirect.scatter.add.f32 [tilespmem:s22], [sflag:$0x6], $0x40, s11, s16, $0xb8;
	[tilespmem:$0x18E00] =	vst v63  }
0xd1: {  	_ =	swait.ge [sflag:s12], $0x2000  }
0xd2: {  	[sflag:s12] =	ssyncset.done $0x0  }
0xd3: {  	s10 =	simm.s32 $0x400;
	[sflag:s12] =	ssyncadd.s32 $0xFFFFE000  }
0xd4: {  	[tilespmem:s22], [sflag:$0x4] =	stream.indirect.gather [hbm4b:s5+s16], $0x40, s10, s16, $0xb8;
	[tilespmem:$0x18E00] =	vst v63  }
0xd5: {  	_ =	swait.ge [sflag:s30], $0x2000  }
0xd6: {  	[sflag:s30] =	ssyncset.done $0x0  }
0xd7: {  	s11 =	simm.s32 $0x2A00;
	[sflag:s30] =	ssyncadd.s32 $0xFFFFE000  }
0xd8: {  	[spmem:s3] =	stream.indirect.scatter.add.f32 [tilespmem:s24], [sflag:$0x6], $0x40, s11, s16, $0xb8;
	[tilespmem:$0x18E00] =	vst v63  }
0xd9: {  	_ =	swait.ge [sflag:s12], $0x2000  }
0xda: {  	[sflag:s12] =	ssyncset.done $0x0  }
0xdb: {  	s9 =	simm.s32 $0xA00;
	s10 =	simm.s32 $0x480;
	[sflag:s12] =	ssyncadd.s32 $0xFFFFE000  }
.LBB2_4:
0xdc: {  	[tilespmem:s24], [sflag:$0x5] =	stream.indirect.gather [hbm4b:s5+s16], $0x40, s10, s16, $0xb8;
	[tilespmem:$0x18E00] =	vst v63  }
0xdd: {  	s10 =	smov.u32 s9  }
0xde: {  	p0 =	sne.s32 s9, $0x8C00;
	s9 =	sadd.s32 $0xA00, s9;
	_ =	swait.ge [sflag:s25], $0x2000  }
0xdf: {  	s10 =	sshra.s32 s10, $0x2;
	[sflag:s25] =	ssyncset.done $0x0  }
0xe0: {  	s11 =	sadd.s32 $0x2800, s10;
	[sflag:s25] =	ssyncadd.s32 $0xFFFFE000  }
0xe1: {  	[spmem:s3] =	stream.indirect.scatter.add.f32 [tilespmem:s17], [sflag:$0x6], $0x40, s11, s16, $0xb8;
	[tilespmem:$0x18E00] =	vst v63  }
0xe2: {  	_ =	swait.ge [sflag:s12], $0x2000  }
0xe3: {  	[sflag:s12] =	ssyncset.done $0x0  }
0xe4: {  	s11 =	sadd.s32 $0x280, s10;
	[sflag:s12] =	ssyncadd.s32 $0xFFFFE000  }
0xe5: {  	[tilespmem:s17], [sflag:$0x1] =	stream.indirect.gather [hbm4b:s5+s16], $0x40, s11, s16, $0xb8;
	[tilespmem:$0x18E00] =	vst v63  }
0xe6: {  	_ =	swait.ge [sflag:s26], $0x2000  }
0xe7: {  	[sflag:s26] =	ssyncset.done $0x0  }
0xe8: {  	s11 =	sadd.s32 $0x2880, s10;
	[sflag:s26] =	ssyncadd.s32 $0xFFFFE000  }
0xe9: {  	[spmem:s3] =	stream.indirect.scatter.add.f32 [tilespmem:s18], [sflag:$0x6], $0x40, s11, s16, $0xb8;
	[tilespmem:$0x18E00] =	vst v63  }
0xea: {  	_ =	swait.ge [sflag:s12], $0x2000  }
0xeb: {  	[sflag:s12] =	ssyncset.done $0x0  }
0xec: {  	s11 =	sadd.s32 $0x300, s10;
	[sflag:s12] =	ssyncadd.s32 $0xFFFFE000  }
0xed: {  	[tilespmem:s18], [sflag:$0x2] =	stream.indirect.gather [hbm4b:s5+s16], $0x40, s11, s16, $0xb8;
	[tilespmem:$0x18E00] =	vst v63  }
0xee: {  	_ =	swait.ge [sflag:s28], $0x2000  }
0xef: {  	[sflag:s28] =	ssyncset.done $0x0  }
0xf0: {  	s11 =	sadd.s32 $0x2900, s10;
	[sflag:s28] =	ssyncadd.s32 $0xFFFFE000  }
0xf1: {  	[spmem:s3] =	stream.indirect.scatter.add.f32 [tilespmem:s20], [sflag:$0x6], $0x40, s11, s16, $0xb8;
	[tilespmem:$0x18E00] =	vst v63  }
0xf2: {  	_ =	swait.ge [sflag:s12], $0x2000  }
0xf3: {  	[sflag:s12] =	ssyncset.done $0x0  }
0xf4: {  	s11 =	sadd.s32 $0x380, s10;
	[sflag:s12] =	ssyncadd.s32 $0xFFFFE000  }
0xf5: {  	[tilespmem:s20], [sflag:$0x3] =	stream.indirect.gather [hbm4b:s5+s16], $0x40, s11, s16, $0xb8;
	[tilespmem:$0x18E00] =	vst v63  }
0xf6: {  	_ =	swait.ge [sflag:s29], $0x2000  }
0xf7: {  	[sflag:s29] =	ssyncset.done $0x0  }
0xf8: {  	s11 =	sadd.s32 $0x2980, s10;
	[sflag:s29] =	ssyncadd.s32 $0xFFFFE000  }
0xf9: {  	[spmem:s3] =	stream.indirect.scatter.add.f32 [tilespmem:s22], [sflag:$0x6], $0x40, s11, s16, $0xb8;
	[tilespmem:$0x18E00] =	vst v63  }
0xfa: {  	_ =	swait.ge [sflag:s12], $0x2000  }
0xfb: {  	[sflag:s12] =	ssyncset.done $0x0  }
0xfc: {  	s11 =	sadd.s32 $0x400, s10;
	[sflag:s12] =	ssyncadd.s32 $0xFFFFE000  }
0xfd: {  	[tilespmem:s22], [sflag:$0x4] =	stream.indirect.gather [hbm4b:s5+s16], $0x40, s11, s16, $0xb8;
	[tilespmem:$0x18E00] =	vst v63  }
0xfe: {  	_ =	swait.ge [sflag:s30], $0x2000  }
0xff: {  	[sflag:s30] =	ssyncset.done $0x0  }
.Ltmp1:
0x100: {  	s11 =	sadd.s32 $0x2A00, s10;
	[sflag:s30] =	ssyncadd.s32 $0xFFFFE000;
	(pc) =	sbr.rel @p0 .LBB2_4-.Ltmp1, $4  }
0x101: {  	[spmem:s3] =	stream.indirect.scatter.add.f32 [tilespmem:s24], [sflag:$0x6], $0x40, s11, s16, $0xb8;
	[tilespmem:$0x18E00] =	vst v63  }
0x102: {  	_ =	swait.ge [sflag:s12], $0x2000  }
0x103: {  	[sflag:s12] =	ssyncset.done $0x0  }
0x104: {  	s10 =	sadd.s32 $0x480, s10;
	[sflag:s12] =	ssyncadd.s32 $0xFFFFE000  }
0x105: {  	[tilespmem:s24], [sflag:$0x5] =	stream.indirect.gather [hbm4b:s5+s16], $0x40, s10, s16, $0xb8;
	[tilespmem:$0x18E00] =	vst v63  }
0x106: {  	_ =	swait.ge [sflag:s25], $0x2000  }
0x107: {  	[sflag:s25] =	ssyncset.done $0x0  }
0x108: {  	[sflag:s25] =	ssyncadd.s32 $0xFFFFE000  }
0x109: {  	[spmem:s3] =	stream.indirect.scatter.add.f32 [tilespmem:s17], [sflag:$0x6], $0x40, s31, s16, $0xb8;
	[tilespmem:$0x18E00] =	vst v63  }
0x10a: {  	_ =	swait.ge [sflag:s12], $0x2000  }
0x10b: {  	[sflag:s12] =	ssyncset.done $0x0  }
0x10c: {  	[sflag:s12] =	ssyncadd.s32 $0xFFFFE000  }
0x10d: {  	_ =	swait.ge [sflag:s26], $0x2000  }
0x10e: {  	[sflag:s26] =	ssyncset.done $0x0  }
0x10f: {  	[sflag:s26] =	ssyncadd.s32 $0xFFFFE000  }
0x110: {  	[spmem:s3] =	stream.indirect.scatter.add.f32 [tilespmem:s18], [sflag:$0x6], $0x40, s2, s16, $0xb8;
	[tilespmem:$0x18E00] =	vst v63  }
0x111: {  	_ =	swait.ge [sflag:s12], $0x2000  }
0x112: {  	[sflag:s12] =	ssyncset.done $0x0  }
0x113: {  	[sflag:s12] =	ssyncadd.s32 $0xFFFFE000  }
0x114: {  	_ =	swait.ge [sflag:s28], $0x2000  }
0x115: {  	[sflag:s28] =	ssyncset.done $0x0  }
0x116: {  	[sflag:s28] =	ssyncadd.s32 $0xFFFFE000  }
0x117: {  	[spmem:s3] =	stream.indirect.scatter.add.f32 [tilespmem:s20], [sflag:$0x6], $0x40, s0, s16, $0xb8;
	[tilespmem:$0x18E00] =	vst v63  }
0x118: {  	_ =	swait.ge [sflag:s12], $0x2000  }
0x119: {  	[sflag:s12] =	ssyncset.done $0x0  }
0x11a: {  	[sflag:s12] =	ssyncadd.s32 $0xFFFFE000  }
0x11b: {  	_ =	swait.ge [sflag:s29], $0x2000  }
0x11c: {  	[sflag:s29] =	ssyncset.done $0x0  }
0x11d: {  	[sflag:s29] =	ssyncadd.s32 $0xFFFFE000  }
0x11e: {  	[spmem:s3] =	stream.indirect.scatter.add.f32 [tilespmem:s22], [sflag:$0x6], $0x40, s13, s16, $0xb8;
	[tilespmem:$0x18E00] =	vst v63  }
0x11f: {  	_ =	swait.ge [sflag:s12], $0x2000  }
0x120: {  	[sflag:s12] =	ssyncset.done $0x0  }
0x121: {  	[sflag:s12] =	ssyncadd.s32 $0xFFFFE000  }
0x122: {  	_ =	swait.ge [sflag:s30], $0x2000  }
0x123: {  	[sflag:s30] =	ssyncset.done $0x0  }
0x124: {  	[sflag:s30] =	ssyncadd.s32 $0xFFFFE000  }
0x125: {  	[spmem:s3] =	stream.indirect.scatter.add.f32 [tilespmem:s24], [sflag:$0x6], $0x40, s6, s16, $0xb8;
	[tilespmem:$0x18E00] =	vst v63  }
0x126: {  	_ =	swait.ge [sflag:s12], $0x2000  }
0x127: {  	[sflag:s12] =	ssyncset.done $0x0  }
0x128: {  	[sflag:s12] =	ssyncadd.s32 $0xFFFFE000  }
0x129: {  	[bflag:$0x0] =	sbarrier.arrive $0xFFFF  }
0x12a: {  	s9 =	rddreg [dreg:$0x7]  }
0x12b: {  	[hbm:s9], [sflag:s14] =	dma.local [spmem:s15], $0x13C0  }
0x12c: {  	_ =	swait.ge [sflag:s12], $0x13C0  }
0x12d: {  	s7 =	sadd.s32 $0x1, s7;
	s11 =	rddreg [dreg:$0x8]  }
0x12e: {  	p0 =	sne.s32 s7, s11  }
.Ltmp2:
0x12f: {  	_ = 	snop;
	(pc) =	sbr.rel @p0 .LBB2_1-.Ltmp2, $3  }
0x130: {  	_ =	sdelay $0x1  }
0x131: {  	[sflag:s12] =	ssyncset.done $0x0  }
0x132: {  	[sflag:s12] =	ssyncadd.s32 $0xFFFFEC40  }
0x133: {  	_ =	sfence.sel $0x180000  }
0x134: {  	[bflag:$0x0] =	sbarrier.arrive $0xFFFF  }
0x135: {  	_ =	strace $0x90000050  }
0x136: {  	s0 =	stileid.u32;
	[bflag:$0x2] =	sbarrier.arrive $0xFFFF  }
0x137: {  	p0 =	sne.s32 s0, $0x0;
	s0 =	rddreg [dreg:$0x3]  }
0x138: {  	s0 =	sadd.s32 @!p0 $0x100000, s0  }
0x139: {  	[sflag:s0] =	ssyncadd.tile.s32 @!p0 $0x1;
	_ =	shalt  }
.Lfunc_end2:
_tile_overlayer_lowered:
.L_overlay_start_2:
0x13a: {  	(tag) =	ssettag $0x2  }
0x13b: {  	s0 =	rddreg [dreg:$0x0];
	s2 =	stileid.u32  }
0x13c: {  	s1 =	rddreg [dreg:$0x1];
	p0 =	sne.s32 s2, $0x0  }
0x13d: {  	s3 =	rddreg [dreg:$0x2];
	[bflag:$0x3] =	sbarrier.arrive $0xFFFF;
	s2 =	simm.s32 @!p0 $0x1C06  }
0x13e: {  	[timem:s3], [sflag:s2] =	dma.local @!p0 [hbm:s0], s1  }
0x13f: {  	s0 =	simm.s32 @!p0 $0x6  }
0x140: {  	_ =	swait.ge @!p0 [sflag:s0], s1  }
0x141: {  	s1 =	ssub.s32 @!p0 $0x0, s1;
	[sflag:s0] =	ssyncset.done @!p0 $0x0  }
0x142: {  	[sflag:s0] =	ssyncadd.s32 @!p0 s1  }
0x143: {  	[bflag:$0x3] =	sbarrier.arrive $0xFFFF  }
0x144: {  	_ =	shalt  }

// kernel: kernel.9.cloned.1.call-start
scs
__scs_entry_jumppad:
0x0: {  	(pc) =	sbr.rel $0x88, $3  }
0x1: {  	(tag) =	ssettag $0x0;
	lr =	simm.s32 $0x1  }
0x2: {  	[smem:$0x3F9A] =	sst lr;
	_ =	strace $0xD0000000  }
0x3: {  	_ = 	snop  }
0x4: {  	_ = 	snop  }
0x5: {  	_ = 	snop  }
0x6: {  	_ = 	snop  }
0x7: {  	_ = 	snop  }
__scs_overlays_trampoline_lowered:
0x8: {  	[smem:$0x3FA9] =	sst s0  }
0x9: {  	[smem:$0x3FAA] =	sst s1  }
0xa: {  	[smem:$0x3FAB] =	sst s2  }
0xb: {  	[smem:$0x3FAC] =	sst s3  }
0xc: {  	[smem:$0x3FAD] =	sst s4  }
0xd: {  	[smem:$0x3FAE] =	sst s5  }
0xe: {  	[smem:$0x3FAF] =	sst s6  }
0xf: {  	[smem:$0x3FB0] =	sst s7  }
0x10: {  	[smem:$0x3FB1] =	sst s8  }
0x11: {  	[smem:$0x3FB2] =	sst s9;
	s0 =	simm.s32 @!p0 $0x0  }
0x12: {  	s1 =	sld [smem:$0x3F98];
	s0 =	simm.s32 @p0 $0x1  }
0x13: {  	[smem:$0x3FB3] =	sst s0;
	s0 =	simm.s32 @!p1 $0x0  }
0x14: {  	s2 =	sld [smem:$0x3F97];
	s0 =	simm.s32 @p1 $0x1  }
0x15: {  	[smem:$0x3FB4] =	sst s0;
	s0 =	simm.s32 @!p2 $0x0  }
0x16: {  	s3 =	sld [smem:$0x3FDB];
	s0 =	simm.s32 @p2 $0x1  }
0x17: {  	s4 =	simm.s32 $0x1BF5;
	[smem:$0x3FB6] =	sst s0  }
0x18: {  	s0 =	sld [smem:$0x3F99];
	_ =	swait.ge [sflag:s4], $0x0  }
0x19: {  	s7 =	sld [smem:$0x3F9A]  }
0x1a: {  	s8 =	sadd.s32 $0xFFFFE003, lr  }
0x1b: {  	s9 =	sadd.s32 $0xFFFFFEF7, lr;
	s5 =	simm.s32 $0xFFFFFFFF;
	p2 =	slt.u32 s8, $0xFFFFF086  }
0x1c: {  	p1 =	slt.u32 s9, $0xF7A;
	s5 =	simm.s32 @!p2 $0x0  }
0x1d: {  	s5 =	simm.s32 @p1 $0x1;
	p0 =	seq.s32 s7, s2  }
0x1e: {  	s7 =	smul.u32 @!p0 $0xF7A, s2;
	p2 =	seq.s32 @!p0 s5, $0x0  }
0x1f: {  	s9 =	smul.u32 $0xF7A, s1;
	s8 =	simm.s32 @!p0 $0x1BF5;
	p2 =	por !p2, p0  }
0x20: {  	[sflag:s8] =	ssyncset.s32 @!p0 $0xFFFFF086;
	s6 =	sadd.s32 @!p0 s3, s7;
	s7 =	simm.s32 @!p0 $0x108  }
0x21: {  	s3 =	sadd.s32 s3, s9;
	s6 =	sadd.s32 @!p0 $0x88, s6;
	s7 =	simm.s32 @p2 $0x1082  }
0x22: {  	[simem:s7], [sflag:s8] =	dma.local @!p0 [hbm:s6], $0xF7A  }
0x23: {  	s9 =	sor.u32 $0xD0000000, s2;
	s6 =	simm.s32 $0x108;
	_ =	swait.ge @!p0 [sflag:s8], $0x0  }
0x24: {  	s3 =	sadd.s32 $0x88, s3;
	s6 =	simm.s32 @!p1 $0x1082;
	[sflag:s4] =	ssyncset.s32 $0xFFFFF086  }
0x25: {  	[simem:s6], [sflag:s4] =	dma.local [hbm:s3], $0xF7A  }
0x26: {  	[smem:$0x3F9A] =	sst s1;
	(tag) =	ssettag s2;
	_ =	strace s9  }
0x27: {  	s1 =	sld [smem:$0x3FAA]  }
0x28: {  	s2 =	sld [smem:$0x3FAB]  }
0x29: {  	s4 =	sld [smem:$0x3FAD]  }
0x2a: {  	p0 =	seq.s32 s5, $0x0;
	s5 =	sld [smem:$0x3FAE]  }
0x2b: {  	s6 =	sld [smem:$0x3FAF]  }
0x2c: {  	s7 =	sld [smem:$0x3FB0]  }
0x2d: {  	s3 =	simm.s32 $0x108;
	s8 =	sld [smem:$0x3FB1]  }
0x2e: {  	s3 =	simm.s32 @!p0 $0x1082;
	s9 =	sld [smem:$0x3FB2]  }
0x2f: {  	lr =	sadd.s32 s0, s3;
	s0 =	sld [smem:$0x3FA9]  }
0x30: {  	s3 =	sld [smem:$0x3FAC]  }
0x31: {  	[smem:$0x3FB5] =	sst s10  }
0x32: {  	s10 =	sld [smem:$0x3FB3];
	_ =	sdelay $0x3  }
0x33: {  	p0 =	seq.s32 s10, $0x1;
	s10 =	sld [smem:$0x3FB5];
	_ =	sdelay $0x3  }
0x34: {  	[smem:$0x3FB5] =	sst s10  }
0x35: {  	s10 =	sld [smem:$0x3FB4];
	_ =	sdelay $0x3  }
0x36: {  	p1 =	seq.s32 s10, $0x1;
	s10 =	sld [smem:$0x3FB5];
	_ =	sdelay $0x3  }
0x37: {  	[smem:$0x3FB5] =	sst s10  }
0x38: {  	s10 =	sld [smem:$0x3FB6]  }
0x39: {  	_ = 	snop;
	(pc) =	sbr.ind lr, $3  }
0x3a: {  	_ = 	snop  }
0x3b: {  	_ = 	snop  }
0x3c: {  	p2 =	seq.s32 s10, $0x1;
	s10 =	sld [smem:$0x3FB5]  }
0x3d: {  	_ =	shalt  }
0x3e: {  	_ =	shalt  }
0x3f: {  	_ =	shalt  }
0x40: {  	_ =	shalt  }
0x41: {  	_ =	shalt  }
0x42: {  	_ =	shalt  }
0x43: {  	_ =	shalt  }
0x44: {  	_ =	shalt  }
0x45: {  	_ =	shalt  }
0x46: {  	_ =	shalt  }
0x47: {  	_ =	shalt  }
0x48: {  	_ =	shalt  }
0x49: {  	_ =	shalt  }
0x4a: {  	_ =	shalt  }
0x4b: {  	_ =	shalt  }
0x4c: {  	_ =	shalt  }
0x4d: {  	_ =	shalt  }
0x4e: {  	_ =	shalt  }
0x4f: {  	_ =	shalt  }
0x50: {  	_ =	shalt  }
0x51: {  	_ =	shalt  }
0x52: {  	_ =	shalt  }
0x53: {  	_ =	shalt  }
0x54: {  	_ =	shalt  }
0x55: {  	_ =	shalt  }
0x56: {  	_ =	shalt  }
0x57: {  	_ =	shalt  }
0x58: {  	_ =	shalt  }
0x59: {  	_ =	shalt  }
0x5a: {  	_ =	shalt  }
0x5b: {  	_ =	shalt  }
0x5c: {  	_ =	shalt  }
0x5d: {  	_ =	shalt  }
0x5e: {  	_ =	shalt  }
0x5f: {  	_ =	shalt  }
0x60: {  	_ =	shalt  }
0x61: {  	_ =	shalt  }
0x62: {  	_ =	shalt  }
0x63: {  	_ =	shalt  }
0x64: {  	_ =	shalt  }
0x65: {  	_ =	shalt  }
0x66: {  	_ =	shalt  }
0x67: {  	_ =	shalt  }
0x68: {  	_ =	shalt  }
0x69: {  	_ =	shalt  }
0x6a: {  	_ =	shalt  }
0x6b: {  	_ =	shalt  }
0x6c: {  	_ =	shalt  }
0x6d: {  	_ =	shalt  }
0x6e: {  	_ =	shalt  }
0x6f: {  	_ =	shalt  }
0x70: {  	_ =	shalt  }
0x71: {  	_ =	shalt  }
0x72: {  	_ =	shalt  }
0x73: {  	_ =	shalt  }
0x74: {  	_ =	shalt  }
0x75: {  	_ =	shalt  }
0x76: {  	_ =	shalt  }
0x77: {  	_ =	shalt  }
0x78: {  	_ =	shalt  }
0x79: {  	_ =	shalt  }
0x7a: {  	_ =	shalt  }
0x7b: {  	_ =	shalt  }
0x7c: {  	_ =	shalt  }
0x7d: {  	_ =	shalt  }
0x7e: {  	_ =	shalt  }
0x7f: {  	_ =	shalt  }
0x80: {  	_ =	shalt  }
0x81: {  	_ =	shalt  }
0x82: {  	_ =	shalt  }
0x83: {  	_ =	shalt  }
0x84: {  	_ =	shalt  }
0x85: {  	_ =	shalt  }
0x86: {  	_ =	shalt  }
0x87: {  	_ =	shalt  }
.Lfunc_end0:
.L_simem_size_0:
called_computation_lowered:
.L_overlay_start_0:
0x88: {  	s2 =	sld [smem:$0x3FD9]  }
0x89: {  	s3 =	sld [smem:$0x3FFE];
	_ =	sdelay $0x1  }
0x8a: {  	s1 =	srdreg.scid  }
0x8b: {  	s0 =	sand.u32 $0x1, s1  }
0x8c: {  	s16 =	sshll.u32 s0, $0xA;
	s2 =	sadd.s32 s3, s2  }
0x8d: {  	s2 =	sadd.s32 s2, s16  }
0x8e: {  	[smem:$0x3FC1] =	sst s2  }
0x8f: {  	_ = 	snop  }
0x90: {  	(tm) =	ssettm $0x1  }
0x91: {  	s17 =	sld [smem:$0x3FFB];
	_ =	sdelay $0x3  }
0x92: {  	_ =	strace s17  }
0x93: {  	s2 =	sld [smem:$0x3FFC];
	_ =	sdelay $0x3  }
0x94: {  	_ =	strace s2  }
0x95: {  	s2 =	sld [smem:$0x3FFD];
	_ =	sdelay $0x3  }
0x96: {  	_ =	strace s2  }
0x97: {  	_ =	strace $0x8FFFFFFF  }
0x98: {  	s18 =	sld [smem:$0x3FDB];
	_ =	sdelay $0x1  }
0x99: {  	s19 =	simm.s32 $_scs_section_size  }
0x9a: {  	s4 =	simm.s32 $_size__tile_overlayer_lowered;
	s5 =	simm.s32 $_tile_overlayer_lowered  }
0x9b: {  	s22 =	simm.s32 $0x1BFF;
	s21 =	sshll.u32 s5, $0x1;
	s2 =	sadd.s32 s19, s18  }
0x9c: {  	s6 =	simm.s32 $0x0;
	s20 =	sshll.u32 s4, $0x1;
	s4 =	sadd.s32 s21, s2  }
0x9d: {  	[timem:s6], [sflag:s22] =	dma.local [hbm:s4], s20  }
0x9e: {  	_ =	swait.ge [sflag:s22], s20  }
0x9f: {  	s3 =	ssub.s32 $0x0, s20;
	[sflag:s22] =	ssyncset.done $0x0  }
0xa0: {  	[sflag:s22] =	ssyncadd.s32 s3;
	_ =	sdelay $0x1  }
0xa1: {  	s23 =	simm.s32 $0x1B8B  }
0xa2: {  	_ =	swait.ge [sflag:s23], $0x1  }
0xa3: {  	[sflag:s23] =	ssyncset.done $0x0  }
0xa4: {  	s25 =	simm.s32 $0x1B8E;
	s24 =	sld [smem:$0x3FFE];
	[sflag:s23] =	ssyncadd.s32 $0xFFFFFFFF  }
0xa5: {  	s26 =	simm.s32 $execute0_lowered;
	[smem:$0x3FD2] =	sst s25  }
0xa6: {  	s4 =	sshll.u32 s26, $0x1;
	_ =	strace $0x80000046;
	[dreg:$0x1] =	wrdreg $0xFFFFFFFF  }
0xa7: {  	s28 =	simm.s32 $_size_execute0_lowered;
	s2 =	sadd.s32 s2, s4;
	[dreg:$0x0] =	wrdreg $0x0  }
0xa8: {  	s4 =	sshll.u32 s28, $0x1;
	[dreg:$0x2] =	wrdreg s2  }
0xa9: {  	[dreg:$0x3] =	wrdreg s4  }
0xaa: {  	[dreg:$0x4] =	wrdreg $0xC0  }
0xab: {  	_ =	task [dreg:s6], $0x5FFFF  }
0xac: {  	[dreg:$0x1] =	wrdreg $0xFFFFFFFF  }
0xad: {  	[dreg:$0x0] =	wrdreg $0x60  }
0xae: {  	[dreg:$0x2] =	wrdreg s24  }
0xaf: {  	[dreg:$0x3] =	wrdreg $0x70000  }
0xb0: {  	[dreg:$0x4] =	wrdreg $0x9  }
0xb1: {  	_ =	task.clear_ibuf [dreg:s6], $0x5FFFF;
	_ =	strace $0x90000046  }
0xb2: {  	s29 =	simm.s32 $0x9;
	_ =	strace $0x80000048  }
0xb3: {  	_ =	swait.ge [sflag:s29], $0x1  }
0xb4: {  	[sflag:s29] =	ssyncadd.s32 $0xFFFFFFFF  }
0xb5: {  	_ =	strace $0x90000048  }
0xb6: {  	_ =	sfence  }
0xb7: {  	s30 =	sld [smem:$0x0];
	_ =	sdelay $0x2  }
0xb8: {  	s31 =	sshll.u32 s1, $0xD;
	s1 =	sshrl.u32 s1, $0x2  }
0xb9: {  	s3 =	sand.u32 $0x4000, s31;
	s1 =	sadd.s32 s1, s30  }
0xba: {  	s0 =	sor.u32 s3, s0;
	s1 =	sshll.u32 s1, $0x11  }
0xbb: {  	s0 =	sor.u32 s1, s0  }
0xbc: {  	s0 =	sadd.s32 $0x8F2B, s0  }
0xbd: {  	[sflag:s0] =	ssyncadd.remote.s32 $0x1  }
0xbe: {  	_ =	sfence.sel $0xFFFF  }
0xbf: {  	[dreg:$0x0] =	wrdreg $0xFFFFFFFF;
	(pc) =	sbr.abs _section_cstart, $3  }
0xc0: {  	[dreg:$0x1] =	wrdreg $0xFFFFFFFF  }
0xc1: {  	_ =	task.clear_ibuf [dreg:s6], $0x2FFFF;
	_ =	strace $0x9FFFFFFF  }
0xc2: {  	(tm) =	ssettm $0x7FFFFFFF  }
0xc3: {  	_ =	shalt  }
tec
execute0_lowered:
.L_overlay_start_1:
0x0: {  	(tag) =	ssettag $0x1  }
0x1: {  	s6 =	rddreg [dreg:$0x0]  }
0x2: {  	s0 =	srdreg.scid;
	s2 =	rddreg [dreg:$0x1]  }
0x3: {  	s3 =	simm.s32 $0x0;
	s5 =	sand.u32 $0x1, s0;
	s0 =	stileid.u32  }
0x4: {  	s13 =	simm.s32 $0x80;
	s14 =	simm.s32 $0x0;
	s7 =	smul.u32 $0x9E00, s0  }
0x5: {  	[smem:$0x7FF] =	sst s3;
	s1 =	sshll.u32 s5, $0x4;
	s8 =	smul.u32 $0x13C0, s0  }
0x6: {  	s9 =	smul.u32 $0x13C00, s5;
	s5 =	ssub.s32 $0x2, s5;
	s1 =	sor.u32 s0, s1  }
0x7: {  	s31 =	sshll.u32 s0, $0x6;
	s30 =	sshrl.u32 s5, $0x1;
	s4 =	smul.u32 $0xA00, s1  }
0x8: {  	s1 =	rddreg [dreg:$0x2];
	_ =	strace $0x80000047;
	s11 =	sshrl.u32 s7, $0x3  }
0x9: {  	s8 =	sadd.s32 s8, s9;
	s9 =	ssub.s32 s5, s30;
	s12 =	sadd.s32 s7, s2  }
0xa: {  	s11 =	sadd.s32 s11, s6;
	s8 =	sadd.s32 s8, s6;
	s12 =	sshrl.u32 s12, $0x3  }
0xb: {  	s10 =	sadd.s32 s4, s6;
	s4 =	sadd.s32 $0x2CA00, s6;
	s6 =	sadd.s32 $0x2CE00, s11  }
0xc: {  	s7 =	sadd.s32 $0x40A00, s8;
	s8 =	smax.u32 s9, $0x1;
	s9 =	simm.s32 $0x1  }
0xd: {  	s11 =	sor.u32 $0x1C01, s31;
	s5 =	sadd.s32 $0x18A00, s10;
	s10 =	simm.s32 $0x5000  }
.LBB2_1:
0xe: {  	[tilespmem:s3], [sflag:$0x1] =	stream.linear.gather [hbm4b:s5+s3], $0x5000, $0x38;
	[tilespmem:$0x10E00] =	vst v63  }
0xf: {  	_ =	swait.ge [sflag:s9], $0x5000  }
0x10: {  	[sflag:s9] =	ssyncset.done $0x0  }
0x11: {  	[sflag:s9] =	ssyncadd.s32 $0xFFFFB000  }
0x12: {  	[tilespmem:s10], [sflag:$0x1] =	stream.linear.gather [hbm4b:s4+s3], $0x2000, $0x38;
	[tilespmem:$0x10E00] =	vst v63  }
0x13: {  	_ =	swait.ge [sflag:s9], $0x2000  }
0x14: {  	[sflag:s9] =	ssyncset.done $0x0  }
0x15: {  	[sflag:s9] =	ssyncadd.s32 $0xFFFFE000  }
0x16: {  	[spmem:s12], [sflag:s11] =	dma.local [hbm:s6], $0x13C0  }
0x17: {  	_ =	swait.ge [sflag:s9], $0x13C0  }
0x18: {  	[sflag:s9] =	ssyncset.done $0x0  }
0x19: {  	[sflag:s9] =	ssyncadd.s32 $0xFFFFEC40  }
0x1a: {  	s15 =	simm.s32 $0x0;
	[bflag:$0x0] =	sbarrier.arrive $0xFFFF  }
0x1b: {  	[spmem:s2] =	stream.indirect.scatter.add.f32 [tilespmem:s10], [sflag:$0x1], $0x40, s15, s13, $0xb8;
	[tilespmem:$0x10E00] =	vst v63  }
0x1c: {  	_ =	swait.ge [sflag:s9], $0x2000  }
0x1d: {  	s15 =	simm.s32 $0x200;
	[sflag:s9] =	ssyncset.done $0x0  }
.LBB2_2:
0x1e: {  	s16 =	sshra.s32 s15, $0x2;
	[sflag:s9] =	ssyncadd.s32 $0xFFFFE000;
	p0 =	sne.s32 s15, $0x13E00  }
0x1f: {  	[spmem:s2] =	stream.indirect.scatter.add.f32 [tilespmem:s10], [sflag:$0x1], $0x40, s16, s13, $0xb8;
	[tilespmem:$0x10E00] =	vst v63  }
.Ltmp0:
0x20: {  	_ = 	snop;
	(pc) =	sbr.rel @p0 .LBB2_2-.Ltmp0, $4  }
0x21: {  	_ = 	snop  }
0x22: {  	s15 =	sadd.s32 $0x200, s15  }
0x23: {  	_ =	swait.ge [sflag:s9], $0x2000  }
0x24: {  	[sflag:s9] =	ssyncset.done $0x0  }
0x25: {  	s14 =	sadd.s32 $0x1, s14  }
0x26: {  	[sflag:s9] =	ssyncadd.s32 $0xFFFFE000;
	p0 =	sne.s32 s14, s8  }
.Ltmp1:
0x27: {  	[bflag:$0x0] =	sbarrier.arrive $0xFFFF;
	(pc) =	sbr.rel @p0 .LBB2_1-.Ltmp1, $4  }
0x28: {  	[hbm:s7], [sflag:s11] =	dma.local [spmem:s12], $0x13C0  }
0x29: {  	_ =	swait.ge [sflag:s9], $0x13C0  }
0x2a: {  	[sflag:s9] =	ssyncset.done $0x0  }
0x2b: {  	[sflag:s9] =	ssyncadd.s32 $0xFFFFEC40  }
0x2c: {  	_ =	sfence.sel $0x180000  }
0x2d: {  	[bflag:$0x0] =	sbarrier.arrive $0xFFFF  }
0x2e: {  	p0 =	sne.s32 s0, $0x0;
	_ =	strace $0x90000047  }
0x2f: {  	s0 =	sadd.s32 @!p0 $0x100000, s1;
	[bflag:$0x2] =	sbarrier.arrive $0xFFFF  }
0x30: {  	[sflag:s0] =	ssyncadd.tile.s32 @!p0 $0x1;
	_ =	shalt  }
.Lfunc_end2:
_tile_overlayer_lowered:
.L_overlay_start_2:
0x31: {  	(tag) =	ssettag $0x2  }
0x32: {  	s0 =	rddreg [dreg:$0x0];
	s2 =	stileid.u32  }
0x33: {  	s1 =	rddreg [dreg:$0x1];
	p0 =	sne.s32 s2, $0x0  }
0x34: {  	s3 =	rddreg [dreg:$0x2];
	[bflag:$0x3] =	sbarrier.arrive $0xFFFF;
	s2 =	simm.s32 @!p0 $0x1C01  }
0x35: {  	[timem:s3], [sflag:s2] =	dma.local @!p0 [hbm:s0], s1  }
0x36: {  	s0 =	simm.s32 @!p0 $0x1  }
0x37: {  	_ =	swait.ge @!p0 [sflag:s0], s1  }
0x38: {  	s1 =	ssub.s32 @!p0 $0x0, s1;
	[sflag:s0] =	ssyncset.done @!p0 $0x0  }
0x39: {  	[sflag:s0] =	ssyncadd.s32 @!p0 s1  }
0x3a: {  	[bflag:$0x3] =	sbarrier.arrive $0xFFFF  }
0x3b: {  	_ =	shalt  }

</sc_bundles>
